<compile_context>
chip_gen: v7x
topology: tpu7x:2x2x1
jax: 0.10.2.dev20260603
libtpu: 0.0.44.dev20260713+nightly
codegen_flags: <defaults>
</compile_context>

<pallas_src>
import jax
import jax.numpy as jnp
from jax import lax
from jax.experimental import pallas as pl
from jax.experimental.pallas import tpu as pltpu
from jax.experimental.pallas import tpu_sc as plsc

NC = 2
NS = 16
NW = NC * NS
L = 16

D = 64
B = 4096
S = 200

BLK = B // NW
NBUF = 4
OBUF = 4
CH, CL = D // 8, 8
BH, BL = B // 128, 128
PITCH = BL + 1


def _body(tok_hbm, table_hbm, pos_hbm, out_hbm, idx_all, rows_v, obuf, pos_v, *sems):
    gsems = sems[:NBUF]
    osems = sems[NBUF:]
    c = lax.axis_index("c")
    s = lax.axis_index("s")
    wid = s * NC + c

    pltpu.sync_copy(tok_hbm.at[wid], idx_all)
    pltpu.sync_copy(pos_hbm, pos_v)

    cvec = [lax.iota(jnp.int32, L) + d * L for d in range(D // L)]
    ch_v = [v >> 3 for v in cvec]
    cl_v = [v & 7 for v in cvec]

    def fire(p, bslot):
        pltpu.async_copy(
            table_hbm.at[idx_all.at[p]], rows_v.at[bslot], gsems[bslot]
        )

    def drain(p, bslot):
        pltpu.make_async_copy(
            table_hbm.at[idx_all.at[p]], rows_v.at[bslot], gsems[bslot]
        ).wait()

    for bslot in range(NBUF - 1):
        fire(bslot, bslot)

    def outer(so, carry):
        for k in range(NBUF):
            p = so * NBUF + k
            oslot = k % OBUF
            drain(p, k)

            @pl.when(p >= OBUF)
            def _():
                pltpu.make_async_copy(
                    obuf.at[oslot, :, :, pl.ds(0, BL)],
                    out_hbm.at[p - OBUF, :, wid],
                    osems[oslot],
                ).wait()

            pv = [pos_v[p, pl.ds(d * L, L)] for d in range(D // L)]

            def tokloop(ti, carry2):
                for u in range(L):
                    tt = ti * L + u
                    bl = jnp.full((L,), 0, jnp.int32) + tt
                    for d in range(D // L):
                        val = rows_v[k, tt, pl.ds(d * L, L)] + pv[d]
                        plsc.store_scatter(
                            obuf.at[oslot], [ch_v[d], cl_v[d], bl], val
                        )
                return carry2

            lax.fori_loop(0, BLK // L, tokloop, 0)
            pltpu.async_copy(
                obuf.at[oslot, :, :, pl.ds(0, BL)],
                out_hbm.at[p, :, wid],
                osems[oslot],
            )

            pn = p + NBUF - 1

            @pl.when(pn < S)
            def _():
                fire(pn, (k + NBUF - 1) % NBUF)

        return carry

    lax.fori_loop(0, S // NBUF, outer, 0)

    for q in range(OBUF):
        p = S - OBUF + q
        pltpu.make_async_copy(
            obuf.at[p % OBUF, :, :, pl.ds(0, BL)],
            out_hbm.at[p, :, wid],
            osems[p % OBUF],
        ).wait()


@jax.jit
def _emb(tok, table, pos):
    mesh = plsc.VectorSubcoreMesh(
        core_axis_name="c", subcore_axis_name="s", num_cores=NC, num_subcores=NS
    )
    return pl.kernel(
        _body,
        out_type=jax.ShapeDtypeStruct((S, CH, BH, CL, BL), jnp.float32),
        mesh=mesh,
        scratch_types=[
            pltpu.VMEM((S, BLK), jnp.int32),
            pltpu.VMEM((NBUF, BLK, D), jnp.float32),
            pltpu.VMEM((OBUF, CH, CL, PITCH), jnp.float32),
            pltpu.VMEM((S, D), jnp.float32),
        ]
        + [pltpu.SemaphoreType.DMA] * (NBUF + OBUF),
        compiler_params=pltpu.CompilerParams(
            use_tc_tiling_on_sc=False, needs_layout_passes=False
        ),
    )(tok, table, pos)


def kernel(tokens, embedding_table, pos_embedding_table):
    tok = tokens.astype(jnp.int32).T.reshape(S, NW, BLK).transpose(1, 0, 2)
    out5 = _emb(tok, embedding_table, pos_embedding_table)
    return out5.transpose(2, 4, 0, 1, 3).reshape(B, S, D)

# --- scband reference (transcript-rebuilt; emitter-appended) ---
"""Pipeline reference for scband-token-embedding-13022340841514 (READ-ONLY COPY).

The authoritative reference and input builder live on the scoring server;
editing this copy changes nothing except your own understanding.
"""

import jax, jax.numpy as jnp
import numpy as np

VOCAB_SIZE = 1000000
MAX_LEN = 200
EMBED_DIM = 64
BATCH = 4096
SEQ_LEN = 200

def setup_inputs(seed: int = 0) -> dict:
    key = jax.random.key(seed)
    k_tok, k_emb, k_pos = jax.random.split(key, 3)
    tokens = jax.random.randint(k_tok, (BATCH, SEQ_LEN), 0, VOCAB_SIZE, dtype=jnp.int64 if jax.config.jax_enable_x64 else jnp.int32)
    # keras Embedding default init: uniform(-0.05, 0.05)
    embedding_table = jax.random.uniform(k_emb, (VOCAB_SIZE, EMBED_DIM), dtype=jnp.float32, minval=-0.05, maxval=0.05)
    pos_embedding_table = jax.random.uniform(k_pos, (MAX_LEN, EMBED_DIM), dtype=jnp.float32, minval=-0.05, maxval=0.05)
    return {"tokens": tokens, "embedding_table": embedding_table, "pos_embedding_table": pos_embedding_table}

def reference(tokens, embedding_table, pos_embedding_table):
    # token embedding lookup: gather rows from large table
    embedded = jnp.take(embedding_table, tokens, axis=0)  # [B, S, D]
    seq_len = tokens.shape[1]
    pos_ids = jnp.arange(seq_len)
    pos_embedded = jnp.take(pos_embedding_table, pos_ids, axis=0)  # [S, D]
    return embedded + pos_embedded[None, :, :]

if __name__ == "__main__":
    import jax
    _d = setup_inputs()
    print(jax.jit(kernel)(*tuple(_d.values())))

</pallas_src>

<mosaic_0001>
#map = affine_map<(d0, d1) -> (0, 0, 0)>
#map1 = affine_map<(d0, d1) -> (0, 0)>
#map2 = affine_map<(d0, d1) -> (0, 0, 0, 0, 0)>
module attributes {stable_mosaic.version = 14 : i64} {
  func.func @_body(%arg0: i32, %arg1: i32, %arg2: memref<32x200x128xi32, #tpu.memory_space<hbm>>, %arg3: memref<1000000x64xf32, #tpu.memory_space<hbm>>, %arg4: memref<200x64xf32, #tpu.memory_space<hbm>>, %arg5: memref<200x8x32x8x128xf32, #tpu.memory_space<hbm>>, %arg6: memref<200x128xi32, #tpu.memory_space<vmem>>, %arg7: memref<4x128x64xf32, #tpu.memory_space<vmem>>, %arg8: memref<4x8x8x129xf32, #tpu.memory_space<vmem>>, %arg9: memref<200x64xf32, #tpu.memory_space<vmem>>, %arg10: memref<!tpu.dma_semaphore, #tpu.memory_space<semaphore_mem>>, %arg11: memref<!tpu.dma_semaphore, #tpu.memory_space<semaphore_mem>>, %arg12: memref<!tpu.dma_semaphore, #tpu.memory_space<semaphore_mem>>, %arg13: memref<!tpu.dma_semaphore, #tpu.memory_space<semaphore_mem>>, %arg14: memref<!tpu.dma_semaphore, #tpu.memory_space<semaphore_mem>>, %arg15: memref<!tpu.dma_semaphore, #tpu.memory_space<semaphore_mem>>, %arg16: memref<!tpu.dma_semaphore, #tpu.memory_space<semaphore_mem>>, %arg17: memref<!tpu.dma_semaphore, #tpu.memory_space<semaphore_mem>>) attributes {dimension_semantics = [#tpu.dimension_semantics<core_parallel>, #tpu.dimension_semantics<subcore_parallel>], iteration_bounds = array<i64: 2, 16>, scalar_prefetch = 0 : i64, scratch_operands = 12 : i64, tpu.core_type = #tpu.core_type<sc_vector_subcore>, window_params = [{transform_indices = #map}, {transform_indices = #map1}, {transform_indices = #map1}, {transform_indices = #map2}]} {
    %mul3A = arith.constant 2 : i32
    %mul3A_0 = arith.muli %arg1, %mul3A : i32
    %add3A = arith.addi %mul3A_0, %arg0 : i32
    "tpu.region"() ({
      %run_scoped3A = tpu.sem_alloc : memref<!tpu.dma_semaphore, #tpu.memory_space<semaphore_mem>>
      %dma_start3A_165 = arith.constant 0 : i32
      %dma_start3A_166 = arith.constant 0 : i32
      %dma_start3A_167 = tpu.memref_slice %arg2[%add3A, %dma_start3A_165, %dma_start3A_166] : memref<32x200x128xi32, #tpu.memory_space<hbm>> -> memref<1x200x128xi32, #tpu.memory_space<hbm>>
      %dma_start3A_168 = tpu.memref_squeeze %dma_start3A_167 : memref<1x200x128xi32, #tpu.memory_space<hbm>> -> memref<200x128xi32, #tpu.memory_space<hbm>>
      %dma_start3A_169 = arith.constant 0 : i32
      %dma_start3A_170 = arith.constant 0 : i32
      %dma_start3A_171 = tpu.memref_slice %arg2[%add3A, %dma_start3A_169, %dma_start3A_170] : memref<32x200x128xi32, #tpu.memory_space<hbm>> -> memref<1x200x128xi32, #tpu.memory_space<hbm>>
      %dma_start3A_172 = tpu.memref_squeeze %dma_start3A_171 : memref<1x200x128xi32, #tpu.memory_space<hbm>> -> memref<200x128xi32, #tpu.memory_space<hbm>>
      tpu.enqueue_dma source(%dma_start3A_172 : memref<200x128xi32, #tpu.memory_space<hbm>>) target(%arg6 : memref<200x128xi32, #tpu.memory_space<vmem>>) target_semaphore(%run_scoped3A : memref<!tpu.dma_semaphore, #tpu.memory_space<semaphore_mem>>)
      %dma_wait3A_173 = arith.constant 0 : i32
      %dma_wait3A_174 = arith.constant 0 : i32
      %dma_wait3A_175 = tpu.memref_slice %arg2[%add3A, %dma_wait3A_173, %dma_wait3A_174] : memref<32x200x128xi32, #tpu.memory_space<hbm>> -> memref<1x200x128xi32, #tpu.memory_space<hbm>>
      %dma_wait3A_176 = tpu.memref_squeeze %dma_wait3A_175 : memref<1x200x128xi32, #tpu.memory_space<hbm>> -> memref<200x128xi32, #tpu.memory_space<hbm>>
      %dma_wait3A_177 = arith.constant 0 : i32
      %dma_wait3A_178 = arith.constant 0 : i32
      %dma_wait3A_179 = tpu.memref_slice %arg2[%add3A, %dma_wait3A_177, %dma_wait3A_178] : memref<32x200x128xi32, #tpu.memory_space<hbm>> -> memref<1x200x128xi32, #tpu.memory_space<hbm>>
      %dma_wait3A_180 = tpu.memref_squeeze %dma_wait3A_179 : memref<1x200x128xi32, #tpu.memory_space<hbm>> -> memref<200x128xi32, #tpu.memory_space<hbm>>
      tpu.wait_dma2 semaphore(%run_scoped3A : memref<!tpu.dma_semaphore, #tpu.memory_space<semaphore_mem>>) src(%dma_wait3A_180 : memref<200x128xi32, #tpu.memory_space<hbm>>) dst(%arg6 : memref<200x128xi32, #tpu.memory_space<vmem>>)
      tpu.yield
    }) : () -> ()
    "tpu.region"() ({
      %run_scoped3A = tpu.sem_alloc : memref<!tpu.dma_semaphore, #tpu.memory_space<semaphore_mem>>
      tpu.enqueue_dma source(%arg4 : memref<200x64xf32, #tpu.memory_space<hbm>>) target(%arg9 : memref<200x64xf32, #tpu.memory_space<vmem>>) target_semaphore(%run_scoped3A : memref<!tpu.dma_semaphore, #tpu.memory_space<semaphore_mem>>)
      tpu.wait_dma2 semaphore(%run_scoped3A : memref<!tpu.dma_semaphore, #tpu.memory_space<semaphore_mem>>) src(%arg4 : memref<200x64xf32, #tpu.memory_space<hbm>>) dst(%arg9 : memref<200x64xf32, #tpu.memory_space<vmem>>)
      tpu.yield
    }) : () -> ()
    %iota3A = tpu.iota {dimensions = array<i32: 0>} : vector<16xi32>
    %add3A_1 = arith.constant 0 : i32
    %add3A_2 = vector.broadcast %add3A_1 : i32 to vector<16xi32>
    %add3A_3 = arith.addi %iota3A, %add3A_2 : vector<16xi32>
    %iota3A_4 = tpu.iota {dimensions = array<i32: 0>} : vector<16xi32>
    %add3A_5 = arith.constant 16 : i32
    %add3A_6 = vector.broadcast %add3A_5 : i32 to vector<16xi32>
    %add3A_7 = arith.addi %iota3A_4, %add3A_6 : vector<16xi32>
    %iota3A_8 = tpu.iota {dimensions = array<i32: 0>} : vector<16xi32>
    %add3A_9 = arith.constant 32 : i32
    %add3A_10 = vector.broadcast %add3A_9 : i32 to vector<16xi32>
    %add3A_11 = arith.addi %iota3A_8, %add3A_10 : vector<16xi32>
    %iota3A_12 = tpu.iota {dimensions = array<i32: 0>} : vector<16xi32>
    %add3A_13 = arith.constant 48 : i32
    %add3A_14 = vector.broadcast %add3A_13 : i32 to vector<16xi32>
    %add3A_15 = arith.addi %iota3A_12, %add3A_14 : vector<16xi32>
    %shift_right_arithmetic3A = arith.constant 3 : i32
    %shift_right_arithmetic3A_16 = vector.broadcast %shift_right_arithmetic3A : i32 to vector<16xi32>
    %shift_right_arithmetic3A_17 = arith.shrsi %add3A_3, %shift_right_arithmetic3A_16 : vector<16xi32>
    %shift_right_arithmetic3A_18 = arith.constant 3 : i32
    %shift_right_arithmetic3A_19 = vector.broadcast %shift_right_arithmetic3A_18 : i32 to vector<16xi32>
    %shift_right_arithmetic3A_20 = arith.shrsi %add3A_7, %shift_right_arithmetic3A_19 : vector<16xi32>
    %shift_right_arithmetic3A_21 = arith.constant 3 : i32
    %shift_right_arithmetic3A_22 = vector.broadcast %shift_right_arithmetic3A_21 : i32 to vector<16xi32>
    %shift_right_arithmetic3A_23 = arith.shrsi %add3A_11, %shift_right_arithmetic3A_22 : vector<16xi32>
    %shift_right_arithmetic3A_24 = arith.constant 3 : i32
    %shift_right_arithmetic3A_25 = vector.broadcast %shift_right_arithmetic3A_24 : i32 to vector<16xi32>
    %shift_right_arithmetic3A_26 = arith.shrsi %add3A_15, %shift_right_arithmetic3A_25 : vector<16xi32>
    %and3A = arith.constant 7 : i32
    %and3A_27 = vector.broadcast %and3A : i32 to vector<16xi32>
    %and3A_28 = arith.andi %add3A_3, %and3A_27 : vector<16xi32>
    %and3A_29 = arith.constant 7 : i32
    %and3A_30 = vector.broadcast %and3A_29 : i32 to vector<16xi32>
    %and3A_31 = arith.andi %add3A_7, %and3A_30 : vector<16xi32>
    %and3A_32 = arith.constant 7 : i32
    %and3A_33 = vector.broadcast %and3A_32 : i32 to vector<16xi32>
    %and3A_34 = arith.andi %add3A_11, %and3A_33 : vector<16xi32>
    %and3A_35 = arith.constant 7 : i32
    %and3A_36 = vector.broadcast %and3A_35 : i32 to vector<16xi32>
    %and3A_37 = arith.andi %add3A_15, %and3A_36 : vector<16xi32>
    %dma_start3A = arith.constant 0 : i32
    %dma_start3A_38 = arith.constant 0 : i32
    %dma_start3A_39 = arith.constant 0 : i32
    %dma_start3A_40 = arith.constant 0 : i32
    %dma_start3A_41 = tpu.memref_slice %arg7[%dma_start3A_38, %dma_start3A_39, %dma_start3A_40] : memref<4x128x64xf32, #tpu.memory_space<vmem>> -> memref<1x128x64xf32, #tpu.memory_space<vmem>>
    %dma_start3A_42 = tpu.memref_squeeze %dma_start3A_41 : memref<1x128x64xf32, #tpu.memory_space<vmem>> -> memref<128x64xf32, #tpu.memory_space<vmem>>
    %dma_start3A_43 = arith.constant 0 : i32
    %dma_start3A_44 = tpu.memref_slice %arg6[%dma_start3A, %dma_start3A_43] : memref<200x128xi32, #tpu.memory_space<vmem>> -> memref<1x128xi32, #tpu.memory_space<vmem>>
    %dma_start3A_45 = tpu.memref_squeeze %dma_start3A_44 : memref<1x128xi32, #tpu.memory_space<vmem>> -> memref<128xi32, #tpu.memory_space<vmem>>
    %dma_start3A_46 = arith.constant 0 : i32
    %dma_start3A_47 = arith.constant 0 : i32
    %dma_start3A_48 = tpu.memref_slice %arg3[%dma_start3A_46, %dma_start3A_47] : memref<1000000x64xf32, #tpu.memory_space<hbm>> -> memref<1000000x64xf32, #tpu.memory_space<hbm>>
    tpu.enqueue_indirect_dma source(%dma_start3A_48 : memref<1000000x64xf32, #tpu.memory_space<hbm>>) target(%dma_start3A_42 : memref<128x64xf32, #tpu.memory_space<vmem>>) offsets(%dma_start3A_45 : memref<128xi32, #tpu.memory_space<vmem>>) semaphore(%arg10 : memref<!tpu.dma_semaphore, #tpu.memory_space<semaphore_mem>>)
    %dma_start3A_49 = arith.constant 1 : i32
    %dma_start3A_50 = arith.constant 1 : i32
    %dma_start3A_51 = arith.constant 0 : i32
    %dma_start3A_52 = arith.constant 0 : i32
    %dma_start3A_53 = tpu.memref_slice %arg7[%dma_start3A_50, %dma_start3A_51, %dma_start3A_52] : memref<4x128x64xf32, #tpu.memory_space<vmem>> -> memref<1x128x64xf32, #tpu.memory_space<vmem>>
    %dma_start3A_54 = tpu.memref_squeeze %dma_start3A_53 : memref<1x128x64xf32, #tpu.memory_space<vmem>> -> memref<128x64xf32, #tpu.memory_space<vmem>>
    %dma_start3A_55 = arith.constant 0 : i32
    %dma_start3A_56 = tpu.memref_slice %arg6[%dma_start3A_49, %dma_start3A_55] : memref<200x128xi32, #tpu.memory_space<vmem>> -> memref<1x128xi32, #tpu.memory_space<vmem>>
    %dma_start3A_57 = tpu.memref_squeeze %dma_start3A_56 : memref<1x128xi32, #tpu.memory_space<vmem>> -> memref<128xi32, #tpu.memory_space<vmem>>
    %dma_start3A_58 = arith.constant 0 : i32
    %dma_start3A_59 = arith.constant 0 : i32
    %dma_start3A_60 = tpu.memref_slice %arg3[%dma_start3A_58, %dma_start3A_59] : memref<1000000x64xf32, #tpu.memory_space<hbm>> -> memref<1000000x64xf32, #tpu.memory_space<hbm>>
    tpu.enqueue_indirect_dma source(%dma_start3A_60 : memref<1000000x64xf32, #tpu.memory_space<hbm>>) target(%dma_start3A_54 : memref<128x64xf32, #tpu.memory_space<vmem>>) offsets(%dma_start3A_57 : memref<128xi32, #tpu.memory_space<vmem>>) semaphore(%arg11 : memref<!tpu.dma_semaphore, #tpu.memory_space<semaphore_mem>>)
    %dma_start3A_61 = arith.constant 2 : i32
    %dma_start3A_62 = arith.constant 2 : i32
    %dma_start3A_63 = arith.constant 0 : i32
    %dma_start3A_64 = arith.constant 0 : i32
    %dma_start3A_65 = tpu.memref_slice %arg7[%dma_start3A_62, %dma_start3A_63, %dma_start3A_64] : memref<4x128x64xf32, #tpu.memory_space<vmem>> -> memref<1x128x64xf32, #tpu.memory_space<vmem>>
    %dma_start3A_66 = tpu.memref_squeeze %dma_start3A_65 : memref<1x128x64xf32, #tpu.memory_space<vmem>> -> memref<128x64xf32, #tpu.memory_space<vmem>>
    %dma_start3A_67 = arith.constant 0 : i32
    %dma_start3A_68 = tpu.memref_slice %arg6[%dma_start3A_61, %dma_start3A_67] : memref<200x128xi32, #tpu.memory_space<vmem>> -> memref<1x128xi32, #tpu.memory_space<vmem>>
    %dma_start3A_69 = tpu.memref_squeeze %dma_start3A_68 : memref<1x128xi32, #tpu.memory_space<vmem>> -> memref<128xi32, #tpu.memory_space<vmem>>
    %dma_start3A_70 = arith.constant 0 : i32
    %dma_start3A_71 = arith.constant 0 : i32
    %dma_start3A_72 = tpu.memref_slice %arg3[%dma_start3A_70, %dma_start3A_71] : memref<1000000x64xf32, #tpu.memory_space<hbm>> -> memref<1000000x64xf32, #tpu.memory_space<hbm>>
    tpu.enqueue_indirect_dma source(%dma_start3A_72 : memref<1000000x64xf32, #tpu.memory_space<hbm>>) target(%dma_start3A_66 : memref<128x64xf32, #tpu.memory_space<vmem>>) offsets(%dma_start3A_69 : memref<128xi32, #tpu.memory_space<vmem>>) semaphore(%arg12 : memref<!tpu.dma_semaphore, #tpu.memory_space<semaphore_mem>>)
    %scan3A = arith.constant 0 : i32
    %scan3A_73 = arith.constant 0 : i32
    %scan3A_74 = arith.constant 50 : i32
    %scan3A_75 = arith.addi %scan3A_73, %scan3A_74 : i32
    %scan3A_76 = arith.constant 1 : i32
    scf.for %scan3A_165 = %scan3A_73 to %scan3A_75 step %scan3A_76  : i32 {
      %mul3A_166 = arith.constant 4 : i32
      %mul3A_167 = arith.muli %scan3A_165, %mul3A_166 : i32
      %add3A_168 = arith.constant 0 : i32
      %add3A_169 = arith.addi %mul3A_167, %add3A_168 : i32
      %dma_wait3A_170 = arith.constant 0 : i32
      %dma_wait3A_171 = arith.constant 0 : i32
      %dma_wait3A_172 = arith.constant 0 : i32
      %dma_wait3A_173 = tpu.memref_slice %arg7[%dma_wait3A_170, %dma_wait3A_171, %dma_wait3A_172] : memref<4x128x64xf32, #tpu.memory_space<vmem>> -> memref<1x128x64xf32, #tpu.memory_space<vmem>>
      %dma_wait3A_174 = tpu.memref_squeeze %dma_wait3A_173 : memref<1x128x64xf32, #tpu.memory_space<vmem>> -> memref<128x64xf32, #tpu.memory_space<vmem>>
      %dma_wait3A_175 = arith.constant 0 : i32
      %dma_wait3A_176 = tpu.memref_slice %arg6[%add3A_169, %dma_wait3A_175] : memref<200x128xi32, #tpu.memory_space<vmem>> -> memref<1x128xi32, #tpu.memory_space<vmem>>
      %dma_wait3A_177 = tpu.memref_squeeze %dma_wait3A_176 : memref<1x128xi32, #tpu.memory_space<vmem>> -> memref<128xi32, #tpu.memory_space<vmem>>
      %dma_wait3A_178 = arith.constant 0 : i32
      %dma_wait3A_179 = arith.constant 0 : i32
      %dma_wait3A_180 = tpu.memref_slice %arg3[%dma_wait3A_178, %dma_wait3A_179] : memref<1000000x64xf32, #tpu.memory_space<hbm>> -> memref<1000000x64xf32, #tpu.memory_space<hbm>>
      tpu.wait_indirect_dma semaphore(%arg10 : memref<!tpu.dma_semaphore, #tpu.memory_space<semaphore_mem>>) src(%dma_wait3A_180 : memref<1000000x64xf32, #tpu.memory_space<hbm>>) dst(%dma_wait3A_174 : memref<128x64xf32, #tpu.memory_space<vmem>>)
      %ge3A = arith.constant 4 : i32
      %ge3A_181 = arith.cmpi sge, %add3A_169, %ge3A : i32
      %convert_element_type3A = arith.extui %ge3A_181 : i1 to i32
      %cond3A = arith.constant 0 : i32
      %cond3A_182 = arith.cmpi ne, %convert_element_type3A, %cond3A : i32
      scf.if %cond3A_182 {
        %sub3A_432 = arith.constant 4 : i32
        %sub3A_433 = arith.subi %add3A_169, %sub3A_432 : i32
        %dma_wait3A_434 = arith.constant 0 : i32
        %dma_wait3A_435 = arith.constant 0 : i32
        %dma_wait3A_436 = arith.constant 0 : i32
        %dma_wait3A_437 = arith.constant 0 : i32
        %dma_wait3A_438 = tpu.memref_slice %arg8[%dma_wait3A_434, %dma_wait3A_435, %dma_wait3A_436, %dma_wait3A_437] : memref<4x8x8x129xf32, #tpu.memory_space<vmem>> -> memref<1x8x8x128xf32, #tpu.memory_space<vmem>>
        %dma_wait3A_439 = tpu.memref_squeeze %dma_wait3A_438 : memref<1x8x8x128xf32, #tpu.memory_space<vmem>> -> memref<8x8x128xf32, #tpu.memory_space<vmem>>
        %dma_wait3A_440 = arith.constant 0 : i32
        %dma_wait3A_441 = arith.constant 0 : i32
        %dma_wait3A_442 = arith.constant 0 : i32
        %dma_wait3A_443 = tpu.memref_slice %arg5[%sub3A_433, %dma_wait3A_440, %add3A, %dma_wait3A_441, %dma_wait3A_442] : memref<200x8x32x8x128xf32, #tpu.memory_space<hbm>> -> memref<1x8x1x8x128xf32, #tpu.memory_space<hbm>>
        %dma_wait3A_444 = tpu.memref_squeeze %dma_wait3A_443 : memref<1x8x1x8x128xf32, #tpu.memory_space<hbm>> -> memref<8x8x128xf32, #tpu.memory_space<hbm>>
        %dma_wait3A_445 = arith.constant 0 : i32
        %dma_wait3A_446 = arith.constant 0 : i32
        %dma_wait3A_447 = arith.constant 0 : i32
        %dma_wait3A_448 = tpu.memref_slice %arg5[%sub3A_433, %dma_wait3A_445, %add3A, %dma_wait3A_446, %dma_wait3A_447] : memref<200x8x32x8x128xf32, #tpu.memory_space<hbm>> -> memref<1x8x1x8x128xf32, #tpu.memory_space<hbm>>
        %dma_wait3A_449 = tpu.memref_squeeze %dma_wait3A_448 : memref<1x8x1x8x128xf32, #tpu.memory_space<hbm>> -> memref<8x8x128xf32, #tpu.memory_space<hbm>>
        %dma_wait3A_450 = arith.constant 0 : i32
        %dma_wait3A_451 = arith.constant 0 : i32
        %dma_wait3A_452 = arith.constant 0 : i32
        %dma_wait3A_453 = tpu.memref_slice %arg8[%dma_wait3A_434, %dma_wait3A_450, %dma_wait3A_451, %dma_wait3A_452] : memref<4x8x8x129xf32, #tpu.memory_space<vmem>> -> memref<1x8x8x128xf32, #tpu.memory_space<vmem>>
        %dma_wait3A_454 = tpu.memref_squeeze %dma_wait3A_453 : memref<1x8x8x128xf32, #tpu.memory_space<vmem>> -> memref<8x8x128xf32, #tpu.memory_space<vmem>>
        tpu.wait_dma2 semaphore(%arg14 : memref<!tpu.dma_semaphore, #tpu.memory_space<semaphore_mem>>) src(%dma_wait3A_454 : memref<8x8x128xf32, #tpu.memory_space<vmem>>) dst(%dma_wait3A_449 : memref<8x8x128xf32, #tpu.memory_space<hbm>>)
      } else {
      }
      %get3A = arith.index_cast %add3A_169 : i32 to index
      %get3A_183 = arith.constant 0 : index
      %get3A_184 = tpu.vector_load %arg9[%get3A, %get3A_183] {strides = array<i32>} : memref<200x64xf32, #tpu.memory_space<vmem>>, vector<16xf32>,
      %get3A_185 = arith.index_cast %add3A_169 : i32 to index
      %get3A_186 = arith.constant 16 : index
      %get3A_187 = tpu.vector_load %arg9[%get3A_185, %get3A_186] {strides = array<i32>} : memref<200x64xf32, #tpu.memory_space<vmem>>, vector<16xf32>,
      %get3A_188 = arith.index_cast %add3A_169 : i32 to index
      %get3A_189 = arith.constant 32 : index
      %get3A_190 = tpu.vector_load %arg9[%get3A_188, %get3A_189] {strides = array<i32>} : memref<200x64xf32, #tpu.memory_space<vmem>>, vector<16xf32>,
      %get3A_191 = arith.index_cast %add3A_169 : i32 to index
      %get3A_192 = arith.constant 48 : index
      %get3A_193 = tpu.vector_load %arg9[%get3A_191, %get3A_192] {strides = array<i32>} : memref<200x64xf32, #tpu.memory_space<vmem>>, vector<16xf32>,
      %scan3A_194 = arith.constant 0 : i32
      %scan3A_195 = arith.constant 0 : i32
      %scan3A_196 = arith.constant 8 : i32
      %scan3A_197 = arith.addi %scan3A_195, %scan3A_196 : i32
      %scan3A_198 = arith.constant 1 : i32
      scf.for %scan3A_432 = %scan3A_195 to %scan3A_197 step %scan3A_198  : i32 {
        %mul3A_433 = arith.constant 16 : i32
        %mul3A_434 = arith.muli %scan3A_432, %mul3A_433 : i32
        %add3A_435 = arith.constant 0 : i32
        %add3A_436 = arith.addi %mul3A_434, %add3A_435 : i32
        %broadcast_in_dim3A = arith.constant 0 : i32
        %broadcast_in_dim3A_437 = vector.broadcast %broadcast_in_dim3A : i32 to vector<16xi32>
        %add3A_438 = vector.broadcast %add3A_436 : i32 to vector<16xi32>
        %add3A_439 = arith.addi %broadcast_in_dim3A_437, %add3A_438 : vector<16xi32>
        %get3A_440 = arith.constant 0 : i32
        %get3A_441 = arith.index_cast %get3A_440 : i32 to index
        %get3A_442 = arith.index_cast %add3A_436 : i32 to index
        %get3A_443 = arith.constant 0 : index
        %get3A_444 = tpu.vector_load %arg7[%get3A_441, %get3A_442, %get3A_443] {strides = array<i32>} : memref<4x128x64xf32, #tpu.memory_space<vmem>>, vector<16xf32>,
        %add3A_445 = arith.addf %get3A_444, %get3A_184 : vector<16xf32>
        %scatter3A = arith.constant 0 : i32
        %scatter3A_446 = arith.constant 0 : i32
        %scatter3A_447 = arith.constant 0 : i32
        %scatter3A_448 = arith.constant 0 : i32
        %scatter3A_449 = tpu.memref_slice %arg8[%scatter3A, %scatter3A_446, %scatter3A_447, %scatter3A_448] : memref<4x8x8x129xf32, #tpu.memory_space<vmem>> -> memref<1x8x8x129xf32, #tpu.memory_space<vmem>>
        %scatter3A_450 = tpu.memref_squeeze %scatter3A_449 : memref<1x8x8x129xf32, #tpu.memory_space<vmem>> -> memref<8x8x129xf32, #tpu.memory_space<vmem>>
        tpu.vector_store_idx %scatter3A_450[%shift_right_arithmetic3A_17, %and3A_28, %add3A_439], %add3A_445 : memref<8x8x129xf32, #tpu.memory_space<vmem>>[vector<16xi32>, vector<16xi32>, vector<16xi32>], vector<16xf32>,
        %get3A_451 = arith.constant 0 : i32
        %get3A_452 = arith.index_cast %get3A_451 : i32 to index
        %get3A_453 = arith.index_cast %add3A_436 : i32 to index
        %get3A_454 = arith.constant 16 : index
        %get3A_455 = tpu.vector_load %arg7[%get3A_452, %get3A_453, %get3A_454] {strides = array<i32>} : memref<4x128x64xf32, #tpu.memory_space<vmem>>, vector<16xf32>,
        %add3A_456 = arith.addf %get3A_455, %get3A_187 : vector<16xf32>
        %scatter3A_457 = arith.constant 0 : i32
        %scatter3A_458 = arith.constant 0 : i32
        %scatter3A_459 = arith.constant 0 : i32
        %scatter3A_460 = arith.constant 0 : i32
        %scatter3A_461 = tpu.memref_slice %arg8[%scatter3A_457, %scatter3A_458, %scatter3A_459, %scatter3A_460] : memref<4x8x8x129xf32, #tpu.memory_space<vmem>> -> memref<1x8x8x129xf32, #tpu.memory_space<vmem>>
        %scatter3A_462 = tpu.memref_squeeze %scatter3A_461 : memref<1x8x8x129xf32, #tpu.memory_space<vmem>> -> memref<8x8x129xf32, #tpu.memory_space<vmem>>
        tpu.vector_store_idx %scatter3A_462[%shift_right_arithmetic3A_20, %and3A_31, %add3A_439], %add3A_456 : memref<8x8x129xf32, #tpu.memory_space<vmem>>[vector<16xi32>, vector<16xi32>, vector<16xi32>], vector<16xf32>,
        %get3A_463 = arith.constant 0 : i32
        %get3A_464 = arith.index_cast %get3A_463 : i32 to index
        %get3A_465 = arith.index_cast %add3A_436 : i32 to index
        %get3A_466 = arith.constant 32 : index
        %get3A_467 = tpu.vector_load %arg7[%get3A_464, %get3A_465, %get3A_466] {strides = array<i32>} : memref<4x128x64xf32, #tpu.memory_space<vmem>>, vector<16xf32>,
        %add3A_468 = arith.addf %get3A_467, %get3A_190 : vector<16xf32>
        %scatter3A_469 = arith.constant 0 : i32
        %scatter3A_470 = arith.constant 0 : i32
        %scatter3A_471 = arith.constant 0 : i32
        %scatter3A_472 = arith.constant 0 : i32
        %scatter3A_473 = tpu.memref_slice %arg8[%scatter3A_469, %scatter3A_470, %scatter3A_471, %scatter3A_472] : memref<4x8x8x129xf32, #tpu.memory_space<vmem>> -> memref<1x8x8x129xf32, #tpu.memory_space<vmem>>
        %scatter3A_474 = tpu.memref_squeeze %scatter3A_473 : memref<1x8x8x129xf32, #tpu.memory_space<vmem>> -> memref<8x8x129xf32, #tpu.memory_space<vmem>>
        tpu.vector_store_idx %scatter3A_474[%shift_right_arithmetic3A_23, %and3A_34, %add3A_439], %add3A_468 : memref<8x8x129xf32, #tpu.memory_space<vmem>>[vector<16xi32>, vector<16xi32>, vector<16xi32>], vector<16xf32>,
        %get3A_475 = arith.constant 0 : i32
        %get3A_476 = arith.index_cast %get3A_475 : i32 to index
        %get3A_477 = arith.index_cast %add3A_436 : i32 to index
        %get3A_478 = arith.constant 48 : index
        %get3A_479 = tpu.vector_load %arg7[%get3A_476, %get3A_477, %get3A_478] {strides = array<i32>} : memref<4x128x64xf32, #tpu.memory_space<vmem>>, vector<16xf32>,
        %add3A_480 = arith.addf %get3A_479, %get3A_193 : vector<16xf32>
        %scatter3A_481 = arith.constant 0 : i32
        %scatter3A_482 = arith.constant 0 : i32
        %scatter3A_483 = arith.constant 0 : i32
        %scatter3A_484 = arith.constant 0 : i32
        %scatter3A_485 = tpu.memref_slice %arg8[%scatter3A_481, %scatter3A_482, %scatter3A_483, %scatter3A_484] : memref<4x8x8x129xf32, #tpu.memory_space<vmem>> -> memref<1x8x8x129xf32, #tpu.memory_space<vmem>>
        %scatter3A_486 = tpu.memref_squeeze %scatter3A_485 : memref<1x8x8x129xf32, #tpu.memory_space<vmem>> -> memref<8x8x129xf32, #tpu.memory_space<vmem>>
        tpu.vector_store_idx %scatter3A_486[%shift_right_arithmetic3A_26, %and3A_37, %add3A_439], %add3A_480 : memref<8x8x129xf32, #tpu.memory_space<vmem>>[vector<16xi32>, vector<16xi32>, vector<16xi32>], vector<16xf32>,
        %mul3A_487 = arith.constant 16 : i32
        %mul3A_488 = arith.muli %scan3A_432, %mul3A_487 : i32
        %add3A_489 = arith.constant 1 : i32
        %add3A_490 = arith.addi %mul3A_488, %add3A_489 : i32
        %broadcast_in_dim3A_491 = arith.constant 0 : i32
        %broadcast_in_dim3A_492 = vector.broadcast %broadcast_in_dim3A_491 : i32 to vector<16xi32>
        %add3A_493 = vector.broadcast %add3A_490 : i32 to vector<16xi32>
        %add3A_494 = arith.addi %broadcast_in_dim3A_492, %add3A_493 : vector<16xi32>
        %get3A_495 = arith.constant 0 : i32
        %get3A_496 = arith.index_cast %get3A_495 : i32 to index
        %get3A_497 = arith.index_cast %add3A_490 : i32 to index
        %get3A_498 = arith.constant 0 : index
        %get3A_499 = tpu.vector_load %arg7[%get3A_496, %get3A_497, %get3A_498] {strides = array<i32>} : memref<4x128x64xf32, #tpu.memory_space<vmem>>, vector<16xf32>,
        %add3A_500 = arith.addf %get3A_499, %get3A_184 : vector<16xf32>
        %scatter3A_501 = arith.constant 0 : i32
        %scatter3A_502 = arith.constant 0 : i32
        %scatter3A_503 = arith.constant 0 : i32
        %scatter3A_504 = arith.constant 0 : i32
        %scatter3A_505 = tpu.memref_slice %arg8[%scatter3A_501, %scatter3A_502, %scatter3A_503, %scatter3A_504] : memref<4x8x8x129xf32, #tpu.memory_space<vmem>> -> memref<1x8x8x129xf32, #tpu.memory_space<vmem>>
        %scatter3A_506 = tpu.memref_squeeze %scatter3A_505 : memref<1x8x8x129xf32, #tpu.memory_space<vmem>> -> memref<8x8x129xf32, #tpu.memory_space<vmem>>
        tpu.vector_store_idx %scatter3A_506[%shift_right_arithmetic3A_17, %and3A_28, %add3A_494], %add3A_500 : memref<8x8x129xf32, #tpu.memory_space<vmem>>[vector<16xi32>, vector<16xi32>, vector<16xi32>], vector<16xf32>,
        %get3A_507 = arith.constant 0 : i32
        %get3A_508 = arith.index_cast %get3A_507 : i32 to index
        %get3A_509 = arith.index_cast %add3A_490 : i32 to index
        %get3A_510 = arith.constant 16 : index
        %get3A_511 = tpu.vector_load %arg7[%get3A_508, %get3A_509, %get3A_510] {strides = array<i32>} : memref<4x128x64xf32, #tpu.memory_space<vmem>>, vector<16xf32>,
        %add3A_512 = arith.addf %get3A_511, %get3A_187 : vector<16xf32>
        %scatter3A_513 = arith.constant 0 : i32
        %scatter3A_514 = arith.constant 0 : i32
        %scatter3A_515 = arith.constant 0 : i32
        %scatter3A_516 = arith.constant 0 : i32
        %scatter3A_517 = tpu.memref_slice %arg8[%scatter3A_513, %scatter3A_514, %scatter3A_515, %scatter3A_516] : memref<4x8x8x129xf32, #tpu.memory_space<vmem>> -> memref<1x8x8x129xf32, #tpu.memory_space<vmem>>
        %scatter3A_518 = tpu.memref_squeeze %scatter3A_517 : memref<1x8x8x129xf32, #tpu.memory_space<vmem>> -> memref<8x8x129xf32, #tpu.memory_space<vmem>>
        tpu.vector_store_idx %scatter3A_518[%shift_right_arithmetic3A_20, %and3A_31, %add3A_494], %add3A_512 : memref<8x8x129xf32, #tpu.memory_space<vmem>>[vector<16xi32>, vector<16xi32>, vector<16xi32>], vector<16xf32>,
        %get3A_519 = arith.constant 0 : i32
        %get3A_520 = arith.index_cast %get3A_519 : i32 to index
        %get3A_521 = arith.index_cast %add3A_490 : i32 to index
        %get3A_522 = arith.constant 32 : index
        %get3A_523 = tpu.vector_load %arg7[%get3A_520, %get3A_521, %get3A_522] {strides = array<i32>} : memref<4x128x64xf32, #tpu.memory_space<vmem>>, vector<16xf32>,
        %add3A_524 = arith.addf %get3A_523, %get3A_190 : vector<16xf32>
        %scatter3A_525 = arith.constant 0 : i32
        %scatter3A_526 = arith.constant 0 : i32
        %scatter3A_527 = arith.constant 0 : i32
        %scatter3A_528 = arith.constant 0 : i32
        %scatter3A_529 = tpu.memref_slice %arg8[%scatter3A_525, %scatter3A_526, %scatter3A_527, %scatter3A_528] : memref<4x8x8x129xf32, #tpu.memory_space<vmem>> -> memref<1x8x8x129xf32, #tpu.memory_space<vmem>>
        %scatter3A_530 = tpu.memref_squeeze %scatter3A_529 : memref<1x8x8x129xf32, #tpu.memory_space<vmem>> -> memref<8x8x129xf32, #tpu.memory_space<vmem>>
        tpu.vector_store_idx %scatter3A_530[%shift_right_arithmetic3A_23, %and3A_34, %add3A_494], %add3A_524 : memref<8x8x129xf32, #tpu.memory_space<vmem>>[vector<16xi32>, vector<16xi32>, vector<16xi32>], vector<16xf32>,
        %get3A_531 = arith.constant 0 : i32
        %get3A_532 = arith.index_cast %get3A_531 : i32 to index
        %get3A_533 = arith.index_cast %add3A_490 : i32 to index
        %get3A_534 = arith.constant 48 : index
        %get3A_535 = tpu.vector_load %arg7[%get3A_532, %get3A_533, %get3A_534] {strides = array<i32>} : memref<4x128x64xf32, #tpu.memory_space<vmem>>, vector<16xf32>,
        %add3A_536 = arith.addf %get3A_535, %get3A_193 : vector<16xf32>
        %scatter3A_537 = arith.constant 0 : i32
        %scatter3A_538 = arith.constant 0 : i32
        %scatter3A_539 = arith.constant 0 : i32
        %scatter3A_540 = arith.constant 0 : i32
        %scatter3A_541 = tpu.memref_slice %arg8[%scatter3A_537, %scatter3A_538, %scatter3A_539, %scatter3A_540] : memref<4x8x8x129xf32, #tpu.memory_space<vmem>> -> memref<1x8x8x129xf32, #tpu.memory_space<vmem>>
        %scatter3A_542 = tpu.memref_squeeze %scatter3A_541 : memref<1x8x8x129xf32, #tpu.memory_space<vmem>> -> memref<8x8x129xf32, #tpu.memory_space<vmem>>
        tpu.vector_store_idx %scatter3A_542[%shift_right_arithmetic3A_26, %and3A_37, %add3A_494], %add3A_536 : memref<8x8x129xf32, #tpu.memory_space<vmem>>[vector<16xi32>, vector<16xi32>, vector<16xi32>], vector<16xf32>,
        %mul3A_543 = arith.constant 16 : i32
        %mul3A_544 = arith.muli %scan3A_432, %mul3A_543 : i32
        %add3A_545 = arith.constant 2 : i32
        %add3A_546 = arith.addi %mul3A_544, %add3A_545 : i32
        %broadcast_in_dim3A_547 = arith.constant 0 : i32
        %broadcast_in_dim3A_548 = vector.broadcast %broadcast_in_dim3A_547 : i32 to vector<16xi32>
        %add3A_549 = vector.broadcast %add3A_546 : i32 to vector<16xi32>
        %add3A_550 = arith.addi %broadcast_in_dim3A_548, %add3A_549 : vector<16xi32>
        %get3A_551 = arith.constant 0 : i32
        %get3A_552 = arith.index_cast %get3A_551 : i32 to index
        %get3A_553 = arith.index_cast %add3A_546 : i32 to index
        %get3A_554 = arith.constant 0 : index
        %get3A_555 = tpu.vector_load %arg7[%get3A_552, %get3A_553, %get3A_554] {strides = array<i32>} : memref<4x128x64xf32, #tpu.memory_space<vmem>>, vector<16xf32>,
        %add3A_556 = arith.addf %get3A_555, %get3A_184 : vector<16xf32>
        %scatter3A_557 = arith.constant 0 : i32
        %scatter3A_558 = arith.constant 0 : i32
        %scatter3A_559 = arith.constant 0 : i32
        %scatter3A_560 = arith.constant 0 : i32
        %scatter3A_561 = tpu.memref_slice %arg8[%scatter3A_557, %scatter3A_558, %scatter3A_559, %scatter3A_560] : memref<4x8x8x129xf32, #tpu.memory_space<vmem>> -> memref<1x8x8x129xf32, #tpu.memory_space<vmem>>
        %scatter3A_562 = tpu.memref_squeeze %scatter3A_561 : memref<1x8x8x129xf32, #tpu.memory_space<vmem>> -> memref<8x8x129xf32, #tpu.memory_space<vmem>>
        tpu.vector_store_idx %scatter3A_562[%shift_right_arithmetic3A_17, %and3A_28, %add3A_550], %add3A_556 : memref<8x8x129xf32, #tpu.memory_space<vmem>>[vector<16xi32>, vector<16xi32>, vector<16xi32>], vector<16xf32>,
        %get3A_563 = arith.constant 0 : i32
        %get3A_564 = arith.index_cast %get3A_563 : i32 to index
        %get3A_565 = arith.index_cast %add3A_546 : i32 to index
        %get3A_566 = arith.constant 16 : index
        %get3A_567 = tpu.vector_load %arg7[%get3A_564, %get3A_565, %get3A_566] {strides = array<i32>} : memref<4x128x64xf32, #tpu.memory_space<vmem>>, vector<16xf32>,
        %add3A_568 = arith.addf %get3A_567, %get3A_187 : vector<16xf32>
        %scatter3A_569 = arith.constant 0 : i32
        %scatter3A_570 = arith.constant 0 : i32
        %scatter3A_571 = arith.constant 0 : i32
        %scatter3A_572 = arith.constant 0 : i32
        %scatter3A_573 = tpu.memref_slice %arg8[%scatter3A_569, %scatter3A_570, %scatter3A_571, %scatter3A_572] : memref<4x8x8x129xf32, #tpu.memory_space<vmem>> -> memref<1x8x8x129xf32, #tpu.memory_space<vmem>>
        %scatter3A_574 = tpu.memref_squeeze %scatter3A_573 : memref<1x8x8x129xf32, #tpu.memory_space<vmem>> -> memref<8x8x129xf32, #tpu.memory_space<vmem>>
        tpu.vector_store_idx %scatter3A_574[%shift_right_arithmetic3A_20, %and3A_31, %add3A_550], %add3A_568 : memref<8x8x129xf32, #tpu.memory_space<vmem>>[vector<16xi32>, vector<16xi32>, vector<16xi32>], vector<16xf32>,
        %get3A_575 = arith.constant 0 : i32
        %get3A_576 = arith.index_cast %get3A_575 : i32 to index
        %get3A_577 = arith.index_cast %add3A_546 : i32 to index
        %get3A_578 = arith.constant 32 : index
        %get3A_579 = tpu.vector_load %arg7[%get3A_576, %get3A_577, %get3A_578] {strides = array<i32>} : memref<4x128x64xf32, #tpu.memory_space<vmem>>, vector<16xf32>,
        %add3A_580 = arith.addf %get3A_579, %get3A_190 : vector<16xf32>
        %scatter3A_581 = arith.constant 0 : i32
        %scatter3A_582 = arith.constant 0 : i32
        %scatter3A_583 = arith.constant 0 : i32
        %scatter3A_584 = arith.constant 0 : i32
        %scatter3A_585 = tpu.memref_slice %arg8[%scatter3A_581, %scatter3A_582, %scatter3A_583, %scatter3A_584] : memref<4x8x8x129xf32, #tpu.memory_space<vmem>> -> memref<1x8x8x129xf32, #tpu.memory_space<vmem>>
        %scatter3A_586 = tpu.memref_squeeze %scatter3A_585 : memref<1x8x8x129xf32, #tpu.memory_space<vmem>> -> memref<8x8x129xf32, #tpu.memory_space<vmem>>
        tpu.vector_store_idx %scatter3A_586[%shift_right_arithmetic3A_23, %and3A_34, %add3A_550], %add3A_580 : memref<8x8x129xf32, #tpu.memory_space<vmem>>[vector<16xi32>, vector<16xi32>, vector<16xi32>], vector<16xf32>,
        %get3A_587 = arith.constant 0 : i32
        %get3A_588 = arith.index_cast %get3A_587 : i32 to index
        %get3A_589 = arith.index_cast %add3A_546 : i32 to index
        %get3A_590 = arith.constant 48 : index
        %get3A_591 = tpu.vector_load %arg7[%get3A_588, %get3A_589, %get3A_590] {strides = array<i32>} : memref<4x128x64xf32, #tpu.memory_space<vmem>>, vector<16xf32>,
        %add3A_592 = arith.addf %get3A_591, %get3A_193 : vector<16xf32>
        %scatter3A_593 = arith.constant 0 : i32
        %scatter3A_594 = arith.constant 0 : i32
        %scatter3A_595 = arith.constant 0 : i32
        %scatter3A_596 = arith.constant 0 : i32
        %scatter3A_597 = tpu.memref_slice %arg8[%scatter3A_593, %scatter3A_594, %scatter3A_595, %scatter3A_596] : memref<4x8x8x129xf32, #tpu.memory_space<vmem>> -> memref<1x8x8x129xf32, #tpu.memory_space<vmem>>
        %scatter3A_598 = tpu.memref_squeeze %scatter3A_597 : memref<1x8x8x129xf32, #tpu.memory_space<vmem>> -> memref<8x8x129xf32, #tpu.memory_space<vmem>>
        tpu.vector_store_idx %scatter3A_598[%shift_right_arithmetic3A_26, %and3A_37, %add3A_550], %add3A_592 : memref<8x8x129xf32, #tpu.memory_space<vmem>>[vector<16xi32>, vector<16xi32>, vector<16xi32>], vector<16xf32>,
        %mul3A_599 = arith.constant 16 : i32
        %mul3A_600 = arith.muli %scan3A_432, %mul3A_599 : i32
        %add3A_601 = arith.constant 3 : i32
        %add3A_602 = arith.addi %mul3A_600, %add3A_601 : i32
        %broadcast_in_dim3A_603 = arith.constant 0 : i32
        %broadcast_in_dim3A_604 = vector.broadcast %broadcast_in_dim3A_603 : i32 to vector<16xi32>
        %add3A_605 = vector.broadcast %add3A_602 : i32 to vector<16xi32>
        %add3A_606 = arith.addi %broadcast_in_dim3A_604, %add3A_605 : vector<16xi32>
        %get3A_607 = arith.constant 0 : i32
        %get3A_608 = arith.index_cast %get3A_607 : i32 to index
        %get3A_609 = arith.index_cast %add3A_602 : i32 to index
        %get3A_610 = arith.constant 0 : index
        %get3A_611 = tpu.vector_load %arg7[%get3A_608, %get3A_609, %get3A_610] {strides = array<i32>} : memref<4x128x64xf32, #tpu.memory_space<vmem>>, vector<16xf32>,
        %add3A_612 = arith.addf %get3A_611, %get3A_184 : vector<16xf32>
        %scatter3A_613 = arith.constant 0 : i32
        %scatter3A_614 = arith.constant 0 : i32
        %scatter3A_615 = arith.constant 0 : i32
        %scatter3A_616 = arith.constant 0 : i32
        %scatter3A_617 = tpu.memref_slice %arg8[%scatter3A_613, %scatter3A_614, %scatter3A_615, %scatter3A_616] : memref<4x8x8x129xf32, #tpu.memory_space<vmem>> -> memref<1x8x8x129xf32, #tpu.memory_space<vmem>>
        %scatter3A_618 = tpu.memref_squeeze %scatter3A_617 : memref<1x8x8x129xf32, #tpu.memory_space<vmem>> -> memref<8x8x129xf32, #tpu.memory_space<vmem>>
        tpu.vector_store_idx %scatter3A_618[%shift_right_arithmetic3A_17, %and3A_28, %add3A_606], %add3A_612 : memref<8x8x129xf32, #tpu.memory_space<vmem>>[vector<16xi32>, vector<16xi32>, vector<16xi32>], vector<16xf32>,
        %get3A_619 = arith.constant 0 : i32
        %get3A_620 = arith.index_cast %get3A_619 : i32 to index
        %get3A_621 = arith.index_cast %add3A_602 : i32 to index
        %get3A_622 = arith.constant 16 : index
        %get3A_623 = tpu.vector_load %arg7[%get3A_620, %get3A_621, %get3A_622] {strides = array<i32>} : memref<4x128x64xf32, #tpu.memory_space<vmem>>, vector<16xf32>,
        %add3A_624 = arith.addf %get3A_623, %get3A_187 : vector<16xf32>
        %scatter3A_625 = arith.constant 0 : i32
        %scatter3A_626 = arith.constant 0 : i32
        %scatter3A_627 = arith.constant 0 : i32
        %scatter3A_628 = arith.constant 0 : i32
        %scatter3A_629 = tpu.memref_slice %arg8[%scatter3A_625, %scatter3A_626, %scatter3A_627, %scatter3A_628] : memref<4x8x8x129xf32, #tpu.memory_space<vmem>> -> memref<1x8x8x129xf32, #tpu.memory_space<vmem>>
        %scatter3A_630 = tpu.memref_squeeze %scatter3A_629 : memref<1x8x8x129xf32, #tpu.memory_space<vmem>> -> memref<8x8x129xf32, #tpu.memory_space<vmem>>
        tpu.vector_store_idx %scatter3A_630[%shift_right_arithmetic3A_20, %and3A_31, %add3A_606], %add3A_624 : memref<8x8x129xf32, #tpu.memory_space<vmem>>[vector<16xi32>, vector<16xi32>, vector<16xi32>], vector<16xf32>,
        %get3A_631 = arith.constant 0 : i32
        %get3A_632 = arith.index_cast %get3A_631 : i32 to index
        %get3A_633 = arith.index_cast %add3A_602 : i32 to index
        %get3A_634 = arith.constant 32 : index
        %get3A_635 = tpu.vector_load %arg7[%get3A_632, %get3A_633, %get3A_634] {strides = array<i32>} : memref<4x128x64xf32, #tpu.memory_space<vmem>>, vector<16xf32>,
        %add3A_636 = arith.addf %get3A_635, %get3A_190 : vector<16xf32>
        %scatter3A_637 = arith.constant 0 : i32
        %scatter3A_638 = arith.constant 0 : i32
        %scatter3A_639 = arith.constant 0 : i32
        %scatter3A_640 = arith.constant 0 : i32
        %scatter3A_641 = tpu.memref_slice %arg8[%scatter3A_637, %scatter3A_638, %scatter3A_639, %scatter3A_640] : memref<4x8x8x129xf32, #tpu.memory_space<vmem>> -> memref<1x8x8x129xf32, #tpu.memory_space<vmem>>
        %scatter3A_642 = tpu.memref_squeeze %scatter3A_641 : memref<1x8x8x129xf32, #tpu.memory_space<vmem>> -> memref<8x8x129xf32, #tpu.memory_space<vmem>>
        tpu.vector_store_idx %scatter3A_642[%shift_right_arithmetic3A_23, %and3A_34, %add3A_606], %add3A_636 : memref<8x8x129xf32, #tpu.memory_space<vmem>>[vector<16xi32>, vector<16xi32>, vector<16xi32>], vector<16xf32>,
        %get3A_643 = arith.constant 0 : i32
        %get3A_644 = arith.index_cast %get3A_643 : i32 to index
        %get3A_645 = arith.index_cast %add3A_602 : i32 to index
        %get3A_646 = arith.constant 48 : index
        %get3A_647 = tpu.vector_load %arg7[%get3A_644, %get3A_645, %get3A_646] {strides = array<i32>} : memref<4x128x64xf32, #tpu.memory_space<vmem>>, vector<16xf32>,
        %add3A_648 = arith.addf %get3A_647, %get3A_193 : vector<16xf32>
        %scatter3A_649 = arith.constant 0 : i32
        %scatter3A_650 = arith.constant 0 : i32
        %scatter3A_651 = arith.constant 0 : i32
        %scatter3A_652 = arith.constant 0 : i32
        %scatter3A_653 = tpu.memref_slice %arg8[%scatter3A_649, %scatter3A_650, %scatter3A_651, %scatter3A_652] : memref<4x8x8x129xf32, #tpu.memory_space<vmem>> -> memref<1x8x8x129xf32, #tpu.memory_space<vmem>>
        %scatter3A_654 = tpu.memref_squeeze %scatter3A_653 : memref<1x8x8x129xf32, #tpu.memory_space<vmem>> -> memref<8x8x129xf32, #tpu.memory_space<vmem>>
        tpu.vector_store_idx %scatter3A_654[%shift_right_arithmetic3A_26, %and3A_37, %add3A_606], %add3A_648 : memref<8x8x129xf32, #tpu.memory_space<vmem>>[vector<16xi32>, vector<16xi32>, vector<16xi32>], vector<16xf32>,
        %mul3A_655 = arith.constant 16 : i32
        %mul3A_656 = arith.muli %scan3A_432, %mul3A_655 : i32
        %add3A_657 = arith.constant 4 : i32
        %add3A_658 = arith.addi %mul3A_656, %add3A_657 : i32
        %broadcast_in_dim3A_659 = arith.constant 0 : i32
        %broadcast_in_dim3A_660 = vector.broadcast %broadcast_in_dim3A_659 : i32 to vector<16xi32>
        %add3A_661 = vector.broadcast %add3A_658 : i32 to vector<16xi32>
        %add3A_662 = arith.addi %broadcast_in_dim3A_660, %add3A_661 : vector<16xi32>
        %get3A_663 = arith.constant 0 : i32
        %get3A_664 = arith.index_cast %get3A_663 : i32 to index
        %get3A_665 = arith.index_cast %add3A_658 : i32 to index
        %get3A_666 = arith.constant 0 : index
        %get3A_667 = tpu.vector_load %arg7[%get3A_664, %get3A_665, %get3A_666] {strides = array<i32>} : memref<4x128x64xf32, #tpu.memory_space<vmem>>, vector<16xf32>,
        %add3A_668 = arith.addf %get3A_667, %get3A_184 : vector<16xf32>
        %scatter3A_669 = arith.constant 0 : i32
        %scatter3A_670 = arith.constant 0 : i32
        %scatter3A_671 = arith.constant 0 : i32
        %scatter3A_672 = arith.constant 0 : i32
        %scatter3A_673 = tpu.memref_slice %arg8[%scatter3A_669, %scatter3A_670, %scatter3A_671, %scatter3A_672] : memref<4x8x8x129xf32, #tpu.memory_space<vmem>> -> memref<1x8x8x129xf32, #tpu.memory_space<vmem>>
        %scatter3A_674 = tpu.memref_squeeze %scatter3A_673 : memref<1x8x8x129xf32, #tpu.memory_space<vmem>> -> memref<8x8x129xf32, #tpu.memory_space<vmem>>
        tpu.vector_store_idx %scatter3A_674[%shift_right_arithmetic3A_17, %and3A_28, %add3A_662], %add3A_668 : memref<8x8x129xf32, #tpu.memory_space<vmem>>[vector<16xi32>, vector<16xi32>, vector<16xi32>], vector<16xf32>,
        %get3A_675 = arith.constant 0 : i32
        %get3A_676 = arith.index_cast %get3A_675 : i32 to index
        %get3A_677 = arith.index_cast %add3A_658 : i32 to index
        %get3A_678 = arith.constant 16 : index
        %get3A_679 = tpu.vector_load %arg7[%get3A_676, %get3A_677, %get3A_678] {strides = array<i32>} : memref<4x128x64xf32, #tpu.memory_space<vmem>>, vector<16xf32>,
        %add3A_680 = arith.addf %get3A_679, %get3A_187 : vector<16xf32>
        %scatter3A_681 = arith.constant 0 : i32
        %scatter3A_682 = arith.constant 0 : i32
        %scatter3A_683 = arith.constant 0 : i32
        %scatter3A_684 = arith.constant 0 : i32
        %scatter3A_685 = tpu.memref_slice %arg8[%scatter3A_681, %scatter3A_682, %scatter3A_683, %scatter3A_684] : memref<4x8x8x129xf32, #tpu.memory_space<vmem>> -> memref<1x8x8x129xf32, #tpu.memory_space<vmem>>
        %scatter3A_686 = tpu.memref_squeeze %scatter3A_685 : memref<1x8x8x129xf32, #tpu.memory_space<vmem>> -> memref<8x8x129xf32, #tpu.memory_space<vmem>>
        tpu.vector_store_idx %scatter3A_686[%shift_right_arithmetic3A_20, %and3A_31, %add3A_662], %add3A_680 : memref<8x8x129xf32, #tpu.memory_space<vmem>>[vector<16xi32>, vector<16xi32>, vector<16xi32>], vector<16xf32>,
        %get3A_687 = arith.constant 0 : i32
        %get3A_688 = arith.index_cast %get3A_687 : i32 to index
        %get3A_689 = arith.index_cast %add3A_658 : i32 to index
        %get3A_690 = arith.constant 32 : index
        %get3A_691 = tpu.vector_load %arg7[%get3A_688, %get3A_689, %get3A_690] {strides = array<i32>} : memref<4x128x64xf32, #tpu.memory_space<vmem>>, vector<16xf32>,
        %add3A_692 = arith.addf %get3A_691, %get3A_190 : vector<16xf32>
        %scatter3A_693 = arith.constant 0 : i32
        %scatter3A_694 = arith.constant 0 : i32
        %scatter3A_695 = arith.constant 0 : i32
        %scatter3A_696 = arith.constant 0 : i32
        %scatter3A_697 = tpu.memref_slice %arg8[%scatter3A_693, %scatter3A_694, %scatter3A_695, %scatter3A_696] : memref<4x8x8x129xf32, #tpu.memory_space<vmem>> -> memref<1x8x8x129xf32, #tpu.memory_space<vmem>>
        %scatter3A_698 = tpu.memref_squeeze %scatter3A_697 : memref<1x8x8x129xf32, #tpu.memory_space<vmem>> -> memref<8x8x129xf32, #tpu.memory_space<vmem>>
        tpu.vector_store_idx %scatter3A_698[%shift_right_arithmetic3A_23, %and3A_34, %add3A_662], %add3A_692 : memref<8x8x129xf32, #tpu.memory_space<vmem>>[vector<16xi32>, vector<16xi32>, vector<16xi32>], vector<16xf32>,
        %get3A_699 = arith.constant 0 : i32
        %get3A_700 = arith.index_cast %get3A_699 : i32 to index
        %get3A_701 = arith.index_cast %add3A_658 : i32 to index
        %get3A_702 = arith.constant 48 : index
        %get3A_703 = tpu.vector_load %arg7[%get3A_700, %get3A_701, %get3A_702] {strides = array<i32>} : memref<4x128x64xf32, #tpu.memory_space<vmem>>, vector<16xf32>,
        %add3A_704 = arith.addf %get3A_703, %get3A_193 : vector<16xf32>
        %scatter3A_705 = arith.constant 0 : i32
        %scatter3A_706 = arith.constant 0 : i32
        %scatter3A_707 = arith.constant 0 : i32
        %scatter3A_708 = arith.constant 0 : i32
        %scatter3A_709 = tpu.memref_slice %arg8[%scatter3A_705, %scatter3A_706, %scatter3A_707, %scatter3A_708] : memref<4x8x8x129xf32, #tpu.memory_space<vmem>> -> memref<1x8x8x129xf32, #tpu.memory_space<vmem>>
        %scatter3A_710 = tpu.memref_squeeze %scatter3A_709 : memref<1x8x8x129xf32, #tpu.memory_space<vmem>> -> memref<8x8x129xf32, #tpu.memory_space<vmem>>
        tpu.vector_store_idx %scatter3A_710[%shift_right_arithmetic3A_26, %and3A_37, %add3A_662], %add3A_704 : memref<8x8x129xf32, #tpu.memory_space<vmem>>[vector<16xi32>, vector<16xi32>, vector<16xi32>], vector<16xf32>,
        %mul3A_711 = arith.constant 16 : i32
        %mul3A_712 = arith.muli %scan3A_432, %mul3A_711 : i32
        %add3A_713 = arith.constant 5 : i32
        %add3A_714 = arith.addi %mul3A_712, %add3A_713 : i32
        %broadcast_in_dim3A_715 = arith.constant 0 : i32
        %broadcast_in_dim3A_716 = vector.broadcast %broadcast_in_dim3A_715 : i32 to vector<16xi32>
        %add3A_717 = vector.broadcast %add3A_714 : i32 to vector<16xi32>
        %add3A_718 = arith.addi %broadcast_in_dim3A_716, %add3A_717 : vector<16xi32>
        %get3A_719 = arith.constant 0 : i32
        %get3A_720 = arith.index_cast %get3A_719 : i32 to index
        %get3A_721 = arith.index_cast %add3A_714 : i32 to index
        %get3A_722 = arith.constant 0 : index
        %get3A_723 = tpu.vector_load %arg7[%get3A_720, %get3A_721, %get3A_722] {strides = array<i32>} : memref<4x128x64xf32, #tpu.memory_space<vmem>>, vector<16xf32>,
        %add3A_724 = arith.addf %get3A_723, %get3A_184 : vector<16xf32>
        %scatter3A_725 = arith.constant 0 : i32
        %scatter3A_726 = arith.constant 0 : i32
        %scatter3A_727 = arith.constant 0 : i32
        %scatter3A_728 = arith.constant 0 : i32
        %scatter3A_729 = tpu.memref_slice %arg8[%scatter3A_725, %scatter3A_726, %scatter3A_727, %scatter3A_728] : memref<4x8x8x129xf32, #tpu.memory_space<vmem>> -> memref<1x8x8x129xf32, #tpu.memory_space<vmem>>
        %scatter3A_730 = tpu.memref_squeeze %scatter3A_729 : memref<1x8x8x129xf32, #tpu.memory_space<vmem>> -> memref<8x8x129xf32, #tpu.memory_space<vmem>>
        tpu.vector_store_idx %scatter3A_730[%shift_right_arithmetic3A_17, %and3A_28, %add3A_718], %add3A_724 : memref<8x8x129xf32, #tpu.memory_space<vmem>>[vector<16xi32>, vector<16xi32>, vector<16xi32>], vector<16xf32>,
        %get3A_731 = arith.constant 0 : i32
        %get3A_732 = arith.index_cast %get3A_731 : i32 to index
        %get3A_733 = arith.index_cast %add3A_714 : i32 to index
        %get3A_734 = arith.constant 16 : index
        %get3A_735 = tpu.vector_load %arg7[%get3A_732, %get3A_733, %get3A_734] {strides = array<i32>} : memref<4x128x64xf32, #tpu.memory_space<vmem>>, vector<16xf32>,
        %add3A_736 = arith.addf %get3A_735, %get3A_187 : vector<16xf32>
        %scatter3A_737 = arith.constant 0 : i32
        %scatter3A_738 = arith.constant 0 : i32
        %scatter3A_739 = arith.constant 0 : i32
        %scatter3A_740 = arith.constant 0 : i32
        %scatter3A_741 = tpu.memref_slice %arg8[%scatter3A_737, %scatter3A_738, %scatter3A_739, %scatter3A_740] : memref<4x8x8x129xf32, #tpu.memory_space<vmem>> -> memref<1x8x8x129xf32, #tpu.memory_space<vmem>>
        %scatter3A_742 = tpu.memref_squeeze %scatter3A_741 : memref<1x8x8x129xf32, #tpu.memory_space<vmem>> -> memref<8x8x129xf32, #tpu.memory_space<vmem>>
        tpu.vector_store_idx %scatter3A_742[%shift_right_arithmetic3A_20, %and3A_31, %add3A_718], %add3A_736 : memref<8x8x129xf32, #tpu.memory_space<vmem>>[vector<16xi32>, vector<16xi32>, vector<16xi32>], vector<16xf32>,
        %get3A_743 = arith.constant 0 : i32
        %get3A_744 = arith.index_cast %get3A_743 : i32 to index
        %get3A_745 = arith.index_cast %add3A_714 : i32 to index
        %get3A_746 = arith.constant 32 : index
        %get3A_747 = tpu.vector_load %arg7[%get3A_744, %get3A_745, %get3A_746] {strides = array<i32>} : memref<4x128x64xf32, #tpu.memory_space<vmem>>, vector<16xf32>,
        %add3A_748 = arith.addf %get3A_747, %get3A_190 : vector<16xf32>
        %scatter3A_749 = arith.constant 0 : i32
        %scatter3A_750 = arith.constant 0 : i32
        %scatter3A_751 = arith.constant 0 : i32
        %scatter3A_752 = arith.constant 0 : i32
        %scatter3A_753 = tpu.memref_slice %arg8[%scatter3A_749, %scatter3A_750, %scatter3A_751, %scatter3A_752] : memref<4x8x8x129xf32, #tpu.memory_space<vmem>> -> memref<1x8x8x129xf32, #tpu.memory_space<vmem>>
        %scatter3A_754 = tpu.memref_squeeze %scatter3A_753 : memref<1x8x8x129xf32, #tpu.memory_space<vmem>> -> memref<8x8x129xf32, #tpu.memory_space<vmem>>
        tpu.vector_store_idx %scatter3A_754[%shift_right_arithmetic3A_23, %and3A_34, %add3A_718], %add3A_748 : memref<8x8x129xf32, #tpu.memory_space<vmem>>[vector<16xi32>, vector<16xi32>, vector<16xi32>], vector<16xf32>,
        %get3A_755 = arith.constant 0 : i32
        %get3A_756 = arith.index_cast %get3A_755 : i32 to index
        %get3A_757 = arith.index_cast %add3A_714 : i32 to index
        %get3A_758 = arith.constant 48 : index
        %get3A_759 = tpu.vector_load %arg7[%get3A_756, %get3A_757, %get3A_758] {strides = array<i32>} : memref<4x128x64xf32, #tpu.memory_space<vmem>>, vector<16xf32>,
        %add3A_760 = arith.addf %get3A_759, %get3A_193 : vector<16xf32>
        %scatter3A_761 = arith.constant 0 : i32
        %scatter3A_762 = arith.constant 0 : i32
        %scatter3A_763 = arith.constant 0 : i32
        %scatter3A_764 = arith.constant 0 : i32
        %scatter3A_765 = tpu.memref_slice %arg8[%scatter3A_761, %scatter3A_762, %scatter3A_763, %scatter3A_764] : memref<4x8x8x129xf32, #tpu.memory_space<vmem>> -> memref<1x8x8x129xf32, #tpu.memory_space<vmem>>
        %scatter3A_766 = tpu.memref_squeeze %scatter3A_765 : memref<1x8x8x129xf32, #tpu.memory_space<vmem>> -> memref<8x8x129xf32, #tpu.memory_space<vmem>>
        tpu.vector_store_idx %scatter3A_766[%shift_right_arithmetic3A_26, %and3A_37, %add3A_718], %add3A_760 : memref<8x8x129xf32, #tpu.memory_space<vmem>>[vector<16xi32>, vector<16xi32>, vector<16xi32>], vector<16xf32>,
        %mul3A_767 = arith.constant 16 : i32
        %mul3A_768 = arith.muli %scan3A_432, %mul3A_767 : i32
        %add3A_769 = arith.constant 6 : i32
        %add3A_770 = arith.addi %mul3A_768, %add3A_769 : i32
        %broadcast_in_dim3A_771 = arith.constant 0 : i32
        %broadcast_in_dim3A_772 = vector.broadcast %broadcast_in_dim3A_771 : i32 to vector<16xi32>
        %add3A_773 = vector.broadcast %add3A_770 : i32 to vector<16xi32>
        %add3A_774 = arith.addi %broadcast_in_dim3A_772, %add3A_773 : vector<16xi32>
        %get3A_775 = arith.constant 0 : i32
        %get3A_776 = arith.index_cast %get3A_775 : i32 to index
        %get3A_777 = arith.index_cast %add3A_770 : i32 to index
        %get3A_778 = arith.constant 0 : index
        %get3A_779 = tpu.vector_load %arg7[%get3A_776, %get3A_777, %get3A_778] {strides = array<i32>} : memref<4x128x64xf32, #tpu.memory_space<vmem>>, vector<16xf32>,
        %add3A_780 = arith.addf %get3A_779, %get3A_184 : vector<16xf32>
        %scatter3A_781 = arith.constant 0 : i32
        %scatter3A_782 = arith.constant 0 : i32
        %scatter3A_783 = arith.constant 0 : i32
        %scatter3A_784 = arith.constant 0 : i32
        %scatter3A_785 = tpu.memref_slice %arg8[%scatter3A_781, %scatter3A_782, %scatter3A_783, %scatter3A_784] : memref<4x8x8x129xf32, #tpu.memory_space<vmem>> -> memref<1x8x8x129xf32, #tpu.memory_space<vmem>>
        %scatter3A_786 = tpu.memref_squeeze %scatter3A_785 : memref<1x8x8x129xf32, #tpu.memory_space<vmem>> -> memref<8x8x129xf32, #tpu.memory_space<vmem>>
        tpu.vector_store_idx %scatter3A_786[%shift_right_arithmetic3A_17, %and3A_28, %add3A_774], %add3A_780 : memref<8x8x129xf32, #tpu.memory_space<vmem>>[vector<16xi32>, vector<16xi32>, vector<16xi32>], vector<16xf32>,
        %get3A_787 = arith.constant 0 : i32
        %get3A_788 = arith.index_cast %get3A_787 : i32 to index
        %get3A_789 = arith.index_cast %add3A_770 : i32 to index
        %get3A_790 = arith.constant 16 : index
        %get3A_791 = tpu.vector_load %arg7[%get3A_788, %get3A_789, %get3A_790] {strides = array<i32>} : memref<4x128x64xf32, #tpu.memory_space<vmem>>, vector<16xf32>,
        %add3A_792 = arith.addf %get3A_791, %get3A_187 : vector<16xf32>
        %scatter3A_793 = arith.constant 0 : i32
        %scatter3A_794 = arith.constant 0 : i32
        %scatter3A_795 = arith.constant 0 : i32
        %scatter3A_796 = arith.constant 0 : i32
        %scatter3A_797 = tpu.memref_slice %arg8[%scatter3A_793, %scatter3A_794, %scatter3A_795, %scatter3A_796] : memref<4x8x8x129xf32, #tpu.memory_space<vmem>> -> memref<1x8x8x129xf32, #tpu.memory_space<vmem>>
        %scatter3A_798 = tpu.memref_squeeze %scatter3A_797 : memref<1x8x8x129xf32, #tpu.memory_space<vmem>> -> memref<8x8x129xf32, #tpu.memory_space<vmem>>
        tpu.vector_store_idx %scatter3A_798[%shift_right_arithmetic3A_20, %and3A_31, %add3A_774], %add3A_792 : memref<8x8x129xf32, #tpu.memory_space<vmem>>[vector<16xi32>, vector<16xi32>, vector<16xi32>], vector<16xf32>,
        %get3A_799 = arith.constant 0 : i32
        %get3A_800 = arith.index_cast %get3A_799 : i32 to index
        %get3A_801 = arith.index_cast %add3A_770 : i32 to index
        %get3A_802 = arith.constant 32 : index
        %get3A_803 = tpu.vector_load %arg7[%get3A_800, %get3A_801, %get3A_802] {strides = array<i32>} : memref<4x128x64xf32, #tpu.memory_space<vmem>>, vector<16xf32>,
        %add3A_804 = arith.addf %get3A_803, %get3A_190 : vector<16xf32>
        %scatter3A_805 = arith.constant 0 : i32
        %scatter3A_806 = arith.constant 0 : i32
        %scatter3A_807 = arith.constant 0 : i32
        %scatter3A_808 = arith.constant 0 : i32
        %scatter3A_809 = tpu.memref_slice %arg8[%scatter3A_805, %scatter3A_806, %scatter3A_807, %scatter3A_808] : memref<4x8x8x129xf32, #tpu.memory_space<vmem>> -> memref<1x8x8x129xf32, #tpu.memory_space<vmem>>
        %scatter3A_810 = tpu.memref_squeeze %scatter3A_809 : memref<1x8x8x129xf32, #tpu.memory_space<vmem>> -> memref<8x8x129xf32, #tpu.memory_space<vmem>>
        tpu.vector_store_idx %scatter3A_810[%shift_right_arithmetic3A_23, %and3A_34, %add3A_774], %add3A_804 : memref<8x8x129xf32, #tpu.memory_space<vmem>>[vector<16xi32>, vector<16xi32>, vector<16xi32>], vector<16xf32>,
        %get3A_811 = arith.constant 0 : i32
        %get3A_812 = arith.index_cast %get3A_811 : i32 to index
        %get3A_813 = arith.index_cast %add3A_770 : i32 to index
        %get3A_814 = arith.constant 48 : index
        %get3A_815 = tpu.vector_load %arg7[%get3A_812, %get3A_813, %get3A_814] {strides = array<i32>} : memref<4x128x64xf32, #tpu.memory_space<vmem>>, vector<16xf32>,
        %add3A_816 = arith.addf %get3A_815, %get3A_193 : vector<16xf32>
        %scatter3A_817 = arith.constant 0 : i32
        %scatter3A_818 = arith.constant 0 : i32
        %scatter3A_819 = arith.constant 0 : i32
        %scatter3A_820 = arith.constant 0 : i32
        %scatter3A_821 = tpu.memref_slice %arg8[%scatter3A_817, %scatter3A_818, %scatter3A_819, %scatter3A_820] : memref<4x8x8x129xf32, #tpu.memory_space<vmem>> -> memref<1x8x8x129xf32, #tpu.memory_space<vmem>>
        %scatter3A_822 = tpu.memref_squeeze %scatter3A_821 : memref<1x8x8x129xf32, #tpu.memory_space<vmem>> -> memref<8x8x129xf32, #tpu.memory_space<vmem>>
        tpu.vector_store_idx %scatter3A_822[%shift_right_arithmetic3A_26, %and3A_37, %add3A_774], %add3A_816 : memref<8x8x129xf32, #tpu.memory_space<vmem>>[vector<16xi32>, vector<16xi32>, vector<16xi32>], vector<16xf32>,
        %mul3A_823 = arith.constant 16 : i32
        %mul3A_824 = arith.muli %scan3A_432, %mul3A_823 : i32
        %add3A_825 = arith.constant 7 : i32
        %add3A_826 = arith.addi %mul3A_824, %add3A_825 : i32
        %broadcast_in_dim3A_827 = arith.constant 0 : i32
        %broadcast_in_dim3A_828 = vector.broadcast %broadcast_in_dim3A_827 : i32 to vector<16xi32>
        %add3A_829 = vector.broadcast %add3A_826 : i32 to vector<16xi32>
        %add3A_830 = arith.addi %broadcast_in_dim3A_828, %add3A_829 : vector<16xi32>
        %get3A_831 = arith.constant 0 : i32
        %get3A_832 = arith.index_cast %get3A_831 : i32 to index
        %get3A_833 = arith.index_cast %add3A_826 : i32 to index
        %get3A_834 = arith.constant 0 : index
        %get3A_835 = tpu.vector_load %arg7[%get3A_832, %get3A_833, %get3A_834] {strides = array<i32>} : memref<4x128x64xf32, #tpu.memory_space<vmem>>, vector<16xf32>,
        %add3A_836 = arith.addf %get3A_835, %get3A_184 : vector<16xf32>
        %scatter3A_837 = arith.constant 0 : i32
        %scatter3A_838 = arith.constant 0 : i32
        %scatter3A_839 = arith.constant 0 : i32
        %scatter3A_840 = arith.constant 0 : i32
        %scatter3A_841 = tpu.memref_slice %arg8[%scatter3A_837, %scatter3A_838, %scatter3A_839, %scatter3A_840] : memref<4x8x8x129xf32, #tpu.memory_space<vmem>> -> memref<1x8x8x129xf32, #tpu.memory_space<vmem>>
        %scatter3A_842 = tpu.memref_squeeze %scatter3A_841 : memref<1x8x8x129xf32, #tpu.memory_space<vmem>> -> memref<8x8x129xf32, #tpu.memory_space<vmem>>
        tpu.vector_store_idx %scatter3A_842[%shift_right_arithmetic3A_17, %and3A_28, %add3A_830], %add3A_836 : memref<8x8x129xf32, #tpu.memory_space<vmem>>[vector<16xi32>, vector<16xi32>, vector<16xi32>], vector<16xf32>,
        %get3A_843 = arith.constant 0 : i32
        %get3A_844 = arith.index_cast %get3A_843 : i32 to index
        %get3A_845 = arith.index_cast %add3A_826 : i32 to index
        %get3A_846 = arith.constant 16 : index
        %get3A_847 = tpu.vector_load %arg7[%get3A_844, %get3A_845, %get3A_846] {strides = array<i32>} : memref<4x128x64xf32, #tpu.memory_space<vmem>>, vector<16xf32>,
        %add3A_848 = arith.addf %get3A_847, %get3A_187 : vector<16xf32>
        %scatter3A_849 = arith.constant 0 : i32
        %scatter3A_850 = arith.constant 0 : i32
        %scatter3A_851 = arith.constant 0 : i32
        %scatter3A_852 = arith.constant 0 : i32
        %scatter3A_853 = tpu.memref_slice %arg8[%scatter3A_849, %scatter3A_850, %scatter3A_851, %scatter3A_852] : memref<4x8x8x129xf32, #tpu.memory_space<vmem>> -> memref<1x8x8x129xf32, #tpu.memory_space<vmem>>
        %scatter3A_854 = tpu.memref_squeeze %scatter3A_853 : memref<1x8x8x129xf32, #tpu.memory_space<vmem>> -> memref<8x8x129xf32, #tpu.memory_space<vmem>>
        tpu.vector_store_idx %scatter3A_854[%shift_right_arithmetic3A_20, %and3A_31, %add3A_830], %add3A_848 : memref<8x8x129xf32, #tpu.memory_space<vmem>>[vector<16xi32>, vector<16xi32>, vector<16xi32>], vector<16xf32>,
        %get3A_855 = arith.constant 0 : i32
        %get3A_856 = arith.index_cast %get3A_855 : i32 to index
        %get3A_857 = arith.index_cast %add3A_826 : i32 to index
        %get3A_858 = arith.constant 32 : index
        %get3A_859 = tpu.vector_load %arg7[%get3A_856, %get3A_857, %get3A_858] {strides = array<i32>} : memref<4x128x64xf32, #tpu.memory_space<vmem>>, vector<16xf32>,
        %add3A_860 = arith.addf %get3A_859, %get3A_190 : vector<16xf32>
        %scatter3A_861 = arith.constant 0 : i32
        %scatter3A_862 = arith.constant 0 : i32
        %scatter3A_863 = arith.constant 0 : i32
        %scatter3A_864 = arith.constant 0 : i32
        %scatter3A_865 = tpu.memref_slice %arg8[%scatter3A_861, %scatter3A_862, %scatter3A_863, %scatter3A_864] : memref<4x8x8x129xf32, #tpu.memory_space<vmem>> -> memref<1x8x8x129xf32, #tpu.memory_space<vmem>>
        %scatter3A_866 = tpu.memref_squeeze %scatter3A_865 : memref<1x8x8x129xf32, #tpu.memory_space<vmem>> -> memref<8x8x129xf32, #tpu.memory_space<vmem>>
        tpu.vector_store_idx %scatter3A_866[%shift_right_arithmetic3A_23, %and3A_34, %add3A_830], %add3A_860 : memref<8x8x129xf32, #tpu.memory_space<vmem>>[vector<16xi32>, vector<16xi32>, vector<16xi32>], vector<16xf32>,
        %get3A_867 = arith.constant 0 : i32
        %get3A_868 = arith.index_cast %get3A_867 : i32 to index
        %get3A_869 = arith.index_cast %add3A_826 : i32 to index
        %get3A_870 = arith.constant 48 : index
        %get3A_871 = tpu.vector_load %arg7[%get3A_868, %get3A_869, %get3A_870] {strides = array<i32>} : memref<4x128x64xf32, #tpu.memory_space<vmem>>, vector<16xf32>,
        %add3A_872 = arith.addf %get3A_871, %get3A_193 : vector<16xf32>
        %scatter3A_873 = arith.constant 0 : i32
        %scatter3A_874 = arith.constant 0 : i32
        %scatter3A_875 = arith.constant 0 : i32
        %scatter3A_876 = arith.constant 0 : i32
        %scatter3A_877 = tpu.memref_slice %arg8[%scatter3A_873, %scatter3A_874, %scatter3A_875, %scatter3A_876] : memref<4x8x8x129xf32, #tpu.memory_space<vmem>> -> memref<1x8x8x129xf32, #tpu.memory_space<vmem>>
        %scatter3A_878 = tpu.memref_squeeze %scatter3A_877 : memref<1x8x8x129xf32, #tpu.memory_space<vmem>> -> memref<8x8x129xf32, #tpu.memory_space<vmem>>
        tpu.vector_store_idx %scatter3A_878[%shift_right_arithmetic3A_26, %and3A_37, %add3A_830], %add3A_872 : memref<8x8x129xf32, #tpu.memory_space<vmem>>[vector<16xi32>, vector<16xi32>, vector<16xi32>], vector<16xf32>,
        %mul3A_879 = arith.constant 16 : i32
        %mul3A_880 = arith.muli %scan3A_432, %mul3A_879 : i32
        %add3A_881 = arith.constant 8 : i32
        %add3A_882 = arith.addi %mul3A_880, %add3A_881 : i32
        %broadcast_in_dim3A_883 = arith.constant 0 : i32
        %broadcast_in_dim3A_884 = vector.broadcast %broadcast_in_dim3A_883 : i32 to vector<16xi32>
        %add3A_885 = vector.broadcast %add3A_882 : i32 to vector<16xi32>
        %add3A_886 = arith.addi %broadcast_in_dim3A_884, %add3A_885 : vector<16xi32>
        %get3A_887 = arith.constant 0 : i32
        %get3A_888 = arith.index_cast %get3A_887 : i32 to index
        %get3A_889 = arith.index_cast %add3A_882 : i32 to index
        %get3A_890 = arith.constant 0 : index
        %get3A_891 = tpu.vector_load %arg7[%get3A_888, %get3A_889, %get3A_890] {strides = array<i32>} : memref<4x128x64xf32, #tpu.memory_space<vmem>>, vector<16xf32>,
        %add3A_892 = arith.addf %get3A_891, %get3A_184 : vector<16xf32>
        %scatter3A_893 = arith.constant 0 : i32
        %scatter3A_894 = arith.constant 0 : i32
        %scatter3A_895 = arith.constant 0 : i32
        %scatter3A_896 = arith.constant 0 : i32
        %scatter3A_897 = tpu.memref_slice %arg8[%scatter3A_893, %scatter3A_894, %scatter3A_895, %scatter3A_896] : memref<4x8x8x129xf32, #tpu.memory_space<vmem>> -> memref<1x8x8x129xf32, #tpu.memory_space<vmem>>
        %scatter3A_898 = tpu.memref_squeeze %scatter3A_897 : memref<1x8x8x129xf32, #tpu.memory_space<vmem>> -> memref<8x8x129xf32, #tpu.memory_space<vmem>>
        tpu.vector_store_idx %scatter3A_898[%shift_right_arithmetic3A_17, %and3A_28, %add3A_886], %add3A_892 : memref<8x8x129xf32, #tpu.memory_space<vmem>>[vector<16xi32>, vector<16xi32>, vector<16xi32>], vector<16xf32>,
        %get3A_899 = arith.constant 0 : i32
        %get3A_900 = arith.index_cast %get3A_899 : i32 to index
        %get3A_901 = arith.index_cast %add3A_882 : i32 to index
        %get3A_902 = arith.constant 16 : index
        %get3A_903 = tpu.vector_load %arg7[%get3A_900, %get3A_901, %get3A_902] {strides = array<i32>} : memref<4x128x64xf32, #tpu.memory_space<vmem>>, vector<16xf32>,
        %add3A_904 = arith.addf %get3A_903, %get3A_187 : vector<16xf32>
        %scatter3A_905 = arith.constant 0 : i32
        %scatter3A_906 = arith.constant 0 : i32
        %scatter3A_907 = arith.constant 0 : i32
        %scatter3A_908 = arith.constant 0 : i32
        %scatter3A_909 = tpu.memref_slice %arg8[%scatter3A_905, %scatter3A_906, %scatter3A_907, %scatter3A_908] : memref<4x8x8x129xf32, #tpu.memory_space<vmem>> -> memref<1x8x8x129xf32, #tpu.memory_space<vmem>>
        %scatter3A_910 = tpu.memref_squeeze %scatter3A_909 : memref<1x8x8x129xf32, #tpu.memory_space<vmem>> -> memref<8x8x129xf32, #tpu.memory_space<vmem>>
        tpu.vector_store_idx %scatter3A_910[%shift_right_arithmetic3A_20, %and3A_31, %add3A_886], %add3A_904 : memref<8x8x129xf32, #tpu.memory_space<vmem>>[vector<16xi32>, vector<16xi32>, vector<16xi32>], vector<16xf32>,
        %get3A_911 = arith.constant 0 : i32
        %get3A_912 = arith.index_cast %get3A_911 : i32 to index
        %get3A_913 = arith.index_cast %add3A_882 : i32 to index
        %get3A_914 = arith.constant 32 : index
        %get3A_915 = tpu.vector_load %arg7[%get3A_912, %get3A_913, %get3A_914] {strides = array<i32>} : memref<4x128x64xf32, #tpu.memory_space<vmem>>, vector<16xf32>,
        %add3A_916 = arith.addf %get3A_915, %get3A_190 : vector<16xf32>
        %scatter3A_917 = arith.constant 0 : i32
        %scatter3A_918 = arith.constant 0 : i32
        %scatter3A_919 = arith.constant 0 : i32
        %scatter3A_920 = arith.constant 0 : i32
        %scatter3A_921 = tpu.memref_slice %arg8[%scatter3A_917, %scatter3A_918, %scatter3A_919, %scatter3A_920] : memref<4x8x8x129xf32, #tpu.memory_space<vmem>> -> memref<1x8x8x129xf32, #tpu.memory_space<vmem>>
        %scatter3A_922 = tpu.memref_squeeze %scatter3A_921 : memref<1x8x8x129xf32, #tpu.memory_space<vmem>> -> memref<8x8x129xf32, #tpu.memory_space<vmem>>
        tpu.vector_store_idx %scatter3A_922[%shift_right_arithmetic3A_23, %and3A_34, %add3A_886], %add3A_916 : memref<8x8x129xf32, #tpu.memory_space<vmem>>[vector<16xi32>, vector<16xi32>, vector<16xi32>], vector<16xf32>,
        %get3A_923 = arith.constant 0 : i32
        %get3A_924 = arith.index_cast %get3A_923 : i32 to index
        %get3A_925 = arith.index_cast %add3A_882 : i32 to index
        %get3A_926 = arith.constant 48 : index
        %get3A_927 = tpu.vector_load %arg7[%get3A_924, %get3A_925, %get3A_926] {strides = array<i32>} : memref<4x128x64xf32, #tpu.memory_space<vmem>>, vector<16xf32>,
        %add3A_928 = arith.addf %get3A_927, %get3A_193 : vector<16xf32>
        %scatter3A_929 = arith.constant 0 : i32
        %scatter3A_930 = arith.constant 0 : i32
        %scatter3A_931 = arith.constant 0 : i32
        %scatter3A_932 = arith.constant 0 : i32
        %scatter3A_933 = tpu.memref_slice %arg8[%scatter3A_929, %scatter3A_930, %scatter3A_931, %scatter3A_932] : memref<4x8x8x129xf32, #tpu.memory_space<vmem>> -> memref<1x8x8x129xf32, #tpu.memory_space<vmem>>
        %scatter3A_934 = tpu.memref_squeeze %scatter3A_933 : memref<1x8x8x129xf32, #tpu.memory_space<vmem>> -> memref<8x8x129xf32, #tpu.memory_space<vmem>>
        tpu.vector_store_idx %scatter3A_934[%shift_right_arithmetic3A_26, %and3A_37, %add3A_886], %add3A_928 : memref<8x8x129xf32, #tpu.memory_space<vmem>>[vector<16xi32>, vector<16xi32>, vector<16xi32>], vector<16xf32>,
        %mul3A_935 = arith.constant 16 : i32
        %mul3A_936 = arith.muli %scan3A_432, %mul3A_935 : i32
        %add3A_937 = arith.constant 9 : i32
        %add3A_938 = arith.addi %mul3A_936, %add3A_937 : i32
        %broadcast_in_dim3A_939 = arith.constant 0 : i32
        %broadcast_in_dim3A_940 = vector.broadcast %broadcast_in_dim3A_939 : i32 to vector<16xi32>
        %add3A_941 = vector.broadcast %add3A_938 : i32 to vector<16xi32>
        %add3A_942 = arith.addi %broadcast_in_dim3A_940, %add3A_941 : vector<16xi32>
        %get3A_943 = arith.constant 0 : i32
        %get3A_944 = arith.index_cast %get3A_943 : i32 to index
        %get3A_945 = arith.index_cast %add3A_938 : i32 to index
        %get3A_946 = arith.constant 0 : index
        %get3A_947 = tpu.vector_load %arg7[%get3A_944, %get3A_945, %get3A_946] {strides = array<i32>} : memref<4x128x64xf32, #tpu.memory_space<vmem>>, vector<16xf32>,
        %add3A_948 = arith.addf %get3A_947, %get3A_184 : vector<16xf32>
        %scatter3A_949 = arith.constant 0 : i32
        %scatter3A_950 = arith.constant 0 : i32
        %scatter3A_951 = arith.constant 0 : i32
        %scatter3A_952 = arith.constant 0 : i32
        %scatter3A_953 = tpu.memref_slice %arg8[%scatter3A_949, %scatter3A_950, %scatter3A_951, %scatter3A_952] : memref<4x8x8x129xf32, #tpu.memory_space<vmem>> -> memref<1x8x8x129xf32, #tpu.memory_space<vmem>>
        %scatter3A_954 = tpu.memref_squeeze %scatter3A_953 : memref<1x8x8x129xf32, #tpu.memory_space<vmem>> -> memref<8x8x129xf32, #tpu.memory_space<vmem>>
        tpu.vector_store_idx %scatter3A_954[%shift_right_arithmetic3A_17, %and3A_28, %add3A_942], %add3A_948 : memref<8x8x129xf32, #tpu.memory_space<vmem>>[vector<16xi32>, vector<16xi32>, vector<16xi32>], vector<16xf32>,
        %get3A_955 = arith.constant 0 : i32
        %get3A_956 = arith.index_cast %get3A_955 : i32 to index
        %get3A_957 = arith.index_cast %add3A_938 : i32 to index
        %get3A_958 = arith.constant 16 : index
        %get3A_959 = tpu.vector_load %arg7[%get3A_956, %get3A_957, %get3A_958] {strides = array<i32>} : memref<4x128x64xf32, #tpu.memory_space<vmem>>, vector<16xf32>,
        %add3A_960 = arith.addf %get3A_959, %get3A_187 : vector<16xf32>
        %scatter3A_961 = arith.constant 0 : i32
        %scatter3A_962 = arith.constant 0 : i32
        %scatter3A_963 = arith.constant 0 : i32
        %scatter3A_964 = arith.constant 0 : i32
        %scatter3A_965 = tpu.memref_slice %arg8[%scatter3A_961, %scatter3A_962, %scatter3A_963, %scatter3A_964] : memref<4x8x8x129xf32, #tpu.memory_space<vmem>> -> memref<1x8x8x129xf32, #tpu.memory_space<vmem>>
        %scatter3A_966 = tpu.memref_squeeze %scatter3A_965 : memref<1x8x8x129xf32, #tpu.memory_space<vmem>> -> memref<8x8x129xf32, #tpu.memory_space<vmem>>
        tpu.vector_store_idx %scatter3A_966[%shift_right_arithmetic3A_20, %and3A_31, %add3A_942], %add3A_960 : memref<8x8x129xf32, #tpu.memory_space<vmem>>[vector<16xi32>, vector<16xi32>, vector<16xi32>], vector<16xf32>,
        %get3A_967 = arith.constant 0 : i32
        %get3A_968 = arith.index_cast %get3A_967 : i32 to index
        %get3A_969 = arith.index_cast %add3A_938 : i32 to index
        %get3A_970 = arith.constant 32 : index
        %get3A_971 = tpu.vector_load %arg7[%get3A_968, %get3A_969, %get3A_970] {strides = array<i32>} : memref<4x128x64xf32, #tpu.memory_space<vmem>>, vector<16xf32>,
        %add3A_972 = arith.addf %get3A_971, %get3A_190 : vector<16xf32>
        %scatter3A_973 = arith.constant 0 : i32
        %scatter3A_974 = arith.constant 0 : i32
        %scatter3A_975 = arith.constant 0 : i32
        %scatter3A_976 = arith.constant 0 : i32
        %scatter3A_977 = tpu.memref_slice %arg8[%scatter3A_973, %scatter3A_974, %scatter3A_975, %scatter3A_976] : memref<4x8x8x129xf32, #tpu.memory_space<vmem>> -> memref<1x8x8x129xf32, #tpu.memory_space<vmem>>
        %scatter3A_978 = tpu.memref_squeeze %scatter3A_977 : memref<1x8x8x129xf32, #tpu.memory_space<vmem>> -> memref<8x8x129xf32, #tpu.memory_space<vmem>>
        tpu.vector_store_idx %scatter3A_978[%shift_right_arithmetic3A_23, %and3A_34, %add3A_942], %add3A_972 : memref<8x8x129xf32, #tpu.memory_space<vmem>>[vector<16xi32>, vector<16xi32>, vector<16xi32>], vector<16xf32>,
        %get3A_979 = arith.constant 0 : i32
        %get3A_980 = arith.index_cast %get3A_979 : i32 to index
        %get3A_981 = arith.index_cast %add3A_938 : i32 to index
        %get3A_982 = arith.constant 48 : index
        %get3A_983 = tpu.vector_load %arg7[%get3A_980, %get3A_981, %get3A_982] {strides = array<i32>} : memref<4x128x64xf32, #tpu.memory_space<vmem>>, vector<16xf32>,
        %add3A_984 = arith.addf %get3A_983, %get3A_193 : vector<16xf32>
        %scatter3A_985 = arith.constant 0 : i32
        %scatter3A_986 = arith.constant 0 : i32
        %scatter3A_987 = arith.constant 0 : i32
        %scatter3A_988 = arith.constant 0 : i32
        %scatter3A_989 = tpu.memref_slice %arg8[%scatter3A_985, %scatter3A_986, %scatter3A_987, %scatter3A_988] : memref<4x8x8x129xf32, #tpu.memory_space<vmem>> -> memref<1x8x8x129xf32, #tpu.memory_space<vmem>>
        %scatter3A_990 = tpu.memref_squeeze %scatter3A_989 : memref<1x8x8x129xf32, #tpu.memory_space<vmem>> -> memref<8x8x129xf32, #tpu.memory_space<vmem>>
        tpu.vector_store_idx %scatter3A_990[%shift_right_arithmetic3A_26, %and3A_37, %add3A_942], %add3A_984 : memref<8x8x129xf32, #tpu.memory_space<vmem>>[vector<16xi32>, vector<16xi32>, vector<16xi32>], vector<16xf32>,
        %mul3A_991 = arith.constant 16 : i32
        %mul3A_992 = arith.muli %scan3A_432, %mul3A_991 : i32
        %add3A_993 = arith.constant 10 : i32
        %add3A_994 = arith.addi %mul3A_992, %add3A_993 : i32
        %broadcast_in_dim3A_995 = arith.constant 0 : i32
        %broadcast_in_dim3A_996 = vector.broadcast %broadcast_in_dim3A_995 : i32 to vector<16xi32>
        %add3A_997 = vector.broadcast %add3A_994 : i32 to vector<16xi32>
        %add3A_998 = arith.addi %broadcast_in_dim3A_996, %add3A_997 : vector<16xi32>
        %get3A_999 = arith.constant 0 : i32
        %get3A_1000 = arith.index_cast %get3A_999 : i32 to index
        %get3A_1001 = arith.index_cast %add3A_994 : i32 to index
        %get3A_1002 = arith.constant 0 : index
        %get3A_1003 = tpu.vector_load %arg7[%get3A_1000, %get3A_1001, %get3A_1002] {strides = array<i32>} : memref<4x128x64xf32, #tpu.memory_space<vmem>>, vector<16xf32>,
        %add3A_1004 = arith.addf %get3A_1003, %get3A_184 : vector<16xf32>
        %scatter3A_1005 = arith.constant 0 : i32
        %scatter3A_1006 = arith.constant 0 : i32
        %scatter3A_1007 = arith.constant 0 : i32
        %scatter3A_1008 = arith.constant 0 : i32
        %scatter3A_1009 = tpu.memref_slice %arg8[%scatter3A_1005, %scatter3A_1006, %scatter3A_1007, %scatter3A_1008] : memref<4x8x8x129xf32, #tpu.memory_space<vmem>> -> memref<1x8x8x129xf32, #tpu.memory_space<vmem>>
        %scatter3A_1010 = tpu.memref_squeeze %scatter3A_1009 : memref<1x8x8x129xf32, #tpu.memory_space<vmem>> -> memref<8x8x129xf32, #tpu.memory_space<vmem>>
        tpu.vector_store_idx %scatter3A_1010[%shift_right_arithmetic3A_17, %and3A_28, %add3A_998], %add3A_1004 : memref<8x8x129xf32, #tpu.memory_space<vmem>>[vector<16xi32>, vector<16xi32>, vector<16xi32>], vector<16xf32>,
        %get3A_1011 = arith.constant 0 : i32
        %get3A_1012 = arith.index_cast %get3A_1011 : i32 to index
        %get3A_1013 = arith.index_cast %add3A_994 : i32 to index
        %get3A_1014 = arith.constant 16 : index
        %get3A_1015 = tpu.vector_load %arg7[%get3A_1012, %get3A_1013, %get3A_1014] {strides = array<i32>} : memref<4x128x64xf32, #tpu.memory_space<vmem>>, vector<16xf32>,
        %add3A_1016 = arith.addf %get3A_1015, %get3A_187 : vector<16xf32>
        %scatter3A_1017 = arith.constant 0 : i32
        %scatter3A_1018 = arith.constant 0 : i32
        %scatter3A_1019 = arith.constant 0 : i32
        %scatter3A_1020 = arith.constant 0 : i32
        %scatter3A_1021 = tpu.memref_slice %arg8[%scatter3A_1017, %scatter3A_1018, %scatter3A_1019, %scatter3A_1020] : memref<4x8x8x129xf32, #tpu.memory_space<vmem>> -> memref<1x8x8x129xf32, #tpu.memory_space<vmem>>
        %scatter3A_1022 = tpu.memref_squeeze %scatter3A_1021 : memref<1x8x8x129xf32, #tpu.memory_space<vmem>> -> memref<8x8x129xf32, #tpu.memory_space<vmem>>
        tpu.vector_store_idx %scatter3A_1022[%shift_right_arithmetic3A_20, %and3A_31, %add3A_998], %add3A_1016 : memref<8x8x129xf32, #tpu.memory_space<vmem>>[vector<16xi32>, vector<16xi32>, vector<16xi32>], vector<16xf32>,
        %get3A_1023 = arith.constant 0 : i32
        %get3A_1024 = arith.index_cast %get3A_1023 : i32 to index
        %get3A_1025 = arith.index_cast %add3A_994 : i32 to index
        %get3A_1026 = arith.constant 32 : index
        %get3A_1027 = tpu.vector_load %arg7[%get3A_1024, %get3A_1025, %get3A_1026] {strides = array<i32>} : memref<4x128x64xf32, #tpu.memory_space<vmem>>, vector<16xf32>,
        %add3A_1028 = arith.addf %get3A_1027, %get3A_190 : vector<16xf32>
        %scatter3A_1029 = arith.constant 0 : i32
        %scatter3A_1030 = arith.constant 0 : i32
        %scatter3A_1031 = arith.constant 0 : i32
        %scatter3A_1032 = arith.constant 0 : i32
        %scatter3A_1033 = tpu.memref_slice %arg8[%scatter3A_1029, %scatter3A_1030, %scatter3A_1031, %scatter3A_1032] : memref<4x8x8x129xf32, #tpu.memory_space<vmem>> -> memref<1x8x8x129xf32, #tpu.memory_space<vmem>>
        %scatter3A_1034 = tpu.memref_squeeze %scatter3A_1033 : memref<1x8x8x129xf32, #tpu.memory_space<vmem>> -> memref<8x8x129xf32, #tpu.memory_space<vmem>>
        tpu.vector_store_idx %scatter3A_1034[%shift_right_arithmetic3A_23, %and3A_34, %add3A_998], %add3A_1028 : memref<8x8x129xf32, #tpu.memory_space<vmem>>[vector<16xi32>, vector<16xi32>, vector<16xi32>], vector<16xf32>,
        %get3A_1035 = arith.constant 0 : i32
        %get3A_1036 = arith.index_cast %get3A_1035 : i32 to index
        %get3A_1037 = arith.index_cast %add3A_994 : i32 to index
        %get3A_1038 = arith.constant 48 : index
        %get3A_1039 = tpu.vector_load %arg7[%get3A_1036, %get3A_1037, %get3A_1038] {strides = array<i32>} : memref<4x128x64xf32, #tpu.memory_space<vmem>>, vector<16xf32>,
        %add3A_1040 = arith.addf %get3A_1039, %get3A_193 : vector<16xf32>
        %scatter3A_1041 = arith.constant 0 : i32
        %scatter3A_1042 = arith.constant 0 : i32
        %scatter3A_1043 = arith.constant 0 : i32
        %scatter3A_1044 = arith.constant 0 : i32
        %scatter3A_1045 = tpu.memref_slice %arg8[%scatter3A_1041, %scatter3A_1042, %scatter3A_1043, %scatter3A_1044] : memref<4x8x8x129xf32, #tpu.memory_space<vmem>> -> memref<1x8x8x129xf32, #tpu.memory_space<vmem>>
        %scatter3A_1046 = tpu.memref_squeeze %scatter3A_1045 : memref<1x8x8x129xf32, #tpu.memory_space<vmem>> -> memref<8x8x129xf32, #tpu.memory_space<vmem>>
        tpu.vector_store_idx %scatter3A_1046[%shift_right_arithmetic3A_26, %and3A_37, %add3A_998], %add3A_1040 : memref<8x8x129xf32, #tpu.memory_space<vmem>>[vector<16xi32>, vector<16xi32>, vector<16xi32>], vector<16xf32>,
        %mul3A_1047 = arith.constant 16 : i32
        %mul3A_1048 = arith.muli %scan3A_432, %mul3A_1047 : i32
        %add3A_1049 = arith.constant 11 : i32
        %add3A_1050 = arith.addi %mul3A_1048, %add3A_1049 : i32
        %broadcast_in_dim3A_1051 = arith.constant 0 : i32
        %broadcast_in_dim3A_1052 = vector.broadcast %broadcast_in_dim3A_1051 : i32 to vector<16xi32>
        %add3A_1053 = vector.broadcast %add3A_1050 : i32 to vector<16xi32>
        %add3A_1054 = arith.addi %broadcast_in_dim3A_1052, %add3A_1053 : vector<16xi32>
        %get3A_1055 = arith.constant 0 : i32
        %get3A_1056 = arith.index_cast %get3A_1055 : i32 to index
        %get3A_1057 = arith.index_cast %add3A_1050 : i32 to index
        %get3A_1058 = arith.constant 0 : index
        %get3A_1059 = tpu.vector_load %arg7[%get3A_1056, %get3A_1057, %get3A_1058] {strides = array<i32>} : memref<4x128x64xf32, #tpu.memory_space<vmem>>, vector<16xf32>,
        %add3A_1060 = arith.addf %get3A_1059, %get3A_184 : vector<16xf32>
        %scatter3A_1061 = arith.constant 0 : i32
        %scatter3A_1062 = arith.constant 0 : i32
        %scatter3A_1063 = arith.constant 0 : i32
        %scatter3A_1064 = arith.constant 0 : i32
        %scatter3A_1065 = tpu.memref_slice %arg8[%scatter3A_1061, %scatter3A_1062, %scatter3A_1063, %scatter3A_1064] : memref<4x8x8x129xf32, #tpu.memory_space<vmem>> -> memref<1x8x8x129xf32, #tpu.memory_space<vmem>>
        %scatter3A_1066 = tpu.memref_squeeze %scatter3A_1065 : memref<1x8x8x129xf32, #tpu.memory_space<vmem>> -> memref<8x8x129xf32, #tpu.memory_space<vmem>>
        tpu.vector_store_idx %scatter3A_1066[%shift_right_arithmetic3A_17, %and3A_28, %add3A_1054], %add3A_1060 : memref<8x8x129xf32, #tpu.memory_space<vmem>>[vector<16xi32>, vector<16xi32>, vector<16xi32>], vector<16xf32>,
        %get3A_1067 = arith.constant 0 : i32
        %get3A_1068 = arith.index_cast %get3A_1067 : i32 to index
        %get3A_1069 = arith.index_cast %add3A_1050 : i32 to index
        %get3A_1070 = arith.constant 16 : index
        %get3A_1071 = tpu.vector_load %arg7[%get3A_1068, %get3A_1069, %get3A_1070] {strides = array<i32>} : memref<4x128x64xf32, #tpu.memory_space<vmem>>, vector<16xf32>,
        %add3A_1072 = arith.addf %get3A_1071, %get3A_187 : vector<16xf32>
        %scatter3A_1073 = arith.constant 0 : i32
        %scatter3A_1074 = arith.constant 0 : i32
        %scatter3A_1075 = arith.constant 0 : i32
        %scatter3A_1076 = arith.constant 0 : i32
        %scatter3A_1077 = tpu.memref_slice %arg8[%scatter3A_1073, %scatter3A_1074, %scatter3A_1075, %scatter3A_1076] : memref<4x8x8x129xf32, #tpu.memory_space<vmem>> -> memref<1x8x8x129xf32, #tpu.memory_space<vmem>>
        %scatter3A_1078 = tpu.memref_squeeze %scatter3A_1077 : memref<1x8x8x129xf32, #tpu.memory_space<vmem>> -> memref<8x8x129xf32, #tpu.memory_space<vmem>>
        tpu.vector_store_idx %scatter3A_1078[%shift_right_arithmetic3A_20, %and3A_31, %add3A_1054], %add3A_1072 : memref<8x8x129xf32, #tpu.memory_space<vmem>>[vector<16xi32>, vector<16xi32>, vector<16xi32>], vector<16xf32>,
        %get3A_1079 = arith.constant 0 : i32
        %get3A_1080 = arith.index_cast %get3A_1079 : i32 to index
        %get3A_1081 = arith.index_cast %add3A_1050 : i32 to index
        %get3A_1082 = arith.constant 32 : index
        %get3A_1083 = tpu.vector_load %arg7[%get3A_1080, %get3A_1081, %get3A_1082] {strides = array<i32>} : memref<4x128x64xf32, #tpu.memory_space<vmem>>, vector<16xf32>,
        %add3A_1084 = arith.addf %get3A_1083, %get3A_190 : vector<16xf32>
        %scatter3A_1085 = arith.constant 0 : i32
        %scatter3A_1086 = arith.constant 0 : i32
        %scatter3A_1087 = arith.constant 0 : i32
        %scatter3A_1088 = arith.constant 0 : i32
        %scatter3A_1089 = tpu.memref_slice %arg8[%scatter3A_1085, %scatter3A_1086, %scatter3A_1087, %scatter3A_1088] : memref<4x8x8x129xf32, #tpu.memory_space<vmem>> -> memref<1x8x8x129xf32, #tpu.memory_space<vmem>>
        %scatter3A_1090 = tpu.memref_squeeze %scatter3A_1089 : memref<1x8x8x129xf32, #tpu.memory_space<vmem>> -> memref<8x8x129xf32, #tpu.memory_space<vmem>>
        tpu.vector_store_idx %scatter3A_1090[%shift_right_arithmetic3A_23, %and3A_34, %add3A_1054], %add3A_1084 : memref<8x8x129xf32, #tpu.memory_space<vmem>>[vector<16xi32>, vector<16xi32>, vector<16xi32>], vector<16xf32>,
        %get3A_1091 = arith.constant 0 : i32
        %get3A_1092 = arith.index_cast %get3A_1091 : i32 to index
        %get3A_1093 = arith.index_cast %add3A_1050 : i32 to index
        %get3A_1094 = arith.constant 48 : index
        %get3A_1095 = tpu.vector_load %arg7[%get3A_1092, %get3A_1093, %get3A_1094] {strides = array<i32>} : memref<4x128x64xf32, #tpu.memory_space<vmem>>, vector<16xf32>,
        %add3A_1096 = arith.addf %get3A_1095, %get3A_193 : vector<16xf32>
        %scatter3A_1097 = arith.constant 0 : i32
        %scatter3A_1098 = arith.constant 0 : i32
        %scatter3A_1099 = arith.constant 0 : i32
        %scatter3A_1100 = arith.constant 0 : i32
        %scatter3A_1101 = tpu.memref_slice %arg8[%scatter3A_1097, %scatter3A_1098, %scatter3A_1099, %scatter3A_1100] : memref<4x8x8x129xf32, #tpu.memory_space<vmem>> -> memref<1x8x8x129xf32, #tpu.memory_space<vmem>>
        %scatter3A_1102 = tpu.memref_squeeze %scatter3A_1101 : memref<1x8x8x129xf32, #tpu.memory_space<vmem>> -> memref<8x8x129xf32, #tpu.memory_space<vmem>>
        tpu.vector_store_idx %scatter3A_1102[%shift_right_arithmetic3A_26, %and3A_37, %add3A_1054], %add3A_1096 : memref<8x8x129xf32, #tpu.memory_space<vmem>>[vector<16xi32>, vector<16xi32>, vector<16xi32>], vector<16xf32>,
        %mul3A_1103 = arith.constant 16 : i32
        %mul3A_1104 = arith.muli %scan3A_432, %mul3A_1103 : i32
        %add3A_1105 = arith.constant 12 : i32
        %add3A_1106 = arith.addi %mul3A_1104, %add3A_1105 : i32
        %broadcast_in_dim3A_1107 = arith.constant 0 : i32
        %broadcast_in_dim3A_1108 = vector.broadcast %broadcast_in_dim3A_1107 : i32 to vector<16xi32>
        %add3A_1109 = vector.broadcast %add3A_1106 : i32 to vector<16xi32>
        %add3A_1110 = arith.addi %broadcast_in_dim3A_1108, %add3A_1109 : vector<16xi32>
        %get3A_1111 = arith.constant 0 : i32
        %get3A_1112 = arith.index_cast %get3A_1111 : i32 to index
        %get3A_1113 = arith.index_cast %add3A_1106 : i32 to index
        %get3A_1114 = arith.constant 0 : index
        %get3A_1115 = tpu.vector_load %arg7[%get3A_1112, %get3A_1113, %get3A_1114] {strides = array<i32>} : memref<4x128x64xf32, #tpu.memory_space<vmem>>, vector<16xf32>,
        %add3A_1116 = arith.addf %get3A_1115, %get3A_184 : vector<16xf32>
        %scatter3A_1117 = arith.constant 0 : i32
        %scatter3A_1118 = arith.constant 0 : i32
        %scatter3A_1119 = arith.constant 0 : i32
        %scatter3A_1120 = arith.constant 0 : i32
        %scatter3A_1121 = tpu.memref_slice %arg8[%scatter3A_1117, %scatter3A_1118, %scatter3A_1119, %scatter3A_1120] : memref<4x8x8x129xf32, #tpu.memory_space<vmem>> -> memref<1x8x8x129xf32, #tpu.memory_space<vmem>>
        %scatter3A_1122 = tpu.memref_squeeze %scatter3A_1121 : memref<1x8x8x129xf32, #tpu.memory_space<vmem>> -> memref<8x8x129xf32, #tpu.memory_space<vmem>>
        tpu.vector_store_idx %scatter3A_1122[%shift_right_arithmetic3A_17, %and3A_28, %add3A_1110], %add3A_1116 : memref<8x8x129xf32, #tpu.memory_space<vmem>>[vector<16xi32>, vector<16xi32>, vector<16xi32>], vector<16xf32>,
        %get3A_1123 = arith.constant 0 : i32
        %get3A_1124 = arith.index_cast %get3A_1123 : i32 to index
        %get3A_1125 = arith.index_cast %add3A_1106 : i32 to index
        %get3A_1126 = arith.constant 16 : index
        %get3A_1127 = tpu.vector_load %arg7[%get3A_1124, %get3A_1125, %get3A_1126] {strides = array<i32>} : memref<4x128x64xf32, #tpu.memory_space<vmem>>, vector<16xf32>,
        %add3A_1128 = arith.addf %get3A_1127, %get3A_187 : vector<16xf32>
        %scatter3A_1129 = arith.constant 0 : i32
        %scatter3A_1130 = arith.constant 0 : i32
        %scatter3A_1131 = arith.constant 0 : i32
        %scatter3A_1132 = arith.constant 0 : i32
        %scatter3A_1133 = tpu.memref_slice %arg8[%scatter3A_1129, %scatter3A_1130, %scatter3A_1131, %scatter3A_1132] : memref<4x8x8x129xf32, #tpu.memory_space<vmem>> -> memref<1x8x8x129xf32, #tpu.memory_space<vmem>>
        %scatter3A_1134 = tpu.memref_squeeze %scatter3A_1133 : memref<1x8x8x129xf32, #tpu.memory_space<vmem>> -> memref<8x8x129xf32, #tpu.memory_space<vmem>>
        tpu.vector_store_idx %scatter3A_1134[%shift_right_arithmetic3A_20, %and3A_31, %add3A_1110], %add3A_1128 : memref<8x8x129xf32, #tpu.memory_space<vmem>>[vector<16xi32>, vector<16xi32>, vector<16xi32>], vector<16xf32>,
        %get3A_1135 = arith.constant 0 : i32
        %get3A_1136 = arith.index_cast %get3A_1135 : i32 to index
        %get3A_1137 = arith.index_cast %add3A_1106 : i32 to index
        %get3A_1138 = arith.constant 32 : index
        %get3A_1139 = tpu.vector_load %arg7[%get3A_1136, %get3A_1137, %get3A_1138] {strides = array<i32>} : memref<4x128x64xf32, #tpu.memory_space<vmem>>, vector<16xf32>,
        %add3A_1140 = arith.addf %get3A_1139, %get3A_190 : vector<16xf32>
        %scatter3A_1141 = arith.constant 0 : i32
        %scatter3A_1142 = arith.constant 0 : i32
        %scatter3A_1143 = arith.constant 0 : i32
        %scatter3A_1144 = arith.constant 0 : i32
        %scatter3A_1145 = tpu.memref_slice %arg8[%scatter3A_1141, %scatter3A_1142, %scatter3A_1143, %scatter3A_1144] : memref<4x8x8x129xf32, #tpu.memory_space<vmem>> -> memref<1x8x8x129xf32, #tpu.memory_space<vmem>>
        %scatter3A_1146 = tpu.memref_squeeze %scatter3A_1145 : memref<1x8x8x129xf32, #tpu.memory_space<vmem>> -> memref<8x8x129xf32, #tpu.memory_space<vmem>>
        tpu.vector_store_idx %scatter3A_1146[%shift_right_arithmetic3A_23, %and3A_34, %add3A_1110], %add3A_1140 : memref<8x8x129xf32, #tpu.memory_space<vmem>>[vector<16xi32>, vector<16xi32>, vector<16xi32>], vector<16xf32>,
        %get3A_1147 = arith.constant 0 : i32
        %get3A_1148 = arith.index_cast %get3A_1147 : i32 to index
        %get3A_1149 = arith.index_cast %add3A_1106 : i32 to index
        %get3A_1150 = arith.constant 48 : index
        %get3A_1151 = tpu.vector_load %arg7[%get3A_1148, %get3A_1149, %get3A_1150] {strides = array<i32>} : memref<4x128x64xf32, #tpu.memory_space<vmem>>, vector<16xf32>,
        %add3A_1152 = arith.addf %get3A_1151, %get3A_193 : vector<16xf32>
        %scatter3A_1153 = arith.constant 0 : i32
        %scatter3A_1154 = arith.constant 0 : i32
        %scatter3A_1155 = arith.constant 0 : i32
        %scatter3A_1156 = arith.constant 0 : i32
        %scatter3A_1157 = tpu.memref_slice %arg8[%scatter3A_1153, %scatter3A_1154, %scatter3A_1155, %scatter3A_1156] : memref<4x8x8x129xf32, #tpu.memory_space<vmem>> -> memref<1x8x8x129xf32, #tpu.memory_space<vmem>>
        %scatter3A_1158 = tpu.memref_squeeze %scatter3A_1157 : memref<1x8x8x129xf32, #tpu.memory_space<vmem>> -> memref<8x8x129xf32, #tpu.memory_space<vmem>>
        tpu.vector_store_idx %scatter3A_1158[%shift_right_arithmetic3A_26, %and3A_37, %add3A_1110], %add3A_1152 : memref<8x8x129xf32, #tpu.memory_space<vmem>>[vector<16xi32>, vector<16xi32>, vector<16xi32>], vector<16xf32>,
        %mul3A_1159 = arith.constant 16 : i32
        %mul3A_1160 = arith.muli %scan3A_432, %mul3A_1159 : i32
        %add3A_1161 = arith.constant 13 : i32
        %add3A_1162 = arith.addi %mul3A_1160, %add3A_1161 : i32
        %broadcast_in_dim3A_1163 = arith.constant 0 : i32
        %broadcast_in_dim3A_1164 = vector.broadcast %broadcast_in_dim3A_1163 : i32 to vector<16xi32>
        %add3A_1165 = vector.broadcast %add3A_1162 : i32 to vector<16xi32>
        %add3A_1166 = arith.addi %broadcast_in_dim3A_1164, %add3A_1165 : vector<16xi32>
        %get3A_1167 = arith.constant 0 : i32
        %get3A_1168 = arith.index_cast %get3A_1167 : i32 to index
        %get3A_1169 = arith.index_cast %add3A_1162 : i32 to index
        %get3A_1170 = arith.constant 0 : index
        %get3A_1171 = tpu.vector_load %arg7[%get3A_1168, %get3A_1169, %get3A_1170] {strides = array<i32>} : memref<4x128x64xf32, #tpu.memory_space<vmem>>, vector<16xf32>,
        %add3A_1172 = arith.addf %get3A_1171, %get3A_184 : vector<16xf32>
        %scatter3A_1173 = arith.constant 0 : i32
        %scatter3A_1174 = arith.constant 0 : i32
        %scatter3A_1175 = arith.constant 0 : i32
        %scatter3A_1176 = arith.constant 0 : i32
        %scatter3A_1177 = tpu.memref_slice %arg8[%scatter3A_1173, %scatter3A_1174, %scatter3A_1175, %scatter3A_1176] : memref<4x8x8x129xf32, #tpu.memory_space<vmem>> -> memref<1x8x8x129xf32, #tpu.memory_space<vmem>>
        %scatter3A_1178 = tpu.memref_squeeze %scatter3A_1177 : memref<1x8x8x129xf32, #tpu.memory_space<vmem>> -> memref<8x8x129xf32, #tpu.memory_space<vmem>>
        tpu.vector_store_idx %scatter3A_1178[%shift_right_arithmetic3A_17, %and3A_28, %add3A_1166], %add3A_1172 : memref<8x8x129xf32, #tpu.memory_space<vmem>>[vector<16xi32>, vector<16xi32>, vector<16xi32>], vector<16xf32>,
        %get3A_1179 = arith.constant 0 : i32
        %get3A_1180 = arith.index_cast %get3A_1179 : i32 to index
        %get3A_1181 = arith.index_cast %add3A_1162 : i32 to index
        %get3A_1182 = arith.constant 16 : index
        %get3A_1183 = tpu.vector_load %arg7[%get3A_1180, %get3A_1181, %get3A_1182] {strides = array<i32>} : memref<4x128x64xf32, #tpu.memory_space<vmem>>, vector<16xf32>,
        %add3A_1184 = arith.addf %get3A_1183, %get3A_187 : vector<16xf32>
        %scatter3A_1185 = arith.constant 0 : i32
        %scatter3A_1186 = arith.constant 0 : i32
        %scatter3A_1187 = arith.constant 0 : i32
        %scatter3A_1188 = arith.constant 0 : i32
        %scatter3A_1189 = tpu.memref_slice %arg8[%scatter3A_1185, %scatter3A_1186, %scatter3A_1187, %scatter3A_1188] : memref<4x8x8x129xf32, #tpu.memory_space<vmem>> -> memref<1x8x8x129xf32, #tpu.memory_space<vmem>>
        %scatter3A_1190 = tpu.memref_squeeze %scatter3A_1189 : memref<1x8x8x129xf32, #tpu.memory_space<vmem>> -> memref<8x8x129xf32, #tpu.memory_space<vmem>>
        tpu.vector_store_idx %scatter3A_1190[%shift_right_arithmetic3A_20, %and3A_31, %add3A_1166], %add3A_1184 : memref<8x8x129xf32, #tpu.memory_space<vmem>>[vector<16xi32>, vector<16xi32>, vector<16xi32>], vector<16xf32>,
        %get3A_1191 = arith.constant 0 : i32
        %get3A_1192 = arith.index_cast %get3A_1191 : i32 to index
        %get3A_1193 = arith.index_cast %add3A_1162 : i32 to index
        %get3A_1194 = arith.constant 32 : index
        %get3A_1195 = tpu.vector_load %arg7[%get3A_1192, %get3A_1193, %get3A_1194] {strides = array<i32>} : memref<4x128x64xf32, #tpu.memory_space<vmem>>, vector<16xf32>,
        %add3A_1196 = arith.addf %get3A_1195, %get3A_190 : vector<16xf32>
        %scatter3A_1197 = arith.constant 0 : i32
        %scatter3A_1198 = arith.constant 0 : i32
        %scatter3A_1199 = arith.constant 0 : i32
        %scatter3A_1200 = arith.constant 0 : i32
        %scatter3A_1201 = tpu.memref_slice %arg8[%scatter3A_1197, %scatter3A_1198, %scatter3A_1199, %scatter3A_1200] : memref<4x8x8x129xf32, #tpu.memory_space<vmem>> -> memref<1x8x8x129xf32, #tpu.memory_space<vmem>>
        %scatter3A_1202 = tpu.memref_squeeze %scatter3A_1201 : memref<1x8x8x129xf32, #tpu.memory_space<vmem>> -> memref<8x8x129xf32, #tpu.memory_space<vmem>>
        tpu.vector_store_idx %scatter3A_1202[%shift_right_arithmetic3A_23, %and3A_34, %add3A_1166], %add3A_1196 : memref<8x8x129xf32, #tpu.memory_space<vmem>>[vector<16xi32>, vector<16xi32>, vector<16xi32>], vector<16xf32>,
        %get3A_1203 = arith.constant 0 : i32
        %get3A_1204 = arith.index_cast %get3A_1203 : i32 to index
        %get3A_1205 = arith.index_cast %add3A_1162 : i32 to index
        %get3A_1206 = arith.constant 48 : index
        %get3A_1207 = tpu.vector_load %arg7[%get3A_1204, %get3A_1205, %get3A_1206] {strides = array<i32>} : memref<4x128x64xf32, #tpu.memory_space<vmem>>, vector<16xf32>,
        %add3A_1208 = arith.addf %get3A_1207, %get3A_193 : vector<16xf32>
        %scatter3A_1209 = arith.constant 0 : i32
        %scatter3A_1210 = arith.constant 0 : i32
        %scatter3A_1211 = arith.constant 0 : i32
        %scatter3A_1212 = arith.constant 0 : i32
        %scatter3A_1213 = tpu.memref_slice %arg8[%scatter3A_1209, %scatter3A_1210, %scatter3A_1211, %scatter3A_1212] : memref<4x8x8x129xf32, #tpu.memory_space<vmem>> -> memref<1x8x8x129xf32, #tpu.memory_space<vmem>>
        %scatter3A_1214 = tpu.memref_squeeze %scatter3A_1213 : memref<1x8x8x129xf32, #tpu.memory_space<vmem>> -> memref<8x8x129xf32, #tpu.memory_space<vmem>>
        tpu.vector_store_idx %scatter3A_1214[%shift_right_arithmetic3A_26, %and3A_37, %add3A_1166], %add3A_1208 : memref<8x8x129xf32, #tpu.memory_space<vmem>>[vector<16xi32>, vector<16xi32>, vector<16xi32>], vector<16xf32>,
        %mul3A_1215 = arith.constant 16 : i32
        %mul3A_1216 = arith.muli %scan3A_432, %mul3A_1215 : i32
        %add3A_1217 = arith.constant 14 : i32
        %add3A_1218 = arith.addi %mul3A_1216, %add3A_1217 : i32
        %broadcast_in_dim3A_1219 = arith.constant 0 : i32
        %broadcast_in_dim3A_1220 = vector.broadcast %broadcast_in_dim3A_1219 : i32 to vector<16xi32>
        %add3A_1221 = vector.broadcast %add3A_1218 : i32 to vector<16xi32>
        %add3A_1222 = arith.addi %broadcast_in_dim3A_1220, %add3A_1221 : vector<16xi32>
        %get3A_1223 = arith.constant 0 : i32
        %get3A_1224 = arith.index_cast %get3A_1223 : i32 to index
        %get3A_1225 = arith.index_cast %add3A_1218 : i32 to index
        %get3A_1226 = arith.constant 0 : index
        %get3A_1227 = tpu.vector_load %arg7[%get3A_1224, %get3A_1225, %get3A_1226] {strides = array<i32>} : memref<4x128x64xf32, #tpu.memory_space<vmem>>, vector<16xf32>,
        %add3A_1228 = arith.addf %get3A_1227, %get3A_184 : vector<16xf32>
        %scatter3A_1229 = arith.constant 0 : i32
        %scatter3A_1230 = arith.constant 0 : i32
        %scatter3A_1231 = arith.constant 0 : i32
        %scatter3A_1232 = arith.constant 0 : i32
        %scatter3A_1233 = tpu.memref_slice %arg8[%scatter3A_1229, %scatter3A_1230, %scatter3A_1231, %scatter3A_1232] : memref<4x8x8x129xf32, #tpu.memory_space<vmem>> -> memref<1x8x8x129xf32, #tpu.memory_space<vmem>>
        %scatter3A_1234 = tpu.memref_squeeze %scatter3A_1233 : memref<1x8x8x129xf32, #tpu.memory_space<vmem>> -> memref<8x8x129xf32, #tpu.memory_space<vmem>>
        tpu.vector_store_idx %scatter3A_1234[%shift_right_arithmetic3A_17, %and3A_28, %add3A_1222], %add3A_1228 : memref<8x8x129xf32, #tpu.memory_space<vmem>>[vector<16xi32>, vector<16xi32>, vector<16xi32>], vector<16xf32>,
        %get3A_1235 = arith.constant 0 : i32
        %get3A_1236 = arith.index_cast %get3A_1235 : i32 to index
        %get3A_1237 = arith.index_cast %add3A_1218 : i32 to index
        %get3A_1238 = arith.constant 16 : index
        %get3A_1239 = tpu.vector_load %arg7[%get3A_1236, %get3A_1237, %get3A_1238] {strides = array<i32>} : memref<4x128x64xf32, #tpu.memory_space<vmem>>, vector<16xf32>,
        %add3A_1240 = arith.addf %get3A_1239, %get3A_187 : vector<16xf32>
        %scatter3A_1241 = arith.constant 0 : i32
        %scatter3A_1242 = arith.constant 0 : i32
        %scatter3A_1243 = arith.constant 0 : i32
        %scatter3A_1244 = arith.constant 0 : i32
        %scatter3A_1245 = tpu.memref_slice %arg8[%scatter3A_1241, %scatter3A_1242, %scatter3A_1243, %scatter3A_1244] : memref<4x8x8x129xf32, #tpu.memory_space<vmem>> -> memref<1x8x8x129xf32, #tpu.memory_space<vmem>>
        %scatter3A_1246 = tpu.memref_squeeze %scatter3A_1245 : memref<1x8x8x129xf32, #tpu.memory_space<vmem>> -> memref<8x8x129xf32, #tpu.memory_space<vmem>>
        tpu.vector_store_idx %scatter3A_1246[%shift_right_arithmetic3A_20, %and3A_31, %add3A_1222], %add3A_1240 : memref<8x8x129xf32, #tpu.memory_space<vmem>>[vector<16xi32>, vector<16xi32>, vector<16xi32>], vector<16xf32>,
        %get3A_1247 = arith.constant 0 : i32
        %get3A_1248 = arith.index_cast %get3A_1247 : i32 to index
        %get3A_1249 = arith.index_cast %add3A_1218 : i32 to index
        %get3A_1250 = arith.constant 32 : index
        %get3A_1251 = tpu.vector_load %arg7[%get3A_1248, %get3A_1249, %get3A_1250] {strides = array<i32>} : memref<4x128x64xf32, #tpu.memory_space<vmem>>, vector<16xf32>,
        %add3A_1252 = arith.addf %get3A_1251, %get3A_190 : vector<16xf32>
        %scatter3A_1253 = arith.constant 0 : i32
        %scatter3A_1254 = arith.constant 0 : i32
        %scatter3A_1255 = arith.constant 0 : i32
        %scatter3A_1256 = arith.constant 0 : i32
        %scatter3A_1257 = tpu.memref_slice %arg8[%scatter3A_1253, %scatter3A_1254, %scatter3A_1255, %scatter3A_1256] : memref<4x8x8x129xf32, #tpu.memory_space<vmem>> -> memref<1x8x8x129xf32, #tpu.memory_space<vmem>>
        %scatter3A_1258 = tpu.memref_squeeze %scatter3A_1257 : memref<1x8x8x129xf32, #tpu.memory_space<vmem>> -> memref<8x8x129xf32, #tpu.memory_space<vmem>>
        tpu.vector_store_idx %scatter3A_1258[%shift_right_arithmetic3A_23, %and3A_34, %add3A_1222], %add3A_1252 : memref<8x8x129xf32, #tpu.memory_space<vmem>>[vector<16xi32>, vector<16xi32>, vector<16xi32>], vector<16xf32>,
        %get3A_1259 = arith.constant 0 : i32
        %get3A_1260 = arith.index_cast %get3A_1259 : i32 to index
        %get3A_1261 = arith.index_cast %add3A_1218 : i32 to index
        %get3A_1262 = arith.constant 48 : index
        %get3A_1263 = tpu.vector_load %arg7[%get3A_1260, %get3A_1261, %get3A_1262] {strides = array<i32>} : memref<4x128x64xf32, #tpu.memory_space<vmem>>, vector<16xf32>,
        %add3A_1264 = arith.addf %get3A_1263, %get3A_193 : vector<16xf32>
        %scatter3A_1265 = arith.constant 0 : i32
        %scatter3A_1266 = arith.constant 0 : i32
        %scatter3A_1267 = arith.constant 0 : i32
        %scatter3A_1268 = arith.constant 0 : i32
        %scatter3A_1269 = tpu.memref_slice %arg8[%scatter3A_1265, %scatter3A_1266, %scatter3A_1267, %scatter3A_1268] : memref<4x8x8x129xf32, #tpu.memory_space<vmem>> -> memref<1x8x8x129xf32, #tpu.memory_space<vmem>>
        %scatter3A_1270 = tpu.memref_squeeze %scatter3A_1269 : memref<1x8x8x129xf32, #tpu.memory_space<vmem>> -> memref<8x8x129xf32, #tpu.memory_space<vmem>>
        tpu.vector_store_idx %scatter3A_1270[%shift_right_arithmetic3A_26, %and3A_37, %add3A_1222], %add3A_1264 : memref<8x8x129xf32, #tpu.memory_space<vmem>>[vector<16xi32>, vector<16xi32>, vector<16xi32>], vector<16xf32>,
        %mul3A_1271 = arith.constant 16 : i32
        %mul3A_1272 = arith.muli %scan3A_432, %mul3A_1271 : i32
        %add3A_1273 = arith.constant 15 : i32
        %add3A_1274 = arith.addi %mul3A_1272, %add3A_1273 : i32
        %broadcast_in_dim3A_1275 = arith.constant 0 : i32
        %broadcast_in_dim3A_1276 = vector.broadcast %broadcast_in_dim3A_1275 : i32 to vector<16xi32>
        %add3A_1277 = vector.broadcast %add3A_1274 : i32 to vector<16xi32>
        %add3A_1278 = arith.addi %broadcast_in_dim3A_1276, %add3A_1277 : vector<16xi32>
        %get3A_1279 = arith.constant 0 : i32
        %get3A_1280 = arith.index_cast %get3A_1279 : i32 to index
        %get3A_1281 = arith.index_cast %add3A_1274 : i32 to index
        %get3A_1282 = arith.constant 0 : index
        %get3A_1283 = tpu.vector_load %arg7[%get3A_1280, %get3A_1281, %get3A_1282] {strides = array<i32>} : memref<4x128x64xf32, #tpu.memory_space<vmem>>, vector<16xf32>,
        %add3A_1284 = arith.addf %get3A_1283, %get3A_184 : vector<16xf32>
        %scatter3A_1285 = arith.constant 0 : i32
        %scatter3A_1286 = arith.constant 0 : i32
        %scatter3A_1287 = arith.constant 0 : i32
        %scatter3A_1288 = arith.constant 0 : i32
        %scatter3A_1289 = tpu.memref_slice %arg8[%scatter3A_1285, %scatter3A_1286, %scatter3A_1287, %scatter3A_1288] : memref<4x8x8x129xf32, #tpu.memory_space<vmem>> -> memref<1x8x8x129xf32, #tpu.memory_space<vmem>>
        %scatter3A_1290 = tpu.memref_squeeze %scatter3A_1289 : memref<1x8x8x129xf32, #tpu.memory_space<vmem>> -> memref<8x8x129xf32, #tpu.memory_space<vmem>>
        tpu.vector_store_idx %scatter3A_1290[%shift_right_arithmetic3A_17, %and3A_28, %add3A_1278], %add3A_1284 : memref<8x8x129xf32, #tpu.memory_space<vmem>>[vector<16xi32>, vector<16xi32>, vector<16xi32>], vector<16xf32>,
        %get3A_1291 = arith.constant 0 : i32
        %get3A_1292 = arith.index_cast %get3A_1291 : i32 to index
        %get3A_1293 = arith.index_cast %add3A_1274 : i32 to index
        %get3A_1294 = arith.constant 16 : index
        %get3A_1295 = tpu.vector_load %arg7[%get3A_1292, %get3A_1293, %get3A_1294] {strides = array<i32>} : memref<4x128x64xf32, #tpu.memory_space<vmem>>, vector<16xf32>,
        %add3A_1296 = arith.addf %get3A_1295, %get3A_187 : vector<16xf32>
        %scatter3A_1297 = arith.constant 0 : i32
        %scatter3A_1298 = arith.constant 0 : i32
        %scatter3A_1299 = arith.constant 0 : i32
        %scatter3A_1300 = arith.constant 0 : i32
        %scatter3A_1301 = tpu.memref_slice %arg8[%scatter3A_1297, %scatter3A_1298, %scatter3A_1299, %scatter3A_1300] : memref<4x8x8x129xf32, #tpu.memory_space<vmem>> -> memref<1x8x8x129xf32, #tpu.memory_space<vmem>>
        %scatter3A_1302 = tpu.memref_squeeze %scatter3A_1301 : memref<1x8x8x129xf32, #tpu.memory_space<vmem>> -> memref<8x8x129xf32, #tpu.memory_space<vmem>>
        tpu.vector_store_idx %scatter3A_1302[%shift_right_arithmetic3A_20, %and3A_31, %add3A_1278], %add3A_1296 : memref<8x8x129xf32, #tpu.memory_space<vmem>>[vector<16xi32>, vector<16xi32>, vector<16xi32>], vector<16xf32>,
        %get3A_1303 = arith.constant 0 : i32
        %get3A_1304 = arith.index_cast %get3A_1303 : i32 to index
        %get3A_1305 = arith.index_cast %add3A_1274 : i32 to index
        %get3A_1306 = arith.constant 32 : index
        %get3A_1307 = tpu.vector_load %arg7[%get3A_1304, %get3A_1305, %get3A_1306] {strides = array<i32>} : memref<4x128x64xf32, #tpu.memory_space<vmem>>, vector<16xf32>,
        %add3A_1308 = arith.addf %get3A_1307, %get3A_190 : vector<16xf32>
        %scatter3A_1309 = arith.constant 0 : i32
        %scatter3A_1310 = arith.constant 0 : i32
        %scatter3A_1311 = arith.constant 0 : i32
        %scatter3A_1312 = arith.constant 0 : i32
        %scatter3A_1313 = tpu.memref_slice %arg8[%scatter3A_1309, %scatter3A_1310, %scatter3A_1311, %scatter3A_1312] : memref<4x8x8x129xf32, #tpu.memory_space<vmem>> -> memref<1x8x8x129xf32, #tpu.memory_space<vmem>>
        %scatter3A_1314 = tpu.memref_squeeze %scatter3A_1313 : memref<1x8x8x129xf32, #tpu.memory_space<vmem>> -> memref<8x8x129xf32, #tpu.memory_space<vmem>>
        tpu.vector_store_idx %scatter3A_1314[%shift_right_arithmetic3A_23, %and3A_34, %add3A_1278], %add3A_1308 : memref<8x8x129xf32, #tpu.memory_space<vmem>>[vector<16xi32>, vector<16xi32>, vector<16xi32>], vector<16xf32>,
        %get3A_1315 = arith.constant 0 : i32
        %get3A_1316 = arith.index_cast %get3A_1315 : i32 to index
        %get3A_1317 = arith.index_cast %add3A_1274 : i32 to index
        %get3A_1318 = arith.constant 48 : index
        %get3A_1319 = tpu.vector_load %arg7[%get3A_1316, %get3A_1317, %get3A_1318] {strides = array<i32>} : memref<4x128x64xf32, #tpu.memory_space<vmem>>, vector<16xf32>,
        %add3A_1320 = arith.addf %get3A_1319, %get3A_193 : vector<16xf32>
        %scatter3A_1321 = arith.constant 0 : i32
        %scatter3A_1322 = arith.constant 0 : i32
        %scatter3A_1323 = arith.constant 0 : i32
        %scatter3A_1324 = arith.constant 0 : i32
        %scatter3A_1325 = tpu.memref_slice %arg8[%scatter3A_1321, %scatter3A_1322, %scatter3A_1323, %scatter3A_1324] : memref<4x8x8x129xf32, #tpu.memory_space<vmem>> -> memref<1x8x8x129xf32, #tpu.memory_space<vmem>>
        %scatter3A_1326 = tpu.memref_squeeze %scatter3A_1325 : memref<1x8x8x129xf32, #tpu.memory_space<vmem>> -> memref<8x8x129xf32, #tpu.memory_space<vmem>>
        tpu.vector_store_idx %scatter3A_1326[%shift_right_arithmetic3A_26, %and3A_37, %add3A_1278], %add3A_1320 : memref<8x8x129xf32, #tpu.memory_space<vmem>>[vector<16xi32>, vector<16xi32>, vector<16xi32>], vector<16xf32>,
      }
      %scan3A_199 = arith.constant 8 : i32
      %dma_start3A_200 = arith.constant 0 : i32
      %dma_start3A_201 = arith.constant 0 : i32
      %dma_start3A_202 = arith.constant 0 : i32
      %dma_start3A_203 = arith.constant 0 : i32
      %dma_start3A_204 = tpu.memref_slice %arg8[%dma_start3A_200, %dma_start3A_201, %dma_start3A_202, %dma_start3A_203] : memref<4x8x8x129xf32, #tpu.memory_space<vmem>> -> memref<1x8x8x128xf32, #tpu.memory_space<vmem>>
      %dma_start3A_205 = tpu.memref_squeeze %dma_start3A_204 : memref<1x8x8x128xf32, #tpu.memory_space<vmem>> -> memref<8x8x128xf32, #tpu.memory_space<vmem>>
      %dma_start3A_206 = arith.constant 0 : i32
      %dma_start3A_207 = arith.constant 0 : i32
      %dma_start3A_208 = arith.constant 0 : i32
      %dma_start3A_209 = tpu.memref_slice %arg5[%add3A_169, %dma_start3A_206, %add3A, %dma_start3A_207, %dma_start3A_208] : memref<200x8x32x8x128xf32, #tpu.memory_space<hbm>> -> memref<1x8x1x8x128xf32, #tpu.memory_space<hbm>>
      %dma_start3A_210 = tpu.memref_squeeze %dma_start3A_209 : memref<1x8x1x8x128xf32, #tpu.memory_space<hbm>> -> memref<8x8x128xf32, #tpu.memory_space<hbm>>
      %dma_start3A_211 = arith.constant 0 : i32
      %dma_start3A_212 = arith.constant 0 : i32
      %dma_start3A_213 = arith.constant 0 : i32
      %dma_start3A_214 = tpu.memref_slice %arg5[%add3A_169, %dma_start3A_211, %add3A, %dma_start3A_212, %dma_start3A_213] : memref<200x8x32x8x128xf32, #tpu.memory_space<hbm>> -> memref<1x8x1x8x128xf32, #tpu.memory_space<hbm>>
      %dma_start3A_215 = tpu.memref_squeeze %dma_start3A_214 : memref<1x8x1x8x128xf32, #tpu.memory_space<hbm>> -> memref<8x8x128xf32, #tpu.memory_space<hbm>>
      %dma_start3A_216 = arith.constant 0 : i32
      %dma_start3A_217 = arith.constant 0 : i32
      %dma_start3A_218 = arith.constant 0 : i32
      %dma_start3A_219 = tpu.memref_slice %arg8[%dma_start3A_200, %dma_start3A_216, %dma_start3A_217, %dma_start3A_218] : memref<4x8x8x129xf32, #tpu.memory_space<vmem>> -> memref<1x8x8x128xf32, #tpu.memory_space<vmem>>
      %dma_start3A_220 = tpu.memref_squeeze %dma_start3A_219 : memref<1x8x8x128xf32, #tpu.memory_space<vmem>> -> memref<8x8x128xf32, #tpu.memory_space<vmem>>
      tpu.enqueue_dma source(%dma_start3A_220 : memref<8x8x128xf32, #tpu.memory_space<vmem>>) target(%dma_start3A_215 : memref<8x8x128xf32, #tpu.memory_space<hbm>>) target_semaphore(%arg14 : memref<!tpu.dma_semaphore, #tpu.memory_space<semaphore_mem>>)
      %add3A_221 = arith.constant 4 : i32
      %add3A_222 = arith.addi %add3A_169, %add3A_221 : i32
      %sub3A = arith.constant 1 : i32
      %sub3A_223 = arith.subi %add3A_222, %sub3A : i32
      %lt3A = arith.constant 200 : i32
      %lt3A_224 = arith.cmpi slt, %sub3A_223, %lt3A : i32
      %convert_element_type3A_225 = arith.extui %lt3A_224 : i1 to i32
      %cond3A_226 = arith.constant 0 : i32
      %cond3A_227 = arith.cmpi ne, %convert_element_type3A_225, %cond3A_226 : i32
      scf.if %cond3A_227 {
        %dma_start3A_432 = arith.constant 3 : i32
        %dma_start3A_433 = arith.constant 0 : i32
        %dma_start3A_434 = arith.constant 0 : i32
        %dma_start3A_435 = tpu.memref_slice %arg7[%dma_start3A_432, %dma_start3A_433, %dma_start3A_434] : memref<4x128x64xf32, #tpu.memory_space<vmem>> -> memref<1x128x64xf32, #tpu.memory_space<vmem>>
        %dma_start3A_436 = tpu.memref_squeeze %dma_start3A_435 : memref<1x128x64xf32, #tpu.memory_space<vmem>> -> memref<128x64xf32, #tpu.memory_space<vmem>>
        %dma_start3A_437 = arith.constant 0 : i32
        %dma_start3A_438 = tpu.memref_slice %arg6[%sub3A_223, %dma_start3A_437] : memref<200x128xi32, #tpu.memory_space<vmem>> -> memref<1x128xi32, #tpu.memory_space<vmem>>
        %dma_start3A_439 = tpu.memref_squeeze %dma_start3A_438 : memref<1x128xi32, #tpu.memory_space<vmem>> -> memref<128xi32, #tpu.memory_space<vmem>>
        %dma_start3A_440 = arith.constant 0 : i32
        %dma_start3A_441 = arith.constant 0 : i32
        %dma_start3A_442 = tpu.memref_slice %arg3[%dma_start3A_440, %dma_start3A_441] : memref<1000000x64xf32, #tpu.memory_space<hbm>> -> memref<1000000x64xf32, #tpu.memory_space<hbm>>
        tpu.enqueue_indirect_dma source(%dma_start3A_442 : memref<1000000x64xf32, #tpu.memory_space<hbm>>) target(%dma_start3A_436 : memref<128x64xf32, #tpu.memory_space<vmem>>) offsets(%dma_start3A_439 : memref<128xi32, #tpu.memory_space<vmem>>) semaphore(%arg13 : memref<!tpu.dma_semaphore, #tpu.memory_space<semaphore_mem>>)
      } else {
      }
      %mul3A_228 = arith.constant 4 : i32
      %mul3A_229 = arith.muli %scan3A_165, %mul3A_228 : i32
      %add3A_230 = arith.constant 1 : i32
      %add3A_231 = arith.addi %mul3A_229, %add3A_230 : i32
      %dma_wait3A_232 = arith.constant 1 : i32
      %dma_wait3A_233 = arith.constant 0 : i32
      %dma_wait3A_234 = arith.constant 0 : i32
      %dma_wait3A_235 = tpu.memref_slice %arg7[%dma_wait3A_232, %dma_wait3A_233, %dma_wait3A_234] : memref<4x128x64xf32, #tpu.memory_space<vmem>> -> memref<1x128x64xf32, #tpu.memory_space<vmem>>
      %dma_wait3A_236 = tpu.memref_squeeze %dma_wait3A_235 : memref<1x128x64xf32, #tpu.memory_space<vmem>> -> memref<128x64xf32, #tpu.memory_space<vmem>>
      %dma_wait3A_237 = arith.constant 0 : i32
      %dma_wait3A_238 = tpu.memref_slice %arg6[%add3A_231, %dma_wait3A_237] : memref<200x128xi32, #tpu.memory_space<vmem>> -> memref<1x128xi32, #tpu.memory_space<vmem>>
      %dma_wait3A_239 = tpu.memref_squeeze %dma_wait3A_238 : memref<1x128xi32, #tpu.memory_space<vmem>> -> memref<128xi32, #tpu.memory_space<vmem>>
      %dma_wait3A_240 = arith.constant 0 : i32
      %dma_wait3A_241 = arith.constant 0 : i32
      %dma_wait3A_242 = tpu.memref_slice %arg3[%dma_wait3A_240, %dma_wait3A_241] : memref<1000000x64xf32, #tpu.memory_space<hbm>> -> memref<1000000x64xf32, #tpu.memory_space<hbm>>
      tpu.wait_indirect_dma semaphore(%arg11 : memref<!tpu.dma_semaphore, #tpu.memory_space<semaphore_mem>>) src(%dma_wait3A_242 : memref<1000000x64xf32, #tpu.memory_space<hbm>>) dst(%dma_wait3A_236 : memref<128x64xf32, #tpu.memory_space<vmem>>)
      %ge3A_243 = arith.constant 4 : i32
      %ge3A_244 = arith.cmpi sge, %add3A_231, %ge3A_243 : i32
      %convert_element_type3A_245 = arith.extui %ge3A_244 : i1 to i32
      %cond3A_246 = arith.constant 0 : i32
      %cond3A_247 = arith.cmpi ne, %convert_element_type3A_245, %cond3A_246 : i32
      scf.if %cond3A_247 {
        %sub3A_432 = arith.constant 4 : i32
        %sub3A_433 = arith.subi %add3A_231, %sub3A_432 : i32
        %dma_wait3A_434 = arith.constant 1 : i32
        %dma_wait3A_435 = arith.constant 0 : i32
        %dma_wait3A_436 = arith.constant 0 : i32
        %dma_wait3A_437 = arith.constant 0 : i32
        %dma_wait3A_438 = tpu.memref_slice %arg8[%dma_wait3A_434, %dma_wait3A_435, %dma_wait3A_436, %dma_wait3A_437] : memref<4x8x8x129xf32, #tpu.memory_space<vmem>> -> memref<1x8x8x128xf32, #tpu.memory_space<vmem>>
        %dma_wait3A_439 = tpu.memref_squeeze %dma_wait3A_438 : memref<1x8x8x128xf32, #tpu.memory_space<vmem>> -> memref<8x8x128xf32, #tpu.memory_space<vmem>>
        %dma_wait3A_440 = arith.constant 0 : i32
        %dma_wait3A_441 = arith.constant 0 : i32
        %dma_wait3A_442 = arith.constant 0 : i32
        %dma_wait3A_443 = tpu.memref_slice %arg5[%sub3A_433, %dma_wait3A_440, %add3A, %dma_wait3A_441, %dma_wait3A_442] : memref<200x8x32x8x128xf32, #tpu.memory_space<hbm>> -> memref<1x8x1x8x128xf32, #tpu.memory_space<hbm>>
        %dma_wait3A_444 = tpu.memref_squeeze %dma_wait3A_443 : memref<1x8x1x8x128xf32, #tpu.memory_space<hbm>> -> memref<8x8x128xf32, #tpu.memory_space<hbm>>
        %dma_wait3A_445 = arith.constant 0 : i32
        %dma_wait3A_446 = arith.constant 0 : i32
        %dma_wait3A_447 = arith.constant 0 : i32
        %dma_wait3A_448 = tpu.memref_slice %arg5[%sub3A_433, %dma_wait3A_445, %add3A, %dma_wait3A_446, %dma_wait3A_447] : memref<200x8x32x8x128xf32, #tpu.memory_space<hbm>> -> memref<1x8x1x8x128xf32, #tpu.memory_space<hbm>>
        %dma_wait3A_449 = tpu.memref_squeeze %dma_wait3A_448 : memref<1x8x1x8x128xf32, #tpu.memory_space<hbm>> -> memref<8x8x128xf32, #tpu.memory_space<hbm>>
        %dma_wait3A_450 = arith.constant 0 : i32
        %dma_wait3A_451 = arith.constant 0 : i32
        %dma_wait3A_452 = arith.constant 0 : i32
        %dma_wait3A_453 = tpu.memref_slice %arg8[%dma_wait3A_434, %dma_wait3A_450, %dma_wait3A_451, %dma_wait3A_452] : memref<4x8x8x129xf32, #tpu.memory_space<vmem>> -> memref<1x8x8x128xf32, #tpu.memory_space<vmem>>
        %dma_wait3A_454 = tpu.memref_squeeze %dma_wait3A_453 : memref<1x8x8x128xf32, #tpu.memory_space<vmem>> -> memref<8x8x128xf32, #tpu.memory_space<vmem>>
        tpu.wait_dma2 semaphore(%arg15 : memref<!tpu.dma_semaphore, #tpu.memory_space<semaphore_mem>>) src(%dma_wait3A_454 : memref<8x8x128xf32, #tpu.memory_space<vmem>>) dst(%dma_wait3A_449 : memref<8x8x128xf32, #tpu.memory_space<hbm>>)
      } else {
      }
      %get3A_248 = arith.index_cast %add3A_231 : i32 to index
      %get3A_249 = arith.constant 0 : index
      %get3A_250 = tpu.vector_load %arg9[%get3A_248, %get3A_249] {strides = array<i32>} : memref<200x64xf32, #tpu.memory_space<vmem>>, vector<16xf32>,
      %get3A_251 = arith.index_cast %add3A_231 : i32 to index
      %get3A_252 = arith.constant 16 : index
      %get3A_253 = tpu.vector_load %arg9[%get3A_251, %get3A_252] {strides = array<i32>} : memref<200x64xf32, #tpu.memory_space<vmem>>, vector<16xf32>,
      %get3A_254 = arith.index_cast %add3A_231 : i32 to index
      %get3A_255 = arith.constant 32 : index
      %get3A_256 = tpu.vector_load %arg9[%get3A_254, %get3A_255] {strides = array<i32>} : memref<200x64xf32, #tpu.memory_space<vmem>>, vector<16xf32>,
      %get3A_257 = arith.index_cast %add3A_231 : i32 to index
      %get3A_258 = arith.constant 48 : index
      %get3A_259 = tpu.vector_load %arg9[%get3A_257, %get3A_258] {strides = array<i32>} : memref<200x64xf32, #tpu.memory_space<vmem>>, vector<16xf32>,
      %scan3A_260 = arith.constant 0 : i32
      %scan3A_261 = arith.constant 0 : i32
      %scan3A_262 = arith.constant 8 : i32
      %scan3A_263 = arith.addi %scan3A_261, %scan3A_262 : i32
      %scan3A_264 = arith.constant 1 : i32
      scf.for %scan3A_432 = %scan3A_261 to %scan3A_263 step %scan3A_264  : i32 {
        %mul3A_433 = arith.constant 16 : i32
        %mul3A_434 = arith.muli %scan3A_432, %mul3A_433 : i32
        %add3A_435 = arith.constant 0 : i32
        %add3A_436 = arith.addi %mul3A_434, %add3A_435 : i32
        %broadcast_in_dim3A = arith.constant 0 : i32
        %broadcast_in_dim3A_437 = vector.broadcast %broadcast_in_dim3A : i32 to vector<16xi32>
        %add3A_438 = vector.broadcast %add3A_436 : i32 to vector<16xi32>
        %add3A_439 = arith.addi %broadcast_in_dim3A_437, %add3A_438 : vector<16xi32>
        %get3A_440 = arith.constant 1 : i32
        %get3A_441 = arith.index_cast %get3A_440 : i32 to index
        %get3A_442 = arith.index_cast %add3A_436 : i32 to index
        %get3A_443 = arith.constant 0 : index
        %get3A_444 = tpu.vector_load %arg7[%get3A_441, %get3A_442, %get3A_443] {strides = array<i32>} : memref<4x128x64xf32, #tpu.memory_space<vmem>>, vector<16xf32>,
        %add3A_445 = arith.addf %get3A_444, %get3A_250 : vector<16xf32>
        %scatter3A = arith.constant 1 : i32
        %scatter3A_446 = arith.constant 0 : i32
        %scatter3A_447 = arith.constant 0 : i32
        %scatter3A_448 = arith.constant 0 : i32
        %scatter3A_449 = tpu.memref_slice %arg8[%scatter3A, %scatter3A_446, %scatter3A_447, %scatter3A_448] : memref<4x8x8x129xf32, #tpu.memory_space<vmem>> -> memref<1x8x8x129xf32, #tpu.memory_space<vmem>>
        %scatter3A_450 = tpu.memref_squeeze %scatter3A_449 : memref<1x8x8x129xf32, #tpu.memory_space<vmem>> -> memref<8x8x129xf32, #tpu.memory_space<vmem>>
        tpu.vector_store_idx %scatter3A_450[%shift_right_arithmetic3A_17, %and3A_28, %add3A_439], %add3A_445 : memref<8x8x129xf32, #tpu.memory_space<vmem>>[vector<16xi32>, vector<16xi32>, vector<16xi32>], vector<16xf32>,
        %get3A_451 = arith.constant 1 : i32
        %get3A_452 = arith.index_cast %get3A_451 : i32 to index
        %get3A_453 = arith.index_cast %add3A_436 : i32 to index
        %get3A_454 = arith.constant 16 : index
        %get3A_455 = tpu.vector_load %arg7[%get3A_452, %get3A_453, %get3A_454] {strides = array<i32>} : memref<4x128x64xf32, #tpu.memory_space<vmem>>, vector<16xf32>,
        %add3A_456 = arith.addf %get3A_455, %get3A_253 : vector<16xf32>
        %scatter3A_457 = arith.constant 1 : i32
        %scatter3A_458 = arith.constant 0 : i32
        %scatter3A_459 = arith.constant 0 : i32
        %scatter3A_460 = arith.constant 0 : i32
        %scatter3A_461 = tpu.memref_slice %arg8[%scatter3A_457, %scatter3A_458, %scatter3A_459, %scatter3A_460] : memref<4x8x8x129xf32, #tpu.memory_space<vmem>> -> memref<1x8x8x129xf32, #tpu.memory_space<vmem>>
        %scatter3A_462 = tpu.memref_squeeze %scatter3A_461 : memref<1x8x8x129xf32, #tpu.memory_space<vmem>> -> memref<8x8x129xf32, #tpu.memory_space<vmem>>
        tpu.vector_store_idx %scatter3A_462[%shift_right_arithmetic3A_20, %and3A_31, %add3A_439], %add3A_456 : memref<8x8x129xf32, #tpu.memory_space<vmem>>[vector<16xi32>, vector<16xi32>, vector<16xi32>], vector<16xf32>,
        %get3A_463 = arith.constant 1 : i32
        %get3A_464 = arith.index_cast %get3A_463 : i32 to index
        %get3A_465 = arith.index_cast %add3A_436 : i32 to index
        %get3A_466 = arith.constant 32 : index
        %get3A_467 = tpu.vector_load %arg7[%get3A_464, %get3A_465, %get3A_466] {strides = array<i32>} : memref<4x128x64xf32, #tpu.memory_space<vmem>>, vector<16xf32>,
        %add3A_468 = arith.addf %get3A_467, %get3A_256 : vector<16xf32>
        %scatter3A_469 = arith.constant 1 : i32
        %scatter3A_470 = arith.constant 0 : i32
        %scatter3A_471 = arith.constant 0 : i32
        %scatter3A_472 = arith.constant 0 : i32
        %scatter3A_473 = tpu.memref_slice %arg8[%scatter3A_469, %scatter3A_470, %scatter3A_471, %scatter3A_472] : memref<4x8x8x129xf32, #tpu.memory_space<vmem>> -> memref<1x8x8x129xf32, #tpu.memory_space<vmem>>
        %scatter3A_474 = tpu.memref_squeeze %scatter3A_473 : memref<1x8x8x129xf32, #tpu.memory_space<vmem>> -> memref<8x8x129xf32, #tpu.memory_space<vmem>>
        tpu.vector_store_idx %scatter3A_474[%shift_right_arithmetic3A_23, %and3A_34, %add3A_439], %add3A_468 : memref<8x8x129xf32, #tpu.memory_space<vmem>>[vector<16xi32>, vector<16xi32>, vector<16xi32>], vector<16xf32>,
        %get3A_475 = arith.constant 1 : i32
        %get3A_476 = arith.index_cast %get3A_475 : i32 to index
        %get3A_477 = arith.index_cast %add3A_436 : i32 to index
        %get3A_478 = arith.constant 48 : index
        %get3A_479 = tpu.vector_load %arg7[%get3A_476, %get3A_477, %get3A_478] {strides = array<i32>} : memref<4x128x64xf32, #tpu.memory_space<vmem>>, vector<16xf32>,
        %add3A_480 = arith.addf %get3A_479, %get3A_259 : vector<16xf32>
        %scatter3A_481 = arith.constant 1 : i32
        %scatter3A_482 = arith.constant 0 : i32
        %scatter3A_483 = arith.constant 0 : i32
        %scatter3A_484 = arith.constant 0 : i32
        %scatter3A_485 = tpu.memref_slice %arg8[%scatter3A_481, %scatter3A_482, %scatter3A_483, %scatter3A_484] : memref<4x8x8x129xf32, #tpu.memory_space<vmem>> -> memref<1x8x8x129xf32, #tpu.memory_space<vmem>>
        %scatter3A_486 = tpu.memref_squeeze %scatter3A_485 : memref<1x8x8x129xf32, #tpu.memory_space<vmem>> -> memref<8x8x129xf32, #tpu.memory_space<vmem>>
        tpu.vector_store_idx %scatter3A_486[%shift_right_arithmetic3A_26, %and3A_37, %add3A_439], %add3A_480 : memref<8x8x129xf32, #tpu.memory_space<vmem>>[vector<16xi32>, vector<16xi32>, vector<16xi32>], vector<16xf32>,
        %mul3A_487 = arith.constant 16 : i32
        %mul3A_488 = arith.muli %scan3A_432, %mul3A_487 : i32
        %add3A_489 = arith.constant 1 : i32
        %add3A_490 = arith.addi %mul3A_488, %add3A_489 : i32
        %broadcast_in_dim3A_491 = arith.constant 0 : i32
        %broadcast_in_dim3A_492 = vector.broadcast %broadcast_in_dim3A_491 : i32 to vector<16xi32>
        %add3A_493 = vector.broadcast %add3A_490 : i32 to vector<16xi32>
        %add3A_494 = arith.addi %broadcast_in_dim3A_492, %add3A_493 : vector<16xi32>
        %get3A_495 = arith.constant 1 : i32
        %get3A_496 = arith.index_cast %get3A_495 : i32 to index
        %get3A_497 = arith.index_cast %add3A_490 : i32 to index
        %get3A_498 = arith.constant 0 : index
        %get3A_499 = tpu.vector_load %arg7[%get3A_496, %get3A_497, %get3A_498] {strides = array<i32>} : memref<4x128x64xf32, #tpu.memory_space<vmem>>, vector<16xf32>,
        %add3A_500 = arith.addf %get3A_499, %get3A_250 : vector<16xf32>
        %scatter3A_501 = arith.constant 1 : i32
        %scatter3A_502 = arith.constant 0 : i32
        %scatter3A_503 = arith.constant 0 : i32
        %scatter3A_504 = arith.constant 0 : i32
        %scatter3A_505 = tpu.memref_slice %arg8[%scatter3A_501, %scatter3A_502, %scatter3A_503, %scatter3A_504] : memref<4x8x8x129xf32, #tpu.memory_space<vmem>> -> memref<1x8x8x129xf32, #tpu.memory_space<vmem>>
        %scatter3A_506 = tpu.memref_squeeze %scatter3A_505 : memref<1x8x8x129xf32, #tpu.memory_space<vmem>> -> memref<8x8x129xf32, #tpu.memory_space<vmem>>
        tpu.vector_store_idx %scatter3A_506[%shift_right_arithmetic3A_17, %and3A_28, %add3A_494], %add3A_500 : memref<8x8x129xf32, #tpu.memory_space<vmem>>[vector<16xi32>, vector<16xi32>, vector<16xi32>], vector<16xf32>,
        %get3A_507 = arith.constant 1 : i32
        %get3A_508 = arith.index_cast %get3A_507 : i32 to index
        %get3A_509 = arith.index_cast %add3A_490 : i32 to index
        %get3A_510 = arith.constant 16 : index
        %get3A_511 = tpu.vector_load %arg7[%get3A_508, %get3A_509, %get3A_510] {strides = array<i32>} : memref<4x128x64xf32, #tpu.memory_space<vmem>>, vector<16xf32>,
        %add3A_512 = arith.addf %get3A_511, %get3A_253 : vector<16xf32>
        %scatter3A_513 = arith.constant 1 : i32
        %scatter3A_514 = arith.constant 0 : i32
        %scatter3A_515 = arith.constant 0 : i32
        %scatter3A_516 = arith.constant 0 : i32
        %scatter3A_517 = tpu.memref_slice %arg8[%scatter3A_513, %scatter3A_514, %scatter3A_515, %scatter3A_516] : memref<4x8x8x129xf32, #tpu.memory_space<vmem>> -> memref<1x8x8x129xf32, #tpu.memory_space<vmem>>
        %scatter3A_518 = tpu.memref_squeeze %scatter3A_517 : memref<1x8x8x129xf32, #tpu.memory_space<vmem>> -> memref<8x8x129xf32, #tpu.memory_space<vmem>>
        tpu.vector_store_idx %scatter3A_518[%shift_right_arithmetic3A_20, %and3A_31, %add3A_494], %add3A_512 : memref<8x8x129xf32, #tpu.memory_space<vmem>>[vector<16xi32>, vector<16xi32>, vector<16xi32>], vector<16xf32>,
        %get3A_519 = arith.constant 1 : i32
        %get3A_520 = arith.index_cast %get3A_519 : i32 to index
        %get3A_521 = arith.index_cast %add3A_490 : i32 to index
        %get3A_522 = arith.constant 32 : index
        %get3A_523 = tpu.vector_load %arg7[%get3A_520, %get3A_521, %get3A_522] {strides = array<i32>} : memref<4x128x64xf32, #tpu.memory_space<vmem>>, vector<16xf32>,
        %add3A_524 = arith.addf %get3A_523, %get3A_256 : vector<16xf32>
        %scatter3A_525 = arith.constant 1 : i32
        %scatter3A_526 = arith.constant 0 : i32
        %scatter3A_527 = arith.constant 0 : i32
        %scatter3A_528 = arith.constant 0 : i32
        %scatter3A_529 = tpu.memref_slice %arg8[%scatter3A_525, %scatter3A_526, %scatter3A_527, %scatter3A_528] : memref<4x8x8x129xf32, #tpu.memory_space<vmem>> -> memref<1x8x8x129xf32, #tpu.memory_space<vmem>>
        %scatter3A_530 = tpu.memref_squeeze %scatter3A_529 : memref<1x8x8x129xf32, #tpu.memory_space<vmem>> -> memref<8x8x129xf32, #tpu.memory_space<vmem>>
        tpu.vector_store_idx %scatter3A_530[%shift_right_arithmetic3A_23, %and3A_34, %add3A_494], %add3A_524 : memref<8x8x129xf32, #tpu.memory_space<vmem>>[vector<16xi32>, vector<16xi32>, vector<16xi32>], vector<16xf32>,
        %get3A_531 = arith.constant 1 : i32
        %get3A_532 = arith.index_cast %get3A_531 : i32 to index
        %get3A_533 = arith.index_cast %add3A_490 : i32 to index
        %get3A_534 = arith.constant 48 : index
        %get3A_535 = tpu.vector_load %arg7[%get3A_532, %get3A_533, %get3A_534] {strides = array<i32>} : memref<4x128x64xf32, #tpu.memory_space<vmem>>, vector<16xf32>,
        %add3A_536 = arith.addf %get3A_535, %get3A_259 : vector<16xf32>
        %scatter3A_537 = arith.constant 1 : i32
        %scatter3A_538 = arith.constant 0 : i32
        %scatter3A_539 = arith.constant 0 : i32
        %scatter3A_540 = arith.constant 0 : i32
        %scatter3A_541 = tpu.memref_slice %arg8[%scatter3A_537, %scatter3A_538, %scatter3A_539, %scatter3A_540] : memref<4x8x8x129xf32, #tpu.memory_space<vmem>> -> memref<1x8x8x129xf32, #tpu.memory_space<vmem>>
        %scatter3A_542 = tpu.memref_squeeze %scatter3A_541 : memref<1x8x8x129xf32, #tpu.memory_space<vmem>> -> memref<8x8x129xf32, #tpu.memory_space<vmem>>
        tpu.vector_store_idx %scatter3A_542[%shift_right_arithmetic3A_26, %and3A_37, %add3A_494], %add3A_536 : memref<8x8x129xf32, #tpu.memory_space<vmem>>[vector<16xi32>, vector<16xi32>, vector<16xi32>], vector<16xf32>,
        %mul3A_543 = arith.constant 16 : i32
        %mul3A_544 = arith.muli %scan3A_432, %mul3A_543 : i32
        %add3A_545 = arith.constant 2 : i32
        %add3A_546 = arith.addi %mul3A_544, %add3A_545 : i32
        %broadcast_in_dim3A_547 = arith.constant 0 : i32
        %broadcast_in_dim3A_548 = vector.broadcast %broadcast_in_dim3A_547 : i32 to vector<16xi32>
        %add3A_549 = vector.broadcast %add3A_546 : i32 to vector<16xi32>
        %add3A_550 = arith.addi %broadcast_in_dim3A_548, %add3A_549 : vector<16xi32>
        %get3A_551 = arith.constant 1 : i32
        %get3A_552 = arith.index_cast %get3A_551 : i32 to index
        %get3A_553 = arith.index_cast %add3A_546 : i32 to index
        %get3A_554 = arith.constant 0 : index
        %get3A_555 = tpu.vector_load %arg7[%get3A_552, %get3A_553, %get3A_554] {strides = array<i32>} : memref<4x128x64xf32, #tpu.memory_space<vmem>>, vector<16xf32>,
        %add3A_556 = arith.addf %get3A_555, %get3A_250 : vector<16xf32>
        %scatter3A_557 = arith.constant 1 : i32
        %scatter3A_558 = arith.constant 0 : i32
        %scatter3A_559 = arith.constant 0 : i32
        %scatter3A_560 = arith.constant 0 : i32
        %scatter3A_561 = tpu.memref_slice %arg8[%scatter3A_557, %scatter3A_558, %scatter3A_559, %scatter3A_560] : memref<4x8x8x129xf32, #tpu.memory_space<vmem>> -> memref<1x8x8x129xf32, #tpu.memory_space<vmem>>
        %scatter3A_562 = tpu.memref_squeeze %scatter3A_561 : memref<1x8x8x129xf32, #tpu.memory_space<vmem>> -> memref<8x8x129xf32, #tpu.memory_space<vmem>>
        tpu.vector_store_idx %scatter3A_562[%shift_right_arithmetic3A_17, %and3A_28, %add3A_550], %add3A_556 : memref<8x8x129xf32, #tpu.memory_space<vmem>>[vector<16xi32>, vector<16xi32>, vector<16xi32>], vector<16xf32>,
        %get3A_563 = arith.constant 1 : i32
        %get3A_564 = arith.index_cast %get3A_563 : i32 to index
        %get3A_565 = arith.index_cast %add3A_546 : i32 to index
        %get3A_566 = arith.constant 16 : index
        %get3A_567 = tpu.vector_load %arg7[%get3A_564, %get3A_565, %get3A_566] {strides = array<i32>} : memref<4x128x64xf32, #tpu.memory_space<vmem>>, vector<16xf32>,
        %add3A_568 = arith.addf %get3A_567, %get3A_253 : vector<16xf32>
        %scatter3A_569 = arith.constant 1 : i32
        %scatter3A_570 = arith.constant 0 : i32
        %scatter3A_571 = arith.constant 0 : i32
        %scatter3A_572 = arith.constant 0 : i32
        %scatter3A_573 = tpu.memref_slice %arg8[%scatter3A_569, %scatter3A_570, %scatter3A_571, %scatter3A_572] : memref<4x8x8x129xf32, #tpu.memory_space<vmem>> -> memref<1x8x8x129xf32, #tpu.memory_space<vmem>>
        %scatter3A_574 = tpu.memref_squeeze %scatter3A_573 : memref<1x8x8x129xf32, #tpu.memory_space<vmem>> -> memref<8x8x129xf32, #tpu.memory_space<vmem>>
        tpu.vector_store_idx %scatter3A_574[%shift_right_arithmetic3A_20, %and3A_31, %add3A_550], %add3A_568 : memref<8x8x129xf32, #tpu.memory_space<vmem>>[vector<16xi32>, vector<16xi32>, vector<16xi32>], vector<16xf32>,
        %get3A_575 = arith.constant 1 : i32
        %get3A_576 = arith.index_cast %get3A_575 : i32 to index
        %get3A_577 = arith.index_cast %add3A_546 : i32 to index
        %get3A_578 = arith.constant 32 : index
        %get3A_579 = tpu.vector_load %arg7[%get3A_576, %get3A_577, %get3A_578] {strides = array<i32>} : memref<4x128x64xf32, #tpu.memory_space<vmem>>, vector<16xf32>,
        %add3A_580 = arith.addf %get3A_579, %get3A_256 : vector<16xf32>
        %scatter3A_581 = arith.constant 1 : i32
        %scatter3A_582 = arith.constant 0 : i32
        %scatter3A_583 = arith.constant 0 : i32
        %scatter3A_584 = arith.constant 0 : i32
        %scatter3A_585 = tpu.memref_slice %arg8[%scatter3A_581, %scatter3A_582, %scatter3A_583, %scatter3A_584] : memref<4x8x8x129xf32, #tpu.memory_space<vmem>> -> memref<1x8x8x129xf32, #tpu.memory_space<vmem>>
        %scatter3A_586 = tpu.memref_squeeze %scatter3A_585 : memref<1x8x8x129xf32, #tpu.memory_space<vmem>> -> memref<8x8x129xf32, #tpu.memory_space<vmem>>
        tpu.vector_store_idx %scatter3A_586[%shift_right_arithmetic3A_23, %and3A_34, %add3A_550], %add3A_580 : memref<8x8x129xf32, #tpu.memory_space<vmem>>[vector<16xi32>, vector<16xi32>, vector<16xi32>], vector<16xf32>,
        %get3A_587 = arith.constant 1 : i32
        %get3A_588 = arith.index_cast %get3A_587 : i32 to index
        %get3A_589 = arith.index_cast %add3A_546 : i32 to index
        %get3A_590 = arith.constant 48 : index
        %get3A_591 = tpu.vector_load %arg7[%get3A_588, %get3A_589, %get3A_590] {strides = array<i32>} : memref<4x128x64xf32, #tpu.memory_space<vmem>>, vector<16xf32>,
        %add3A_592 = arith.addf %get3A_591, %get3A_259 : vector<16xf32>
        %scatter3A_593 = arith.constant 1 : i32
        %scatter3A_594 = arith.constant 0 : i32
        %scatter3A_595 = arith.constant 0 : i32
        %scatter3A_596 = arith.constant 0 : i32
        %scatter3A_597 = tpu.memref_slice %arg8[%scatter3A_593, %scatter3A_594, %scatter3A_595, %scatter3A_596] : memref<4x8x8x129xf32, #tpu.memory_space<vmem>> -> memref<1x8x8x129xf32, #tpu.memory_space<vmem>>
        %scatter3A_598 = tpu.memref_squeeze %scatter3A_597 : memref<1x8x8x129xf32, #tpu.memory_space<vmem>> -> memref<8x8x129xf32, #tpu.memory_space<vmem>>
        tpu.vector_store_idx %scatter3A_598[%shift_right_arithmetic3A_26, %and3A_37, %add3A_550], %add3A_592 : memref<8x8x129xf32, #tpu.memory_space<vmem>>[vector<16xi32>, vector<16xi32>, vector<16xi32>], vector<16xf32>,
        %mul3A_599 = arith.constant 16 : i32
        %mul3A_600 = arith.muli %scan3A_432, %mul3A_599 : i32
        %add3A_601 = arith.constant 3 : i32
        %add3A_602 = arith.addi %mul3A_600, %add3A_601 : i32
        %broadcast_in_dim3A_603 = arith.constant 0 : i32
        %broadcast_in_dim3A_604 = vector.broadcast %broadcast_in_dim3A_603 : i32 to vector<16xi32>
        %add3A_605 = vector.broadcast %add3A_602 : i32 to vector<16xi32>
        %add3A_606 = arith.addi %broadcast_in_dim3A_604, %add3A_605 : vector<16xi32>
        %get3A_607 = arith.constant 1 : i32
        %get3A_608 = arith.index_cast %get3A_607 : i32 to index
        %get3A_609 = arith.index_cast %add3A_602 : i32 to index
        %get3A_610 = arith.constant 0 : index
        %get3A_611 = tpu.vector_load %arg7[%get3A_608, %get3A_609, %get3A_610] {strides = array<i32>} : memref<4x128x64xf32, #tpu.memory_space<vmem>>, vector<16xf32>,
        %add3A_612 = arith.addf %get3A_611, %get3A_250 : vector<16xf32>
        %scatter3A_613 = arith.constant 1 : i32
        %scatter3A_614 = arith.constant 0 : i32
        %scatter3A_615 = arith.constant 0 : i32
        %scatter3A_616 = arith.constant 0 : i32
        %scatter3A_617 = tpu.memref_slice %arg8[%scatter3A_613, %scatter3A_614, %scatter3A_615, %scatter3A_616] : memref<4x8x8x129xf32, #tpu.memory_space<vmem>> -> memref<1x8x8x129xf32, #tpu.memory_space<vmem>>
        %scatter3A_618 = tpu.memref_squeeze %scatter3A_617 : memref<1x8x8x129xf32, #tpu.memory_space<vmem>> -> memref<8x8x129xf32, #tpu.memory_space<vmem>>
        tpu.vector_store_idx %scatter3A_618[%shift_right_arithmetic3A_17, %and3A_28, %add3A_606], %add3A_612 : memref<8x8x129xf32, #tpu.memory_space<vmem>>[vector<16xi32>, vector<16xi32>, vector<16xi32>], vector<16xf32>,
        %get3A_619 = arith.constant 1 : i32
        %get3A_620 = arith.index_cast %get3A_619 : i32 to index
        %get3A_621 = arith.index_cast %add3A_602 : i32 to index
        %get3A_622 = arith.constant 16 : index
        %get3A_623 = tpu.vector_load %arg7[%get3A_620, %get3A_621, %get3A_622] {strides = array<i32>} : memref<4x128x64xf32, #tpu.memory_space<vmem>>, vector<16xf32>,
        %add3A_624 = arith.addf %get3A_623, %get3A_253 : vector<16xf32>
        %scatter3A_625 = arith.constant 1 : i32
        %scatter3A_626 = arith.constant 0 : i32
        %scatter3A_627 = arith.constant 0 : i32
        %scatter3A_628 = arith.constant 0 : i32
        %scatter3A_629 = tpu.memref_slice %arg8[%scatter3A_625, %scatter3A_626, %scatter3A_627, %scatter3A_628] : memref<4x8x8x129xf32, #tpu.memory_space<vmem>> -> memref<1x8x8x129xf32, #tpu.memory_space<vmem>>
        %scatter3A_630 = tpu.memref_squeeze %scatter3A_629 : memref<1x8x8x129xf32, #tpu.memory_space<vmem>> -> memref<8x8x129xf32, #tpu.memory_space<vmem>>
        tpu.vector_store_idx %scatter3A_630[%shift_right_arithmetic3A_20, %and3A_31, %add3A_606], %add3A_624 : memref<8x8x129xf32, #tpu.memory_space<vmem>>[vector<16xi32>, vector<16xi32>, vector<16xi32>], vector<16xf32>,
        %get3A_631 = arith.constant 1 : i32
        %get3A_632 = arith.index_cast %get3A_631 : i32 to index
        %get3A_633 = arith.index_cast %add3A_602 : i32 to index
        %get3A_634 = arith.constant 32 : index
        %get3A_635 = tpu.vector_load %arg7[%get3A_632, %get3A_633, %get3A_634] {strides = array<i32>} : memref<4x128x64xf32, #tpu.memory_space<vmem>>, vector<16xf32>,
        %add3A_636 = arith.addf %get3A_635, %get3A_256 : vector<16xf32>
        %scatter3A_637 = arith.constant 1 : i32
        %scatter3A_638 = arith.constant 0 : i32
        %scatter3A_639 = arith.constant 0 : i32
        %scatter3A_640 = arith.constant 0 : i32
        %scatter3A_641 = tpu.memref_slice %arg8[%scatter3A_637, %scatter3A_638, %scatter3A_639, %scatter3A_640] : memref<4x8x8x129xf32, #tpu.memory_space<vmem>> -> memref<1x8x8x129xf32, #tpu.memory_space<vmem>>
        %scatter3A_642 = tpu.memref_squeeze %scatter3A_641 : memref<1x8x8x129xf32, #tpu.memory_space<vmem>> -> memref<8x8x129xf32, #tpu.memory_space<vmem>>
        tpu.vector_store_idx %scatter3A_642[%shift_right_arithmetic3A_23, %and3A_34, %add3A_606], %add3A_636 : memref<8x8x129xf32, #tpu.memory_space<vmem>>[vector<16xi32>, vector<16xi32>, vector<16xi32>], vector<16xf32>,
        %get3A_643 = arith.constant 1 : i32
        %get3A_644 = arith.index_cast %get3A_643 : i32 to index
        %get3A_645 = arith.index_cast %add3A_602 : i32 to index
        %get3A_646 = arith.constant 48 : index
        %get3A_647 = tpu.vector_load %arg7[%get3A_644, %get3A_645, %get3A_646] {strides = array<i32>} : memref<4x128x64xf32, #tpu.memory_space<vmem>>, vector<16xf32>,
        %add3A_648 = arith.addf %get3A_647, %get3A_259 : vector<16xf32>
        %scatter3A_649 = arith.constant 1 : i32
        %scatter3A_650 = arith.constant 0 : i32
        %scatter3A_651 = arith.constant 0 : i32
        %scatter3A_652 = arith.constant 0 : i32
        %scatter3A_653 = tpu.memref_slice %arg8[%scatter3A_649, %scatter3A_650, %scatter3A_651, %scatter3A_652] : memref<4x8x8x129xf32, #tpu.memory_space<vmem>> -> memref<1x8x8x129xf32, #tpu.memory_space<vmem>>
        %scatter3A_654 = tpu.memref_squeeze %scatter3A_653 : memref<1x8x8x129xf32, #tpu.memory_space<vmem>> -> memref<8x8x129xf32, #tpu.memory_space<vmem>>
        tpu.vector_store_idx %scatter3A_654[%shift_right_arithmetic3A_26, %and3A_37, %add3A_606], %add3A_648 : memref<8x8x129xf32, #tpu.memory_space<vmem>>[vector<16xi32>, vector<16xi32>, vector<16xi32>], vector<16xf32>,
        %mul3A_655 = arith.constant 16 : i32
        %mul3A_656 = arith.muli %scan3A_432, %mul3A_655 : i32
        %add3A_657 = arith.constant 4 : i32
        %add3A_658 = arith.addi %mul3A_656, %add3A_657 : i32
        %broadcast_in_dim3A_659 = arith.constant 0 : i32
        %broadcast_in_dim3A_660 = vector.broadcast %broadcast_in_dim3A_659 : i32 to vector<16xi32>
        %add3A_661 = vector.broadcast %add3A_658 : i32 to vector<16xi32>
        %add3A_662 = arith.addi %broadcast_in_dim3A_660, %add3A_661 : vector<16xi32>
        %get3A_663 = arith.constant 1 : i32
        %get3A_664 = arith.index_cast %get3A_663 : i32 to index
        %get3A_665 = arith.index_cast %add3A_658 : i32 to index
        %get3A_666 = arith.constant 0 : index
        %get3A_667 = tpu.vector_load %arg7[%get3A_664, %get3A_665, %get3A_666] {strides = array<i32>} : memref<4x128x64xf32, #tpu.memory_space<vmem>>, vector<16xf32>,
        %add3A_668 = arith.addf %get3A_667, %get3A_250 : vector<16xf32>
        %scatter3A_669 = arith.constant 1 : i32
        %scatter3A_670 = arith.constant 0 : i32
        %scatter3A_671 = arith.constant 0 : i32
        %scatter3A_672 = arith.constant 0 : i32
        %scatter3A_673 = tpu.memref_slice %arg8[%scatter3A_669, %scatter3A_670, %scatter3A_671, %scatter3A_672] : memref<4x8x8x129xf32, #tpu.memory_space<vmem>> -> memref<1x8x8x129xf32, #tpu.memory_space<vmem>>
        %scatter3A_674 = tpu.memref_squeeze %scatter3A_673 : memref<1x8x8x129xf32, #tpu.memory_space<vmem>> -> memref<8x8x129xf32, #tpu.memory_space<vmem>>
        tpu.vector_store_idx %scatter3A_674[%shift_right_arithmetic3A_17, %and3A_28, %add3A_662], %add3A_668 : memref<8x8x129xf32, #tpu.memory_space<vmem>>[vector<16xi32>, vector<16xi32>, vector<16xi32>], vector<16xf32>,
        %get3A_675 = arith.constant 1 : i32
        %get3A_676 = arith.index_cast %get3A_675 : i32 to index
        %get3A_677 = arith.index_cast %add3A_658 : i32 to index
        %get3A_678 = arith.constant 16 : index
        %get3A_679 = tpu.vector_load %arg7[%get3A_676, %get3A_677, %get3A_678] {strides = array<i32>} : memref<4x128x64xf32, #tpu.memory_space<vmem>>, vector<16xf32>,
        %add3A_680 = arith.addf %get3A_679, %get3A_253 : vector<16xf32>
        %scatter3A_681 = arith.constant 1 : i32
        %scatter3A_682 = arith.constant 0 : i32
        %scatter3A_683 = arith.constant 0 : i32
        %scatter3A_684 = arith.constant 0 : i32
        %scatter3A_685 = tpu.memref_slice %arg8[%scatter3A_681, %scatter3A_682, %scatter3A_683, %scatter3A_684] : memref<4x8x8x129xf32, #tpu.memory_space<vmem>> -> memref<1x8x8x129xf32, #tpu.memory_space<vmem>>
        %scatter3A_686 = tpu.memref_squeeze %scatter3A_685 : memref<1x8x8x129xf32, #tpu.memory_space<vmem>> -> memref<8x8x129xf32, #tpu.memory_space<vmem>>
        tpu.vector_store_idx %scatter3A_686[%shift_right_arithmetic3A_20, %and3A_31, %add3A_662], %add3A_680 : memref<8x8x129xf32, #tpu.memory_space<vmem>>[vector<16xi32>, vector<16xi32>, vector<16xi32>], vector<16xf32>,
        %get3A_687 = arith.constant 1 : i32
        %get3A_688 = arith.index_cast %get3A_687 : i32 to index
        %get3A_689 = arith.index_cast %add3A_658 : i32 to index
        %get3A_690 = arith.constant 32 : index
        %get3A_691 = tpu.vector_load %arg7[%get3A_688, %get3A_689, %get3A_690] {strides = array<i32>} : memref<4x128x64xf32, #tpu.memory_space<vmem>>, vector<16xf32>,
        %add3A_692 = arith.addf %get3A_691, %get3A_256 : vector<16xf32>
        %scatter3A_693 = arith.constant 1 : i32
        %scatter3A_694 = arith.constant 0 : i32
        %scatter3A_695 = arith.constant 0 : i32
        %scatter3A_696 = arith.constant 0 : i32
        %scatter3A_697 = tpu.memref_slice %arg8[%scatter3A_693, %scatter3A_694, %scatter3A_695, %scatter3A_696] : memref<4x8x8x129xf32, #tpu.memory_space<vmem>> -> memref<1x8x8x129xf32, #tpu.memory_space<vmem>>
        %scatter3A_698 = tpu.memref_squeeze %scatter3A_697 : memref<1x8x8x129xf32, #tpu.memory_space<vmem>> -> memref<8x8x129xf32, #tpu.memory_space<vmem>>
        tpu.vector_store_idx %scatter3A_698[%shift_right_arithmetic3A_23, %and3A_34, %add3A_662], %add3A_692 : memref<8x8x129xf32, #tpu.memory_space<vmem>>[vector<16xi32>, vector<16xi32>, vector<16xi32>], vector<16xf32>,
        %get3A_699 = arith.constant 1 : i32
        %get3A_700 = arith.index_cast %get3A_699 : i32 to index
        %get3A_701 = arith.index_cast %add3A_658 : i32 to index
        %get3A_702 = arith.constant 48 : index
        %get3A_703 = tpu.vector_load %arg7[%get3A_700, %get3A_701, %get3A_702] {strides = array<i32>} : memref<4x128x64xf32, #tpu.memory_space<vmem>>, vector<16xf32>,
        %add3A_704 = arith.addf %get3A_703, %get3A_259 : vector<16xf32>
        %scatter3A_705 = arith.constant 1 : i32
        %scatter3A_706 = arith.constant 0 : i32
        %scatter3A_707 = arith.constant 0 : i32
        %scatter3A_708 = arith.constant 0 : i32
        %scatter3A_709 = tpu.memref_slice %arg8[%scatter3A_705, %scatter3A_706, %scatter3A_707, %scatter3A_708] : memref<4x8x8x129xf32, #tpu.memory_space<vmem>> -> memref<1x8x8x129xf32, #tpu.memory_space<vmem>>
        %scatter3A_710 = tpu.memref_squeeze %scatter3A_709 : memref<1x8x8x129xf32, #tpu.memory_space<vmem>> -> memref<8x8x129xf32, #tpu.memory_space<vmem>>
        tpu.vector_store_idx %scatter3A_710[%shift_right_arithmetic3A_26, %and3A_37, %add3A_662], %add3A_704 : memref<8x8x129xf32, #tpu.memory_space<vmem>>[vector<16xi32>, vector<16xi32>, vector<16xi32>], vector<16xf32>,
        %mul3A_711 = arith.constant 16 : i32
        %mul3A_712 = arith.muli %scan3A_432, %mul3A_711 : i32
        %add3A_713 = arith.constant 5 : i32
        %add3A_714 = arith.addi %mul3A_712, %add3A_713 : i32
        %broadcast_in_dim3A_715 = arith.constant 0 : i32
        %broadcast_in_dim3A_716 = vector.broadcast %broadcast_in_dim3A_715 : i32 to vector<16xi32>
        %add3A_717 = vector.broadcast %add3A_714 : i32 to vector<16xi32>
        %add3A_718 = arith.addi %broadcast_in_dim3A_716, %add3A_717 : vector<16xi32>
        %get3A_719 = arith.constant 1 : i32
        %get3A_720 = arith.index_cast %get3A_719 : i32 to index
        %get3A_721 = arith.index_cast %add3A_714 : i32 to index
        %get3A_722 = arith.constant 0 : index
        %get3A_723 = tpu.vector_load %arg7[%get3A_720, %get3A_721, %get3A_722] {strides = array<i32>} : memref<4x128x64xf32, #tpu.memory_space<vmem>>, vector<16xf32>,
        %add3A_724 = arith.addf %get3A_723, %get3A_250 : vector<16xf32>
        %scatter3A_725 = arith.constant 1 : i32
        %scatter3A_726 = arith.constant 0 : i32
        %scatter3A_727 = arith.constant 0 : i32
        %scatter3A_728 = arith.constant 0 : i32
        %scatter3A_729 = tpu.memref_slice %arg8[%scatter3A_725, %scatter3A_726, %scatter3A_727, %scatter3A_728] : memref<4x8x8x129xf32, #tpu.memory_space<vmem>> -> memref<1x8x8x129xf32, #tpu.memory_space<vmem>>
        %scatter3A_730 = tpu.memref_squeeze %scatter3A_729 : memref<1x8x8x129xf32, #tpu.memory_space<vmem>> -> memref<8x8x129xf32, #tpu.memory_space<vmem>>
        tpu.vector_store_idx %scatter3A_730[%shift_right_arithmetic3A_17, %and3A_28, %add3A_718], %add3A_724 : memref<8x8x129xf32, #tpu.memory_space<vmem>>[vector<16xi32>, vector<16xi32>, vector<16xi32>], vector<16xf32>,
        %get3A_731 = arith.constant 1 : i32
        %get3A_732 = arith.index_cast %get3A_731 : i32 to index
        %get3A_733 = arith.index_cast %add3A_714 : i32 to index
        %get3A_734 = arith.constant 16 : index
        %get3A_735 = tpu.vector_load %arg7[%get3A_732, %get3A_733, %get3A_734] {strides = array<i32>} : memref<4x128x64xf32, #tpu.memory_space<vmem>>, vector<16xf32>,
        %add3A_736 = arith.addf %get3A_735, %get3A_253 : vector<16xf32>
        %scatter3A_737 = arith.constant 1 : i32
        %scatter3A_738 = arith.constant 0 : i32
        %scatter3A_739 = arith.constant 0 : i32
        %scatter3A_740 = arith.constant 0 : i32
        %scatter3A_741 = tpu.memref_slice %arg8[%scatter3A_737, %scatter3A_738, %scatter3A_739, %scatter3A_740] : memref<4x8x8x129xf32, #tpu.memory_space<vmem>> -> memref<1x8x8x129xf32, #tpu.memory_space<vmem>>
        %scatter3A_742 = tpu.memref_squeeze %scatter3A_741 : memref<1x8x8x129xf32, #tpu.memory_space<vmem>> -> memref<8x8x129xf32, #tpu.memory_space<vmem>>
        tpu.vector_store_idx %scatter3A_742[%shift_right_arithmetic3A_20, %and3A_31, %add3A_718], %add3A_736 : memref<8x8x129xf32, #tpu.memory_space<vmem>>[vector<16xi32>, vector<16xi32>, vector<16xi32>], vector<16xf32>,
        %get3A_743 = arith.constant 1 : i32
        %get3A_744 = arith.index_cast %get3A_743 : i32 to index
        %get3A_745 = arith.index_cast %add3A_714 : i32 to index
        %get3A_746 = arith.constant 32 : index
        %get3A_747 = tpu.vector_load %arg7[%get3A_744, %get3A_745, %get3A_746] {strides = array<i32>} : memref<4x128x64xf32, #tpu.memory_space<vmem>>, vector<16xf32>,
        %add3A_748 = arith.addf %get3A_747, %get3A_256 : vector<16xf32>
        %scatter3A_749 = arith.constant 1 : i32
        %scatter3A_750 = arith.constant 0 : i32
        %scatter3A_751 = arith.constant 0 : i32
        %scatter3A_752 = arith.constant 0 : i32
        %scatter3A_753 = tpu.memref_slice %arg8[%scatter3A_749, %scatter3A_750, %scatter3A_751, %scatter3A_752] : memref<4x8x8x129xf32, #tpu.memory_space<vmem>> -> memref<1x8x8x129xf32, #tpu.memory_space<vmem>>
        %scatter3A_754 = tpu.memref_squeeze %scatter3A_753 : memref<1x8x8x129xf32, #tpu.memory_space<vmem>> -> memref<8x8x129xf32, #tpu.memory_space<vmem>>
        tpu.vector_store_idx %scatter3A_754[%shift_right_arithmetic3A_23, %and3A_34, %add3A_718], %add3A_748 : memref<8x8x129xf32, #tpu.memory_space<vmem>>[vector<16xi32>, vector<16xi32>, vector<16xi32>], vector<16xf32>,
        %get3A_755 = arith.constant 1 : i32
        %get3A_756 = arith.index_cast %get3A_755 : i32 to index
        %get3A_757 = arith.index_cast %add3A_714 : i32 to index
        %get3A_758 = arith.constant 48 : index
        %get3A_759 = tpu.vector_load %arg7[%get3A_756, %get3A_757, %get3A_758] {strides = array<i32>} : memref<4x128x64xf32, #tpu.memory_space<vmem>>, vector<16xf32>,
        %add3A_760 = arith.addf %get3A_759, %get3A_259 : vector<16xf32>
        %scatter3A_761 = arith.constant 1 : i32
        %scatter3A_762 = arith.constant 0 : i32
        %scatter3A_763 = arith.constant 0 : i32
        %scatter3A_764 = arith.constant 0 : i32
        %scatter3A_765 = tpu.memref_slice %arg8[%scatter3A_761, %scatter3A_762, %scatter3A_763, %scatter3A_764] : memref<4x8x8x129xf32, #tpu.memory_space<vmem>> -> memref<1x8x8x129xf32, #tpu.memory_space<vmem>>
        %scatter3A_766 = tpu.memref_squeeze %scatter3A_765 : memref<1x8x8x129xf32, #tpu.memory_space<vmem>> -> memref<8x8x129xf32, #tpu.memory_space<vmem>>
        tpu.vector_store_idx %scatter3A_766[%shift_right_arithmetic3A_26, %and3A_37, %add3A_718], %add3A_760 : memref<8x8x129xf32, #tpu.memory_space<vmem>>[vector<16xi32>, vector<16xi32>, vector<16xi32>], vector<16xf32>,
        %mul3A_767 = arith.constant 16 : i32
        %mul3A_768 = arith.muli %scan3A_432, %mul3A_767 : i32
        %add3A_769 = arith.constant 6 : i32
        %add3A_770 = arith.addi %mul3A_768, %add3A_769 : i32
        %broadcast_in_dim3A_771 = arith.constant 0 : i32
        %broadcast_in_dim3A_772 = vector.broadcast %broadcast_in_dim3A_771 : i32 to vector<16xi32>
        %add3A_773 = vector.broadcast %add3A_770 : i32 to vector<16xi32>
        %add3A_774 = arith.addi %broadcast_in_dim3A_772, %add3A_773 : vector<16xi32>
        %get3A_775 = arith.constant 1 : i32
        %get3A_776 = arith.index_cast %get3A_775 : i32 to index
        %get3A_777 = arith.index_cast %add3A_770 : i32 to index
        %get3A_778 = arith.constant 0 : index
        %get3A_779 = tpu.vector_load %arg7[%get3A_776, %get3A_777, %get3A_778] {strides = array<i32>} : memref<4x128x64xf32, #tpu.memory_space<vmem>>, vector<16xf32>,
        %add3A_780 = arith.addf %get3A_779, %get3A_250 : vector<16xf32>
        %scatter3A_781 = arith.constant 1 : i32
        %scatter3A_782 = arith.constant 0 : i32
        %scatter3A_783 = arith.constant 0 : i32
        %scatter3A_784 = arith.constant 0 : i32
        %scatter3A_785 = tpu.memref_slice %arg8[%scatter3A_781, %scatter3A_782, %scatter3A_783, %scatter3A_784] : memref<4x8x8x129xf32, #tpu.memory_space<vmem>> -> memref<1x8x8x129xf32, #tpu.memory_space<vmem>>
        %scatter3A_786 = tpu.memref_squeeze %scatter3A_785 : memref<1x8x8x129xf32, #tpu.memory_space<vmem>> -> memref<8x8x129xf32, #tpu.memory_space<vmem>>
        tpu.vector_store_idx %scatter3A_786[%shift_right_arithmetic3A_17, %and3A_28, %add3A_774], %add3A_780 : memref<8x8x129xf32, #tpu.memory_space<vmem>>[vector<16xi32>, vector<16xi32>, vector<16xi32>], vector<16xf32>,
        %get3A_787 = arith.constant 1 : i32
        %get3A_788 = arith.index_cast %get3A_787 : i32 to index
        %get3A_789 = arith.index_cast %add3A_770 : i32 to index
        %get3A_790 = arith.constant 16 : index
        %get3A_791 = tpu.vector_load %arg7[%get3A_788, %get3A_789, %get3A_790] {strides = array<i32>} : memref<4x128x64xf32, #tpu.memory_space<vmem>>, vector<16xf32>,
        %add3A_792 = arith.addf %get3A_791, %get3A_253 : vector<16xf32>
        %scatter3A_793 = arith.constant 1 : i32
        %scatter3A_794 = arith.constant 0 : i32
        %scatter3A_795 = arith.constant 0 : i32
        %scatter3A_796 = arith.constant 0 : i32
        %scatter3A_797 = tpu.memref_slice %arg8[%scatter3A_793, %scatter3A_794, %scatter3A_795, %scatter3A_796] : memref<4x8x8x129xf32, #tpu.memory_space<vmem>> -> memref<1x8x8x129xf32, #tpu.memory_space<vmem>>
        %scatter3A_798 = tpu.memref_squeeze %scatter3A_797 : memref<1x8x8x129xf32, #tpu.memory_space<vmem>> -> memref<8x8x129xf32, #tpu.memory_space<vmem>>
        tpu.vector_store_idx %scatter3A_798[%shift_right_arithmetic3A_20, %and3A_31, %add3A_774], %add3A_792 : memref<8x8x129xf32, #tpu.memory_space<vmem>>[vector<16xi32>, vector<16xi32>, vector<16xi32>], vector<16xf32>,
        %get3A_799 = arith.constant 1 : i32
        %get3A_800 = arith.index_cast %get3A_799 : i32 to index
        %get3A_801 = arith.index_cast %add3A_770 : i32 to index
        %get3A_802 = arith.constant 32 : index
        %get3A_803 = tpu.vector_load %arg7[%get3A_800, %get3A_801, %get3A_802] {strides = array<i32>} : memref<4x128x64xf32, #tpu.memory_space<vmem>>, vector<16xf32>,
        %add3A_804 = arith.addf %get3A_803, %get3A_256 : vector<16xf32>
        %scatter3A_805 = arith.constant 1 : i32
        %scatter3A_806 = arith.constant 0 : i32
        %scatter3A_807 = arith.constant 0 : i32
        %scatter3A_808 = arith.constant 0 : i32
        %scatter3A_809 = tpu.memref_slice %arg8[%scatter3A_805, %scatter3A_806, %scatter3A_807, %scatter3A_808] : memref<4x8x8x129xf32, #tpu.memory_space<vmem>> -> memref<1x8x8x129xf32, #tpu.memory_space<vmem>>
        %scatter3A_810 = tpu.memref_squeeze %scatter3A_809 : memref<1x8x8x129xf32, #tpu.memory_space<vmem>> -> memref<8x8x129xf32, #tpu.memory_space<vmem>>
        tpu.vector_store_idx %scatter3A_810[%shift_right_arithmetic3A_23, %and3A_34, %add3A_774], %add3A_804 : memref<8x8x129xf32, #tpu.memory_space<vmem>>[vector<16xi32>, vector<16xi32>, vector<16xi32>], vector<16xf32>,
        %get3A_811 = arith.constant 1 : i32
        %get3A_812 = arith.index_cast %get3A_811 : i32 to index
        %get3A_813 = arith.index_cast %add3A_770 : i32 to index
        %get3A_814 = arith.constant 48 : index
        %get3A_815 = tpu.vector_load %arg7[%get3A_812, %get3A_813, %get3A_814] {strides = array<i32>} : memref<4x128x64xf32, #tpu.memory_space<vmem>>, vector<16xf32>,
        %add3A_816 = arith.addf %get3A_815, %get3A_259 : vector<16xf32>
        %scatter3A_817 = arith.constant 1 : i32
        %scatter3A_818 = arith.constant 0 : i32
        %scatter3A_819 = arith.constant 0 : i32
        %scatter3A_820 = arith.constant 0 : i32
        %scatter3A_821 = tpu.memref_slice %arg8[%scatter3A_817, %scatter3A_818, %scatter3A_819, %scatter3A_820] : memref<4x8x8x129xf32, #tpu.memory_space<vmem>> -> memref<1x8x8x129xf32, #tpu.memory_space<vmem>>
        %scatter3A_822 = tpu.memref_squeeze %scatter3A_821 : memref<1x8x8x129xf32, #tpu.memory_space<vmem>> -> memref<8x8x129xf32, #tpu.memory_space<vmem>>
        tpu.vector_store_idx %scatter3A_822[%shift_right_arithmetic3A_26, %and3A_37, %add3A_774], %add3A_816 : memref<8x8x129xf32, #tpu.memory_space<vmem>>[vector<16xi32>, vector<16xi32>, vector<16xi32>], vector<16xf32>,
        %mul3A_823 = arith.constant 16 : i32
        %mul3A_824 = arith.muli %scan3A_432, %mul3A_823 : i32
        %add3A_825 = arith.constant 7 : i32
        %add3A_826 = arith.addi %mul3A_824, %add3A_825 : i32
        %broadcast_in_dim3A_827 = arith.constant 0 : i32
        %broadcast_in_dim3A_828 = vector.broadcast %broadcast_in_dim3A_827 : i32 to vector<16xi32>
        %add3A_829 = vector.broadcast %add3A_826 : i32 to vector<16xi32>
        %add3A_830 = arith.addi %broadcast_in_dim3A_828, %add3A_829 : vector<16xi32>
        %get3A_831 = arith.constant 1 : i32
        %get3A_832 = arith.index_cast %get3A_831 : i32 to index
        %get3A_833 = arith.index_cast %add3A_826 : i32 to index
        %get3A_834 = arith.constant 0 : index
        %get3A_835 = tpu.vector_load %arg7[%get3A_832, %get3A_833, %get3A_834] {strides = array<i32>} : memref<4x128x64xf32, #tpu.memory_space<vmem>>, vector<16xf32>,
        %add3A_836 = arith.addf %get3A_835, %get3A_250 : vector<16xf32>
        %scatter3A_837 = arith.constant 1 : i32
        %scatter3A_838 = arith.constant 0 : i32
        %scatter3A_839 = arith.constant 0 : i32
        %scatter3A_840 = arith.constant 0 : i32
        %scatter3A_841 = tpu.memref_slice %arg8[%scatter3A_837, %scatter3A_838, %scatter3A_839, %scatter3A_840] : memref<4x8x8x129xf32, #tpu.memory_space<vmem>> -> memref<1x8x8x129xf32, #tpu.memory_space<vmem>>
        %scatter3A_842 = tpu.memref_squeeze %scatter3A_841 : memref<1x8x8x129xf32, #tpu.memory_space<vmem>> -> memref<8x8x129xf32, #tpu.memory_space<vmem>>
        tpu.vector_store_idx %scatter3A_842[%shift_right_arithmetic3A_17, %and3A_28, %add3A_830], %add3A_836 : memref<8x8x129xf32, #tpu.memory_space<vmem>>[vector<16xi32>, vector<16xi32>, vector<16xi32>], vector<16xf32>,
        %get3A_843 = arith.constant 1 : i32
        %get3A_844 = arith.index_cast %get3A_843 : i32 to index
        %get3A_845 = arith.index_cast %add3A_826 : i32 to index
        %get3A_846 = arith.constant 16 : index
        %get3A_847 = tpu.vector_load %arg7[%get3A_844, %get3A_845, %get3A_846] {strides = array<i32>} : memref<4x128x64xf32, #tpu.memory_space<vmem>>, vector<16xf32>,
        %add3A_848 = arith.addf %get3A_847, %get3A_253 : vector<16xf32>
        %scatter3A_849 = arith.constant 1 : i32
        %scatter3A_850 = arith.constant 0 : i32
        %scatter3A_851 = arith.constant 0 : i32
        %scatter3A_852 = arith.constant 0 : i32
        %scatter3A_853 = tpu.memref_slice %arg8[%scatter3A_849, %scatter3A_850, %scatter3A_851, %scatter3A_852] : memref<4x8x8x129xf32, #tpu.memory_space<vmem>> -> memref<1x8x8x129xf32, #tpu.memory_space<vmem>>
        %scatter3A_854 = tpu.memref_squeeze %scatter3A_853 : memref<1x8x8x129xf32, #tpu.memory_space<vmem>> -> memref<8x8x129xf32, #tpu.memory_space<vmem>>
        tpu.vector_store_idx %scatter3A_854[%shift_right_arithmetic3A_20, %and3A_31, %add3A_830], %add3A_848 : memref<8x8x129xf32, #tpu.memory_space<vmem>>[vector<16xi32>, vector<16xi32>, vector<16xi32>], vector<16xf32>,
        %get3A_855 = arith.constant 1 : i32
        %get3A_856 = arith.index_cast %get3A_855 : i32 to index
        %get3A_857 = arith.index_cast %add3A_826 : i32 to index
        %get3A_858 = arith.constant 32 : index
        %get3A_859 = tpu.vector_load %arg7[%get3A_856, %get3A_857, %get3A_858] {strides = array<i32>} : memref<4x128x64xf32, #tpu.memory_space<vmem>>, vector<16xf32>,
        %add3A_860 = arith.addf %get3A_859, %get3A_256 : vector<16xf32>
        %scatter3A_861 = arith.constant 1 : i32
        %scatter3A_862 = arith.constant 0 : i32
        %scatter3A_863 = arith.constant 0 : i32
        %scatter3A_864 = arith.constant 0 : i32
        %scatter3A_865 = tpu.memref_slice %arg8[%scatter3A_861, %scatter3A_862, %scatter3A_863, %scatter3A_864] : memref<4x8x8x129xf32, #tpu.memory_space<vmem>> -> memref<1x8x8x129xf32, #tpu.memory_space<vmem>>
        %scatter3A_866 = tpu.memref_squeeze %scatter3A_865 : memref<1x8x8x129xf32, #tpu.memory_space<vmem>> -> memref<8x8x129xf32, #tpu.memory_space<vmem>>
        tpu.vector_store_idx %scatter3A_866[%shift_right_arithmetic3A_23, %and3A_34, %add3A_830], %add3A_860 : memref<8x8x129xf32, #tpu.memory_space<vmem>>[vector<16xi32>, vector<16xi32>, vector<16xi32>], vector<16xf32>,
        %get3A_867 = arith.constant 1 : i32
        %get3A_868 = arith.index_cast %get3A_867 : i32 to index
        %get3A_869 = arith.index_cast %add3A_826 : i32 to index
        %get3A_870 = arith.constant 48 : index
        %get3A_871 = tpu.vector_load %arg7[%get3A_868, %get3A_869, %get3A_870] {strides = array<i32>} : memref<4x128x64xf32, #tpu.memory_space<vmem>>, vector<16xf32>,
        %add3A_872 = arith.addf %get3A_871, %get3A_259 : vector<16xf32>
        %scatter3A_873 = arith.constant 1 : i32
        %scatter3A_874 = arith.constant 0 : i32
        %scatter3A_875 = arith.constant 0 : i32
        %scatter3A_876 = arith.constant 0 : i32
        %scatter3A_877 = tpu.memref_slice %arg8[%scatter3A_873, %scatter3A_874, %scatter3A_875, %scatter3A_876] : memref<4x8x8x129xf32, #tpu.memory_space<vmem>> -> memref<1x8x8x129xf32, #tpu.memory_space<vmem>>
        %scatter3A_878 = tpu.memref_squeeze %scatter3A_877 : memref<1x8x8x129xf32, #tpu.memory_space<vmem>> -> memref<8x8x129xf32, #tpu.memory_space<vmem>>
        tpu.vector_store_idx %scatter3A_878[%shift_right_arithmetic3A_26, %and3A_37, %add3A_830], %add3A_872 : memref<8x8x129xf32, #tpu.memory_space<vmem>>[vector<16xi32>, vector<16xi32>, vector<16xi32>], vector<16xf32>,
        %mul3A_879 = arith.constant 16 : i32
        %mul3A_880 = arith.muli %scan3A_432, %mul3A_879 : i32
        %add3A_881 = arith.constant 8 : i32
        %add3A_882 = arith.addi %mul3A_880, %add3A_881 : i32
        %broadcast_in_dim3A_883 = arith.constant 0 : i32
        %broadcast_in_dim3A_884 = vector.broadcast %broadcast_in_dim3A_883 : i32 to vector<16xi32>
        %add3A_885 = vector.broadcast %add3A_882 : i32 to vector<16xi32>
        %add3A_886 = arith.addi %broadcast_in_dim3A_884, %add3A_885 : vector<16xi32>
        %get3A_887 = arith.constant 1 : i32
        %get3A_888 = arith.index_cast %get3A_887 : i32 to index
        %get3A_889 = arith.index_cast %add3A_882 : i32 to index
        %get3A_890 = arith.constant 0 : index
        %get3A_891 = tpu.vector_load %arg7[%get3A_888, %get3A_889, %get3A_890] {strides = array<i32>} : memref<4x128x64xf32, #tpu.memory_space<vmem>>, vector<16xf32>,
        %add3A_892 = arith.addf %get3A_891, %get3A_250 : vector<16xf32>
        %scatter3A_893 = arith.constant 1 : i32
        %scatter3A_894 = arith.constant 0 : i32
        %scatter3A_895 = arith.constant 0 : i32
        %scatter3A_896 = arith.constant 0 : i32
        %scatter3A_897 = tpu.memref_slice %arg8[%scatter3A_893, %scatter3A_894, %scatter3A_895, %scatter3A_896] : memref<4x8x8x129xf32, #tpu.memory_space<vmem>> -> memref<1x8x8x129xf32, #tpu.memory_space<vmem>>
        %scatter3A_898 = tpu.memref_squeeze %scatter3A_897 : memref<1x8x8x129xf32, #tpu.memory_space<vmem>> -> memref<8x8x129xf32, #tpu.memory_space<vmem>>
        tpu.vector_store_idx %scatter3A_898[%shift_right_arithmetic3A_17, %and3A_28, %add3A_886], %add3A_892 : memref<8x8x129xf32, #tpu.memory_space<vmem>>[vector<16xi32>, vector<16xi32>, vector<16xi32>], vector<16xf32>,
        %get3A_899 = arith.constant 1 : i32
        %get3A_900 = arith.index_cast %get3A_899 : i32 to index
        %get3A_901 = arith.index_cast %add3A_882 : i32 to index
        %get3A_902 = arith.constant 16 : index
        %get3A_903 = tpu.vector_load %arg7[%get3A_900, %get3A_901, %get3A_902] {strides = array<i32>} : memref<4x128x64xf32, #tpu.memory_space<vmem>>, vector<16xf32>,
        %add3A_904 = arith.addf %get3A_903, %get3A_253 : vector<16xf32>
        %scatter3A_905 = arith.constant 1 : i32
        %scatter3A_906 = arith.constant 0 : i32
        %scatter3A_907 = arith.constant 0 : i32
        %scatter3A_908 = arith.constant 0 : i32
        %scatter3A_909 = tpu.memref_slice %arg8[%scatter3A_905, %scatter3A_906, %scatter3A_907, %scatter3A_908] : memref<4x8x8x129xf32, #tpu.memory_space<vmem>> -> memref<1x8x8x129xf32, #tpu.memory_space<vmem>>
        %scatter3A_910 = tpu.memref_squeeze %scatter3A_909 : memref<1x8x8x129xf32, #tpu.memory_space<vmem>> -> memref<8x8x129xf32, #tpu.memory_space<vmem>>
        tpu.vector_store_idx %scatter3A_910[%shift_right_arithmetic3A_20, %and3A_31, %add3A_886], %add3A_904 : memref<8x8x129xf32, #tpu.memory_space<vmem>>[vector<16xi32>, vector<16xi32>, vector<16xi32>], vector<16xf32>,
        %get3A_911 = arith.constant 1 : i32
        %get3A_912 = arith.index_cast %get3A_911 : i32 to index
        %get3A_913 = arith.index_cast %add3A_882 : i32 to index
        %get3A_914 = arith.constant 32 : index
        %get3A_915 = tpu.vector_load %arg7[%get3A_912, %get3A_913, %get3A_914] {strides = array<i32>} : memref<4x128x64xf32, #tpu.memory_space<vmem>>, vector<16xf32>,
        %add3A_916 = arith.addf %get3A_915, %get3A_256 : vector<16xf32>
        %scatter3A_917 = arith.constant 1 : i32
        %scatter3A_918 = arith.constant 0 : i32
        %scatter3A_919 = arith.constant 0 : i32
        %scatter3A_920 = arith.constant 0 : i32
        %scatter3A_921 = tpu.memref_slice %arg8[%scatter3A_917, %scatter3A_918, %scatter3A_919, %scatter3A_920] : memref<4x8x8x129xf32, #tpu.memory_space<vmem>> -> memref<1x8x8x129xf32, #tpu.memory_space<vmem>>
        %scatter3A_922 = tpu.memref_squeeze %scatter3A_921 : memref<1x8x8x129xf32, #tpu.memory_space<vmem>> -> memref<8x8x129xf32, #tpu.memory_space<vmem>>
        tpu.vector_store_idx %scatter3A_922[%shift_right_arithmetic3A_23, %and3A_34, %add3A_886], %add3A_916 : memref<8x8x129xf32, #tpu.memory_space<vmem>>[vector<16xi32>, vector<16xi32>, vector<16xi32>], vector<16xf32>,
        %get3A_923 = arith.constant 1 : i32
        %get3A_924 = arith.index_cast %get3A_923 : i32 to index
        %get3A_925 = arith.index_cast %add3A_882 : i32 to index
        %get3A_926 = arith.constant 48 : index
        %get3A_927 = tpu.vector_load %arg7[%get3A_924, %get3A_925, %get3A_926] {strides = array<i32>} : memref<4x128x64xf32, #tpu.memory_space<vmem>>, vector<16xf32>,
        %add3A_928 = arith.addf %get3A_927, %get3A_259 : vector<16xf32>
        %scatter3A_929 = arith.constant 1 : i32
        %scatter3A_930 = arith.constant 0 : i32
        %scatter3A_931 = arith.constant 0 : i32
        %scatter3A_932 = arith.constant 0 : i32
        %scatter3A_933 = tpu.memref_slice %arg8[%scatter3A_929, %scatter3A_930, %scatter3A_931, %scatter3A_932] : memref<4x8x8x129xf32, #tpu.memory_space<vmem>> -> memref<1x8x8x129xf32, #tpu.memory_space<vmem>>
        %scatter3A_934 = tpu.memref_squeeze %scatter3A_933 : memref<1x8x8x129xf32, #tpu.memory_space<vmem>> -> memref<8x8x129xf32, #tpu.memory_space<vmem>>
        tpu.vector_store_idx %scatter3A_934[%shift_right_arithmetic3A_26, %and3A_37, %add3A_886], %add3A_928 : memref<8x8x129xf32, #tpu.memory_space<vmem>>[vector<16xi32>, vector<16xi32>, vector<16xi32>], vector<16xf32>,
        %mul3A_935 = arith.constant 16 : i32
        %mul3A_936 = arith.muli %scan3A_432, %mul3A_935 : i32
        %add3A_937 = arith.constant 9 : i32
        %add3A_938 = arith.addi %mul3A_936, %add3A_937 : i32
        %broadcast_in_dim3A_939 = arith.constant 0 : i32
        %broadcast_in_dim3A_940 = vector.broadcast %broadcast_in_dim3A_939 : i32 to vector<16xi32>
        %add3A_941 = vector.broadcast %add3A_938 : i32 to vector<16xi32>
        %add3A_942 = arith.addi %broadcast_in_dim3A_940, %add3A_941 : vector<16xi32>
        %get3A_943 = arith.constant 1 : i32
        %get3A_944 = arith.index_cast %get3A_943 : i32 to index
        %get3A_945 = arith.index_cast %add3A_938 : i32 to index
        %get3A_946 = arith.constant 0 : index
        %get3A_947 = tpu.vector_load %arg7[%get3A_944, %get3A_945, %get3A_946] {strides = array<i32>} : memref<4x128x64xf32, #tpu.memory_space<vmem>>, vector<16xf32>,
        %add3A_948 = arith.addf %get3A_947, %get3A_250 : vector<16xf32>
        %scatter3A_949 = arith.constant 1 : i32
        %scatter3A_950 = arith.constant 0 : i32
        %scatter3A_951 = arith.constant 0 : i32
        %scatter3A_952 = arith.constant 0 : i32
        %scatter3A_953 = tpu.memref_slice %arg8[%scatter3A_949, %scatter3A_950, %scatter3A_951, %scatter3A_952] : memref<4x8x8x129xf32, #tpu.memory_space<vmem>> -> memref<1x8x8x129xf32, #tpu.memory_space<vmem>>
        %scatter3A_954 = tpu.memref_squeeze %scatter3A_953 : memref<1x8x8x129xf32, #tpu.memory_space<vmem>> -> memref<8x8x129xf32, #tpu.memory_space<vmem>>
        tpu.vector_store_idx %scatter3A_954[%shift_right_arithmetic3A_17, %and3A_28, %add3A_942], %add3A_948 : memref<8x8x129xf32, #tpu.memory_space<vmem>>[vector<16xi32>, vector<16xi32>, vector<16xi32>], vector<16xf32>,
        %get3A_955 = arith.constant 1 : i32
        %get3A_956 = arith.index_cast %get3A_955 : i32 to index
        %get3A_957 = arith.index_cast %add3A_938 : i32 to index
        %get3A_958 = arith.constant 16 : index
        %get3A_959 = tpu.vector_load %arg7[%get3A_956, %get3A_957, %get3A_958] {strides = array<i32>} : memref<4x128x64xf32, #tpu.memory_space<vmem>>, vector<16xf32>,
        %add3A_960 = arith.addf %get3A_959, %get3A_253 : vector<16xf32>
        %scatter3A_961 = arith.constant 1 : i32
        %scatter3A_962 = arith.constant 0 : i32
        %scatter3A_963 = arith.constant 0 : i32
        %scatter3A_964 = arith.constant 0 : i32
        %scatter3A_965 = tpu.memref_slice %arg8[%scatter3A_961, %scatter3A_962, %scatter3A_963, %scatter3A_964] : memref<4x8x8x129xf32, #tpu.memory_space<vmem>> -> memref<1x8x8x129xf32, #tpu.memory_space<vmem>>
        %scatter3A_966 = tpu.memref_squeeze %scatter3A_965 : memref<1x8x8x129xf32, #tpu.memory_space<vmem>> -> memref<8x8x129xf32, #tpu.memory_space<vmem>>
        tpu.vector_store_idx %scatter3A_966[%shift_right_arithmetic3A_20, %and3A_31, %add3A_942], %add3A_960 : memref<8x8x129xf32, #tpu.memory_space<vmem>>[vector<16xi32>, vector<16xi32>, vector<16xi32>], vector<16xf32>,
        %get3A_967 = arith.constant 1 : i32
        %get3A_968 = arith.index_cast %get3A_967 : i32 to index
        %get3A_969 = arith.index_cast %add3A_938 : i32 to index
        %get3A_970 = arith.constant 32 : index
        %get3A_971 = tpu.vector_load %arg7[%get3A_968, %get3A_969, %get3A_970] {strides = array<i32>} : memref<4x128x64xf32, #tpu.memory_space<vmem>>, vector<16xf32>,
        %add3A_972 = arith.addf %get3A_971, %get3A_256 : vector<16xf32>
        %scatter3A_973 = arith.constant 1 : i32
        %scatter3A_974 = arith.constant 0 : i32
        %scatter3A_975 = arith.constant 0 : i32
        %scatter3A_976 = arith.constant 0 : i32
        %scatter3A_977 = tpu.memref_slice %arg8[%scatter3A_973, %scatter3A_974, %scatter3A_975, %scatter3A_976] : memref<4x8x8x129xf32, #tpu.memory_space<vmem>> -> memref<1x8x8x129xf32, #tpu.memory_space<vmem>>
        %scatter3A_978 = tpu.memref_squeeze %scatter3A_977 : memref<1x8x8x129xf32, #tpu.memory_space<vmem>> -> memref<8x8x129xf32, #tpu.memory_space<vmem>>
        tpu.vector_store_idx %scatter3A_978[%shift_right_arithmetic3A_23, %and3A_34, %add3A_942], %add3A_972 : memref<8x8x129xf32, #tpu.memory_space<vmem>>[vector<16xi32>, vector<16xi32>, vector<16xi32>], vector<16xf32>,
        %get3A_979 = arith.constant 1 : i32
        %get3A_980 = arith.index_cast %get3A_979 : i32 to index
        %get3A_981 = arith.index_cast %add3A_938 : i32 to index
        %get3A_982 = arith.constant 48 : index
        %get3A_983 = tpu.vector_load %arg7[%get3A_980, %get3A_981, %get3A_982] {strides = array<i32>} : memref<4x128x64xf32, #tpu.memory_space<vmem>>, vector<16xf32>,
        %add3A_984 = arith.addf %get3A_983, %get3A_259 : vector<16xf32>
        %scatter3A_985 = arith.constant 1 : i32
        %scatter3A_986 = arith.constant 0 : i32
        %scatter3A_987 = arith.constant 0 : i32
        %scatter3A_988 = arith.constant 0 : i32
        %scatter3A_989 = tpu.memref_slice %arg8[%scatter3A_985, %scatter3A_986, %scatter3A_987, %scatter3A_988] : memref<4x8x8x129xf32, #tpu.memory_space<vmem>> -> memref<1x8x8x129xf32, #tpu.memory_space<vmem>>
        %scatter3A_990 = tpu.memref_squeeze %scatter3A_989 : memref<1x8x8x129xf32, #tpu.memory_space<vmem>> -> memref<8x8x129xf32, #tpu.memory_space<vmem>>
        tpu.vector_store_idx %scatter3A_990[%shift_right_arithmetic3A_26, %and3A_37, %add3A_942], %add3A_984 : memref<8x8x129xf32, #tpu.memory_space<vmem>>[vector<16xi32>, vector<16xi32>, vector<16xi32>], vector<16xf32>,
        %mul3A_991 = arith.constant 16 : i32
        %mul3A_992 = arith.muli %scan3A_432, %mul3A_991 : i32
        %add3A_993 = arith.constant 10 : i32
        %add3A_994 = arith.addi %mul3A_992, %add3A_993 : i32
        %broadcast_in_dim3A_995 = arith.constant 0 : i32
        %broadcast_in_dim3A_996 = vector.broadcast %broadcast_in_dim3A_995 : i32 to vector<16xi32>
        %add3A_997 = vector.broadcast %add3A_994 : i32 to vector<16xi32>
        %add3A_998 = arith.addi %broadcast_in_dim3A_996, %add3A_997 : vector<16xi32>
        %get3A_999 = arith.constant 1 : i32
        %get3A_1000 = arith.index_cast %get3A_999 : i32 to index
        %get3A_1001 = arith.index_cast %add3A_994 : i32 to index
        %get3A_1002 = arith.constant 0 : index
        %get3A_1003 = tpu.vector_load %arg7[%get3A_1000, %get3A_1001, %get3A_1002] {strides = array<i32>} : memref<4x128x64xf32, #tpu.memory_space<vmem>>, vector<16xf32>,
        %add3A_1004 = arith.addf %get3A_1003, %get3A_250 : vector<16xf32>
        %scatter3A_1005 = arith.constant 1 : i32
        %scatter3A_1006 = arith.constant 0 : i32
        %scatter3A_1007 = arith.constant 0 : i32
        %scatter3A_1008 = arith.constant 0 : i32
        %scatter3A_1009 = tpu.memref_slice %arg8[%scatter3A_1005, %scatter3A_1006, %scatter3A_1007, %scatter3A_1008] : memref<4x8x8x129xf32, #tpu.memory_space<vmem>> -> memref<1x8x8x129xf32, #tpu.memory_space<vmem>>
        %scatter3A_1010 = tpu.memref_squeeze %scatter3A_1009 : memref<1x8x8x129xf32, #tpu.memory_space<vmem>> -> memref<8x8x129xf32, #tpu.memory_space<vmem>>
        tpu.vector_store_idx %scatter3A_1010[%shift_right_arithmetic3A_17, %and3A_28, %add3A_998], %add3A_1004 : memref<8x8x129xf32, #tpu.memory_space<vmem>>[vector<16xi32>, vector<16xi32>, vector<16xi32>], vector<16xf32>,
        %get3A_1011 = arith.constant 1 : i32
        %get3A_1012 = arith.index_cast %get3A_1011 : i32 to index
        %get3A_1013 = arith.index_cast %add3A_994 : i32 to index
        %get3A_1014 = arith.constant 16 : index
        %get3A_1015 = tpu.vector_load %arg7[%get3A_1012, %get3A_1013, %get3A_1014] {strides = array<i32>} : memref<4x128x64xf32, #tpu.memory_space<vmem>>, vector<16xf32>,
        %add3A_1016 = arith.addf %get3A_1015, %get3A_253 : vector<16xf32>
        %scatter3A_1017 = arith.constant 1 : i32
        %scatter3A_1018 = arith.constant 0 : i32
        %scatter3A_1019 = arith.constant 0 : i32
        %scatter3A_1020 = arith.constant 0 : i32
        %scatter3A_1021 = tpu.memref_slice %arg8[%scatter3A_1017, %scatter3A_1018, %scatter3A_1019, %scatter3A_1020] : memref<4x8x8x129xf32, #tpu.memory_space<vmem>> -> memref<1x8x8x129xf32, #tpu.memory_space<vmem>>
        %scatter3A_1022 = tpu.memref_squeeze %scatter3A_1021 : memref<1x8x8x129xf32, #tpu.memory_space<vmem>> -> memref<8x8x129xf32, #tpu.memory_space<vmem>>
        tpu.vector_store_idx %scatter3A_1022[%shift_right_arithmetic3A_20, %and3A_31, %add3A_998], %add3A_1016 : memref<8x8x129xf32, #tpu.memory_space<vmem>>[vector<16xi32>, vector<16xi32>, vector<16xi32>], vector<16xf32>,
        %get3A_1023 = arith.constant 1 : i32
        %get3A_1024 = arith.index_cast %get3A_1023 : i32 to index
        %get3A_1025 = arith.index_cast %add3A_994 : i32 to index
        %get3A_1026 = arith.constant 32 : index
        %get3A_1027 = tpu.vector_load %arg7[%get3A_1024, %get3A_1025, %get3A_1026] {strides = array<i32>} : memref<4x128x64xf32, #tpu.memory_space<vmem>>, vector<16xf32>,
        %add3A_1028 = arith.addf %get3A_1027, %get3A_256 : vector<16xf32>
        %scatter3A_1029 = arith.constant 1 : i32
        %scatter3A_1030 = arith.constant 0 : i32
        %scatter3A_1031 = arith.constant 0 : i32
        %scatter3A_1032 = arith.constant 0 : i32
        %scatter3A_1033 = tpu.memref_slice %arg8[%scatter3A_1029, %scatter3A_1030, %scatter3A_1031, %scatter3A_1032] : memref<4x8x8x129xf32, #tpu.memory_space<vmem>> -> memref<1x8x8x129xf32, #tpu.memory_space<vmem>>
        %scatter3A_1034 = tpu.memref_squeeze %scatter3A_1033 : memref<1x8x8x129xf32, #tpu.memory_space<vmem>> -> memref<8x8x129xf32, #tpu.memory_space<vmem>>
        tpu.vector_store_idx %scatter3A_1034[%shift_right_arithmetic3A_23, %and3A_34, %add3A_998], %add3A_1028 : memref<8x8x129xf32, #tpu.memory_space<vmem>>[vector<16xi32>, vector<16xi32>, vector<16xi32>], vector<16xf32>,
        %get3A_1035 = arith.constant 1 : i32
        %get3A_1036 = arith.index_cast %get3A_1035 : i32 to index
        %get3A_1037 = arith.index_cast %add3A_994 : i32 to index
        %get3A_1038 = arith.constant 48 : index
        %get3A_1039 = tpu.vector_load %arg7[%get3A_1036, %get3A_1037, %get3A_1038] {strides = array<i32>} : memref<4x128x64xf32, #tpu.memory_space<vmem>>, vector<16xf32>,
        %add3A_1040 = arith.addf %get3A_1039, %get3A_259 : vector<16xf32>
        %scatter3A_1041 = arith.constant 1 : i32
        %scatter3A_1042 = arith.constant 0 : i32
        %scatter3A_1043 = arith.constant 0 : i32
        %scatter3A_1044 = arith.constant 0 : i32
        %scatter3A_1045 = tpu.memref_slice %arg8[%scatter3A_1041, %scatter3A_1042, %scatter3A_1043, %scatter3A_1044] : memref<4x8x8x129xf32, #tpu.memory_space<vmem>> -> memref<1x8x8x129xf32, #tpu.memory_space<vmem>>
        %scatter3A_1046 = tpu.memref_squeeze %scatter3A_1045 : memref<1x8x8x129xf32, #tpu.memory_space<vmem>> -> memref<8x8x129xf32, #tpu.memory_space<vmem>>
        tpu.vector_store_idx %scatter3A_1046[%shift_right_arithmetic3A_26, %and3A_37, %add3A_998], %add3A_1040 : memref<8x8x129xf32, #tpu.memory_space<vmem>>[vector<16xi32>, vector<16xi32>, vector<16xi32>], vector<16xf32>,
        %mul3A_1047 = arith.constant 16 : i32
        %mul3A_1048 = arith.muli %scan3A_432, %mul3A_1047 : i32
        %add3A_1049 = arith.constant 11 : i32
        %add3A_1050 = arith.addi %mul3A_1048, %add3A_1049 : i32
        %broadcast_in_dim3A_1051 = arith.constant 0 : i32
        %broadcast_in_dim3A_1052 = vector.broadcast %broadcast_in_dim3A_1051 : i32 to vector<16xi32>
        %add3A_1053 = vector.broadcast %add3A_1050 : i32 to vector<16xi32>
        %add3A_1054 = arith.addi %broadcast_in_dim3A_1052, %add3A_1053 : vector<16xi32>
        %get3A_1055 = arith.constant 1 : i32
        %get3A_1056 = arith.index_cast %get3A_1055 : i32 to index
        %get3A_1057 = arith.index_cast %add3A_1050 : i32 to index
        %get3A_1058 = arith.constant 0 : index
        %get3A_1059 = tpu.vector_load %arg7[%get3A_1056, %get3A_1057, %get3A_1058] {strides = array<i32>} : memref<4x128x64xf32, #tpu.memory_space<vmem>>, vector<16xf32>,
        %add3A_1060 = arith.addf %get3A_1059, %get3A_250 : vector<16xf32>
        %scatter3A_1061 = arith.constant 1 : i32
        %scatter3A_1062 = arith.constant 0 : i32
        %scatter3A_1063 = arith.constant 0 : i32
        %scatter3A_1064 = arith.constant 0 : i32
        %scatter3A_1065 = tpu.memref_slice %arg8[%scatter3A_1061, %scatter3A_1062, %scatter3A_1063, %scatter3A_1064] : memref<4x8x8x129xf32, #tpu.memory_space<vmem>> -> memref<1x8x8x129xf32, #tpu.memory_space<vmem>>
        %scatter3A_1066 = tpu.memref_squeeze %scatter3A_1065 : memref<1x8x8x129xf32, #tpu.memory_space<vmem>> -> memref<8x8x129xf32, #tpu.memory_space<vmem>>
        tpu.vector_store_idx %scatter3A_1066[%shift_right_arithmetic3A_17, %and3A_28, %add3A_1054], %add3A_1060 : memref<8x8x129xf32, #tpu.memory_space<vmem>>[vector<16xi32>, vector<16xi32>, vector<16xi32>], vector<16xf32>,
        %get3A_1067 = arith.constant 1 : i32
        %get3A_1068 = arith.index_cast %get3A_1067 : i32 to index
        %get3A_1069 = arith.index_cast %add3A_1050 : i32 to index
        %get3A_1070 = arith.constant 16 : index
        %get3A_1071 = tpu.vector_load %arg7[%get3A_1068, %get3A_1069, %get3A_1070] {strides = array<i32>} : memref<4x128x64xf32, #tpu.memory_space<vmem>>, vector<16xf32>,
        %add3A_1072 = arith.addf %get3A_1071, %get3A_253 : vector<16xf32>
        %scatter3A_1073 = arith.constant 1 : i32
        %scatter3A_1074 = arith.constant 0 : i32
        %scatter3A_1075 = arith.constant 0 : i32
        %scatter3A_1076 = arith.constant 0 : i32
        %scatter3A_1077 = tpu.memref_slice %arg8[%scatter3A_1073, %scatter3A_1074, %scatter3A_1075, %scatter3A_1076] : memref<4x8x8x129xf32, #tpu.memory_space<vmem>> -> memref<1x8x8x129xf32, #tpu.memory_space<vmem>>
        %scatter3A_1078 = tpu.memref_squeeze %scatter3A_1077 : memref<1x8x8x129xf32, #tpu.memory_space<vmem>> -> memref<8x8x129xf32, #tpu.memory_space<vmem>>
        tpu.vector_store_idx %scatter3A_1078[%shift_right_arithmetic3A_20, %and3A_31, %add3A_1054], %add3A_1072 : memref<8x8x129xf32, #tpu.memory_space<vmem>>[vector<16xi32>, vector<16xi32>, vector<16xi32>], vector<16xf32>,
        %get3A_1079 = arith.constant 1 : i32
        %get3A_1080 = arith.index_cast %get3A_1079 : i32 to index
        %get3A_1081 = arith.index_cast %add3A_1050 : i32 to index
        %get3A_1082 = arith.constant 32 : index
        %get3A_1083 = tpu.vector_load %arg7[%get3A_1080, %get3A_1081, %get3A_1082] {strides = array<i32>} : memref<4x128x64xf32, #tpu.memory_space<vmem>>, vector<16xf32>,
        %add3A_1084 = arith.addf %get3A_1083, %get3A_256 : vector<16xf32>
        %scatter3A_1085 = arith.constant 1 : i32
        %scatter3A_1086 = arith.constant 0 : i32
        %scatter3A_1087 = arith.constant 0 : i32
        %scatter3A_1088 = arith.constant 0 : i32
        %scatter3A_1089 = tpu.memref_slice %arg8[%scatter3A_1085, %scatter3A_1086, %scatter3A_1087, %scatter3A_1088] : memref<4x8x8x129xf32, #tpu.memory_space<vmem>> -> memref<1x8x8x129xf32, #tpu.memory_space<vmem>>
        %scatter3A_1090 = tpu.memref_squeeze %scatter3A_1089 : memref<1x8x8x129xf32, #tpu.memory_space<vmem>> -> memref<8x8x129xf32, #tpu.memory_space<vmem>>
        tpu.vector_store_idx %scatter3A_1090[%shift_right_arithmetic3A_23, %and3A_34, %add3A_1054], %add3A_1084 : memref<8x8x129xf32, #tpu.memory_space<vmem>>[vector<16xi32>, vector<16xi32>, vector<16xi32>], vector<16xf32>,
        %get3A_1091 = arith.constant 1 : i32
        %get3A_1092 = arith.index_cast %get3A_1091 : i32 to index
        %get3A_1093 = arith.index_cast %add3A_1050 : i32 to index
        %get3A_1094 = arith.constant 48 : index
        %get3A_1095 = tpu.vector_load %arg7[%get3A_1092, %get3A_1093, %get3A_1094] {strides = array<i32>} : memref<4x128x64xf32, #tpu.memory_space<vmem>>, vector<16xf32>,
        %add3A_1096 = arith.addf %get3A_1095, %get3A_259 : vector<16xf32>
        %scatter3A_1097 = arith.constant 1 : i32
        %scatter3A_1098 = arith.constant 0 : i32
        %scatter3A_1099 = arith.constant 0 : i32
        %scatter3A_1100 = arith.constant 0 : i32
        %scatter3A_1101 = tpu.memref_slice %arg8[%scatter3A_1097, %scatter3A_1098, %scatter3A_1099, %scatter3A_1100] : memref<4x8x8x129xf32, #tpu.memory_space<vmem>> -> memref<1x8x8x129xf32, #tpu.memory_space<vmem>>
        %scatter3A_1102 = tpu.memref_squeeze %scatter3A_1101 : memref<1x8x8x129xf32, #tpu.memory_space<vmem>> -> memref<8x8x129xf32, #tpu.memory_space<vmem>>
        tpu.vector_store_idx %scatter3A_1102[%shift_right_arithmetic3A_26, %and3A_37, %add3A_1054], %add3A_1096 : memref<8x8x129xf32, #tpu.memory_space<vmem>>[vector<16xi32>, vector<16xi32>, vector<16xi32>], vector<16xf32>,
        %mul3A_1103 = arith.constant 16 : i32
        %mul3A_1104 = arith.muli %scan3A_432, %mul3A_1103 : i32
        %add3A_1105 = arith.constant 12 : i32
        %add3A_1106 = arith.addi %mul3A_1104, %add3A_1105 : i32
        %broadcast_in_dim3A_1107 = arith.constant 0 : i32
        %broadcast_in_dim3A_1108 = vector.broadcast %broadcast_in_dim3A_1107 : i32 to vector<16xi32>
        %add3A_1109 = vector.broadcast %add3A_1106 : i32 to vector<16xi32>
        %add3A_1110 = arith.addi %broadcast_in_dim3A_1108, %add3A_1109 : vector<16xi32>
        %get3A_1111 = arith.constant 1 : i32
        %get3A_1112 = arith.index_cast %get3A_1111 : i32 to index
        %get3A_1113 = arith.index_cast %add3A_1106 : i32 to index
        %get3A_1114 = arith.constant 0 : index
        %get3A_1115 = tpu.vector_load %arg7[%get3A_1112, %get3A_1113, %get3A_1114] {strides = array<i32>} : memref<4x128x64xf32, #tpu.memory_space<vmem>>, vector<16xf32>,
        %add3A_1116 = arith.addf %get3A_1115, %get3A_250 : vector<16xf32>
        %scatter3A_1117 = arith.constant 1 : i32
        %scatter3A_1118 = arith.constant 0 : i32
        %scatter3A_1119 = arith.constant 0 : i32
        %scatter3A_1120 = arith.constant 0 : i32
        %scatter3A_1121 = tpu.memref_slice %arg8[%scatter3A_1117, %scatter3A_1118, %scatter3A_1119, %scatter3A_1120] : memref<4x8x8x129xf32, #tpu.memory_space<vmem>> -> memref<1x8x8x129xf32, #tpu.memory_space<vmem>>
        %scatter3A_1122 = tpu.memref_squeeze %scatter3A_1121 : memref<1x8x8x129xf32, #tpu.memory_space<vmem>> -> memref<8x8x129xf32, #tpu.memory_space<vmem>>
        tpu.vector_store_idx %scatter3A_1122[%shift_right_arithmetic3A_17, %and3A_28, %add3A_1110], %add3A_1116 : memref<8x8x129xf32, #tpu.memory_space<vmem>>[vector<16xi32>, vector<16xi32>, vector<16xi32>], vector<16xf32>,
        %get3A_1123 = arith.constant 1 : i32
        %get3A_1124 = arith.index_cast %get3A_1123 : i32 to index
        %get3A_1125 = arith.index_cast %add3A_1106 : i32 to index
        %get3A_1126 = arith.constant 16 : index
        %get3A_1127 = tpu.vector_load %arg7[%get3A_1124, %get3A_1125, %get3A_1126] {strides = array<i32>} : memref<4x128x64xf32, #tpu.memory_space<vmem>>, vector<16xf32>,
        %add3A_1128 = arith.addf %get3A_1127, %get3A_253 : vector<16xf32>
        %scatter3A_1129 = arith.constant 1 : i32
        %scatter3A_1130 = arith.constant 0 : i32
        %scatter3A_1131 = arith.constant 0 : i32
        %scatter3A_1132 = arith.constant 0 : i32
        %scatter3A_1133 = tpu.memref_slice %arg8[%scatter3A_1129, %scatter3A_1130, %scatter3A_1131, %scatter3A_1132] : memref<4x8x8x129xf32, #tpu.memory_space<vmem>> -> memref<1x8x8x129xf32, #tpu.memory_space<vmem>>
        %scatter3A_1134 = tpu.memref_squeeze %scatter3A_1133 : memref<1x8x8x129xf32, #tpu.memory_space<vmem>> -> memref<8x8x129xf32, #tpu.memory_space<vmem>>
        tpu.vector_store_idx %scatter3A_1134[%shift_right_arithmetic3A_20, %and3A_31, %add3A_1110], %add3A_1128 : memref<8x8x129xf32, #tpu.memory_space<vmem>>[vector<16xi32>, vector<16xi32>, vector<16xi32>], vector<16xf32>,
        %get3A_1135 = arith.constant 1 : i32
        %get3A_1136 = arith.index_cast %get3A_1135 : i32 to index
        %get3A_1137 = arith.index_cast %add3A_1106 : i32 to index
        %get3A_1138 = arith.constant 32 : index
        %get3A_1139 = tpu.vector_load %arg7[%get3A_1136, %get3A_1137, %get3A_1138] {strides = array<i32>} : memref<4x128x64xf32, #tpu.memory_space<vmem>>, vector<16xf32>,
        %add3A_1140 = arith.addf %get3A_1139, %get3A_256 : vector<16xf32>
        %scatter3A_1141 = arith.constant 1 : i32
        %scatter3A_1142 = arith.constant 0 : i32
        %scatter3A_1143 = arith.constant 0 : i32
        %scatter3A_1144 = arith.constant 0 : i32
        %scatter3A_1145 = tpu.memref_slice %arg8[%scatter3A_1141, %scatter3A_1142, %scatter3A_1143, %scatter3A_1144] : memref<4x8x8x129xf32, #tpu.memory_space<vmem>> -> memref<1x8x8x129xf32, #tpu.memory_space<vmem>>
        %scatter3A_1146 = tpu.memref_squeeze %scatter3A_1145 : memref<1x8x8x129xf32, #tpu.memory_space<vmem>> -> memref<8x8x129xf32, #tpu.memory_space<vmem>>
        tpu.vector_store_idx %scatter3A_1146[%shift_right_arithmetic3A_23, %and3A_34, %add3A_1110], %add3A_1140 : memref<8x8x129xf32, #tpu.memory_space<vmem>>[vector<16xi32>, vector<16xi32>, vector<16xi32>], vector<16xf32>,
        %get3A_1147 = arith.constant 1 : i32
        %get3A_1148 = arith.index_cast %get3A_1147 : i32 to index
        %get3A_1149 = arith.index_cast %add3A_1106 : i32 to index
        %get3A_1150 = arith.constant 48 : index
        %get3A_1151 = tpu.vector_load %arg7[%get3A_1148, %get3A_1149, %get3A_1150] {strides = array<i32>} : memref<4x128x64xf32, #tpu.memory_space<vmem>>, vector<16xf32>,
        %add3A_1152 = arith.addf %get3A_1151, %get3A_259 : vector<16xf32>
        %scatter3A_1153 = arith.constant 1 : i32
        %scatter3A_1154 = arith.constant 0 : i32
        %scatter3A_1155 = arith.constant 0 : i32
        %scatter3A_1156 = arith.constant 0 : i32
        %scatter3A_1157 = tpu.memref_slice %arg8[%scatter3A_1153, %scatter3A_1154, %scatter3A_1155, %scatter3A_1156] : memref<4x8x8x129xf32, #tpu.memory_space<vmem>> -> memref<1x8x8x129xf32, #tpu.memory_space<vmem>>
        %scatter3A_1158 = tpu.memref_squeeze %scatter3A_1157 : memref<1x8x8x129xf32, #tpu.memory_space<vmem>> -> memref<8x8x129xf32, #tpu.memory_space<vmem>>
        tpu.vector_store_idx %scatter3A_1158[%shift_right_arithmetic3A_26, %and3A_37, %add3A_1110], %add3A_1152 : memref<8x8x129xf32, #tpu.memory_space<vmem>>[vector<16xi32>, vector<16xi32>, vector<16xi32>], vector<16xf32>,
        %mul3A_1159 = arith.constant 16 : i32
        %mul3A_1160 = arith.muli %scan3A_432, %mul3A_1159 : i32
        %add3A_1161 = arith.constant 13 : i32
        %add3A_1162 = arith.addi %mul3A_1160, %add3A_1161 : i32
        %broadcast_in_dim3A_1163 = arith.constant 0 : i32
        %broadcast_in_dim3A_1164 = vector.broadcast %broadcast_in_dim3A_1163 : i32 to vector<16xi32>
        %add3A_1165 = vector.broadcast %add3A_1162 : i32 to vector<16xi32>
        %add3A_1166 = arith.addi %broadcast_in_dim3A_1164, %add3A_1165 : vector<16xi32>
        %get3A_1167 = arith.constant 1 : i32
        %get3A_1168 = arith.index_cast %get3A_1167 : i32 to index
        %get3A_1169 = arith.index_cast %add3A_1162 : i32 to index
        %get3A_1170 = arith.constant 0 : index
        %get3A_1171 = tpu.vector_load %arg7[%get3A_1168, %get3A_1169, %get3A_1170] {strides = array<i32>} : memref<4x128x64xf32, #tpu.memory_space<vmem>>, vector<16xf32>,
        %add3A_1172 = arith.addf %get3A_1171, %get3A_250 : vector<16xf32>
        %scatter3A_1173 = arith.constant 1 : i32
        %scatter3A_1174 = arith.constant 0 : i32
        %scatter3A_1175 = arith.constant 0 : i32
        %scatter3A_1176 = arith.constant 0 : i32
        %scatter3A_1177 = tpu.memref_slice %arg8[%scatter3A_1173, %scatter3A_1174, %scatter3A_1175, %scatter3A_1176] : memref<4x8x8x129xf32, #tpu.memory_space<vmem>> -> memref<1x8x8x129xf32, #tpu.memory_space<vmem>>
        %scatter3A_1178 = tpu.memref_squeeze %scatter3A_1177 : memref<1x8x8x129xf32, #tpu.memory_space<vmem>> -> memref<8x8x129xf32, #tpu.memory_space<vmem>>
        tpu.vector_store_idx %scatter3A_1178[%shift_right_arithmetic3A_17, %and3A_28, %add3A_1166], %add3A_1172 : memref<8x8x129xf32, #tpu.memory_space<vmem>>[vector<16xi32>, vector<16xi32>, vector<16xi32>], vector<16xf32>,
        %get3A_1179 = arith.constant 1 : i32
        %get3A_1180 = arith.index_cast %get3A_1179 : i32 to index
        %get3A_1181 = arith.index_cast %add3A_1162 : i32 to index
        %get3A_1182 = arith.constant 16 : index
        %get3A_1183 = tpu.vector_load %arg7[%get3A_1180, %get3A_1181, %get3A_1182] {strides = array<i32>} : memref<4x128x64xf32, #tpu.memory_space<vmem>>, vector<16xf32>,
        %add3A_1184 = arith.addf %get3A_1183, %get3A_253 : vector<16xf32>
        %scatter3A_1185 = arith.constant 1 : i32
        %scatter3A_1186 = arith.constant 0 : i32
        %scatter3A_1187 = arith.constant 0 : i32
        %scatter3A_1188 = arith.constant 0 : i32
        %scatter3A_1189 = tpu.memref_slice %arg8[%scatter3A_1185, %scatter3A_1186, %scatter3A_1187, %scatter3A_1188] : memref<4x8x8x129xf32, #tpu.memory_space<vmem>> -> memref<1x8x8x129xf32, #tpu.memory_space<vmem>>
        %scatter3A_1190 = tpu.memref_squeeze %scatter3A_1189 : memref<1x8x8x129xf32, #tpu.memory_space<vmem>> -> memref<8x8x129xf32, #tpu.memory_space<vmem>>
        tpu.vector_store_idx %scatter3A_1190[%shift_right_arithmetic3A_20, %and3A_31, %add3A_1166], %add3A_1184 : memref<8x8x129xf32, #tpu.memory_space<vmem>>[vector<16xi32>, vector<16xi32>, vector<16xi32>], vector<16xf32>,
        %get3A_1191 = arith.constant 1 : i32
        %get3A_1192 = arith.index_cast %get3A_1191 : i32 to index
        %get3A_1193 = arith.index_cast %add3A_1162 : i32 to index
        %get3A_1194 = arith.constant 32 : index
        %get3A_1195 = tpu.vector_load %arg7[%get3A_1192, %get3A_1193, %get3A_1194] {strides = array<i32>} : memref<4x128x64xf32, #tpu.memory_space<vmem>>, vector<16xf32>,
        %add3A_1196 = arith.addf %get3A_1195, %get3A_256 : vector<16xf32>
        %scatter3A_1197 = arith.constant 1 : i32
        %scatter3A_1198 = arith.constant 0 : i32
        %scatter3A_1199 = arith.constant 0 : i32
        %scatter3A_1200 = arith.constant 0 : i32
        %scatter3A_1201 = tpu.memref_slice %arg8[%scatter3A_1197, %scatter3A_1198, %scatter3A_1199, %scatter3A_1200] : memref<4x8x8x129xf32, #tpu.memory_space<vmem>> -> memref<1x8x8x129xf32, #tpu.memory_space<vmem>>
        %scatter3A_1202 = tpu.memref_squeeze %scatter3A_1201 : memref<1x8x8x129xf32, #tpu.memory_space<vmem>> -> memref<8x8x129xf32, #tpu.memory_space<vmem>>
        tpu.vector_store_idx %scatter3A_1202[%shift_right_arithmetic3A_23, %and3A_34, %add3A_1166], %add3A_1196 : memref<8x8x129xf32, #tpu.memory_space<vmem>>[vector<16xi32>, vector<16xi32>, vector<16xi32>], vector<16xf32>,
        %get3A_1203 = arith.constant 1 : i32
        %get3A_1204 = arith.index_cast %get3A_1203 : i32 to index
        %get3A_1205 = arith.index_cast %add3A_1162 : i32 to index
        %get3A_1206 = arith.constant 48 : index
        %get3A_1207 = tpu.vector_load %arg7[%get3A_1204, %get3A_1205, %get3A_1206] {strides = array<i32>} : memref<4x128x64xf32, #tpu.memory_space<vmem>>, vector<16xf32>,
        %add3A_1208 = arith.addf %get3A_1207, %get3A_259 : vector<16xf32>
        %scatter3A_1209 = arith.constant 1 : i32
        %scatter3A_1210 = arith.constant 0 : i32
        %scatter3A_1211 = arith.constant 0 : i32
        %scatter3A_1212 = arith.constant 0 : i32
        %scatter3A_1213 = tpu.memref_slice %arg8[%scatter3A_1209, %scatter3A_1210, %scatter3A_1211, %scatter3A_1212] : memref<4x8x8x129xf32, #tpu.memory_space<vmem>> -> memref<1x8x8x129xf32, #tpu.memory_space<vmem>>
        %scatter3A_1214 = tpu.memref_squeeze %scatter3A_1213 : memref<1x8x8x129xf32, #tpu.memory_space<vmem>> -> memref<8x8x129xf32, #tpu.memory_space<vmem>>
        tpu.vector_store_idx %scatter3A_1214[%shift_right_arithmetic3A_26, %and3A_37, %add3A_1166], %add3A_1208 : memref<8x8x129xf32, #tpu.memory_space<vmem>>[vector<16xi32>, vector<16xi32>, vector<16xi32>], vector<16xf32>,
        %mul3A_1215 = arith.constant 16 : i32
        %mul3A_1216 = arith.muli %scan3A_432, %mul3A_1215 : i32
        %add3A_1217 = arith.constant 14 : i32
        %add3A_1218 = arith.addi %mul3A_1216, %add3A_1217 : i32
        %broadcast_in_dim3A_1219 = arith.constant 0 : i32
        %broadcast_in_dim3A_1220 = vector.broadcast %broadcast_in_dim3A_1219 : i32 to vector<16xi32>
        %add3A_1221 = vector.broadcast %add3A_1218 : i32 to vector<16xi32>
        %add3A_1222 = arith.addi %broadcast_in_dim3A_1220, %add3A_1221 : vector<16xi32>
        %get3A_1223 = arith.constant 1 : i32
        %get3A_1224 = arith.index_cast %get3A_1223 : i32 to index
        %get3A_1225 = arith.index_cast %add3A_1218 : i32 to index
        %get3A_1226 = arith.constant 0 : index
        %get3A_1227 = tpu.vector_load %arg7[%get3A_1224, %get3A_1225, %get3A_1226] {strides = array<i32>} : memref<4x128x64xf32, #tpu.memory_space<vmem>>, vector<16xf32>,
        %add3A_1228 = arith.addf %get3A_1227, %get3A_250 : vector<16xf32>
        %scatter3A_1229 = arith.constant 1 : i32
        %scatter3A_1230 = arith.constant 0 : i32
        %scatter3A_1231 = arith.constant 0 : i32
        %scatter3A_1232 = arith.constant 0 : i32
        %scatter3A_1233 = tpu.memref_slice %arg8[%scatter3A_1229, %scatter3A_1230, %scatter3A_1231, %scatter3A_1232] : memref<4x8x8x129xf32, #tpu.memory_space<vmem>> -> memref<1x8x8x129xf32, #tpu.memory_space<vmem>>
        %scatter3A_1234 = tpu.memref_squeeze %scatter3A_1233 : memref<1x8x8x129xf32, #tpu.memory_space<vmem>> -> memref<8x8x129xf32, #tpu.memory_space<vmem>>
        tpu.vector_store_idx %scatter3A_1234[%shift_right_arithmetic3A_17, %and3A_28, %add3A_1222], %add3A_1228 : memref<8x8x129xf32, #tpu.memory_space<vmem>>[vector<16xi32>, vector<16xi32>, vector<16xi32>], vector<16xf32>,
        %get3A_1235 = arith.constant 1 : i32
        %get3A_1236 = arith.index_cast %get3A_1235 : i32 to index
        %get3A_1237 = arith.index_cast %add3A_1218 : i32 to index
        %get3A_1238 = arith.constant 16 : index
        %get3A_1239 = tpu.vector_load %arg7[%get3A_1236, %get3A_1237, %get3A_1238] {strides = array<i32>} : memref<4x128x64xf32, #tpu.memory_space<vmem>>, vector<16xf32>,
        %add3A_1240 = arith.addf %get3A_1239, %get3A_253 : vector<16xf32>
        %scatter3A_1241 = arith.constant 1 : i32
        %scatter3A_1242 = arith.constant 0 : i32
        %scatter3A_1243 = arith.constant 0 : i32
        %scatter3A_1244 = arith.constant 0 : i32
        %scatter3A_1245 = tpu.memref_slice %arg8[%scatter3A_1241, %scatter3A_1242, %scatter3A_1243, %scatter3A_1244] : memref<4x8x8x129xf32, #tpu.memory_space<vmem>> -> memref<1x8x8x129xf32, #tpu.memory_space<vmem>>
        %scatter3A_1246 = tpu.memref_squeeze %scatter3A_1245 : memref<1x8x8x129xf32, #tpu.memory_space<vmem>> -> memref<8x8x129xf32, #tpu.memory_space<vmem>>
        tpu.vector_store_idx %scatter3A_1246[%shift_right_arithmetic3A_20, %and3A_31, %add3A_1222], %add3A_1240 : memref<8x8x129xf32, #tpu.memory_space<vmem>>[vector<16xi32>, vector<16xi32>, vector<16xi32>], vector<16xf32>,
        %get3A_1247 = arith.constant 1 : i32
        %get3A_1248 = arith.index_cast %get3A_1247 : i32 to index
        %get3A_1249 = arith.index_cast %add3A_1218 : i32 to index
        %get3A_1250 = arith.constant 32 : index
        %get3A_1251 = tpu.vector_load %arg7[%get3A_1248, %get3A_1249, %get3A_1250] {strides = array<i32>} : memref<4x128x64xf32, #tpu.memory_space<vmem>>, vector<16xf32>,
        %add3A_1252 = arith.addf %get3A_1251, %get3A_256 : vector<16xf32>
        %scatter3A_1253 = arith.constant 1 : i32
        %scatter3A_1254 = arith.constant 0 : i32
        %scatter3A_1255 = arith.constant 0 : i32
        %scatter3A_1256 = arith.constant 0 : i32
        %scatter3A_1257 = tpu.memref_slice %arg8[%scatter3A_1253, %scatter3A_1254, %scatter3A_1255, %scatter3A_1256] : memref<4x8x8x129xf32, #tpu.memory_space<vmem>> -> memref<1x8x8x129xf32, #tpu.memory_space<vmem>>
        %scatter3A_1258 = tpu.memref_squeeze %scatter3A_1257 : memref<1x8x8x129xf32, #tpu.memory_space<vmem>> -> memref<8x8x129xf32, #tpu.memory_space<vmem>>
        tpu.vector_store_idx %scatter3A_1258[%shift_right_arithmetic3A_23, %and3A_34, %add3A_1222], %add3A_1252 : memref<8x8x129xf32, #tpu.memory_space<vmem>>[vector<16xi32>, vector<16xi32>, vector<16xi32>], vector<16xf32>,
        %get3A_1259 = arith.constant 1 : i32
        %get3A_1260 = arith.index_cast %get3A_1259 : i32 to index
        %get3A_1261 = arith.index_cast %add3A_1218 : i32 to index
        %get3A_1262 = arith.constant 48 : index
        %get3A_1263 = tpu.vector_load %arg7[%get3A_1260, %get3A_1261, %get3A_1262] {strides = array<i32>} : memref<4x128x64xf32, #tpu.memory_space<vmem>>, vector<16xf32>,
        %add3A_1264 = arith.addf %get3A_1263, %get3A_259 : vector<16xf32>
        %scatter3A_1265 = arith.constant 1 : i32
        %scatter3A_1266 = arith.constant 0 : i32
        %scatter3A_1267 = arith.constant 0 : i32
        %scatter3A_1268 = arith.constant 0 : i32
        %scatter3A_1269 = tpu.memref_slice %arg8[%scatter3A_1265, %scatter3A_1266, %scatter3A_1267, %scatter3A_1268] : memref<4x8x8x129xf32, #tpu.memory_space<vmem>> -> memref<1x8x8x129xf32, #tpu.memory_space<vmem>>
        %scatter3A_1270 = tpu.memref_squeeze %scatter3A_1269 : memref<1x8x8x129xf32, #tpu.memory_space<vmem>> -> memref<8x8x129xf32, #tpu.memory_space<vmem>>
        tpu.vector_store_idx %scatter3A_1270[%shift_right_arithmetic3A_26, %and3A_37, %add3A_1222], %add3A_1264 : memref<8x8x129xf32, #tpu.memory_space<vmem>>[vector<16xi32>, vector<16xi32>, vector<16xi32>], vector<16xf32>,
        %mul3A_1271 = arith.constant 16 : i32
        %mul3A_1272 = arith.muli %scan3A_432, %mul3A_1271 : i32
        %add3A_1273 = arith.constant 15 : i32
        %add3A_1274 = arith.addi %mul3A_1272, %add3A_1273 : i32
        %broadcast_in_dim3A_1275 = arith.constant 0 : i32
        %broadcast_in_dim3A_1276 = vector.broadcast %broadcast_in_dim3A_1275 : i32 to vector<16xi32>
        %add3A_1277 = vector.broadcast %add3A_1274 : i32 to vector<16xi32>
        %add3A_1278 = arith.addi %broadcast_in_dim3A_1276, %add3A_1277 : vector<16xi32>
        %get3A_1279 = arith.constant 1 : i32
        %get3A_1280 = arith.index_cast %get3A_1279 : i32 to index
        %get3A_1281 = arith.index_cast %add3A_1274 : i32 to index
        %get3A_1282 = arith.constant 0 : index
        %get3A_1283 = tpu.vector_load %arg7[%get3A_1280, %get3A_1281, %get3A_1282] {strides = array<i32>} : memref<4x128x64xf32, #tpu.memory_space<vmem>>, vector<16xf32>,
        %add3A_1284 = arith.addf %get3A_1283, %get3A_250 : vector<16xf32>
        %scatter3A_1285 = arith.constant 1 : i32
        %scatter3A_1286 = arith.constant 0 : i32
        %scatter3A_1287 = arith.constant 0 : i32
        %scatter3A_1288 = arith.constant 0 : i32
        %scatter3A_1289 = tpu.memref_slice %arg8[%scatter3A_1285, %scatter3A_1286, %scatter3A_1287, %scatter3A_1288] : memref<4x8x8x129xf32, #tpu.memory_space<vmem>> -> memref<1x8x8x129xf32, #tpu.memory_space<vmem>>
        %scatter3A_1290 = tpu.memref_squeeze %scatter3A_1289 : memref<1x8x8x129xf32, #tpu.memory_space<vmem>> -> memref<8x8x129xf32, #tpu.memory_space<vmem>>
        tpu.vector_store_idx %scatter3A_1290[%shift_right_arithmetic3A_17, %and3A_28, %add3A_1278], %add3A_1284 : memref<8x8x129xf32, #tpu.memory_space<vmem>>[vector<16xi32>, vector<16xi32>, vector<16xi32>], vector<16xf32>,
        %get3A_1291 = arith.constant 1 : i32
        %get3A_1292 = arith.index_cast %get3A_1291 : i32 to index
        %get3A_1293 = arith.index_cast %add3A_1274 : i32 to index
        %get3A_1294 = arith.constant 16 : index
        %get3A_1295 = tpu.vector_load %arg7[%get3A_1292, %get3A_1293, %get3A_1294] {strides = array<i32>} : memref<4x128x64xf32, #tpu.memory_space<vmem>>, vector<16xf32>,
        %add3A_1296 = arith.addf %get3A_1295, %get3A_253 : vector<16xf32>
        %scatter3A_1297 = arith.constant 1 : i32
        %scatter3A_1298 = arith.constant 0 : i32
        %scatter3A_1299 = arith.constant 0 : i32
        %scatter3A_1300 = arith.constant 0 : i32
        %scatter3A_1301 = tpu.memref_slice %arg8[%scatter3A_1297, %scatter3A_1298, %scatter3A_1299, %scatter3A_1300] : memref<4x8x8x129xf32, #tpu.memory_space<vmem>> -> memref<1x8x8x129xf32, #tpu.memory_space<vmem>>
        %scatter3A_1302 = tpu.memref_squeeze %scatter3A_1301 : memref<1x8x8x129xf32, #tpu.memory_space<vmem>> -> memref<8x8x129xf32, #tpu.memory_space<vmem>>
        tpu.vector_store_idx %scatter3A_1302[%shift_right_arithmetic3A_20, %and3A_31, %add3A_1278], %add3A_1296 : memref<8x8x129xf32, #tpu.memory_space<vmem>>[vector<16xi32>, vector<16xi32>, vector<16xi32>], vector<16xf32>,
        %get3A_1303 = arith.constant 1 : i32
        %get3A_1304 = arith.index_cast %get3A_1303 : i32 to index
        %get3A_1305 = arith.index_cast %add3A_1274 : i32 to index
        %get3A_1306 = arith.constant 32 : index
        %get3A_1307 = tpu.vector_load %arg7[%get3A_1304, %get3A_1305, %get3A_1306] {strides = array<i32>} : memref<4x128x64xf32, #tpu.memory_space<vmem>>, vector<16xf32>,
        %add3A_1308 = arith.addf %get3A_1307, %get3A_256 : vector<16xf32>
        %scatter3A_1309 = arith.constant 1 : i32
        %scatter3A_1310 = arith.constant 0 : i32
        %scatter3A_1311 = arith.constant 0 : i32
        %scatter3A_1312 = arith.constant 0 : i32
        %scatter3A_1313 = tpu.memref_slice %arg8[%scatter3A_1309, %scatter3A_1310, %scatter3A_1311, %scatter3A_1312] : memref<4x8x8x129xf32, #tpu.memory_space<vmem>> -> memref<1x8x8x129xf32, #tpu.memory_space<vmem>>
        %scatter3A_1314 = tpu.memref_squeeze %scatter3A_1313 : memref<1x8x8x129xf32, #tpu.memory_space<vmem>> -> memref<8x8x129xf32, #tpu.memory_space<vmem>>
        tpu.vector_store_idx %scatter3A_1314[%shift_right_arithmetic3A_23, %and3A_34, %add3A_1278], %add3A_1308 : memref<8x8x129xf32, #tpu.memory_space<vmem>>[vector<16xi32>, vector<16xi32>, vector<16xi32>], vector<16xf32>,
        %get3A_1315 = arith.constant 1 : i32
        %get3A_1316 = arith.index_cast %get3A_1315 : i32 to index
        %get3A_1317 = arith.index_cast %add3A_1274 : i32 to index
        %get3A_1318 = arith.constant 48 : index
        %get3A_1319 = tpu.vector_load %arg7[%get3A_1316, %get3A_1317, %get3A_1318] {strides = array<i32>} : memref<4x128x64xf32, #tpu.memory_space<vmem>>, vector<16xf32>,
        %add3A_1320 = arith.addf %get3A_1319, %get3A_259 : vector<16xf32>
        %scatter3A_1321 = arith.constant 1 : i32
        %scatter3A_1322 = arith.constant 0 : i32
        %scatter3A_1323 = arith.constant 0 : i32
        %scatter3A_1324 = arith.constant 0 : i32
        %scatter3A_1325 = tpu.memref_slice %arg8[%scatter3A_1321, %scatter3A_1322, %scatter3A_1323, %scatter3A_1324] : memref<4x8x8x129xf32, #tpu.memory_space<vmem>> -> memref<1x8x8x129xf32, #tpu.memory_space<vmem>>
        %scatter3A_1326 = tpu.memref_squeeze %scatter3A_1325 : memref<1x8x8x129xf32, #tpu.memory_space<vmem>> -> memref<8x8x129xf32, #tpu.memory_space<vmem>>
        tpu.vector_store_idx %scatter3A_1326[%shift_right_arithmetic3A_26, %and3A_37, %add3A_1278], %add3A_1320 : memref<8x8x129xf32, #tpu.memory_space<vmem>>[vector<16xi32>, vector<16xi32>, vector<16xi32>], vector<16xf32>,
      }
      %scan3A_265 = arith.constant 8 : i32
      %dma_start3A_266 = arith.constant 1 : i32
      %dma_start3A_267 = arith.constant 0 : i32
      %dma_start3A_268 = arith.constant 0 : i32
      %dma_start3A_269 = arith.constant 0 : i32
      %dma_start3A_270 = tpu.memref_slice %arg8[%dma_start3A_266, %dma_start3A_267, %dma_start3A_268, %dma_start3A_269] : memref<4x8x8x129xf32, #tpu.memory_space<vmem>> -> memref<1x8x8x128xf32, #tpu.memory_space<vmem>>
      %dma_start3A_271 = tpu.memref_squeeze %dma_start3A_270 : memref<1x8x8x128xf32, #tpu.memory_space<vmem>> -> memref<8x8x128xf32, #tpu.memory_space<vmem>>
      %dma_start3A_272 = arith.constant 0 : i32
      %dma_start3A_273 = arith.constant 0 : i32
      %dma_start3A_274 = arith.constant 0 : i32
      %dma_start3A_275 = tpu.memref_slice %arg5[%add3A_231, %dma_start3A_272, %add3A, %dma_start3A_273, %dma_start3A_274] : memref<200x8x32x8x128xf32, #tpu.memory_space<hbm>> -> memref<1x8x1x8x128xf32, #tpu.memory_space<hbm>>
      %dma_start3A_276 = tpu.memref_squeeze %dma_start3A_275 : memref<1x8x1x8x128xf32, #tpu.memory_space<hbm>> -> memref<8x8x128xf32, #tpu.memory_space<hbm>>
      %dma_start3A_277 = arith.constant 0 : i32
      %dma_start3A_278 = arith.constant 0 : i32
      %dma_start3A_279 = arith.constant 0 : i32
      %dma_start3A_280 = tpu.memref_slice %arg5[%add3A_231, %dma_start3A_277, %add3A, %dma_start3A_278, %dma_start3A_279] : memref<200x8x32x8x128xf32, #tpu.memory_space<hbm>> -> memref<1x8x1x8x128xf32, #tpu.memory_space<hbm>>
      %dma_start3A_281 = tpu.memref_squeeze %dma_start3A_280 : memref<1x8x1x8x128xf32, #tpu.memory_space<hbm>> -> memref<8x8x128xf32, #tpu.memory_space<hbm>>
      %dma_start3A_282 = arith.constant 0 : i32
      %dma_start3A_283 = arith.constant 0 : i32
      %dma_start3A_284 = arith.constant 0 : i32
      %dma_start3A_285 = tpu.memref_slice %arg8[%dma_start3A_266, %dma_start3A_282, %dma_start3A_283, %dma_start3A_284] : memref<4x8x8x129xf32, #tpu.memory_space<vmem>> -> memref<1x8x8x128xf32, #tpu.memory_space<vmem>>
      %dma_start3A_286 = tpu.memref_squeeze %dma_start3A_285 : memref<1x8x8x128xf32, #tpu.memory_space<vmem>> -> memref<8x8x128xf32, #tpu.memory_space<vmem>>
      tpu.enqueue_dma source(%dma_start3A_286 : memref<8x8x128xf32, #tpu.memory_space<vmem>>) target(%dma_start3A_281 : memref<8x8x128xf32, #tpu.memory_space<hbm>>) target_semaphore(%arg15 : memref<!tpu.dma_semaphore, #tpu.memory_space<semaphore_mem>>)
      %add3A_287 = arith.constant 4 : i32
      %add3A_288 = arith.addi %add3A_231, %add3A_287 : i32
      %sub3A_289 = arith.constant 1 : i32
      %sub3A_290 = arith.subi %add3A_288, %sub3A_289 : i32
      %lt3A_291 = arith.constant 200 : i32
      %lt3A_292 = arith.cmpi slt, %sub3A_290, %lt3A_291 : i32
      %convert_element_type3A_293 = arith.extui %lt3A_292 : i1 to i32
      %cond3A_294 = arith.constant 0 : i32
      %cond3A_295 = arith.cmpi ne, %convert_element_type3A_293, %cond3A_294 : i32
      scf.if %cond3A_295 {
        %dma_start3A_432 = arith.constant 0 : i32
        %dma_start3A_433 = arith.constant 0 : i32
        %dma_start3A_434 = arith.constant 0 : i32
        %dma_start3A_435 = tpu.memref_slice %arg7[%dma_start3A_432, %dma_start3A_433, %dma_start3A_434] : memref<4x128x64xf32, #tpu.memory_space<vmem>> -> memref<1x128x64xf32, #tpu.memory_space<vmem>>
        %dma_start3A_436 = tpu.memref_squeeze %dma_start3A_435 : memref<1x128x64xf32, #tpu.memory_space<vmem>> -> memref<128x64xf32, #tpu.memory_space<vmem>>
        %dma_start3A_437 = arith.constant 0 : i32
        %dma_start3A_438 = tpu.memref_slice %arg6[%sub3A_290, %dma_start3A_437] : memref<200x128xi32, #tpu.memory_space<vmem>> -> memref<1x128xi32, #tpu.memory_space<vmem>>
        %dma_start3A_439 = tpu.memref_squeeze %dma_start3A_438 : memref<1x128xi32, #tpu.memory_space<vmem>> -> memref<128xi32, #tpu.memory_space<vmem>>
        %dma_start3A_440 = arith.constant 0 : i32
        %dma_start3A_441 = arith.constant 0 : i32
        %dma_start3A_442 = tpu.memref_slice %arg3[%dma_start3A_440, %dma_start3A_441] : memref<1000000x64xf32, #tpu.memory_space<hbm>> -> memref<1000000x64xf32, #tpu.memory_space<hbm>>
        tpu.enqueue_indirect_dma source(%dma_start3A_442 : memref<1000000x64xf32, #tpu.memory_space<hbm>>) target(%dma_start3A_436 : memref<128x64xf32, #tpu.memory_space<vmem>>) offsets(%dma_start3A_439 : memref<128xi32, #tpu.memory_space<vmem>>) semaphore(%arg10 : memref<!tpu.dma_semaphore, #tpu.memory_space<semaphore_mem>>)
      } else {
      }
      %mul3A_296 = arith.constant 4 : i32
      %mul3A_297 = arith.muli %scan3A_165, %mul3A_296 : i32
      %add3A_298 = arith.constant 2 : i32
      %add3A_299 = arith.addi %mul3A_297, %add3A_298 : i32
      %dma_wait3A_300 = arith.constant 2 : i32
      %dma_wait3A_301 = arith.constant 0 : i32
      %dma_wait3A_302 = arith.constant 0 : i32
      %dma_wait3A_303 = tpu.memref_slice %arg7[%dma_wait3A_300, %dma_wait3A_301, %dma_wait3A_302] : memref<4x128x64xf32, #tpu.memory_space<vmem>> -> memref<1x128x64xf32, #tpu.memory_space<vmem>>
      %dma_wait3A_304 = tpu.memref_squeeze %dma_wait3A_303 : memref<1x128x64xf32, #tpu.memory_space<vmem>> -> memref<128x64xf32, #tpu.memory_space<vmem>>
      %dma_wait3A_305 = arith.constant 0 : i32
      %dma_wait3A_306 = tpu.memref_slice %arg6[%add3A_299, %dma_wait3A_305] : memref<200x128xi32, #tpu.memory_space<vmem>> -> memref<1x128xi32, #tpu.memory_space<vmem>>
      %dma_wait3A_307 = tpu.memref_squeeze %dma_wait3A_306 : memref<1x128xi32, #tpu.memory_space<vmem>> -> memref<128xi32, #tpu.memory_space<vmem>>
      %dma_wait3A_308 = arith.constant 0 : i32
      %dma_wait3A_309 = arith.constant 0 : i32
      %dma_wait3A_310 = tpu.memref_slice %arg3[%dma_wait3A_308, %dma_wait3A_309] : memref<1000000x64xf32, #tpu.memory_space<hbm>> -> memref<1000000x64xf32, #tpu.memory_space<hbm>>
      tpu.wait_indirect_dma semaphore(%arg12 : memref<!tpu.dma_semaphore, #tpu.memory_space<semaphore_mem>>) src(%dma_wait3A_310 : memref<1000000x64xf32, #tpu.memory_space<hbm>>) dst(%dma_wait3A_304 : memref<128x64xf32, #tpu.memory_space<vmem>>)
      %ge3A_311 = arith.constant 4 : i32
      %ge3A_312 = arith.cmpi sge, %add3A_299, %ge3A_311 : i32
      %convert_element_type3A_313 = arith.extui %ge3A_312 : i1 to i32
      %cond3A_314 = arith.constant 0 : i32
      %cond3A_315 = arith.cmpi ne, %convert_element_type3A_313, %cond3A_314 : i32
      scf.if %cond3A_315 {
        %sub3A_432 = arith.constant 4 : i32
        %sub3A_433 = arith.subi %add3A_299, %sub3A_432 : i32
        %dma_wait3A_434 = arith.constant 2 : i32
        %dma_wait3A_435 = arith.constant 0 : i32
        %dma_wait3A_436 = arith.constant 0 : i32
        %dma_wait3A_437 = arith.constant 0 : i32
        %dma_wait3A_438 = tpu.memref_slice %arg8[%dma_wait3A_434, %dma_wait3A_435, %dma_wait3A_436, %dma_wait3A_437] : memref<4x8x8x129xf32, #tpu.memory_space<vmem>> -> memref<1x8x8x128xf32, #tpu.memory_space<vmem>>
        %dma_wait3A_439 = tpu.memref_squeeze %dma_wait3A_438 : memref<1x8x8x128xf32, #tpu.memory_space<vmem>> -> memref<8x8x128xf32, #tpu.memory_space<vmem>>
        %dma_wait3A_440 = arith.constant 0 : i32
        %dma_wait3A_441 = arith.constant 0 : i32
        %dma_wait3A_442 = arith.constant 0 : i32
        %dma_wait3A_443 = tpu.memref_slice %arg5[%sub3A_433, %dma_wait3A_440, %add3A, %dma_wait3A_441, %dma_wait3A_442] : memref<200x8x32x8x128xf32, #tpu.memory_space<hbm>> -> memref<1x8x1x8x128xf32, #tpu.memory_space<hbm>>
        %dma_wait3A_444 = tpu.memref_squeeze %dma_wait3A_443 : memref<1x8x1x8x128xf32, #tpu.memory_space<hbm>> -> memref<8x8x128xf32, #tpu.memory_space<hbm>>
        %dma_wait3A_445 = arith.constant 0 : i32
        %dma_wait3A_446 = arith.constant 0 : i32
        %dma_wait3A_447 = arith.constant 0 : i32
        %dma_wait3A_448 = tpu.memref_slice %arg5[%sub3A_433, %dma_wait3A_445, %add3A, %dma_wait3A_446, %dma_wait3A_447] : memref<200x8x32x8x128xf32, #tpu.memory_space<hbm>> -> memref<1x8x1x8x128xf32, #tpu.memory_space<hbm>>
        %dma_wait3A_449 = tpu.memref_squeeze %dma_wait3A_448 : memref<1x8x1x8x128xf32, #tpu.memory_space<hbm>> -> memref<8x8x128xf32, #tpu.memory_space<hbm>>
        %dma_wait3A_450 = arith.constant 0 : i32
        %dma_wait3A_451 = arith.constant 0 : i32
        %dma_wait3A_452 = arith.constant 0 : i32
        %dma_wait3A_453 = tpu.memref_slice %arg8[%dma_wait3A_434, %dma_wait3A_450, %dma_wait3A_451, %dma_wait3A_452] : memref<4x8x8x129xf32, #tpu.memory_space<vmem>> -> memref<1x8x8x128xf32, #tpu.memory_space<vmem>>
        %dma_wait3A_454 = tpu.memref_squeeze %dma_wait3A_453 : memref<1x8x8x128xf32, #tpu.memory_space<vmem>> -> memref<8x8x128xf32, #tpu.memory_space<vmem>>
        tpu.wait_dma2 semaphore(%arg16 : memref<!tpu.dma_semaphore, #tpu.memory_space<semaphore_mem>>) src(%dma_wait3A_454 : memref<8x8x128xf32, #tpu.memory_space<vmem>>) dst(%dma_wait3A_449 : memref<8x8x128xf32, #tpu.memory_space<hbm>>)
      } else {
      }
      %get3A_316 = arith.index_cast %add3A_299 : i32 to index
      %get3A_317 = arith.constant 0 : index
      %get3A_318 = tpu.vector_load %arg9[%get3A_316, %get3A_317] {strides = array<i32>} : memref<200x64xf32, #tpu.memory_space<vmem>>, vector<16xf32>,
      %get3A_319 = arith.index_cast %add3A_299 : i32 to index
      %get3A_320 = arith.constant 16 : index
      %get3A_321 = tpu.vector_load %arg9[%get3A_319, %get3A_320] {strides = array<i32>} : memref<200x64xf32, #tpu.memory_space<vmem>>, vector<16xf32>,
      %get3A_322 = arith.index_cast %add3A_299 : i32 to index
      %get3A_323 = arith.constant 32 : index
      %get3A_324 = tpu.vector_load %arg9[%get3A_322, %get3A_323] {strides = array<i32>} : memref<200x64xf32, #tpu.memory_space<vmem>>, vector<16xf32>,
      %get3A_325 = arith.index_cast %add3A_299 : i32 to index
      %get3A_326 = arith.constant 48 : index
      %get3A_327 = tpu.vector_load %arg9[%get3A_325, %get3A_326] {strides = array<i32>} : memref<200x64xf32, #tpu.memory_space<vmem>>, vector<16xf32>,
      %scan3A_328 = arith.constant 0 : i32
      %scan3A_329 = arith.constant 0 : i32
      %scan3A_330 = arith.constant 8 : i32
      %scan3A_331 = arith.addi %scan3A_329, %scan3A_330 : i32
      %scan3A_332 = arith.constant 1 : i32
      scf.for %scan3A_432 = %scan3A_329 to %scan3A_331 step %scan3A_332  : i32 {
        %mul3A_433 = arith.constant 16 : i32
        %mul3A_434 = arith.muli %scan3A_432, %mul3A_433 : i32
        %add3A_435 = arith.constant 0 : i32
        %add3A_436 = arith.addi %mul3A_434, %add3A_435 : i32
        %broadcast_in_dim3A = arith.constant 0 : i32
        %broadcast_in_dim3A_437 = vector.broadcast %broadcast_in_dim3A : i32 to vector<16xi32>
        %add3A_438 = vector.broadcast %add3A_436 : i32 to vector<16xi32>
        %add3A_439 = arith.addi %broadcast_in_dim3A_437, %add3A_438 : vector<16xi32>
        %get3A_440 = arith.constant 2 : i32
        %get3A_441 = arith.index_cast %get3A_440 : i32 to index
        %get3A_442 = arith.index_cast %add3A_436 : i32 to index
        %get3A_443 = arith.constant 0 : index
        %get3A_444 = tpu.vector_load %arg7[%get3A_441, %get3A_442, %get3A_443] {strides = array<i32>} : memref<4x128x64xf32, #tpu.memory_space<vmem>>, vector<16xf32>,
        %add3A_445 = arith.addf %get3A_444, %get3A_318 : vector<16xf32>
        %scatter3A = arith.constant 2 : i32
        %scatter3A_446 = arith.constant 0 : i32
        %scatter3A_447 = arith.constant 0 : i32
        %scatter3A_448 = arith.constant 0 : i32
        %scatter3A_449 = tpu.memref_slice %arg8[%scatter3A, %scatter3A_446, %scatter3A_447, %scatter3A_448] : memref<4x8x8x129xf32, #tpu.memory_space<vmem>> -> memref<1x8x8x129xf32, #tpu.memory_space<vmem>>
        %scatter3A_450 = tpu.memref_squeeze %scatter3A_449 : memref<1x8x8x129xf32, #tpu.memory_space<vmem>> -> memref<8x8x129xf32, #tpu.memory_space<vmem>>
        tpu.vector_store_idx %scatter3A_450[%shift_right_arithmetic3A_17, %and3A_28, %add3A_439], %add3A_445 : memref<8x8x129xf32, #tpu.memory_space<vmem>>[vector<16xi32>, vector<16xi32>, vector<16xi32>], vector<16xf32>,
        %get3A_451 = arith.constant 2 : i32
        %get3A_452 = arith.index_cast %get3A_451 : i32 to index
        %get3A_453 = arith.index_cast %add3A_436 : i32 to index
        %get3A_454 = arith.constant 16 : index
        %get3A_455 = tpu.vector_load %arg7[%get3A_452, %get3A_453, %get3A_454] {strides = array<i32>} : memref<4x128x64xf32, #tpu.memory_space<vmem>>, vector<16xf32>,
        %add3A_456 = arith.addf %get3A_455, %get3A_321 : vector<16xf32>
        %scatter3A_457 = arith.constant 2 : i32
        %scatter3A_458 = arith.constant 0 : i32
        %scatter3A_459 = arith.constant 0 : i32
        %scatter3A_460 = arith.constant 0 : i32
        %scatter3A_461 = tpu.memref_slice %arg8[%scatter3A_457, %scatter3A_458, %scatter3A_459, %scatter3A_460] : memref<4x8x8x129xf32, #tpu.memory_space<vmem>> -> memref<1x8x8x129xf32, #tpu.memory_space<vmem>>
        %scatter3A_462 = tpu.memref_squeeze %scatter3A_461 : memref<1x8x8x129xf32, #tpu.memory_space<vmem>> -> memref<8x8x129xf32, #tpu.memory_space<vmem>>
        tpu.vector_store_idx %scatter3A_462[%shift_right_arithmetic3A_20, %and3A_31, %add3A_439], %add3A_456 : memref<8x8x129xf32, #tpu.memory_space<vmem>>[vector<16xi32>, vector<16xi32>, vector<16xi32>], vector<16xf32>,
        %get3A_463 = arith.constant 2 : i32
        %get3A_464 = arith.index_cast %get3A_463 : i32 to index
        %get3A_465 = arith.index_cast %add3A_436 : i32 to index
        %get3A_466 = arith.constant 32 : index
        %get3A_467 = tpu.vector_load %arg7[%get3A_464, %get3A_465, %get3A_466] {strides = array<i32>} : memref<4x128x64xf32, #tpu.memory_space<vmem>>, vector<16xf32>,
        %add3A_468 = arith.addf %get3A_467, %get3A_324 : vector<16xf32>
        %scatter3A_469 = arith.constant 2 : i32
        %scatter3A_470 = arith.constant 0 : i32
        %scatter3A_471 = arith.constant 0 : i32
        %scatter3A_472 = arith.constant 0 : i32
        %scatter3A_473 = tpu.memref_slice %arg8[%scatter3A_469, %scatter3A_470, %scatter3A_471, %scatter3A_472] : memref<4x8x8x129xf32, #tpu.memory_space<vmem>> -> memref<1x8x8x129xf32, #tpu.memory_space<vmem>>
        %scatter3A_474 = tpu.memref_squeeze %scatter3A_473 : memref<1x8x8x129xf32, #tpu.memory_space<vmem>> -> memref<8x8x129xf32, #tpu.memory_space<vmem>>
        tpu.vector_store_idx %scatter3A_474[%shift_right_arithmetic3A_23, %and3A_34, %add3A_439], %add3A_468 : memref<8x8x129xf32, #tpu.memory_space<vmem>>[vector<16xi32>, vector<16xi32>, vector<16xi32>], vector<16xf32>,
        %get3A_475 = arith.constant 2 : i32
        %get3A_476 = arith.index_cast %get3A_475 : i32 to index
        %get3A_477 = arith.index_cast %add3A_436 : i32 to index
        %get3A_478 = arith.constant 48 : index
        %get3A_479 = tpu.vector_load %arg7[%get3A_476, %get3A_477, %get3A_478] {strides = array<i32>} : memref<4x128x64xf32, #tpu.memory_space<vmem>>, vector<16xf32>,
        %add3A_480 = arith.addf %get3A_479, %get3A_327 : vector<16xf32>
        %scatter3A_481 = arith.constant 2 : i32
        %scatter3A_482 = arith.constant 0 : i32
        %scatter3A_483 = arith.constant 0 : i32
        %scatter3A_484 = arith.constant 0 : i32
        %scatter3A_485 = tpu.memref_slice %arg8[%scatter3A_481, %scatter3A_482, %scatter3A_483, %scatter3A_484] : memref<4x8x8x129xf32, #tpu.memory_space<vmem>> -> memref<1x8x8x129xf32, #tpu.memory_space<vmem>>
        %scatter3A_486 = tpu.memref_squeeze %scatter3A_485 : memref<1x8x8x129xf32, #tpu.memory_space<vmem>> -> memref<8x8x129xf32, #tpu.memory_space<vmem>>
        tpu.vector_store_idx %scatter3A_486[%shift_right_arithmetic3A_26, %and3A_37, %add3A_439], %add3A_480 : memref<8x8x129xf32, #tpu.memory_space<vmem>>[vector<16xi32>, vector<16xi32>, vector<16xi32>], vector<16xf32>,
        %mul3A_487 = arith.constant 16 : i32
        %mul3A_488 = arith.muli %scan3A_432, %mul3A_487 : i32
        %add3A_489 = arith.constant 1 : i32
        %add3A_490 = arith.addi %mul3A_488, %add3A_489 : i32
        %broadcast_in_dim3A_491 = arith.constant 0 : i32
        %broadcast_in_dim3A_492 = vector.broadcast %broadcast_in_dim3A_491 : i32 to vector<16xi32>
        %add3A_493 = vector.broadcast %add3A_490 : i32 to vector<16xi32>
        %add3A_494 = arith.addi %broadcast_in_dim3A_492, %add3A_493 : vector<16xi32>
        %get3A_495 = arith.constant 2 : i32
        %get3A_496 = arith.index_cast %get3A_495 : i32 to index
        %get3A_497 = arith.index_cast %add3A_490 : i32 to index
        %get3A_498 = arith.constant 0 : index
        %get3A_499 = tpu.vector_load %arg7[%get3A_496, %get3A_497, %get3A_498] {strides = array<i32>} : memref<4x128x64xf32, #tpu.memory_space<vmem>>, vector<16xf32>,
        %add3A_500 = arith.addf %get3A_499, %get3A_318 : vector<16xf32>
        %scatter3A_501 = arith.constant 2 : i32
        %scatter3A_502 = arith.constant 0 : i32
        %scatter3A_503 = arith.constant 0 : i32
        %scatter3A_504 = arith.constant 0 : i32
        %scatter3A_505 = tpu.memref_slice %arg8[%scatter3A_501, %scatter3A_502, %scatter3A_503, %scatter3A_504] : memref<4x8x8x129xf32, #tpu.memory_space<vmem>> -> memref<1x8x8x129xf32, #tpu.memory_space<vmem>>
        %scatter3A_506 = tpu.memref_squeeze %scatter3A_505 : memref<1x8x8x129xf32, #tpu.memory_space<vmem>> -> memref<8x8x129xf32, #tpu.memory_space<vmem>>
        tpu.vector_store_idx %scatter3A_506[%shift_right_arithmetic3A_17, %and3A_28, %add3A_494], %add3A_500 : memref<8x8x129xf32, #tpu.memory_space<vmem>>[vector<16xi32>, vector<16xi32>, vector<16xi32>], vector<16xf32>,
        %get3A_507 = arith.constant 2 : i32
        %get3A_508 = arith.index_cast %get3A_507 : i32 to index
        %get3A_509 = arith.index_cast %add3A_490 : i32 to index
        %get3A_510 = arith.constant 16 : index
        %get3A_511 = tpu.vector_load %arg7[%get3A_508, %get3A_509, %get3A_510] {strides = array<i32>} : memref<4x128x64xf32, #tpu.memory_space<vmem>>, vector<16xf32>,
        %add3A_512 = arith.addf %get3A_511, %get3A_321 : vector<16xf32>
        %scatter3A_513 = arith.constant 2 : i32
        %scatter3A_514 = arith.constant 0 : i32
        %scatter3A_515 = arith.constant 0 : i32
        %scatter3A_516 = arith.constant 0 : i32
        %scatter3A_517 = tpu.memref_slice %arg8[%scatter3A_513, %scatter3A_514, %scatter3A_515, %scatter3A_516] : memref<4x8x8x129xf32, #tpu.memory_space<vmem>> -> memref<1x8x8x129xf32, #tpu.memory_space<vmem>>
        %scatter3A_518 = tpu.memref_squeeze %scatter3A_517 : memref<1x8x8x129xf32, #tpu.memory_space<vmem>> -> memref<8x8x129xf32, #tpu.memory_space<vmem>>
        tpu.vector_store_idx %scatter3A_518[%shift_right_arithmetic3A_20, %and3A_31, %add3A_494], %add3A_512 : memref<8x8x129xf32, #tpu.memory_space<vmem>>[vector<16xi32>, vector<16xi32>, vector<16xi32>], vector<16xf32>,
        %get3A_519 = arith.constant 2 : i32
        %get3A_520 = arith.index_cast %get3A_519 : i32 to index
        %get3A_521 = arith.index_cast %add3A_490 : i32 to index
        %get3A_522 = arith.constant 32 : index
        %get3A_523 = tpu.vector_load %arg7[%get3A_520, %get3A_521, %get3A_522] {strides = array<i32>} : memref<4x128x64xf32, #tpu.memory_space<vmem>>, vector<16xf32>,
        %add3A_524 = arith.addf %get3A_523, %get3A_324 : vector<16xf32>
        %scatter3A_525 = arith.constant 2 : i32
        %scatter3A_526 = arith.constant 0 : i32
        %scatter3A_527 = arith.constant 0 : i32
        %scatter3A_528 = arith.constant 0 : i32
        %scatter3A_529 = tpu.memref_slice %arg8[%scatter3A_525, %scatter3A_526, %scatter3A_527, %scatter3A_528] : memref<4x8x8x129xf32, #tpu.memory_space<vmem>> -> memref<1x8x8x129xf32, #tpu.memory_space<vmem>>
        %scatter3A_530 = tpu.memref_squeeze %scatter3A_529 : memref<1x8x8x129xf32, #tpu.memory_space<vmem>> -> memref<8x8x129xf32, #tpu.memory_space<vmem>>
        tpu.vector_store_idx %scatter3A_530[%shift_right_arithmetic3A_23, %and3A_34, %add3A_494], %add3A_524 : memref<8x8x129xf32, #tpu.memory_space<vmem>>[vector<16xi32>, vector<16xi32>, vector<16xi32>], vector<16xf32>,
        %get3A_531 = arith.constant 2 : i32
        %get3A_532 = arith.index_cast %get3A_531 : i32 to index
        %get3A_533 = arith.index_cast %add3A_490 : i32 to index
        %get3A_534 = arith.constant 48 : index
        %get3A_535 = tpu.vector_load %arg7[%get3A_532, %get3A_533, %get3A_534] {strides = array<i32>} : memref<4x128x64xf32, #tpu.memory_space<vmem>>, vector<16xf32>,
        %add3A_536 = arith.addf %get3A_535, %get3A_327 : vector<16xf32>
        %scatter3A_537 = arith.constant 2 : i32
        %scatter3A_538 = arith.constant 0 : i32
        %scatter3A_539 = arith.constant 0 : i32
        %scatter3A_540 = arith.constant 0 : i32
        %scatter3A_541 = tpu.memref_slice %arg8[%scatter3A_537, %scatter3A_538, %scatter3A_539, %scatter3A_540] : memref<4x8x8x129xf32, #tpu.memory_space<vmem>> -> memref<1x8x8x129xf32, #tpu.memory_space<vmem>>
        %scatter3A_542 = tpu.memref_squeeze %scatter3A_541 : memref<1x8x8x129xf32, #tpu.memory_space<vmem>> -> memref<8x8x129xf32, #tpu.memory_space<vmem>>
        tpu.vector_store_idx %scatter3A_542[%shift_right_arithmetic3A_26, %and3A_37, %add3A_494], %add3A_536 : memref<8x8x129xf32, #tpu.memory_space<vmem>>[vector<16xi32>, vector<16xi32>, vector<16xi32>], vector<16xf32>,
        %mul3A_543 = arith.constant 16 : i32
        %mul3A_544 = arith.muli %scan3A_432, %mul3A_543 : i32
        %add3A_545 = arith.constant 2 : i32
        %add3A_546 = arith.addi %mul3A_544, %add3A_545 : i32
        %broadcast_in_dim3A_547 = arith.constant 0 : i32
        %broadcast_in_dim3A_548 = vector.broadcast %broadcast_in_dim3A_547 : i32 to vector<16xi32>
        %add3A_549 = vector.broadcast %add3A_546 : i32 to vector<16xi32>
        %add3A_550 = arith.addi %broadcast_in_dim3A_548, %add3A_549 : vector<16xi32>
        %get3A_551 = arith.constant 2 : i32
        %get3A_552 = arith.index_cast %get3A_551 : i32 to index
        %get3A_553 = arith.index_cast %add3A_546 : i32 to index
        %get3A_554 = arith.constant 0 : index
        %get3A_555 = tpu.vector_load %arg7[%get3A_552, %get3A_553, %get3A_554] {strides = array<i32>} : memref<4x128x64xf32, #tpu.memory_space<vmem>>, vector<16xf32>,
        %add3A_556 = arith.addf %get3A_555, %get3A_318 : vector<16xf32>
        %scatter3A_557 = arith.constant 2 : i32
        %scatter3A_558 = arith.constant 0 : i32
        %scatter3A_559 = arith.constant 0 : i32
        %scatter3A_560 = arith.constant 0 : i32
        %scatter3A_561 = tpu.memref_slice %arg8[%scatter3A_557, %scatter3A_558, %scatter3A_559, %scatter3A_560] : memref<4x8x8x129xf32, #tpu.memory_space<vmem>> -> memref<1x8x8x129xf32, #tpu.memory_space<vmem>>
        %scatter3A_562 = tpu.memref_squeeze %scatter3A_561 : memref<1x8x8x129xf32, #tpu.memory_space<vmem>> -> memref<8x8x129xf32, #tpu.memory_space<vmem>>
        tpu.vector_store_idx %scatter3A_562[%shift_right_arithmetic3A_17, %and3A_28, %add3A_550], %add3A_556 : memref<8x8x129xf32, #tpu.memory_space<vmem>>[vector<16xi32>, vector<16xi32>, vector<16xi32>], vector<16xf32>,
        %get3A_563 = arith.constant 2 : i32
        %get3A_564 = arith.index_cast %get3A_563 : i32 to index
        %get3A_565 = arith.index_cast %add3A_546 : i32 to index
        %get3A_566 = arith.constant 16 : index
        %get3A_567 = tpu.vector_load %arg7[%get3A_564, %get3A_565, %get3A_566] {strides = array<i32>} : memref<4x128x64xf32, #tpu.memory_space<vmem>>, vector<16xf32>,
        %add3A_568 = arith.addf %get3A_567, %get3A_321 : vector<16xf32>
        %scatter3A_569 = arith.constant 2 : i32
        %scatter3A_570 = arith.constant 0 : i32
        %scatter3A_571 = arith.constant 0 : i32
        %scatter3A_572 = arith.constant 0 : i32
        %scatter3A_573 = tpu.memref_slice %arg8[%scatter3A_569, %scatter3A_570, %scatter3A_571, %scatter3A_572] : memref<4x8x8x129xf32, #tpu.memory_space<vmem>> -> memref<1x8x8x129xf32, #tpu.memory_space<vmem>>
        %scatter3A_574 = tpu.memref_squeeze %scatter3A_573 : memref<1x8x8x129xf32, #tpu.memory_space<vmem>> -> memref<8x8x129xf32, #tpu.memory_space<vmem>>
        tpu.vector_store_idx %scatter3A_574[%shift_right_arithmetic3A_20, %and3A_31, %add3A_550], %add3A_568 : memref<8x8x129xf32, #tpu.memory_space<vmem>>[vector<16xi32>, vector<16xi32>, vector<16xi32>], vector<16xf32>,
        %get3A_575 = arith.constant 2 : i32
        %get3A_576 = arith.index_cast %get3A_575 : i32 to index
        %get3A_577 = arith.index_cast %add3A_546 : i32 to index
        %get3A_578 = arith.constant 32 : index
        %get3A_579 = tpu.vector_load %arg7[%get3A_576, %get3A_577, %get3A_578] {strides = array<i32>} : memref<4x128x64xf32, #tpu.memory_space<vmem>>, vector<16xf32>,
        %add3A_580 = arith.addf %get3A_579, %get3A_324 : vector<16xf32>
        %scatter3A_581 = arith.constant 2 : i32
        %scatter3A_582 = arith.constant 0 : i32
        %scatter3A_583 = arith.constant 0 : i32
        %scatter3A_584 = arith.constant 0 : i32
        %scatter3A_585 = tpu.memref_slice %arg8[%scatter3A_581, %scatter3A_582, %scatter3A_583, %scatter3A_584] : memref<4x8x8x129xf32, #tpu.memory_space<vmem>> -> memref<1x8x8x129xf32, #tpu.memory_space<vmem>>
        %scatter3A_586 = tpu.memref_squeeze %scatter3A_585 : memref<1x8x8x129xf32, #tpu.memory_space<vmem>> -> memref<8x8x129xf32, #tpu.memory_space<vmem>>
        tpu.vector_store_idx %scatter3A_586[%shift_right_arithmetic3A_23, %and3A_34, %add3A_550], %add3A_580 : memref<8x8x129xf32, #tpu.memory_space<vmem>>[vector<16xi32>, vector<16xi32>, vector<16xi32>], vector<16xf32>,
        %get3A_587 = arith.constant 2 : i32
        %get3A_588 = arith.index_cast %get3A_587 : i32 to index
        %get3A_589 = arith.index_cast %add3A_546 : i32 to index
        %get3A_590 = arith.constant 48 : index
        %get3A_591 = tpu.vector_load %arg7[%get3A_588, %get3A_589, %get3A_590] {strides = array<i32>} : memref<4x128x64xf32, #tpu.memory_space<vmem>>, vector<16xf32>,
        %add3A_592 = arith.addf %get3A_591, %get3A_327 : vector<16xf32>
        %scatter3A_593 = arith.constant 2 : i32
        %scatter3A_594 = arith.constant 0 : i32
        %scatter3A_595 = arith.constant 0 : i32
        %scatter3A_596 = arith.constant 0 : i32
        %scatter3A_597 = tpu.memref_slice %arg8[%scatter3A_593, %scatter3A_594, %scatter3A_595, %scatter3A_596] : memref<4x8x8x129xf32, #tpu.memory_space<vmem>> -> memref<1x8x8x129xf32, #tpu.memory_space<vmem>>
        %scatter3A_598 = tpu.memref_squeeze %scatter3A_597 : memref<1x8x8x129xf32, #tpu.memory_space<vmem>> -> memref<8x8x129xf32, #tpu.memory_space<vmem>>
        tpu.vector_store_idx %scatter3A_598[%shift_right_arithmetic3A_26, %and3A_37, %add3A_550], %add3A_592 : memref<8x8x129xf32, #tpu.memory_space<vmem>>[vector<16xi32>, vector<16xi32>, vector<16xi32>], vector<16xf32>,
        %mul3A_599 = arith.constant 16 : i32
        %mul3A_600 = arith.muli %scan3A_432, %mul3A_599 : i32
        %add3A_601 = arith.constant 3 : i32
        %add3A_602 = arith.addi %mul3A_600, %add3A_601 : i32
        %broadcast_in_dim3A_603 = arith.constant 0 : i32
        %broadcast_in_dim3A_604 = vector.broadcast %broadcast_in_dim3A_603 : i32 to vector<16xi32>
        %add3A_605 = vector.broadcast %add3A_602 : i32 to vector<16xi32>
        %add3A_606 = arith.addi %broadcast_in_dim3A_604, %add3A_605 : vector<16xi32>
        %get3A_607 = arith.constant 2 : i32
        %get3A_608 = arith.index_cast %get3A_607 : i32 to index
        %get3A_609 = arith.index_cast %add3A_602 : i32 to index
        %get3A_610 = arith.constant 0 : index
        %get3A_611 = tpu.vector_load %arg7[%get3A_608, %get3A_609, %get3A_610] {strides = array<i32>} : memref<4x128x64xf32, #tpu.memory_space<vmem>>, vector<16xf32>,
        %add3A_612 = arith.addf %get3A_611, %get3A_318 : vector<16xf32>
        %scatter3A_613 = arith.constant 2 : i32
        %scatter3A_614 = arith.constant 0 : i32
        %scatter3A_615 = arith.constant 0 : i32
        %scatter3A_616 = arith.constant 0 : i32
        %scatter3A_617 = tpu.memref_slice %arg8[%scatter3A_613, %scatter3A_614, %scatter3A_615, %scatter3A_616] : memref<4x8x8x129xf32, #tpu.memory_space<vmem>> -> memref<1x8x8x129xf32, #tpu.memory_space<vmem>>
        %scatter3A_618 = tpu.memref_squeeze %scatter3A_617 : memref<1x8x8x129xf32, #tpu.memory_space<vmem>> -> memref<8x8x129xf32, #tpu.memory_space<vmem>>
        tpu.vector_store_idx %scatter3A_618[%shift_right_arithmetic3A_17, %and3A_28, %add3A_606], %add3A_612 : memref<8x8x129xf32, #tpu.memory_space<vmem>>[vector<16xi32>, vector<16xi32>, vector<16xi32>], vector<16xf32>,
        %get3A_619 = arith.constant 2 : i32
        %get3A_620 = arith.index_cast %get3A_619 : i32 to index
        %get3A_621 = arith.index_cast %add3A_602 : i32 to index
        %get3A_622 = arith.constant 16 : index
        %get3A_623 = tpu.vector_load %arg7[%get3A_620, %get3A_621, %get3A_622] {strides = array<i32>} : memref<4x128x64xf32, #tpu.memory_space<vmem>>, vector<16xf32>,
        %add3A_624 = arith.addf %get3A_623, %get3A_321 : vector<16xf32>
        %scatter3A_625 = arith.constant 2 : i32
        %scatter3A_626 = arith.constant 0 : i32
        %scatter3A_627 = arith.constant 0 : i32
        %scatter3A_628 = arith.constant 0 : i32
        %scatter3A_629 = tpu.memref_slice %arg8[%scatter3A_625, %scatter3A_626, %scatter3A_627, %scatter3A_628] : memref<4x8x8x129xf32, #tpu.memory_space<vmem>> -> memref<1x8x8x129xf32, #tpu.memory_space<vmem>>
        %scatter3A_630 = tpu.memref_squeeze %scatter3A_629 : memref<1x8x8x129xf32, #tpu.memory_space<vmem>> -> memref<8x8x129xf32, #tpu.memory_space<vmem>>
        tpu.vector_store_idx %scatter3A_630[%shift_right_arithmetic3A_20, %and3A_31, %add3A_606], %add3A_624 : memref<8x8x129xf32, #tpu.memory_space<vmem>>[vector<16xi32>, vector<16xi32>, vector<16xi32>], vector<16xf32>,
        %get3A_631 = arith.constant 2 : i32
        %get3A_632 = arith.index_cast %get3A_631 : i32 to index
        %get3A_633 = arith.index_cast %add3A_602 : i32 to index
        %get3A_634 = arith.constant 32 : index
        %get3A_635 = tpu.vector_load %arg7[%get3A_632, %get3A_633, %get3A_634] {strides = array<i32>} : memref<4x128x64xf32, #tpu.memory_space<vmem>>, vector<16xf32>,
        %add3A_636 = arith.addf %get3A_635, %get3A_324 : vector<16xf32>
        %scatter3A_637 = arith.constant 2 : i32
        %scatter3A_638 = arith.constant 0 : i32
        %scatter3A_639 = arith.constant 0 : i32
        %scatter3A_640 = arith.constant 0 : i32
        %scatter3A_641 = tpu.memref_slice %arg8[%scatter3A_637, %scatter3A_638, %scatter3A_639, %scatter3A_640] : memref<4x8x8x129xf32, #tpu.memory_space<vmem>> -> memref<1x8x8x129xf32, #tpu.memory_space<vmem>>
        %scatter3A_642 = tpu.memref_squeeze %scatter3A_641 : memref<1x8x8x129xf32, #tpu.memory_space<vmem>> -> memref<8x8x129xf32, #tpu.memory_space<vmem>>
        tpu.vector_store_idx %scatter3A_642[%shift_right_arithmetic3A_23, %and3A_34, %add3A_606], %add3A_636 : memref<8x8x129xf32, #tpu.memory_space<vmem>>[vector<16xi32>, vector<16xi32>, vector<16xi32>], vector<16xf32>,
        %get3A_643 = arith.constant 2 : i32
        %get3A_644 = arith.index_cast %get3A_643 : i32 to index
        %get3A_645 = arith.index_cast %add3A_602 : i32 to index
        %get3A_646 = arith.constant 48 : index
        %get3A_647 = tpu.vector_load %arg7[%get3A_644, %get3A_645, %get3A_646] {strides = array<i32>} : memref<4x128x64xf32, #tpu.memory_space<vmem>>, vector<16xf32>,
        %add3A_648 = arith.addf %get3A_647, %get3A_327 : vector<16xf32>
        %scatter3A_649 = arith.constant 2 : i32
        %scatter3A_650 = arith.constant 0 : i32
        %scatter3A_651 = arith.constant 0 : i32
        %scatter3A_652 = arith.constant 0 : i32
        %scatter3A_653 = tpu.memref_slice %arg8[%scatter3A_649, %scatter3A_650, %scatter3A_651, %scatter3A_652] : memref<4x8x8x129xf32, #tpu.memory_space<vmem>> -> memref<1x8x8x129xf32, #tpu.memory_space<vmem>>
        %scatter3A_654 = tpu.memref_squeeze %scatter3A_653 : memref<1x8x8x129xf32, #tpu.memory_space<vmem>> -> memref<8x8x129xf32, #tpu.memory_space<vmem>>
        tpu.vector_store_idx %scatter3A_654[%shift_right_arithmetic3A_26, %and3A_37, %add3A_606], %add3A_648 : memref<8x8x129xf32, #tpu.memory_space<vmem>>[vector<16xi32>, vector<16xi32>, vector<16xi32>], vector<16xf32>,
        %mul3A_655 = arith.constant 16 : i32
        %mul3A_656 = arith.muli %scan3A_432, %mul3A_655 : i32
        %add3A_657 = arith.constant 4 : i32
        %add3A_658 = arith.addi %mul3A_656, %add3A_657 : i32
        %broadcast_in_dim3A_659 = arith.constant 0 : i32
        %broadcast_in_dim3A_660 = vector.broadcast %broadcast_in_dim3A_659 : i32 to vector<16xi32>
        %add3A_661 = vector.broadcast %add3A_658 : i32 to vector<16xi32>
        %add3A_662 = arith.addi %broadcast_in_dim3A_660, %add3A_661 : vector<16xi32>
        %get3A_663 = arith.constant 2 : i32
        %get3A_664 = arith.index_cast %get3A_663 : i32 to index
        %get3A_665 = arith.index_cast %add3A_658 : i32 to index
        %get3A_666 = arith.constant 0 : index
        %get3A_667 = tpu.vector_load %arg7[%get3A_664, %get3A_665, %get3A_666] {strides = array<i32>} : memref<4x128x64xf32, #tpu.memory_space<vmem>>, vector<16xf32>,
        %add3A_668 = arith.addf %get3A_667, %get3A_318 : vector<16xf32>
        %scatter3A_669 = arith.constant 2 : i32
        %scatter3A_670 = arith.constant 0 : i32
        %scatter3A_671 = arith.constant 0 : i32
        %scatter3A_672 = arith.constant 0 : i32
        %scatter3A_673 = tpu.memref_slice %arg8[%scatter3A_669, %scatter3A_670, %scatter3A_671, %scatter3A_672] : memref<4x8x8x129xf32, #tpu.memory_space<vmem>> -> memref<1x8x8x129xf32, #tpu.memory_space<vmem>>
        %scatter3A_674 = tpu.memref_squeeze %scatter3A_673 : memref<1x8x8x129xf32, #tpu.memory_space<vmem>> -> memref<8x8x129xf32, #tpu.memory_space<vmem>>
        tpu.vector_store_idx %scatter3A_674[%shift_right_arithmetic3A_17, %and3A_28, %add3A_662], %add3A_668 : memref<8x8x129xf32, #tpu.memory_space<vmem>>[vector<16xi32>, vector<16xi32>, vector<16xi32>], vector<16xf32>,
        %get3A_675 = arith.constant 2 : i32
        %get3A_676 = arith.index_cast %get3A_675 : i32 to index
        %get3A_677 = arith.index_cast %add3A_658 : i32 to index
        %get3A_678 = arith.constant 16 : index
        %get3A_679 = tpu.vector_load %arg7[%get3A_676, %get3A_677, %get3A_678] {strides = array<i32>} : memref<4x128x64xf32, #tpu.memory_space<vmem>>, vector<16xf32>,
        %add3A_680 = arith.addf %get3A_679, %get3A_321 : vector<16xf32>
        %scatter3A_681 = arith.constant 2 : i32
        %scatter3A_682 = arith.constant 0 : i32
        %scatter3A_683 = arith.constant 0 : i32
        %scatter3A_684 = arith.constant 0 : i32
        %scatter3A_685 = tpu.memref_slice %arg8[%scatter3A_681, %scatter3A_682, %scatter3A_683, %scatter3A_684] : memref<4x8x8x129xf32, #tpu.memory_space<vmem>> -> memref<1x8x8x129xf32, #tpu.memory_space<vmem>>
        %scatter3A_686 = tpu.memref_squeeze %scatter3A_685 : memref<1x8x8x129xf32, #tpu.memory_space<vmem>> -> memref<8x8x129xf32, #tpu.memory_space<vmem>>
        tpu.vector_store_idx %scatter3A_686[%shift_right_arithmetic3A_20, %and3A_31, %add3A_662], %add3A_680 : memref<8x8x129xf32, #tpu.memory_space<vmem>>[vector<16xi32>, vector<16xi32>, vector<16xi32>], vector<16xf32>,
        %get3A_687 = arith.constant 2 : i32
        %get3A_688 = arith.index_cast %get3A_687 : i32 to index
        %get3A_689 = arith.index_cast %add3A_658 : i32 to index
        %get3A_690 = arith.constant 32 : index
        %get3A_691 = tpu.vector_load %arg7[%get3A_688, %get3A_689, %get3A_690] {strides = array<i32>} : memref<4x128x64xf32, #tpu.memory_space<vmem>>, vector<16xf32>,
        %add3A_692 = arith.addf %get3A_691, %get3A_324 : vector<16xf32>
        %scatter3A_693 = arith.constant 2 : i32
        %scatter3A_694 = arith.constant 0 : i32
        %scatter3A_695 = arith.constant 0 : i32
        %scatter3A_696 = arith.constant 0 : i32
        %scatter3A_697 = tpu.memref_slice %arg8[%scatter3A_693, %scatter3A_694, %scatter3A_695, %scatter3A_696] : memref<4x8x8x129xf32, #tpu.memory_space<vmem>> -> memref<1x8x8x129xf32, #tpu.memory_space<vmem>>
        %scatter3A_698 = tpu.memref_squeeze %scatter3A_697 : memref<1x8x8x129xf32, #tpu.memory_space<vmem>> -> memref<8x8x129xf32, #tpu.memory_space<vmem>>
        tpu.vector_store_idx %scatter3A_698[%shift_right_arithmetic3A_23, %and3A_34, %add3A_662], %add3A_692 : memref<8x8x129xf32, #tpu.memory_space<vmem>>[vector<16xi32>, vector<16xi32>, vector<16xi32>], vector<16xf32>,
        %get3A_699 = arith.constant 2 : i32
        %get3A_700 = arith.index_cast %get3A_699 : i32 to index
        %get3A_701 = arith.index_cast %add3A_658 : i32 to index
        %get3A_702 = arith.constant 48 : index
        %get3A_703 = tpu.vector_load %arg7[%get3A_700, %get3A_701, %get3A_702] {strides = array<i32>} : memref<4x128x64xf32, #tpu.memory_space<vmem>>, vector<16xf32>,
        %add3A_704 = arith.addf %get3A_703, %get3A_327 : vector<16xf32>
        %scatter3A_705 = arith.constant 2 : i32
        %scatter3A_706 = arith.constant 0 : i32
        %scatter3A_707 = arith.constant 0 : i32
        %scatter3A_708 = arith.constant 0 : i32
        %scatter3A_709 = tpu.memref_slice %arg8[%scatter3A_705, %scatter3A_706, %scatter3A_707, %scatter3A_708] : memref<4x8x8x129xf32, #tpu.memory_space<vmem>> -> memref<1x8x8x129xf32, #tpu.memory_space<vmem>>
        %scatter3A_710 = tpu.memref_squeeze %scatter3A_709 : memref<1x8x8x129xf32, #tpu.memory_space<vmem>> -> memref<8x8x129xf32, #tpu.memory_space<vmem>>
        tpu.vector_store_idx %scatter3A_710[%shift_right_arithmetic3A_26, %and3A_37, %add3A_662], %add3A_704 : memref<8x8x129xf32, #tpu.memory_space<vmem>>[vector<16xi32>, vector<16xi32>, vector<16xi32>], vector<16xf32>,
        %mul3A_711 = arith.constant 16 : i32
        %mul3A_712 = arith.muli %scan3A_432, %mul3A_711 : i32
        %add3A_713 = arith.constant 5 : i32
        %add3A_714 = arith.addi %mul3A_712, %add3A_713 : i32
        %broadcast_in_dim3A_715 = arith.constant 0 : i32
        %broadcast_in_dim3A_716 = vector.broadcast %broadcast_in_dim3A_715 : i32 to vector<16xi32>
        %add3A_717 = vector.broadcast %add3A_714 : i32 to vector<16xi32>
        %add3A_718 = arith.addi %broadcast_in_dim3A_716, %add3A_717 : vector<16xi32>
        %get3A_719 = arith.constant 2 : i32
        %get3A_720 = arith.index_cast %get3A_719 : i32 to index
        %get3A_721 = arith.index_cast %add3A_714 : i32 to index
        %get3A_722 = arith.constant 0 : index
        %get3A_723 = tpu.vector_load %arg7[%get3A_720, %get3A_721, %get3A_722] {strides = array<i32>} : memref<4x128x64xf32, #tpu.memory_space<vmem>>, vector<16xf32>,
        %add3A_724 = arith.addf %get3A_723, %get3A_318 : vector<16xf32>
        %scatter3A_725 = arith.constant 2 : i32
        %scatter3A_726 = arith.constant 0 : i32
        %scatter3A_727 = arith.constant 0 : i32
        %scatter3A_728 = arith.constant 0 : i32
        %scatter3A_729 = tpu.memref_slice %arg8[%scatter3A_725, %scatter3A_726, %scatter3A_727, %scatter3A_728] : memref<4x8x8x129xf32, #tpu.memory_space<vmem>> -> memref<1x8x8x129xf32, #tpu.memory_space<vmem>>
        %scatter3A_730 = tpu.memref_squeeze %scatter3A_729 : memref<1x8x8x129xf32, #tpu.memory_space<vmem>> -> memref<8x8x129xf32, #tpu.memory_space<vmem>>
        tpu.vector_store_idx %scatter3A_730[%shift_right_arithmetic3A_17, %and3A_28, %add3A_718], %add3A_724 : memref<8x8x129xf32, #tpu.memory_space<vmem>>[vector<16xi32>, vector<16xi32>, vector<16xi32>], vector<16xf32>,
        %get3A_731 = arith.constant 2 : i32
        %get3A_732 = arith.index_cast %get3A_731 : i32 to index
        %get3A_733 = arith.index_cast %add3A_714 : i32 to index
        %get3A_734 = arith.constant 16 : index
        %get3A_735 = tpu.vector_load %arg7[%get3A_732, %get3A_733, %get3A_734] {strides = array<i32>} : memref<4x128x64xf32, #tpu.memory_space<vmem>>, vector<16xf32>,
        %add3A_736 = arith.addf %get3A_735, %get3A_321 : vector<16xf32>
        %scatter3A_737 = arith.constant 2 : i32
        %scatter3A_738 = arith.constant 0 : i32
        %scatter3A_739 = arith.constant 0 : i32
        %scatter3A_740 = arith.constant 0 : i32
        %scatter3A_741 = tpu.memref_slice %arg8[%scatter3A_737, %scatter3A_738, %scatter3A_739, %scatter3A_740] : memref<4x8x8x129xf32, #tpu.memory_space<vmem>> -> memref<1x8x8x129xf32, #tpu.memory_space<vmem>>
        %scatter3A_742 = tpu.memref_squeeze %scatter3A_741 : memref<1x8x8x129xf32, #tpu.memory_space<vmem>> -> memref<8x8x129xf32, #tpu.memory_space<vmem>>
        tpu.vector_store_idx %scatter3A_742[%shift_right_arithmetic3A_20, %and3A_31, %add3A_718], %add3A_736 : memref<8x8x129xf32, #tpu.memory_space<vmem>>[vector<16xi32>, vector<16xi32>, vector<16xi32>], vector<16xf32>,
        %get3A_743 = arith.constant 2 : i32
        %get3A_744 = arith.index_cast %get3A_743 : i32 to index
        %get3A_745 = arith.index_cast %add3A_714 : i32 to index
        %get3A_746 = arith.constant 32 : index
        %get3A_747 = tpu.vector_load %arg7[%get3A_744, %get3A_745, %get3A_746] {strides = array<i32>} : memref<4x128x64xf32, #tpu.memory_space<vmem>>, vector<16xf32>,
        %add3A_748 = arith.addf %get3A_747, %get3A_324 : vector<16xf32>
        %scatter3A_749 = arith.constant 2 : i32
        %scatter3A_750 = arith.constant 0 : i32
        %scatter3A_751 = arith.constant 0 : i32
        %scatter3A_752 = arith.constant 0 : i32
        %scatter3A_753 = tpu.memref_slice %arg8[%scatter3A_749, %scatter3A_750, %scatter3A_751, %scatter3A_752] : memref<4x8x8x129xf32, #tpu.memory_space<vmem>> -> memref<1x8x8x129xf32, #tpu.memory_space<vmem>>
        %scatter3A_754 = tpu.memref_squeeze %scatter3A_753 : memref<1x8x8x129xf32, #tpu.memory_space<vmem>> -> memref<8x8x129xf32, #tpu.memory_space<vmem>>
        tpu.vector_store_idx %scatter3A_754[%shift_right_arithmetic3A_23, %and3A_34, %add3A_718], %add3A_748 : memref<8x8x129xf32, #tpu.memory_space<vmem>>[vector<16xi32>, vector<16xi32>, vector<16xi32>], vector<16xf32>,
        %get3A_755 = arith.constant 2 : i32
        %get3A_756 = arith.index_cast %get3A_755 : i32 to index
        %get3A_757 = arith.index_cast %add3A_714 : i32 to index
        %get3A_758 = arith.constant 48 : index
        %get3A_759 = tpu.vector_load %arg7[%get3A_756, %get3A_757, %get3A_758] {strides = array<i32>} : memref<4x128x64xf32, #tpu.memory_space<vmem>>, vector<16xf32>,
        %add3A_760 = arith.addf %get3A_759, %get3A_327 : vector<16xf32>
        %scatter3A_761 = arith.constant 2 : i32
        %scatter3A_762 = arith.constant 0 : i32
        %scatter3A_763 = arith.constant 0 : i32
        %scatter3A_764 = arith.constant 0 : i32
        %scatter3A_765 = tpu.memref_slice %arg8[%scatter3A_761, %scatter3A_762, %scatter3A_763, %scatter3A_764] : memref<4x8x8x129xf32, #tpu.memory_space<vmem>> -> memref<1x8x8x129xf32, #tpu.memory_space<vmem>>
        %scatter3A_766 = tpu.memref_squeeze %scatter3A_765 : memref<1x8x8x129xf32, #tpu.memory_space<vmem>> -> memref<8x8x129xf32, #tpu.memory_space<vmem>>
        tpu.vector_store_idx %scatter3A_766[%shift_right_arithmetic3A_26, %and3A_37, %add3A_718], %add3A_760 : memref<8x8x129xf32, #tpu.memory_space<vmem>>[vector<16xi32>, vector<16xi32>, vector<16xi32>], vector<16xf32>,
        %mul3A_767 = arith.constant 16 : i32
        %mul3A_768 = arith.muli %scan3A_432, %mul3A_767 : i32
        %add3A_769 = arith.constant 6 : i32
        %add3A_770 = arith.addi %mul3A_768, %add3A_769 : i32
        %broadcast_in_dim3A_771 = arith.constant 0 : i32
        %broadcast_in_dim3A_772 = vector.broadcast %broadcast_in_dim3A_771 : i32 to vector<16xi32>
        %add3A_773 = vector.broadcast %add3A_770 : i32 to vector<16xi32>
        %add3A_774 = arith.addi %broadcast_in_dim3A_772, %add3A_773 : vector<16xi32>
        %get3A_775 = arith.constant 2 : i32
        %get3A_776 = arith.index_cast %get3A_775 : i32 to index
        %get3A_777 = arith.index_cast %add3A_770 : i32 to index
        %get3A_778 = arith.constant 0 : index
        %get3A_779 = tpu.vector_load %arg7[%get3A_776, %get3A_777, %get3A_778] {strides = array<i32>} : memref<4x128x64xf32, #tpu.memory_space<vmem>>, vector<16xf32>,
        %add3A_780 = arith.addf %get3A_779, %get3A_318 : vector<16xf32>
        %scatter3A_781 = arith.constant 2 : i32
        %scatter3A_782 = arith.constant 0 : i32
        %scatter3A_783 = arith.constant 0 : i32
        %scatter3A_784 = arith.constant 0 : i32
        %scatter3A_785 = tpu.memref_slice %arg8[%scatter3A_781, %scatter3A_782, %scatter3A_783, %scatter3A_784] : memref<4x8x8x129xf32, #tpu.memory_space<vmem>> -> memref<1x8x8x129xf32, #tpu.memory_space<vmem>>
        %scatter3A_786 = tpu.memref_squeeze %scatter3A_785 : memref<1x8x8x129xf32, #tpu.memory_space<vmem>> -> memref<8x8x129xf32, #tpu.memory_space<vmem>>
        tpu.vector_store_idx %scatter3A_786[%shift_right_arithmetic3A_17, %and3A_28, %add3A_774], %add3A_780 : memref<8x8x129xf32, #tpu.memory_space<vmem>>[vector<16xi32>, vector<16xi32>, vector<16xi32>], vector<16xf32>,
        %get3A_787 = arith.constant 2 : i32
        %get3A_788 = arith.index_cast %get3A_787 : i32 to index
        %get3A_789 = arith.index_cast %add3A_770 : i32 to index
        %get3A_790 = arith.constant 16 : index
        %get3A_791 = tpu.vector_load %arg7[%get3A_788, %get3A_789, %get3A_790] {strides = array<i32>} : memref<4x128x64xf32, #tpu.memory_space<vmem>>, vector<16xf32>,
        %add3A_792 = arith.addf %get3A_791, %get3A_321 : vector<16xf32>
        %scatter3A_793 = arith.constant 2 : i32
        %scatter3A_794 = arith.constant 0 : i32
        %scatter3A_795 = arith.constant 0 : i32
        %scatter3A_796 = arith.constant 0 : i32
        %scatter3A_797 = tpu.memref_slice %arg8[%scatter3A_793, %scatter3A_794, %scatter3A_795, %scatter3A_796] : memref<4x8x8x129xf32, #tpu.memory_space<vmem>> -> memref<1x8x8x129xf32, #tpu.memory_space<vmem>>
        %scatter3A_798 = tpu.memref_squeeze %scatter3A_797 : memref<1x8x8x129xf32, #tpu.memory_space<vmem>> -> memref<8x8x129xf32, #tpu.memory_space<vmem>>
        tpu.vector_store_idx %scatter3A_798[%shift_right_arithmetic3A_20, %and3A_31, %add3A_774], %add3A_792 : memref<8x8x129xf32, #tpu.memory_space<vmem>>[vector<16xi32>, vector<16xi32>, vector<16xi32>], vector<16xf32>,
        %get3A_799 = arith.constant 2 : i32
        %get3A_800 = arith.index_cast %get3A_799 : i32 to index
        %get3A_801 = arith.index_cast %add3A_770 : i32 to index
        %get3A_802 = arith.constant 32 : index
        %get3A_803 = tpu.vector_load %arg7[%get3A_800, %get3A_801, %get3A_802] {strides = array<i32>} : memref<4x128x64xf32, #tpu.memory_space<vmem>>, vector<16xf32>,
        %add3A_804 = arith.addf %get3A_803, %get3A_324 : vector<16xf32>
        %scatter3A_805 = arith.constant 2 : i32
        %scatter3A_806 = arith.constant 0 : i32
        %scatter3A_807 = arith.constant 0 : i32
        %scatter3A_808 = arith.constant 0 : i32
        %scatter3A_809 = tpu.memref_slice %arg8[%scatter3A_805, %scatter3A_806, %scatter3A_807, %scatter3A_808] : memref<4x8x8x129xf32, #tpu.memory_space<vmem>> -> memref<1x8x8x129xf32, #tpu.memory_space<vmem>>
        %scatter3A_810 = tpu.memref_squeeze %scatter3A_809 : memref<1x8x8x129xf32, #tpu.memory_space<vmem>> -> memref<8x8x129xf32, #tpu.memory_space<vmem>>
        tpu.vector_store_idx %scatter3A_810[%shift_right_arithmetic3A_23, %and3A_34, %add3A_774], %add3A_804 : memref<8x8x129xf32, #tpu.memory_space<vmem>>[vector<16xi32>, vector<16xi32>, vector<16xi32>], vector<16xf32>,
        %get3A_811 = arith.constant 2 : i32
        %get3A_812 = arith.index_cast %get3A_811 : i32 to index
        %get3A_813 = arith.index_cast %add3A_770 : i32 to index
        %get3A_814 = arith.constant 48 : index
        %get3A_815 = tpu.vector_load %arg7[%get3A_812, %get3A_813, %get3A_814] {strides = array<i32>} : memref<4x128x64xf32, #tpu.memory_space<vmem>>, vector<16xf32>,
        %add3A_816 = arith.addf %get3A_815, %get3A_327 : vector<16xf32>
        %scatter3A_817 = arith.constant 2 : i32
        %scatter3A_818 = arith.constant 0 : i32
        %scatter3A_819 = arith.constant 0 : i32
        %scatter3A_820 = arith.constant 0 : i32
        %scatter3A_821 = tpu.memref_slice %arg8[%scatter3A_817, %scatter3A_818, %scatter3A_819, %scatter3A_820] : memref<4x8x8x129xf32, #tpu.memory_space<vmem>> -> memref<1x8x8x129xf32, #tpu.memory_space<vmem>>
        %scatter3A_822 = tpu.memref_squeeze %scatter3A_821 : memref<1x8x8x129xf32, #tpu.memory_space<vmem>> -> memref<8x8x129xf32, #tpu.memory_space<vmem>>
        tpu.vector_store_idx %scatter3A_822[%shift_right_arithmetic3A_26, %and3A_37, %add3A_774], %add3A_816 : memref<8x8x129xf32, #tpu.memory_space<vmem>>[vector<16xi32>, vector<16xi32>, vector<16xi32>], vector<16xf32>,
        %mul3A_823 = arith.constant 16 : i32
        %mul3A_824 = arith.muli %scan3A_432, %mul3A_823 : i32
        %add3A_825 = arith.constant 7 : i32
        %add3A_826 = arith.addi %mul3A_824, %add3A_825 : i32
        %broadcast_in_dim3A_827 = arith.constant 0 : i32
        %broadcast_in_dim3A_828 = vector.broadcast %broadcast_in_dim3A_827 : i32 to vector<16xi32>
        %add3A_829 = vector.broadcast %add3A_826 : i32 to vector<16xi32>
        %add3A_830 = arith.addi %broadcast_in_dim3A_828, %add3A_829 : vector<16xi32>
        %get3A_831 = arith.constant 2 : i32
        %get3A_832 = arith.index_cast %get3A_831 : i32 to index
        %get3A_833 = arith.index_cast %add3A_826 : i32 to index
        %get3A_834 = arith.constant 0 : index
        %get3A_835 = tpu.vector_load %arg7[%get3A_832, %get3A_833, %get3A_834] {strides = array<i32>} : memref<4x128x64xf32, #tpu.memory_space<vmem>>, vector<16xf32>,
        %add3A_836 = arith.addf %get3A_835, %get3A_318 : vector<16xf32>
        %scatter3A_837 = arith.constant 2 : i32
        %scatter3A_838 = arith.constant 0 : i32
        %scatter3A_839 = arith.constant 0 : i32
        %scatter3A_840 = arith.constant 0 : i32
        %scatter3A_841 = tpu.memref_slice %arg8[%scatter3A_837, %scatter3A_838, %scatter3A_839, %scatter3A_840] : memref<4x8x8x129xf32, #tpu.memory_space<vmem>> -> memref<1x8x8x129xf32, #tpu.memory_space<vmem>>
        %scatter3A_842 = tpu.memref_squeeze %scatter3A_841 : memref<1x8x8x129xf32, #tpu.memory_space<vmem>> -> memref<8x8x129xf32, #tpu.memory_space<vmem>>
        tpu.vector_store_idx %scatter3A_842[%shift_right_arithmetic3A_17, %and3A_28, %add3A_830], %add3A_836 : memref<8x8x129xf32, #tpu.memory_space<vmem>>[vector<16xi32>, vector<16xi32>, vector<16xi32>], vector<16xf32>,
        %get3A_843 = arith.constant 2 : i32
        %get3A_844 = arith.index_cast %get3A_843 : i32 to index
        %get3A_845 = arith.index_cast %add3A_826 : i32 to index
        %get3A_846 = arith.constant 16 : index
        %get3A_847 = tpu.vector_load %arg7[%get3A_844, %get3A_845, %get3A_846] {strides = array<i32>} : memref<4x128x64xf32, #tpu.memory_space<vmem>>, vector<16xf32>,
        %add3A_848 = arith.addf %get3A_847, %get3A_321 : vector<16xf32>
        %scatter3A_849 = arith.constant 2 : i32
        %scatter3A_850 = arith.constant 0 : i32
        %scatter3A_851 = arith.constant 0 : i32
        %scatter3A_852 = arith.constant 0 : i32
        %scatter3A_853 = tpu.memref_slice %arg8[%scatter3A_849, %scatter3A_850, %scatter3A_851, %scatter3A_852] : memref<4x8x8x129xf32, #tpu.memory_space<vmem>> -> memref<1x8x8x129xf32, #tpu.memory_space<vmem>>
        %scatter3A_854 = tpu.memref_squeeze %scatter3A_853 : memref<1x8x8x129xf32, #tpu.memory_space<vmem>> -> memref<8x8x129xf32, #tpu.memory_space<vmem>>
        tpu.vector_store_idx %scatter3A_854[%shift_right_arithmetic3A_20, %and3A_31, %add3A_830], %add3A_848 : memref<8x8x129xf32, #tpu.memory_space<vmem>>[vector<16xi32>, vector<16xi32>, vector<16xi32>], vector<16xf32>,
        %get3A_855 = arith.constant 2 : i32
        %get3A_856 = arith.index_cast %get3A_855 : i32 to index
        %get3A_857 = arith.index_cast %add3A_826 : i32 to index
        %get3A_858 = arith.constant 32 : index
        %get3A_859 = tpu.vector_load %arg7[%get3A_856, %get3A_857, %get3A_858] {strides = array<i32>} : memref<4x128x64xf32, #tpu.memory_space<vmem>>, vector<16xf32>,
        %add3A_860 = arith.addf %get3A_859, %get3A_324 : vector<16xf32>
        %scatter3A_861 = arith.constant 2 : i32
        %scatter3A_862 = arith.constant 0 : i32
        %scatter3A_863 = arith.constant 0 : i32
        %scatter3A_864 = arith.constant 0 : i32
        %scatter3A_865 = tpu.memref_slice %arg8[%scatter3A_861, %scatter3A_862, %scatter3A_863, %scatter3A_864] : memref<4x8x8x129xf32, #tpu.memory_space<vmem>> -> memref<1x8x8x129xf32, #tpu.memory_space<vmem>>
        %scatter3A_866 = tpu.memref_squeeze %scatter3A_865 : memref<1x8x8x129xf32, #tpu.memory_space<vmem>> -> memref<8x8x129xf32, #tpu.memory_space<vmem>>
        tpu.vector_store_idx %scatter3A_866[%shift_right_arithmetic3A_23, %and3A_34, %add3A_830], %add3A_860 : memref<8x8x129xf32, #tpu.memory_space<vmem>>[vector<16xi32>, vector<16xi32>, vector<16xi32>], vector<16xf32>,
        %get3A_867 = arith.constant 2 : i32
        %get3A_868 = arith.index_cast %get3A_867 : i32 to index
        %get3A_869 = arith.index_cast %add3A_826 : i32 to index
        %get3A_870 = arith.constant 48 : index
        %get3A_871 = tpu.vector_load %arg7[%get3A_868, %get3A_869, %get3A_870] {strides = array<i32>} : memref<4x128x64xf32, #tpu.memory_space<vmem>>, vector<16xf32>,
        %add3A_872 = arith.addf %get3A_871, %get3A_327 : vector<16xf32>
        %scatter3A_873 = arith.constant 2 : i32
        %scatter3A_874 = arith.constant 0 : i32
        %scatter3A_875 = arith.constant 0 : i32
        %scatter3A_876 = arith.constant 0 : i32
        %scatter3A_877 = tpu.memref_slice %arg8[%scatter3A_873, %scatter3A_874, %scatter3A_875, %scatter3A_876] : memref<4x8x8x129xf32, #tpu.memory_space<vmem>> -> memref<1x8x8x129xf32, #tpu.memory_space<vmem>>
        %scatter3A_878 = tpu.memref_squeeze %scatter3A_877 : memref<1x8x8x129xf32, #tpu.memory_space<vmem>> -> memref<8x8x129xf32, #tpu.memory_space<vmem>>
        tpu.vector_store_idx %scatter3A_878[%shift_right_arithmetic3A_26, %and3A_37, %add3A_830], %add3A_872 : memref<8x8x129xf32, #tpu.memory_space<vmem>>[vector<16xi32>, vector<16xi32>, vector<16xi32>], vector<16xf32>,
        %mul3A_879 = arith.constant 16 : i32
        %mul3A_880 = arith.muli %scan3A_432, %mul3A_879 : i32
        %add3A_881 = arith.constant 8 : i32
        %add3A_882 = arith.addi %mul3A_880, %add3A_881 : i32
        %broadcast_in_dim3A_883 = arith.constant 0 : i32
        %broadcast_in_dim3A_884 = vector.broadcast %broadcast_in_dim3A_883 : i32 to vector<16xi32>
        %add3A_885 = vector.broadcast %add3A_882 : i32 to vector<16xi32>
        %add3A_886 = arith.addi %broadcast_in_dim3A_884, %add3A_885 : vector<16xi32>
        %get3A_887 = arith.constant 2 : i32
        %get3A_888 = arith.index_cast %get3A_887 : i32 to index
        %get3A_889 = arith.index_cast %add3A_882 : i32 to index
        %get3A_890 = arith.constant 0 : index
        %get3A_891 = tpu.vector_load %arg7[%get3A_888, %get3A_889, %get3A_890] {strides = array<i32>} : memref<4x128x64xf32, #tpu.memory_space<vmem>>, vector<16xf32>,
        %add3A_892 = arith.addf %get3A_891, %get3A_318 : vector<16xf32>
        %scatter3A_893 = arith.constant 2 : i32
        %scatter3A_894 = arith.constant 0 : i32
        %scatter3A_895 = arith.constant 0 : i32
        %scatter3A_896 = arith.constant 0 : i32
        %scatter3A_897 = tpu.memref_slice %arg8[%scatter3A_893, %scatter3A_894, %scatter3A_895, %scatter3A_896] : memref<4x8x8x129xf32, #tpu.memory_space<vmem>> -> memref<1x8x8x129xf32, #tpu.memory_space<vmem>>
        %scatter3A_898 = tpu.memref_squeeze %scatter3A_897 : memref<1x8x8x129xf32, #tpu.memory_space<vmem>> -> memref<8x8x129xf32, #tpu.memory_space<vmem>>
        tpu.vector_store_idx %scatter3A_898[%shift_right_arithmetic3A_17, %and3A_28, %add3A_886], %add3A_892 : memref<8x8x129xf32, #tpu.memory_space<vmem>>[vector<16xi32>, vector<16xi32>, vector<16xi32>], vector<16xf32>,
        %get3A_899 = arith.constant 2 : i32
        %get3A_900 = arith.index_cast %get3A_899 : i32 to index
        %get3A_901 = arith.index_cast %add3A_882 : i32 to index
        %get3A_902 = arith.constant 16 : index
        %get3A_903 = tpu.vector_load %arg7[%get3A_900, %get3A_901, %get3A_902] {strides = array<i32>} : memref<4x128x64xf32, #tpu.memory_space<vmem>>, vector<16xf32>,
        %add3A_904 = arith.addf %get3A_903, %get3A_321 : vector<16xf32>
        %scatter3A_905 = arith.constant 2 : i32
        %scatter3A_906 = arith.constant 0 : i32
        %scatter3A_907 = arith.constant 0 : i32
        %scatter3A_908 = arith.constant 0 : i32
        %scatter3A_909 = tpu.memref_slice %arg8[%scatter3A_905, %scatter3A_906, %scatter3A_907, %scatter3A_908] : memref<4x8x8x129xf32, #tpu.memory_space<vmem>> -> memref<1x8x8x129xf32, #tpu.memory_space<vmem>>
        %scatter3A_910 = tpu.memref_squeeze %scatter3A_909 : memref<1x8x8x129xf32, #tpu.memory_space<vmem>> -> memref<8x8x129xf32, #tpu.memory_space<vmem>>
        tpu.vector_store_idx %scatter3A_910[%shift_right_arithmetic3A_20, %and3A_31, %add3A_886], %add3A_904 : memref<8x8x129xf32, #tpu.memory_space<vmem>>[vector<16xi32>, vector<16xi32>, vector<16xi32>], vector<16xf32>,
        %get3A_911 = arith.constant 2 : i32
        %get3A_912 = arith.index_cast %get3A_911 : i32 to index
        %get3A_913 = arith.index_cast %add3A_882 : i32 to index
        %get3A_914 = arith.constant 32 : index
        %get3A_915 = tpu.vector_load %arg7[%get3A_912, %get3A_913, %get3A_914] {strides = array<i32>} : memref<4x128x64xf32, #tpu.memory_space<vmem>>, vector<16xf32>,
        %add3A_916 = arith.addf %get3A_915, %get3A_324 : vector<16xf32>
        %scatter3A_917 = arith.constant 2 : i32
        %scatter3A_918 = arith.constant 0 : i32
        %scatter3A_919 = arith.constant 0 : i32
        %scatter3A_920 = arith.constant 0 : i32
        %scatter3A_921 = tpu.memref_slice %arg8[%scatter3A_917, %scatter3A_918, %scatter3A_919, %scatter3A_920] : memref<4x8x8x129xf32, #tpu.memory_space<vmem>> -> memref<1x8x8x129xf32, #tpu.memory_space<vmem>>
        %scatter3A_922 = tpu.memref_squeeze %scatter3A_921 : memref<1x8x8x129xf32, #tpu.memory_space<vmem>> -> memref<8x8x129xf32, #tpu.memory_space<vmem>>
        tpu.vector_store_idx %scatter3A_922[%shift_right_arithmetic3A_23, %and3A_34, %add3A_886], %add3A_916 : memref<8x8x129xf32, #tpu.memory_space<vmem>>[vector<16xi32>, vector<16xi32>, vector<16xi32>], vector<16xf32>,
        %get3A_923 = arith.constant 2 : i32
        %get3A_924 = arith.index_cast %get3A_923 : i32 to index
        %get3A_925 = arith.index_cast %add3A_882 : i32 to index
        %get3A_926 = arith.constant 48 : index
        %get3A_927 = tpu.vector_load %arg7[%get3A_924, %get3A_925, %get3A_926] {strides = array<i32>} : memref<4x128x64xf32, #tpu.memory_space<vmem>>, vector<16xf32>,
        %add3A_928 = arith.addf %get3A_927, %get3A_327 : vector<16xf32>
        %scatter3A_929 = arith.constant 2 : i32
        %scatter3A_930 = arith.constant 0 : i32
        %scatter3A_931 = arith.constant 0 : i32
        %scatter3A_932 = arith.constant 0 : i32
        %scatter3A_933 = tpu.memref_slice %arg8[%scatter3A_929, %scatter3A_930, %scatter3A_931, %scatter3A_932] : memref<4x8x8x129xf32, #tpu.memory_space<vmem>> -> memref<1x8x8x129xf32, #tpu.memory_space<vmem>>
        %scatter3A_934 = tpu.memref_squeeze %scatter3A_933 : memref<1x8x8x129xf32, #tpu.memory_space<vmem>> -> memref<8x8x129xf32, #tpu.memory_space<vmem>>
        tpu.vector_store_idx %scatter3A_934[%shift_right_arithmetic3A_26, %and3A_37, %add3A_886], %add3A_928 : memref<8x8x129xf32, #tpu.memory_space<vmem>>[vector<16xi32>, vector<16xi32>, vector<16xi32>], vector<16xf32>,
        %mul3A_935 = arith.constant 16 : i32
        %mul3A_936 = arith.muli %scan3A_432, %mul3A_935 : i32
        %add3A_937 = arith.constant 9 : i32
        %add3A_938 = arith.addi %mul3A_936, %add3A_937 : i32
        %broadcast_in_dim3A_939 = arith.constant 0 : i32
        %broadcast_in_dim3A_940 = vector.broadcast %broadcast_in_dim3A_939 : i32 to vector<16xi32>
        %add3A_941 = vector.broadcast %add3A_938 : i32 to vector<16xi32>
        %add3A_942 = arith.addi %broadcast_in_dim3A_940, %add3A_941 : vector<16xi32>
        %get3A_943 = arith.constant 2 : i32
        %get3A_944 = arith.index_cast %get3A_943 : i32 to index
        %get3A_945 = arith.index_cast %add3A_938 : i32 to index
        %get3A_946 = arith.constant 0 : index
        %get3A_947 = tpu.vector_load %arg7[%get3A_944, %get3A_945, %get3A_946] {strides = array<i32>} : memref<4x128x64xf32, #tpu.memory_space<vmem>>, vector<16xf32>,
        %add3A_948 = arith.addf %get3A_947, %get3A_318 : vector<16xf32>
        %scatter3A_949 = arith.constant 2 : i32
        %scatter3A_950 = arith.constant 0 : i32
        %scatter3A_951 = arith.constant 0 : i32
        %scatter3A_952 = arith.constant 0 : i32
        %scatter3A_953 = tpu.memref_slice %arg8[%scatter3A_949, %scatter3A_950, %scatter3A_951, %scatter3A_952] : memref<4x8x8x129xf32, #tpu.memory_space<vmem>> -> memref<1x8x8x129xf32, #tpu.memory_space<vmem>>
        %scatter3A_954 = tpu.memref_squeeze %scatter3A_953 : memref<1x8x8x129xf32, #tpu.memory_space<vmem>> -> memref<8x8x129xf32, #tpu.memory_space<vmem>>
        tpu.vector_store_idx %scatter3A_954[%shift_right_arithmetic3A_17, %and3A_28, %add3A_942], %add3A_948 : memref<8x8x129xf32, #tpu.memory_space<vmem>>[vector<16xi32>, vector<16xi32>, vector<16xi32>], vector<16xf32>,
        %get3A_955 = arith.constant 2 : i32
        %get3A_956 = arith.index_cast %get3A_955 : i32 to index
        %get3A_957 = arith.index_cast %add3A_938 : i32 to index
        %get3A_958 = arith.constant 16 : index
        %get3A_959 = tpu.vector_load %arg7[%get3A_956, %get3A_957, %get3A_958] {strides = array<i32>} : memref<4x128x64xf32, #tpu.memory_space<vmem>>, vector<16xf32>,
        %add3A_960 = arith.addf %get3A_959, %get3A_321 : vector<16xf32>
        %scatter3A_961 = arith.constant 2 : i32
        %scatter3A_962 = arith.constant 0 : i32
        %scatter3A_963 = arith.constant 0 : i32
        %scatter3A_964 = arith.constant 0 : i32
        %scatter3A_965 = tpu.memref_slice %arg8[%scatter3A_961, %scatter3A_962, %scatter3A_963, %scatter3A_964] : memref<4x8x8x129xf32, #tpu.memory_space<vmem>> -> memref<1x8x8x129xf32, #tpu.memory_space<vmem>>
        %scatter3A_966 = tpu.memref_squeeze %scatter3A_965 : memref<1x8x8x129xf32, #tpu.memory_space<vmem>> -> memref<8x8x129xf32, #tpu.memory_space<vmem>>
        tpu.vector_store_idx %scatter3A_966[%shift_right_arithmetic3A_20, %and3A_31, %add3A_942], %add3A_960 : memref<8x8x129xf32, #tpu.memory_space<vmem>>[vector<16xi32>, vector<16xi32>, vector<16xi32>], vector<16xf32>,
        %get3A_967 = arith.constant 2 : i32
        %get3A_968 = arith.index_cast %get3A_967 : i32 to index
        %get3A_969 = arith.index_cast %add3A_938 : i32 to index
        %get3A_970 = arith.constant 32 : index
        %get3A_971 = tpu.vector_load %arg7[%get3A_968, %get3A_969, %get3A_970] {strides = array<i32>} : memref<4x128x64xf32, #tpu.memory_space<vmem>>, vector<16xf32>,
        %add3A_972 = arith.addf %get3A_971, %get3A_324 : vector<16xf32>
        %scatter3A_973 = arith.constant 2 : i32
        %scatter3A_974 = arith.constant 0 : i32
        %scatter3A_975 = arith.constant 0 : i32
        %scatter3A_976 = arith.constant 0 : i32
        %scatter3A_977 = tpu.memref_slice %arg8[%scatter3A_973, %scatter3A_974, %scatter3A_975, %scatter3A_976] : memref<4x8x8x129xf32, #tpu.memory_space<vmem>> -> memref<1x8x8x129xf32, #tpu.memory_space<vmem>>
        %scatter3A_978 = tpu.memref_squeeze %scatter3A_977 : memref<1x8x8x129xf32, #tpu.memory_space<vmem>> -> memref<8x8x129xf32, #tpu.memory_space<vmem>>
        tpu.vector_store_idx %scatter3A_978[%shift_right_arithmetic3A_23, %and3A_34, %add3A_942], %add3A_972 : memref<8x8x129xf32, #tpu.memory_space<vmem>>[vector<16xi32>, vector<16xi32>, vector<16xi32>], vector<16xf32>,
        %get3A_979 = arith.constant 2 : i32
        %get3A_980 = arith.index_cast %get3A_979 : i32 to index
        %get3A_981 = arith.index_cast %add3A_938 : i32 to index
        %get3A_982 = arith.constant 48 : index
        %get3A_983 = tpu.vector_load %arg7[%get3A_980, %get3A_981, %get3A_982] {strides = array<i32>} : memref<4x128x64xf32, #tpu.memory_space<vmem>>, vector<16xf32>,
        %add3A_984 = arith.addf %get3A_983, %get3A_327 : vector<16xf32>
        %scatter3A_985 = arith.constant 2 : i32
        %scatter3A_986 = arith.constant 0 : i32
        %scatter3A_987 = arith.constant 0 : i32
        %scatter3A_988 = arith.constant 0 : i32
        %scatter3A_989 = tpu.memref_slice %arg8[%scatter3A_985, %scatter3A_986, %scatter3A_987, %scatter3A_988] : memref<4x8x8x129xf32, #tpu.memory_space<vmem>> -> memref<1x8x8x129xf32, #tpu.memory_space<vmem>>
        %scatter3A_990 = tpu.memref_squeeze %scatter3A_989 : memref<1x8x8x129xf32, #tpu.memory_space<vmem>> -> memref<8x8x129xf32, #tpu.memory_space<vmem>>
        tpu.vector_store_idx %scatter3A_990[%shift_right_arithmetic3A_26, %and3A_37, %add3A_942], %add3A_984 : memref<8x8x129xf32, #tpu.memory_space<vmem>>[vector<16xi32>, vector<16xi32>, vector<16xi32>], vector<16xf32>,
        %mul3A_991 = arith.constant 16 : i32
        %mul3A_992 = arith.muli %scan3A_432, %mul3A_991 : i32
        %add3A_993 = arith.constant 10 : i32
        %add3A_994 = arith.addi %mul3A_992, %add3A_993 : i32
        %broadcast_in_dim3A_995 = arith.constant 0 : i32
        %broadcast_in_dim3A_996 = vector.broadcast %broadcast_in_dim3A_995 : i32 to vector<16xi32>
        %add3A_997 = vector.broadcast %add3A_994 : i32 to vector<16xi32>
        %add3A_998 = arith.addi %broadcast_in_dim3A_996, %add3A_997 : vector<16xi32>
        %get3A_999 = arith.constant 2 : i32
        %get3A_1000 = arith.index_cast %get3A_999 : i32 to index
        %get3A_1001 = arith.index_cast %add3A_994 : i32 to index
        %get3A_1002 = arith.constant 0 : index
        %get3A_1003 = tpu.vector_load %arg7[%get3A_1000, %get3A_1001, %get3A_1002] {strides = array<i32>} : memref<4x128x64xf32, #tpu.memory_space<vmem>>, vector<16xf32>,
        %add3A_1004 = arith.addf %get3A_1003, %get3A_318 : vector<16xf32>
        %scatter3A_1005 = arith.constant 2 : i32
        %scatter3A_1006 = arith.constant 0 : i32
        %scatter3A_1007 = arith.constant 0 : i32
        %scatter3A_1008 = arith.constant 0 : i32
        %scatter3A_1009 = tpu.memref_slice %arg8[%scatter3A_1005, %scatter3A_1006, %scatter3A_1007, %scatter3A_1008] : memref<4x8x8x129xf32, #tpu.memory_space<vmem>> -> memref<1x8x8x129xf32, #tpu.memory_space<vmem>>
        %scatter3A_1010 = tpu.memref_squeeze %scatter3A_1009 : memref<1x8x8x129xf32, #tpu.memory_space<vmem>> -> memref<8x8x129xf32, #tpu.memory_space<vmem>>
        tpu.vector_store_idx %scatter3A_1010[%shift_right_arithmetic3A_17, %and3A_28, %add3A_998], %add3A_1004 : memref<8x8x129xf32, #tpu.memory_space<vmem>>[vector<16xi32>, vector<16xi32>, vector<16xi32>], vector<16xf32>,
        %get3A_1011 = arith.constant 2 : i32
        %get3A_1012 = arith.index_cast %get3A_1011 : i32 to index
        %get3A_1013 = arith.index_cast %add3A_994 : i32 to index
        %get3A_1014 = arith.constant 16 : index
        %get3A_1015 = tpu.vector_load %arg7[%get3A_1012, %get3A_1013, %get3A_1014] {strides = array<i32>} : memref<4x128x64xf32, #tpu.memory_space<vmem>>, vector<16xf32>,
        %add3A_1016 = arith.addf %get3A_1015, %get3A_321 : vector<16xf32>
        %scatter3A_1017 = arith.constant 2 : i32
        %scatter3A_1018 = arith.constant 0 : i32
        %scatter3A_1019 = arith.constant 0 : i32
        %scatter3A_1020 = arith.constant 0 : i32
        %scatter3A_1021 = tpu.memref_slice %arg8[%scatter3A_1017, %scatter3A_1018, %scatter3A_1019, %scatter3A_1020] : memref<4x8x8x129xf32, #tpu.memory_space<vmem>> -> memref<1x8x8x129xf32, #tpu.memory_space<vmem>>
        %scatter3A_1022 = tpu.memref_squeeze %scatter3A_1021 : memref<1x8x8x129xf32, #tpu.memory_space<vmem>> -> memref<8x8x129xf32, #tpu.memory_space<vmem>>
        tpu.vector_store_idx %scatter3A_1022[%shift_right_arithmetic3A_20, %and3A_31, %add3A_998], %add3A_1016 : memref<8x8x129xf32, #tpu.memory_space<vmem>>[vector<16xi32>, vector<16xi32>, vector<16xi32>], vector<16xf32>,
        %get3A_1023 = arith.constant 2 : i32
        %get3A_1024 = arith.index_cast %get3A_1023 : i32 to index
        %get3A_1025 = arith.index_cast %add3A_994 : i32 to index
        %get3A_1026 = arith.constant 32 : index
        %get3A_1027 = tpu.vector_load %arg7[%get3A_1024, %get3A_1025, %get3A_1026] {strides = array<i32>} : memref<4x128x64xf32, #tpu.memory_space<vmem>>, vector<16xf32>,
        %add3A_1028 = arith.addf %get3A_1027, %get3A_324 : vector<16xf32>
        %scatter3A_1029 = arith.constant 2 : i32
        %scatter3A_1030 = arith.constant 0 : i32
        %scatter3A_1031 = arith.constant 0 : i32
        %scatter3A_1032 = arith.constant 0 : i32
        %scatter3A_1033 = tpu.memref_slice %arg8[%scatter3A_1029, %scatter3A_1030, %scatter3A_1031, %scatter3A_1032] : memref<4x8x8x129xf32, #tpu.memory_space<vmem>> -> memref<1x8x8x129xf32, #tpu.memory_space<vmem>>
        %scatter3A_1034 = tpu.memref_squeeze %scatter3A_1033 : memref<1x8x8x129xf32, #tpu.memory_space<vmem>> -> memref<8x8x129xf32, #tpu.memory_space<vmem>>
        tpu.vector_store_idx %scatter3A_1034[%shift_right_arithmetic3A_23, %and3A_34, %add3A_998], %add3A_1028 : memref<8x8x129xf32, #tpu.memory_space<vmem>>[vector<16xi32>, vector<16xi32>, vector<16xi32>], vector<16xf32>,
        %get3A_1035 = arith.constant 2 : i32
        %get3A_1036 = arith.index_cast %get3A_1035 : i32 to index
        %get3A_1037 = arith.index_cast %add3A_994 : i32 to index
        %get3A_1038 = arith.constant 48 : index
        %get3A_1039 = tpu.vector_load %arg7[%get3A_1036, %get3A_1037, %get3A_1038] {strides = array<i32>} : memref<4x128x64xf32, #tpu.memory_space<vmem>>, vector<16xf32>,
        %add3A_1040 = arith.addf %get3A_1039, %get3A_327 : vector<16xf32>
        %scatter3A_1041 = arith.constant 2 : i32
        %scatter3A_1042 = arith.constant 0 : i32
        %scatter3A_1043 = arith.constant 0 : i32
        %scatter3A_1044 = arith.constant 0 : i32
        %scatter3A_1045 = tpu.memref_slice %arg8[%scatter3A_1041, %scatter3A_1042, %scatter3A_1043, %scatter3A_1044] : memref<4x8x8x129xf32, #tpu.memory_space<vmem>> -> memref<1x8x8x129xf32, #tpu.memory_space<vmem>>
        %scatter3A_1046 = tpu.memref_squeeze %scatter3A_1045 : memref<1x8x8x129xf32, #tpu.memory_space<vmem>> -> memref<8x8x129xf32, #tpu.memory_space<vmem>>
        tpu.vector_store_idx %scatter3A_1046[%shift_right_arithmetic3A_26, %and3A_37, %add3A_998], %add3A_1040 : memref<8x8x129xf32, #tpu.memory_space<vmem>>[vector<16xi32>, vector<16xi32>, vector<16xi32>], vector<16xf32>,
        %mul3A_1047 = arith.constant 16 : i32
        %mul3A_1048 = arith.muli %scan3A_432, %mul3A_1047 : i32
        %add3A_1049 = arith.constant 11 : i32
        %add3A_1050 = arith.addi %mul3A_1048, %add3A_1049 : i32
        %broadcast_in_dim3A_1051 = arith.constant 0 : i32
        %broadcast_in_dim3A_1052 = vector.broadcast %broadcast_in_dim3A_1051 : i32 to vector<16xi32>
        %add3A_1053 = vector.broadcast %add3A_1050 : i32 to vector<16xi32>
        %add3A_1054 = arith.addi %broadcast_in_dim3A_1052, %add3A_1053 : vector<16xi32>
        %get3A_1055 = arith.constant 2 : i32
        %get3A_1056 = arith.index_cast %get3A_1055 : i32 to index
        %get3A_1057 = arith.index_cast %add3A_1050 : i32 to index
        %get3A_1058 = arith.constant 0 : index
        %get3A_1059 = tpu.vector_load %arg7[%get3A_1056, %get3A_1057, %get3A_1058] {strides = array<i32>} : memref<4x128x64xf32, #tpu.memory_space<vmem>>, vector<16xf32>,
        %add3A_1060 = arith.addf %get3A_1059, %get3A_318 : vector<16xf32>
        %scatter3A_1061 = arith.constant 2 : i32
        %scatter3A_1062 = arith.constant 0 : i32
        %scatter3A_1063 = arith.constant 0 : i32
        %scatter3A_1064 = arith.constant 0 : i32
        %scatter3A_1065 = tpu.memref_slice %arg8[%scatter3A_1061, %scatter3A_1062, %scatter3A_1063, %scatter3A_1064] : memref<4x8x8x129xf32, #tpu.memory_space<vmem>> -> memref<1x8x8x129xf32, #tpu.memory_space<vmem>>
        %scatter3A_1066 = tpu.memref_squeeze %scatter3A_1065 : memref<1x8x8x129xf32, #tpu.memory_space<vmem>> -> memref<8x8x129xf32, #tpu.memory_space<vmem>>
        tpu.vector_store_idx %scatter3A_1066[%shift_right_arithmetic3A_17, %and3A_28, %add3A_1054], %add3A_1060 : memref<8x8x129xf32, #tpu.memory_space<vmem>>[vector<16xi32>, vector<16xi32>, vector<16xi32>], vector<16xf32>,
        %get3A_1067 = arith.constant 2 : i32
        %get3A_1068 = arith.index_cast %get3A_1067 : i32 to index
        %get3A_1069 = arith.index_cast %add3A_1050 : i32 to index
        %get3A_1070 = arith.constant 16 : index
        %get3A_1071 = tpu.vector_load %arg7[%get3A_1068, %get3A_1069, %get3A_1070] {strides = array<i32>} : memref<4x128x64xf32, #tpu.memory_space<vmem>>, vector<16xf32>,
        %add3A_1072 = arith.addf %get3A_1071, %get3A_321 : vector<16xf32>
        %scatter3A_1073 = arith.constant 2 : i32
        %scatter3A_1074 = arith.constant 0 : i32
        %scatter3A_1075 = arith.constant 0 : i32
        %scatter3A_1076 = arith.constant 0 : i32
        %scatter3A_1077 = tpu.memref_slice %arg8[%scatter3A_1073, %scatter3A_1074, %scatter3A_1075, %scatter3A_1076] : memref<4x8x8x129xf32, #tpu.memory_space<vmem>> -> memref<1x8x8x129xf32, #tpu.memory_space<vmem>>
        %scatter3A_1078 = tpu.memref_squeeze %scatter3A_1077 : memref<1x8x8x129xf32, #tpu.memory_space<vmem>> -> memref<8x8x129xf32, #tpu.memory_space<vmem>>
        tpu.vector_store_idx %scatter3A_1078[%shift_right_arithmetic3A_20, %and3A_31, %add3A_1054], %add3A_1072 : memref<8x8x129xf32, #tpu.memory_space<vmem>>[vector<16xi32>, vector<16xi32>, vector<16xi32>], vector<16xf32>,
        %get3A_1079 = arith.constant 2 : i32
        %get3A_1080 = arith.index_cast %get3A_1079 : i32 to index
        %get3A_1081 = arith.index_cast %add3A_1050 : i32 to index
        %get3A_1082 = arith.constant 32 : index
        %get3A_1083 = tpu.vector_load %arg7[%get3A_1080, %get3A_1081, %get3A_1082] {strides = array<i32>} : memref<4x128x64xf32, #tpu.memory_space<vmem>>, vector<16xf32>,
        %add3A_1084 = arith.addf %get3A_1083, %get3A_324 : vector<16xf32>
        %scatter3A_1085 = arith.constant 2 : i32
        %scatter3A_1086 = arith.constant 0 : i32
        %scatter3A_1087 = arith.constant 0 : i32
        %scatter3A_1088 = arith.constant 0 : i32
        %scatter3A_1089 = tpu.memref_slice %arg8[%scatter3A_1085, %scatter3A_1086, %scatter3A_1087, %scatter3A_1088] : memref<4x8x8x129xf32, #tpu.memory_space<vmem>> -> memref<1x8x8x129xf32, #tpu.memory_space<vmem>>
        %scatter3A_1090 = tpu.memref_squeeze %scatter3A_1089 : memref<1x8x8x129xf32, #tpu.memory_space<vmem>> -> memref<8x8x129xf32, #tpu.memory_space<vmem>>
        tpu.vector_store_idx %scatter3A_1090[%shift_right_arithmetic3A_23, %and3A_34, %add3A_1054], %add3A_1084 : memref<8x8x129xf32, #tpu.memory_space<vmem>>[vector<16xi32>, vector<16xi32>, vector<16xi32>], vector<16xf32>,
        %get3A_1091 = arith.constant 2 : i32
        %get3A_1092 = arith.index_cast %get3A_1091 : i32 to index
        %get3A_1093 = arith.index_cast %add3A_1050 : i32 to index
        %get3A_1094 = arith.constant 48 : index
        %get3A_1095 = tpu.vector_load %arg7[%get3A_1092, %get3A_1093, %get3A_1094] {strides = array<i32>} : memref<4x128x64xf32, #tpu.memory_space<vmem>>, vector<16xf32>,
        %add3A_1096 = arith.addf %get3A_1095, %get3A_327 : vector<16xf32>
        %scatter3A_1097 = arith.constant 2 : i32
        %scatter3A_1098 = arith.constant 0 : i32
        %scatter3A_1099 = arith.constant 0 : i32
        %scatter3A_1100 = arith.constant 0 : i32
        %scatter3A_1101 = tpu.memref_slice %arg8[%scatter3A_1097, %scatter3A_1098, %scatter3A_1099, %scatter3A_1100] : memref<4x8x8x129xf32, #tpu.memory_space<vmem>> -> memref<1x8x8x129xf32, #tpu.memory_space<vmem>>
        %scatter3A_1102 = tpu.memref_squeeze %scatter3A_1101 : memref<1x8x8x129xf32, #tpu.memory_space<vmem>> -> memref<8x8x129xf32, #tpu.memory_space<vmem>>
        tpu.vector_store_idx %scatter3A_1102[%shift_right_arithmetic3A_26, %and3A_37, %add3A_1054], %add3A_1096 : memref<8x8x129xf32, #tpu.memory_space<vmem>>[vector<16xi32>, vector<16xi32>, vector<16xi32>], vector<16xf32>,
        %mul3A_1103 = arith.constant 16 : i32
        %mul3A_1104 = arith.muli %scan3A_432, %mul3A_1103 : i32
        %add3A_1105 = arith.constant 12 : i32
        %add3A_1106 = arith.addi %mul3A_1104, %add3A_1105 : i32
        %broadcast_in_dim3A_1107 = arith.constant 0 : i32
        %broadcast_in_dim3A_1108 = vector.broadcast %broadcast_in_dim3A_1107 : i32 to vector<16xi32>
        %add3A_1109 = vector.broadcast %add3A_1106 : i32 to vector<16xi32>
        %add3A_1110 = arith.addi %broadcast_in_dim3A_1108, %add3A_1109 : vector<16xi32>
        %get3A_1111 = arith.constant 2 : i32
        %get3A_1112 = arith.index_cast %get3A_1111 : i32 to index
        %get3A_1113 = arith.index_cast %add3A_1106 : i32 to index
        %get3A_1114 = arith.constant 0 : index
        %get3A_1115 = tpu.vector_load %arg7[%get3A_1112, %get3A_1113, %get3A_1114] {strides = array<i32>} : memref<4x128x64xf32, #tpu.memory_space<vmem>>, vector<16xf32>,
        %add3A_1116 = arith.addf %get3A_1115, %get3A_318 : vector<16xf32>
        %scatter3A_1117 = arith.constant 2 : i32
        %scatter3A_1118 = arith.constant 0 : i32
        %scatter3A_1119 = arith.constant 0 : i32
        %scatter3A_1120 = arith.constant 0 : i32
        %scatter3A_1121 = tpu.memref_slice %arg8[%scatter3A_1117, %scatter3A_1118, %scatter3A_1119, %scatter3A_1120] : memref<4x8x8x129xf32, #tpu.memory_space<vmem>> -> memref<1x8x8x129xf32, #tpu.memory_space<vmem>>
        %scatter3A_1122 = tpu.memref_squeeze %scatter3A_1121 : memref<1x8x8x129xf32, #tpu.memory_space<vmem>> -> memref<8x8x129xf32, #tpu.memory_space<vmem>>
        tpu.vector_store_idx %scatter3A_1122[%shift_right_arithmetic3A_17, %and3A_28, %add3A_1110], %add3A_1116 : memref<8x8x129xf32, #tpu.memory_space<vmem>>[vector<16xi32>, vector<16xi32>, vector<16xi32>], vector<16xf32>,
        %get3A_1123 = arith.constant 2 : i32
        %get3A_1124 = arith.index_cast %get3A_1123 : i32 to index
        %get3A_1125 = arith.index_cast %add3A_1106 : i32 to index
        %get3A_1126 = arith.constant 16 : index
        %get3A_1127 = tpu.vector_load %arg7[%get3A_1124, %get3A_1125, %get3A_1126] {strides = array<i32>} : memref<4x128x64xf32, #tpu.memory_space<vmem>>, vector<16xf32>,
        %add3A_1128 = arith.addf %get3A_1127, %get3A_321 : vector<16xf32>
        %scatter3A_1129 = arith.constant 2 : i32
        %scatter3A_1130 = arith.constant 0 : i32
        %scatter3A_1131 = arith.constant 0 : i32
        %scatter3A_1132 = arith.constant 0 : i32
        %scatter3A_1133 = tpu.memref_slice %arg8[%scatter3A_1129, %scatter3A_1130, %scatter3A_1131, %scatter3A_1132] : memref<4x8x8x129xf32, #tpu.memory_space<vmem>> -> memref<1x8x8x129xf32, #tpu.memory_space<vmem>>
        %scatter3A_1134 = tpu.memref_squeeze %scatter3A_1133 : memref<1x8x8x129xf32, #tpu.memory_space<vmem>> -> memref<8x8x129xf32, #tpu.memory_space<vmem>>
        tpu.vector_store_idx %scatter3A_1134[%shift_right_arithmetic3A_20, %and3A_31, %add3A_1110], %add3A_1128 : memref<8x8x129xf32, #tpu.memory_space<vmem>>[vector<16xi32>, vector<16xi32>, vector<16xi32>], vector<16xf32>,
        %get3A_1135 = arith.constant 2 : i32
        %get3A_1136 = arith.index_cast %get3A_1135 : i32 to index
        %get3A_1137 = arith.index_cast %add3A_1106 : i32 to index
        %get3A_1138 = arith.constant 32 : index
        %get3A_1139 = tpu.vector_load %arg7[%get3A_1136, %get3A_1137, %get3A_1138] {strides = array<i32>} : memref<4x128x64xf32, #tpu.memory_space<vmem>>, vector<16xf32>,
        %add3A_1140 = arith.addf %get3A_1139, %get3A_324 : vector<16xf32>
        %scatter3A_1141 = arith.constant 2 : i32
        %scatter3A_1142 = arith.constant 0 : i32
        %scatter3A_1143 = arith.constant 0 : i32
        %scatter3A_1144 = arith.constant 0 : i32
        %scatter3A_1145 = tpu.memref_slice %arg8[%scatter3A_1141, %scatter3A_1142, %scatter3A_1143, %scatter3A_1144] : memref<4x8x8x129xf32, #tpu.memory_space<vmem>> -> memref<1x8x8x129xf32, #tpu.memory_space<vmem>>
        %scatter3A_1146 = tpu.memref_squeeze %scatter3A_1145 : memref<1x8x8x129xf32, #tpu.memory_space<vmem>> -> memref<8x8x129xf32, #tpu.memory_space<vmem>>
        tpu.vector_store_idx %scatter3A_1146[%shift_right_arithmetic3A_23, %and3A_34, %add3A_1110], %add3A_1140 : memref<8x8x129xf32, #tpu.memory_space<vmem>>[vector<16xi32>, vector<16xi32>, vector<16xi32>], vector<16xf32>,
        %get3A_1147 = arith.constant 2 : i32
        %get3A_1148 = arith.index_cast %get3A_1147 : i32 to index
        %get3A_1149 = arith.index_cast %add3A_1106 : i32 to index
        %get3A_1150 = arith.constant 48 : index
        %get3A_1151 = tpu.vector_load %arg7[%get3A_1148, %get3A_1149, %get3A_1150] {strides = array<i32>} : memref<4x128x64xf32, #tpu.memory_space<vmem>>, vector<16xf32>,
        %add3A_1152 = arith.addf %get3A_1151, %get3A_327 : vector<16xf32>
        %scatter3A_1153 = arith.constant 2 : i32
        %scatter3A_1154 = arith.constant 0 : i32
        %scatter3A_1155 = arith.constant 0 : i32
        %scatter3A_1156 = arith.constant 0 : i32
        %scatter3A_1157 = tpu.memref_slice %arg8[%scatter3A_1153, %scatter3A_1154, %scatter3A_1155, %scatter3A_1156] : memref<4x8x8x129xf32, #tpu.memory_space<vmem>> -> memref<1x8x8x129xf32, #tpu.memory_space<vmem>>
        %scatter3A_1158 = tpu.memref_squeeze %scatter3A_1157 : memref<1x8x8x129xf32, #tpu.memory_space<vmem>> -> memref<8x8x129xf32, #tpu.memory_space<vmem>>
        tpu.vector_store_idx %scatter3A_1158[%shift_right_arithmetic3A_26, %and3A_37, %add3A_1110], %add3A_1152 : memref<8x8x129xf32, #tpu.memory_space<vmem>>[vector<16xi32>, vector<16xi32>, vector<16xi32>], vector<16xf32>,
        %mul3A_1159 = arith.constant 16 : i32
        %mul3A_1160 = arith.muli %scan3A_432, %mul3A_1159 : i32
        %add3A_1161 = arith.constant 13 : i32
        %add3A_1162 = arith.addi %mul3A_1160, %add3A_1161 : i32
        %broadcast_in_dim3A_1163 = arith.constant 0 : i32
        %broadcast_in_dim3A_1164 = vector.broadcast %broadcast_in_dim3A_1163 : i32 to vector<16xi32>
        %add3A_1165 = vector.broadcast %add3A_1162 : i32 to vector<16xi32>
        %add3A_1166 = arith.addi %broadcast_in_dim3A_1164, %add3A_1165 : vector<16xi32>
        %get3A_1167 = arith.constant 2 : i32
        %get3A_1168 = arith.index_cast %get3A_1167 : i32 to index
        %get3A_1169 = arith.index_cast %add3A_1162 : i32 to index
        %get3A_1170 = arith.constant 0 : index
        %get3A_1171 = tpu.vector_load %arg7[%get3A_1168, %get3A_1169, %get3A_1170] {strides = array<i32>} : memref<4x128x64xf32, #tpu.memory_space<vmem>>, vector<16xf32>,
        %add3A_1172 = arith.addf %get3A_1171, %get3A_318 : vector<16xf32>
        %scatter3A_1173 = arith.constant 2 : i32
        %scatter3A_1174 = arith.constant 0 : i32
        %scatter3A_1175 = arith.constant 0 : i32
        %scatter3A_1176 = arith.constant 0 : i32
        %scatter3A_1177 = tpu.memref_slice %arg8[%scatter3A_1173, %scatter3A_1174, %scatter3A_1175, %scatter3A_1176] : memref<4x8x8x129xf32, #tpu.memory_space<vmem>> -> memref<1x8x8x129xf32, #tpu.memory_space<vmem>>
        %scatter3A_1178 = tpu.memref_squeeze %scatter3A_1177 : memref<1x8x8x129xf32, #tpu.memory_space<vmem>> -> memref<8x8x129xf32, #tpu.memory_space<vmem>>
        tpu.vector_store_idx %scatter3A_1178[%shift_right_arithmetic3A_17, %and3A_28, %add3A_1166], %add3A_1172 : memref<8x8x129xf32, #tpu.memory_space<vmem>>[vector<16xi32>, vector<16xi32>, vector<16xi32>], vector<16xf32>,
        %get3A_1179 = arith.constant 2 : i32
        %get3A_1180 = arith.index_cast %get3A_1179 : i32 to index
        %get3A_1181 = arith.index_cast %add3A_1162 : i32 to index
        %get3A_1182 = arith.constant 16 : index
        %get3A_1183 = tpu.vector_load %arg7[%get3A_1180, %get3A_1181, %get3A_1182] {strides = array<i32>} : memref<4x128x64xf32, #tpu.memory_space<vmem>>, vector<16xf32>,
        %add3A_1184 = arith.addf %get3A_1183, %get3A_321 : vector<16xf32>
        %scatter3A_1185 = arith.constant 2 : i32
        %scatter3A_1186 = arith.constant 0 : i32
        %scatter3A_1187 = arith.constant 0 : i32
        %scatter3A_1188 = arith.constant 0 : i32
        %scatter3A_1189 = tpu.memref_slice %arg8[%scatter3A_1185, %scatter3A_1186, %scatter3A_1187, %scatter3A_1188] : memref<4x8x8x129xf32, #tpu.memory_space<vmem>> -> memref<1x8x8x129xf32, #tpu.memory_space<vmem>>
        %scatter3A_1190 = tpu.memref_squeeze %scatter3A_1189 : memref<1x8x8x129xf32, #tpu.memory_space<vmem>> -> memref<8x8x129xf32, #tpu.memory_space<vmem>>
        tpu.vector_store_idx %scatter3A_1190[%shift_right_arithmetic3A_20, %and3A_31, %add3A_1166], %add3A_1184 : memref<8x8x129xf32, #tpu.memory_space<vmem>>[vector<16xi32>, vector<16xi32>, vector<16xi32>], vector<16xf32>,
        %get3A_1191 = arith.constant 2 : i32
        %get3A_1192 = arith.index_cast %get3A_1191 : i32 to index
        %get3A_1193 = arith.index_cast %add3A_1162 : i32 to index
        %get3A_1194 = arith.constant 32 : index
        %get3A_1195 = tpu.vector_load %arg7[%get3A_1192, %get3A_1193, %get3A_1194] {strides = array<i32>} : memref<4x128x64xf32, #tpu.memory_space<vmem>>, vector<16xf32>,
        %add3A_1196 = arith.addf %get3A_1195, %get3A_324 : vector<16xf32>
        %scatter3A_1197 = arith.constant 2 : i32
        %scatter3A_1198 = arith.constant 0 : i32
        %scatter3A_1199 = arith.constant 0 : i32
        %scatter3A_1200 = arith.constant 0 : i32
        %scatter3A_1201 = tpu.memref_slice %arg8[%scatter3A_1197, %scatter3A_1198, %scatter3A_1199, %scatter3A_1200] : memref<4x8x8x129xf32, #tpu.memory_space<vmem>> -> memref<1x8x8x129xf32, #tpu.memory_space<vmem>>
        %scatter3A_1202 = tpu.memref_squeeze %scatter3A_1201 : memref<1x8x8x129xf32, #tpu.memory_space<vmem>> -> memref<8x8x129xf32, #tpu.memory_space<vmem>>
        tpu.vector_store_idx %scatter3A_1202[%shift_right_arithmetic3A_23, %and3A_34, %add3A_1166], %add3A_1196 : memref<8x8x129xf32, #tpu.memory_space<vmem>>[vector<16xi32>, vector<16xi32>, vector<16xi32>], vector<16xf32>,
        %get3A_1203 = arith.constant 2 : i32
        %get3A_1204 = arith.index_cast %get3A_1203 : i32 to index
        %get3A_1205 = arith.index_cast %add3A_1162 : i32 to index
        %get3A_1206 = arith.constant 48 : index
        %get3A_1207 = tpu.vector_load %arg7[%get3A_1204, %get3A_1205, %get3A_1206] {strides = array<i32>} : memref<4x128x64xf32, #tpu.memory_space<vmem>>, vector<16xf32>,
        %add3A_1208 = arith.addf %get3A_1207, %get3A_327 : vector<16xf32>
        %scatter3A_1209 = arith.constant 2 : i32
        %scatter3A_1210 = arith.constant 0 : i32
        %scatter3A_1211 = arith.constant 0 : i32
        %scatter3A_1212 = arith.constant 0 : i32
        %scatter3A_1213 = tpu.memref_slice %arg8[%scatter3A_1209, %scatter3A_1210, %scatter3A_1211, %scatter3A_1212] : memref<4x8x8x129xf32, #tpu.memory_space<vmem>> -> memref<1x8x8x129xf32, #tpu.memory_space<vmem>>
        %scatter3A_1214 = tpu.memref_squeeze %scatter3A_1213 : memref<1x8x8x129xf32, #tpu.memory_space<vmem>> -> memref<8x8x129xf32, #tpu.memory_space<vmem>>
        tpu.vector_store_idx %scatter3A_1214[%shift_right_arithmetic3A_26, %and3A_37, %add3A_1166], %add3A_1208 : memref<8x8x129xf32, #tpu.memory_space<vmem>>[vector<16xi32>, vector<16xi32>, vector<16xi32>], vector<16xf32>,
        %mul3A_1215 = arith.constant 16 : i32
        %mul3A_1216 = arith.muli %scan3A_432, %mul3A_1215 : i32
        %add3A_1217 = arith.constant 14 : i32
        %add3A_1218 = arith.addi %mul3A_1216, %add3A_1217 : i32
        %broadcast_in_dim3A_1219 = arith.constant 0 : i32
        %broadcast_in_dim3A_1220 = vector.broadcast %broadcast_in_dim3A_1219 : i32 to vector<16xi32>
        %add3A_1221 = vector.broadcast %add3A_1218 : i32 to vector<16xi32>
        %add3A_1222 = arith.addi %broadcast_in_dim3A_1220, %add3A_1221 : vector<16xi32>
        %get3A_1223 = arith.constant 2 : i32
        %get3A_1224 = arith.index_cast %get3A_1223 : i32 to index
        %get3A_1225 = arith.index_cast %add3A_1218 : i32 to index
        %get3A_1226 = arith.constant 0 : index
        %get3A_1227 = tpu.vector_load %arg7[%get3A_1224, %get3A_1225, %get3A_1226] {strides = array<i32>} : memref<4x128x64xf32, #tpu.memory_space<vmem>>, vector<16xf32>,
        %add3A_1228 = arith.addf %get3A_1227, %get3A_318 : vector<16xf32>
        %scatter3A_1229 = arith.constant 2 : i32
        %scatter3A_1230 = arith.constant 0 : i32
        %scatter3A_1231 = arith.constant 0 : i32
        %scatter3A_1232 = arith.constant 0 : i32
        %scatter3A_1233 = tpu.memref_slice %arg8[%scatter3A_1229, %scatter3A_1230, %scatter3A_1231, %scatter3A_1232] : memref<4x8x8x129xf32, #tpu.memory_space<vmem>> -> memref<1x8x8x129xf32, #tpu.memory_space<vmem>>
        %scatter3A_1234 = tpu.memref_squeeze %scatter3A_1233 : memref<1x8x8x129xf32, #tpu.memory_space<vmem>> -> memref<8x8x129xf32, #tpu.memory_space<vmem>>
        tpu.vector_store_idx %scatter3A_1234[%shift_right_arithmetic3A_17, %and3A_28, %add3A_1222], %add3A_1228 : memref<8x8x129xf32, #tpu.memory_space<vmem>>[vector<16xi32>, vector<16xi32>, vector<16xi32>], vector<16xf32>,
        %get3A_1235 = arith.constant 2 : i32
        %get3A_1236 = arith.index_cast %get3A_1235 : i32 to index
        %get3A_1237 = arith.index_cast %add3A_1218 : i32 to index
        %get3A_1238 = arith.constant 16 : index
        %get3A_1239 = tpu.vector_load %arg7[%get3A_1236, %get3A_1237, %get3A_1238] {strides = array<i32>} : memref<4x128x64xf32, #tpu.memory_space<vmem>>, vector<16xf32>,
        %add3A_1240 = arith.addf %get3A_1239, %get3A_321 : vector<16xf32>
        %scatter3A_1241 = arith.constant 2 : i32
        %scatter3A_1242 = arith.constant 0 : i32
        %scatter3A_1243 = arith.constant 0 : i32
        %scatter3A_1244 = arith.constant 0 : i32
        %scatter3A_1245 = tpu.memref_slice %arg8[%scatter3A_1241, %scatter3A_1242, %scatter3A_1243, %scatter3A_1244] : memref<4x8x8x129xf32, #tpu.memory_space<vmem>> -> memref<1x8x8x129xf32, #tpu.memory_space<vmem>>
        %scatter3A_1246 = tpu.memref_squeeze %scatter3A_1245 : memref<1x8x8x129xf32, #tpu.memory_space<vmem>> -> memref<8x8x129xf32, #tpu.memory_space<vmem>>
        tpu.vector_store_idx %scatter3A_1246[%shift_right_arithmetic3A_20, %and3A_31, %add3A_1222], %add3A_1240 : memref<8x8x129xf32, #tpu.memory_space<vmem>>[vector<16xi32>, vector<16xi32>, vector<16xi32>], vector<16xf32>,
        %get3A_1247 = arith.constant 2 : i32
        %get3A_1248 = arith.index_cast %get3A_1247 : i32 to index
        %get3A_1249 = arith.index_cast %add3A_1218 : i32 to index
        %get3A_1250 = arith.constant 32 : index
        %get3A_1251 = tpu.vector_load %arg7[%get3A_1248, %get3A_1249, %get3A_1250] {strides = array<i32>} : memref<4x128x64xf32, #tpu.memory_space<vmem>>, vector<16xf32>,
        %add3A_1252 = arith.addf %get3A_1251, %get3A_324 : vector<16xf32>
        %scatter3A_1253 = arith.constant 2 : i32
        %scatter3A_1254 = arith.constant 0 : i32
        %scatter3A_1255 = arith.constant 0 : i32
        %scatter3A_1256 = arith.constant 0 : i32
        %scatter3A_1257 = tpu.memref_slice %arg8[%scatter3A_1253, %scatter3A_1254, %scatter3A_1255, %scatter3A_1256] : memref<4x8x8x129xf32, #tpu.memory_space<vmem>> -> memref<1x8x8x129xf32, #tpu.memory_space<vmem>>
        %scatter3A_1258 = tpu.memref_squeeze %scatter3A_1257 : memref<1x8x8x129xf32, #tpu.memory_space<vmem>> -> memref<8x8x129xf32, #tpu.memory_space<vmem>>
        tpu.vector_store_idx %scatter3A_1258[%shift_right_arithmetic3A_23, %and3A_34, %add3A_1222], %add3A_1252 : memref<8x8x129xf32, #tpu.memory_space<vmem>>[vector<16xi32>, vector<16xi32>, vector<16xi32>], vector<16xf32>,
        %get3A_1259 = arith.constant 2 : i32
        %get3A_1260 = arith.index_cast %get3A_1259 : i32 to index
        %get3A_1261 = arith.index_cast %add3A_1218 : i32 to index
        %get3A_1262 = arith.constant 48 : index
        %get3A_1263 = tpu.vector_load %arg7[%get3A_1260, %get3A_1261, %get3A_1262] {strides = array<i32>} : memref<4x128x64xf32, #tpu.memory_space<vmem>>, vector<16xf32>,
        %add3A_1264 = arith.addf %get3A_1263, %get3A_327 : vector<16xf32>
        %scatter3A_1265 = arith.constant 2 : i32
        %scatter3A_1266 = arith.constant 0 : i32
        %scatter3A_1267 = arith.constant 0 : i32
        %scatter3A_1268 = arith.constant 0 : i32
        %scatter3A_1269 = tpu.memref_slice %arg8[%scatter3A_1265, %scatter3A_1266, %scatter3A_1267, %scatter3A_1268] : memref<4x8x8x129xf32, #tpu.memory_space<vmem>> -> memref<1x8x8x129xf32, #tpu.memory_space<vmem>>
        %scatter3A_1270 = tpu.memref_squeeze %scatter3A_1269 : memref<1x8x8x129xf32, #tpu.memory_space<vmem>> -> memref<8x8x129xf32, #tpu.memory_space<vmem>>
        tpu.vector_store_idx %scatter3A_1270[%shift_right_arithmetic3A_26, %and3A_37, %add3A_1222], %add3A_1264 : memref<8x8x129xf32, #tpu.memory_space<vmem>>[vector<16xi32>, vector<16xi32>, vector<16xi32>], vector<16xf32>,
        %mul3A_1271 = arith.constant 16 : i32
        %mul3A_1272 = arith.muli %scan3A_432, %mul3A_1271 : i32
        %add3A_1273 = arith.constant 15 : i32
        %add3A_1274 = arith.addi %mul3A_1272, %add3A_1273 : i32
        %broadcast_in_dim3A_1275 = arith.constant 0 : i32
        %broadcast_in_dim3A_1276 = vector.broadcast %broadcast_in_dim3A_1275 : i32 to vector<16xi32>
        %add3A_1277 = vector.broadcast %add3A_1274 : i32 to vector<16xi32>
        %add3A_1278 = arith.addi %broadcast_in_dim3A_1276, %add3A_1277 : vector<16xi32>
        %get3A_1279 = arith.constant 2 : i32
        %get3A_1280 = arith.index_cast %get3A_1279 : i32 to index
        %get3A_1281 = arith.index_cast %add3A_1274 : i32 to index
        %get3A_1282 = arith.constant 0 : index
        %get3A_1283 = tpu.vector_load %arg7[%get3A_1280, %get3A_1281, %get3A_1282] {strides = array<i32>} : memref<4x128x64xf32, #tpu.memory_space<vmem>>, vector<16xf32>,
        %add3A_1284 = arith.addf %get3A_1283, %get3A_318 : vector<16xf32>
        %scatter3A_1285 = arith.constant 2 : i32
        %scatter3A_1286 = arith.constant 0 : i32
        %scatter3A_1287 = arith.constant 0 : i32
        %scatter3A_1288 = arith.constant 0 : i32
        %scatter3A_1289 = tpu.memref_slice %arg8[%scatter3A_1285, %scatter3A_1286, %scatter3A_1287, %scatter3A_1288] : memref<4x8x8x129xf32, #tpu.memory_space<vmem>> -> memref<1x8x8x129xf32, #tpu.memory_space<vmem>>
        %scatter3A_1290 = tpu.memref_squeeze %scatter3A_1289 : memref<1x8x8x129xf32, #tpu.memory_space<vmem>> -> memref<8x8x129xf32, #tpu.memory_space<vmem>>
        tpu.vector_store_idx %scatter3A_1290[%shift_right_arithmetic3A_17, %and3A_28, %add3A_1278], %add3A_1284 : memref<8x8x129xf32, #tpu.memory_space<vmem>>[vector<16xi32>, vector<16xi32>, vector<16xi32>], vector<16xf32>,
        %get3A_1291 = arith.constant 2 : i32
        %get3A_1292 = arith.index_cast %get3A_1291 : i32 to index
        %get3A_1293 = arith.index_cast %add3A_1274 : i32 to index
        %get3A_1294 = arith.constant 16 : index
        %get3A_1295 = tpu.vector_load %arg7[%get3A_1292, %get3A_1293, %get3A_1294] {strides = array<i32>} : memref<4x128x64xf32, #tpu.memory_space<vmem>>, vector<16xf32>,
        %add3A_1296 = arith.addf %get3A_1295, %get3A_321 : vector<16xf32>
        %scatter3A_1297 = arith.constant 2 : i32
        %scatter3A_1298 = arith.constant 0 : i32
        %scatter3A_1299 = arith.constant 0 : i32
        %scatter3A_1300 = arith.constant 0 : i32
        %scatter3A_1301 = tpu.memref_slice %arg8[%scatter3A_1297, %scatter3A_1298, %scatter3A_1299, %scatter3A_1300] : memref<4x8x8x129xf32, #tpu.memory_space<vmem>> -> memref<1x8x8x129xf32, #tpu.memory_space<vmem>>
        %scatter3A_1302 = tpu.memref_squeeze %scatter3A_1301 : memref<1x8x8x129xf32, #tpu.memory_space<vmem>> -> memref<8x8x129xf32, #tpu.memory_space<vmem>>
        tpu.vector_store_idx %scatter3A_1302[%shift_right_arithmetic3A_20, %and3A_31, %add3A_1278], %add3A_1296 : memref<8x8x129xf32, #tpu.memory_space<vmem>>[vector<16xi32>, vector<16xi32>, vector<16xi32>], vector<16xf32>,
        %get3A_1303 = arith.constant 2 : i32
        %get3A_1304 = arith.index_cast %get3A_1303 : i32 to index
        %get3A_1305 = arith.index_cast %add3A_1274 : i32 to index
        %get3A_1306 = arith.constant 32 : index
        %get3A_1307 = tpu.vector_load %arg7[%get3A_1304, %get3A_1305, %get3A_1306] {strides = array<i32>} : memref<4x128x64xf32, #tpu.memory_space<vmem>>, vector<16xf32>,
        %add3A_1308 = arith.addf %get3A_1307, %get3A_324 : vector<16xf32>
        %scatter3A_1309 = arith.constant 2 : i32
        %scatter3A_1310 = arith.constant 0 : i32
        %scatter3A_1311 = arith.constant 0 : i32
        %scatter3A_1312 = arith.constant 0 : i32
        %scatter3A_1313 = tpu.memref_slice %arg8[%scatter3A_1309, %scatter3A_1310, %scatter3A_1311, %scatter3A_1312] : memref<4x8x8x129xf32, #tpu.memory_space<vmem>> -> memref<1x8x8x129xf32, #tpu.memory_space<vmem>>
        %scatter3A_1314 = tpu.memref_squeeze %scatter3A_1313 : memref<1x8x8x129xf32, #tpu.memory_space<vmem>> -> memref<8x8x129xf32, #tpu.memory_space<vmem>>
        tpu.vector_store_idx %scatter3A_1314[%shift_right_arithmetic3A_23, %and3A_34, %add3A_1278], %add3A_1308 : memref<8x8x129xf32, #tpu.memory_space<vmem>>[vector<16xi32>, vector<16xi32>, vector<16xi32>], vector<16xf32>,
        %get3A_1315 = arith.constant 2 : i32
        %get3A_1316 = arith.index_cast %get3A_1315 : i32 to index
        %get3A_1317 = arith.index_cast %add3A_1274 : i32 to index
        %get3A_1318 = arith.constant 48 : index
        %get3A_1319 = tpu.vector_load %arg7[%get3A_1316, %get3A_1317, %get3A_1318] {strides = array<i32>} : memref<4x128x64xf32, #tpu.memory_space<vmem>>, vector<16xf32>,
        %add3A_1320 = arith.addf %get3A_1319, %get3A_327 : vector<16xf32>
        %scatter3A_1321 = arith.constant 2 : i32
        %scatter3A_1322 = arith.constant 0 : i32
        %scatter3A_1323 = arith.constant 0 : i32
        %scatter3A_1324 = arith.constant 0 : i32
        %scatter3A_1325 = tpu.memref_slice %arg8[%scatter3A_1321, %scatter3A_1322, %scatter3A_1323, %scatter3A_1324] : memref<4x8x8x129xf32, #tpu.memory_space<vmem>> -> memref<1x8x8x129xf32, #tpu.memory_space<vmem>>
        %scatter3A_1326 = tpu.memref_squeeze %scatter3A_1325 : memref<1x8x8x129xf32, #tpu.memory_space<vmem>> -> memref<8x8x129xf32, #tpu.memory_space<vmem>>
        tpu.vector_store_idx %scatter3A_1326[%shift_right_arithmetic3A_26, %and3A_37, %add3A_1278], %add3A_1320 : memref<8x8x129xf32, #tpu.memory_space<vmem>>[vector<16xi32>, vector<16xi32>, vector<16xi32>], vector<16xf32>,
      }
      %scan3A_333 = arith.constant 8 : i32
      %dma_start3A_334 = arith.constant 2 : i32
      %dma_start3A_335 = arith.constant 0 : i32
      %dma_start3A_336 = arith.constant 0 : i32
      %dma_start3A_337 = arith.constant 0 : i32
      %dma_start3A_338 = tpu.memref_slice %arg8[%dma_start3A_334, %dma_start3A_335, %dma_start3A_336, %dma_start3A_337] : memref<4x8x8x129xf32, #tpu.memory_space<vmem>> -> memref<1x8x8x128xf32, #tpu.memory_space<vmem>>
      %dma_start3A_339 = tpu.memref_squeeze %dma_start3A_338 : memref<1x8x8x128xf32, #tpu.memory_space<vmem>> -> memref<8x8x128xf32, #tpu.memory_space<vmem>>
      %dma_start3A_340 = arith.constant 0 : i32
      %dma_start3A_341 = arith.constant 0 : i32
      %dma_start3A_342 = arith.constant 0 : i32
      %dma_start3A_343 = tpu.memref_slice %arg5[%add3A_299, %dma_start3A_340, %add3A, %dma_start3A_341, %dma_start3A_342] : memref<200x8x32x8x128xf32, #tpu.memory_space<hbm>> -> memref<1x8x1x8x128xf32, #tpu.memory_space<hbm>>
      %dma_start3A_344 = tpu.memref_squeeze %dma_start3A_343 : memref<1x8x1x8x128xf32, #tpu.memory_space<hbm>> -> memref<8x8x128xf32, #tpu.memory_space<hbm>>
      %dma_start3A_345 = arith.constant 0 : i32
      %dma_start3A_346 = arith.constant 0 : i32
      %dma_start3A_347 = arith.constant 0 : i32
      %dma_start3A_348 = tpu.memref_slice %arg5[%add3A_299, %dma_start3A_345, %add3A, %dma_start3A_346, %dma_start3A_347] : memref<200x8x32x8x128xf32, #tpu.memory_space<hbm>> -> memref<1x8x1x8x128xf32, #tpu.memory_space<hbm>>
      %dma_start3A_349 = tpu.memref_squeeze %dma_start3A_348 : memref<1x8x1x8x128xf32, #tpu.memory_space<hbm>> -> memref<8x8x128xf32, #tpu.memory_space<hbm>>
      %dma_start3A_350 = arith.constant 0 : i32
      %dma_start3A_351 = arith.constant 0 : i32
      %dma_start3A_352 = arith.constant 0 : i32
      %dma_start3A_353 = tpu.memref_slice %arg8[%dma_start3A_334, %dma_start3A_350, %dma_start3A_351, %dma_start3A_352] : memref<4x8x8x129xf32, #tpu.memory_space<vmem>> -> memref<1x8x8x128xf32, #tpu.memory_space<vmem>>
      %dma_start3A_354 = tpu.memref_squeeze %dma_start3A_353 : memref<1x8x8x128xf32, #tpu.memory_space<vmem>> -> memref<8x8x128xf32, #tpu.memory_space<vmem>>
      tpu.enqueue_dma source(%dma_start3A_354 : memref<8x8x128xf32, #tpu.memory_space<vmem>>) target(%dma_start3A_349 : memref<8x8x128xf32, #tpu.memory_space<hbm>>) target_semaphore(%arg16 : memref<!tpu.dma_semaphore, #tpu.memory_space<semaphore_mem>>)
      %add3A_355 = arith.constant 4 : i32
      %add3A_356 = arith.addi %add3A_299, %add3A_355 : i32
      %sub3A_357 = arith.constant 1 : i32
      %sub3A_358 = arith.subi %add3A_356, %sub3A_357 : i32
      %lt3A_359 = arith.constant 200 : i32
      %lt3A_360 = arith.cmpi slt, %sub3A_358, %lt3A_359 : i32
      %convert_element_type3A_361 = arith.extui %lt3A_360 : i1 to i32
      %cond3A_362 = arith.constant 0 : i32
      %cond3A_363 = arith.cmpi ne, %convert_element_type3A_361, %cond3A_362 : i32
      scf.if %cond3A_363 {
        %dma_start3A_432 = arith.constant 1 : i32
        %dma_start3A_433 = arith.constant 0 : i32
        %dma_start3A_434 = arith.constant 0 : i32
        %dma_start3A_435 = tpu.memref_slice %arg7[%dma_start3A_432, %dma_start3A_433, %dma_start3A_434] : memref<4x128x64xf32, #tpu.memory_space<vmem>> -> memref<1x128x64xf32, #tpu.memory_space<vmem>>
        %dma_start3A_436 = tpu.memref_squeeze %dma_start3A_435 : memref<1x128x64xf32, #tpu.memory_space<vmem>> -> memref<128x64xf32, #tpu.memory_space<vmem>>
        %dma_start3A_437 = arith.constant 0 : i32
        %dma_start3A_438 = tpu.memref_slice %arg6[%sub3A_358, %dma_start3A_437] : memref<200x128xi32, #tpu.memory_space<vmem>> -> memref<1x128xi32, #tpu.memory_space<vmem>>
        %dma_start3A_439 = tpu.memref_squeeze %dma_start3A_438 : memref<1x128xi32, #tpu.memory_space<vmem>> -> memref<128xi32, #tpu.memory_space<vmem>>
        %dma_start3A_440 = arith.constant 0 : i32
        %dma_start3A_441 = arith.constant 0 : i32
        %dma_start3A_442 = tpu.memref_slice %arg3[%dma_start3A_440, %dma_start3A_441] : memref<1000000x64xf32, #tpu.memory_space<hbm>> -> memref<1000000x64xf32, #tpu.memory_space<hbm>>
        tpu.enqueue_indirect_dma source(%dma_start3A_442 : memref<1000000x64xf32, #tpu.memory_space<hbm>>) target(%dma_start3A_436 : memref<128x64xf32, #tpu.memory_space<vmem>>) offsets(%dma_start3A_439 : memref<128xi32, #tpu.memory_space<vmem>>) semaphore(%arg11 : memref<!tpu.dma_semaphore, #tpu.memory_space<semaphore_mem>>)
      } else {
      }
      %mul3A_364 = arith.constant 4 : i32
      %mul3A_365 = arith.muli %scan3A_165, %mul3A_364 : i32
      %add3A_366 = arith.constant 3 : i32
      %add3A_367 = arith.addi %mul3A_365, %add3A_366 : i32
      %dma_wait3A_368 = arith.constant 3 : i32
      %dma_wait3A_369 = arith.constant 0 : i32
      %dma_wait3A_370 = arith.constant 0 : i32
      %dma_wait3A_371 = tpu.memref_slice %arg7[%dma_wait3A_368, %dma_wait3A_369, %dma_wait3A_370] : memref<4x128x64xf32, #tpu.memory_space<vmem>> -> memref<1x128x64xf32, #tpu.memory_space<vmem>>
      %dma_wait3A_372 = tpu.memref_squeeze %dma_wait3A_371 : memref<1x128x64xf32, #tpu.memory_space<vmem>> -> memref<128x64xf32, #tpu.memory_space<vmem>>
      %dma_wait3A_373 = arith.constant 0 : i32
      %dma_wait3A_374 = tpu.memref_slice %arg6[%add3A_367, %dma_wait3A_373] : memref<200x128xi32, #tpu.memory_space<vmem>> -> memref<1x128xi32, #tpu.memory_space<vmem>>
      %dma_wait3A_375 = tpu.memref_squeeze %dma_wait3A_374 : memref<1x128xi32, #tpu.memory_space<vmem>> -> memref<128xi32, #tpu.memory_space<vmem>>
      %dma_wait3A_376 = arith.constant 0 : i32
      %dma_wait3A_377 = arith.constant 0 : i32
      %dma_wait3A_378 = tpu.memref_slice %arg3[%dma_wait3A_376, %dma_wait3A_377] : memref<1000000x64xf32, #tpu.memory_space<hbm>> -> memref<1000000x64xf32, #tpu.memory_space<hbm>>
      tpu.wait_indirect_dma semaphore(%arg13 : memref<!tpu.dma_semaphore, #tpu.memory_space<semaphore_mem>>) src(%dma_wait3A_378 : memref<1000000x64xf32, #tpu.memory_space<hbm>>) dst(%dma_wait3A_372 : memref<128x64xf32, #tpu.memory_space<vmem>>)
      %ge3A_379 = arith.constant 4 : i32
      %ge3A_380 = arith.cmpi sge, %add3A_367, %ge3A_379 : i32
      %convert_element_type3A_381 = arith.extui %ge3A_380 : i1 to i32
      %cond3A_382 = arith.constant 0 : i32
      %cond3A_383 = arith.cmpi ne, %convert_element_type3A_381, %cond3A_382 : i32
      scf.if %cond3A_383 {
        %sub3A_432 = arith.constant 4 : i32
        %sub3A_433 = arith.subi %add3A_367, %sub3A_432 : i32
        %dma_wait3A_434 = arith.constant 3 : i32
        %dma_wait3A_435 = arith.constant 0 : i32
        %dma_wait3A_436 = arith.constant 0 : i32
        %dma_wait3A_437 = arith.constant 0 : i32
        %dma_wait3A_438 = tpu.memref_slice %arg8[%dma_wait3A_434, %dma_wait3A_435, %dma_wait3A_436, %dma_wait3A_437] : memref<4x8x8x129xf32, #tpu.memory_space<vmem>> -> memref<1x8x8x128xf32, #tpu.memory_space<vmem>>
        %dma_wait3A_439 = tpu.memref_squeeze %dma_wait3A_438 : memref<1x8x8x128xf32, #tpu.memory_space<vmem>> -> memref<8x8x128xf32, #tpu.memory_space<vmem>>
        %dma_wait3A_440 = arith.constant 0 : i32
        %dma_wait3A_441 = arith.constant 0 : i32
        %dma_wait3A_442 = arith.constant 0 : i32
        %dma_wait3A_443 = tpu.memref_slice %arg5[%sub3A_433, %dma_wait3A_440, %add3A, %dma_wait3A_441, %dma_wait3A_442] : memref<200x8x32x8x128xf32, #tpu.memory_space<hbm>> -> memref<1x8x1x8x128xf32, #tpu.memory_space<hbm>>
        %dma_wait3A_444 = tpu.memref_squeeze %dma_wait3A_443 : memref<1x8x1x8x128xf32, #tpu.memory_space<hbm>> -> memref<8x8x128xf32, #tpu.memory_space<hbm>>
        %dma_wait3A_445 = arith.constant 0 : i32
        %dma_wait3A_446 = arith.constant 0 : i32
        %dma_wait3A_447 = arith.constant 0 : i32
        %dma_wait3A_448 = tpu.memref_slice %arg5[%sub3A_433, %dma_wait3A_445, %add3A, %dma_wait3A_446, %dma_wait3A_447] : memref<200x8x32x8x128xf32, #tpu.memory_space<hbm>> -> memref<1x8x1x8x128xf32, #tpu.memory_space<hbm>>
        %dma_wait3A_449 = tpu.memref_squeeze %dma_wait3A_448 : memref<1x8x1x8x128xf32, #tpu.memory_space<hbm>> -> memref<8x8x128xf32, #tpu.memory_space<hbm>>
        %dma_wait3A_450 = arith.constant 0 : i32
        %dma_wait3A_451 = arith.constant 0 : i32
        %dma_wait3A_452 = arith.constant 0 : i32
        %dma_wait3A_453 = tpu.memref_slice %arg8[%dma_wait3A_434, %dma_wait3A_450, %dma_wait3A_451, %dma_wait3A_452] : memref<4x8x8x129xf32, #tpu.memory_space<vmem>> -> memref<1x8x8x128xf32, #tpu.memory_space<vmem>>
        %dma_wait3A_454 = tpu.memref_squeeze %dma_wait3A_453 : memref<1x8x8x128xf32, #tpu.memory_space<vmem>> -> memref<8x8x128xf32, #tpu.memory_space<vmem>>
        tpu.wait_dma2 semaphore(%arg17 : memref<!tpu.dma_semaphore, #tpu.memory_space<semaphore_mem>>) src(%dma_wait3A_454 : memref<8x8x128xf32, #tpu.memory_space<vmem>>) dst(%dma_wait3A_449 : memref<8x8x128xf32, #tpu.memory_space<hbm>>)
      } else {
      }
      %get3A_384 = arith.index_cast %add3A_367 : i32 to index
      %get3A_385 = arith.constant 0 : index
      %get3A_386 = tpu.vector_load %arg9[%get3A_384, %get3A_385] {strides = array<i32>} : memref<200x64xf32, #tpu.memory_space<vmem>>, vector<16xf32>,
      %get3A_387 = arith.index_cast %add3A_367 : i32 to index
      %get3A_388 = arith.constant 16 : index
      %get3A_389 = tpu.vector_load %arg9[%get3A_387, %get3A_388] {strides = array<i32>} : memref<200x64xf32, #tpu.memory_space<vmem>>, vector<16xf32>,
      %get3A_390 = arith.index_cast %add3A_367 : i32 to index
      %get3A_391 = arith.constant 32 : index
      %get3A_392 = tpu.vector_load %arg9[%get3A_390, %get3A_391] {strides = array<i32>} : memref<200x64xf32, #tpu.memory_space<vmem>>, vector<16xf32>,
      %get3A_393 = arith.index_cast %add3A_367 : i32 to index
      %get3A_394 = arith.constant 48 : index
      %get3A_395 = tpu.vector_load %arg9[%get3A_393, %get3A_394] {strides = array<i32>} : memref<200x64xf32, #tpu.memory_space<vmem>>, vector<16xf32>,
      %scan3A_396 = arith.constant 0 : i32
      %scan3A_397 = arith.constant 0 : i32
      %scan3A_398 = arith.constant 8 : i32
      %scan3A_399 = arith.addi %scan3A_397, %scan3A_398 : i32
      %scan3A_400 = arith.constant 1 : i32
      scf.for %scan3A_432 = %scan3A_397 to %scan3A_399 step %scan3A_400  : i32 {
        %mul3A_433 = arith.constant 16 : i32
        %mul3A_434 = arith.muli %scan3A_432, %mul3A_433 : i32
        %add3A_435 = arith.constant 0 : i32
        %add3A_436 = arith.addi %mul3A_434, %add3A_435 : i32
        %broadcast_in_dim3A = arith.constant 0 : i32
        %broadcast_in_dim3A_437 = vector.broadcast %broadcast_in_dim3A : i32 to vector<16xi32>
        %add3A_438 = vector.broadcast %add3A_436 : i32 to vector<16xi32>
        %add3A_439 = arith.addi %broadcast_in_dim3A_437, %add3A_438 : vector<16xi32>
        %get3A_440 = arith.constant 3 : i32
        %get3A_441 = arith.index_cast %get3A_440 : i32 to index
        %get3A_442 = arith.index_cast %add3A_436 : i32 to index
        %get3A_443 = arith.constant 0 : index
        %get3A_444 = tpu.vector_load %arg7[%get3A_441, %get3A_442, %get3A_443] {strides = array<i32>} : memref<4x128x64xf32, #tpu.memory_space<vmem>>, vector<16xf32>,
        %add3A_445 = arith.addf %get3A_444, %get3A_386 : vector<16xf32>
        %scatter3A = arith.constant 3 : i32
        %scatter3A_446 = arith.constant 0 : i32
        %scatter3A_447 = arith.constant 0 : i32
        %scatter3A_448 = arith.constant 0 : i32
        %scatter3A_449 = tpu.memref_slice %arg8[%scatter3A, %scatter3A_446, %scatter3A_447, %scatter3A_448] : memref<4x8x8x129xf32, #tpu.memory_space<vmem>> -> memref<1x8x8x129xf32, #tpu.memory_space<vmem>>
        %scatter3A_450 = tpu.memref_squeeze %scatter3A_449 : memref<1x8x8x129xf32, #tpu.memory_space<vmem>> -> memref<8x8x129xf32, #tpu.memory_space<vmem>>
        tpu.vector_store_idx %scatter3A_450[%shift_right_arithmetic3A_17, %and3A_28, %add3A_439], %add3A_445 : memref<8x8x129xf32, #tpu.memory_space<vmem>>[vector<16xi32>, vector<16xi32>, vector<16xi32>], vector<16xf32>,
        %get3A_451 = arith.constant 3 : i32
        %get3A_452 = arith.index_cast %get3A_451 : i32 to index
        %get3A_453 = arith.index_cast %add3A_436 : i32 to index
        %get3A_454 = arith.constant 16 : index
        %get3A_455 = tpu.vector_load %arg7[%get3A_452, %get3A_453, %get3A_454] {strides = array<i32>} : memref<4x128x64xf32, #tpu.memory_space<vmem>>, vector<16xf32>,
        %add3A_456 = arith.addf %get3A_455, %get3A_389 : vector<16xf32>
        %scatter3A_457 = arith.constant 3 : i32
        %scatter3A_458 = arith.constant 0 : i32
        %scatter3A_459 = arith.constant 0 : i32
        %scatter3A_460 = arith.constant 0 : i32
        %scatter3A_461 = tpu.memref_slice %arg8[%scatter3A_457, %scatter3A_458, %scatter3A_459, %scatter3A_460] : memref<4x8x8x129xf32, #tpu.memory_space<vmem>> -> memref<1x8x8x129xf32, #tpu.memory_space<vmem>>
        %scatter3A_462 = tpu.memref_squeeze %scatter3A_461 : memref<1x8x8x129xf32, #tpu.memory_space<vmem>> -> memref<8x8x129xf32, #tpu.memory_space<vmem>>
        tpu.vector_store_idx %scatter3A_462[%shift_right_arithmetic3A_20, %and3A_31, %add3A_439], %add3A_456 : memref<8x8x129xf32, #tpu.memory_space<vmem>>[vector<16xi32>, vector<16xi32>, vector<16xi32>], vector<16xf32>,
        %get3A_463 = arith.constant 3 : i32
        %get3A_464 = arith.index_cast %get3A_463 : i32 to index
        %get3A_465 = arith.index_cast %add3A_436 : i32 to index
        %get3A_466 = arith.constant 32 : index
        %get3A_467 = tpu.vector_load %arg7[%get3A_464, %get3A_465, %get3A_466] {strides = array<i32>} : memref<4x128x64xf32, #tpu.memory_space<vmem>>, vector<16xf32>,
        %add3A_468 = arith.addf %get3A_467, %get3A_392 : vector<16xf32>
        %scatter3A_469 = arith.constant 3 : i32
        %scatter3A_470 = arith.constant 0 : i32
        %scatter3A_471 = arith.constant 0 : i32
        %scatter3A_472 = arith.constant 0 : i32
        %scatter3A_473 = tpu.memref_slice %arg8[%scatter3A_469, %scatter3A_470, %scatter3A_471, %scatter3A_472] : memref<4x8x8x129xf32, #tpu.memory_space<vmem>> -> memref<1x8x8x129xf32, #tpu.memory_space<vmem>>
        %scatter3A_474 = tpu.memref_squeeze %scatter3A_473 : memref<1x8x8x129xf32, #tpu.memory_space<vmem>> -> memref<8x8x129xf32, #tpu.memory_space<vmem>>
        tpu.vector_store_idx %scatter3A_474[%shift_right_arithmetic3A_23, %and3A_34, %add3A_439], %add3A_468 : memref<8x8x129xf32, #tpu.memory_space<vmem>>[vector<16xi32>, vector<16xi32>, vector<16xi32>], vector<16xf32>,
        %get3A_475 = arith.constant 3 : i32
        %get3A_476 = arith.index_cast %get3A_475 : i32 to index
        %get3A_477 = arith.index_cast %add3A_436 : i32 to index
        %get3A_478 = arith.constant 48 : index
        %get3A_479 = tpu.vector_load %arg7[%get3A_476, %get3A_477, %get3A_478] {strides = array<i32>} : memref<4x128x64xf32, #tpu.memory_space<vmem>>, vector<16xf32>,
        %add3A_480 = arith.addf %get3A_479, %get3A_395 : vector<16xf32>
        %scatter3A_481 = arith.constant 3 : i32
        %scatter3A_482 = arith.constant 0 : i32
        %scatter3A_483 = arith.constant 0 : i32
        %scatter3A_484 = arith.constant 0 : i32
        %scatter3A_485 = tpu.memref_slice %arg8[%scatter3A_481, %scatter3A_482, %scatter3A_483, %scatter3A_484] : memref<4x8x8x129xf32, #tpu.memory_space<vmem>> -> memref<1x8x8x129xf32, #tpu.memory_space<vmem>>
        %scatter3A_486 = tpu.memref_squeeze %scatter3A_485 : memref<1x8x8x129xf32, #tpu.memory_space<vmem>> -> memref<8x8x129xf32, #tpu.memory_space<vmem>>
        tpu.vector_store_idx %scatter3A_486[%shift_right_arithmetic3A_26, %and3A_37, %add3A_439], %add3A_480 : memref<8x8x129xf32, #tpu.memory_space<vmem>>[vector<16xi32>, vector<16xi32>, vector<16xi32>], vector<16xf32>,
        %mul3A_487 = arith.constant 16 : i32
        %mul3A_488 = arith.muli %scan3A_432, %mul3A_487 : i32
        %add3A_489 = arith.constant 1 : i32
        %add3A_490 = arith.addi %mul3A_488, %add3A_489 : i32
        %broadcast_in_dim3A_491 = arith.constant 0 : i32
        %broadcast_in_dim3A_492 = vector.broadcast %broadcast_in_dim3A_491 : i32 to vector<16xi32>
        %add3A_493 = vector.broadcast %add3A_490 : i32 to vector<16xi32>
        %add3A_494 = arith.addi %broadcast_in_dim3A_492, %add3A_493 : vector<16xi32>
        %get3A_495 = arith.constant 3 : i32
        %get3A_496 = arith.index_cast %get3A_495 : i32 to index
        %get3A_497 = arith.index_cast %add3A_490 : i32 to index
        %get3A_498 = arith.constant 0 : index
        %get3A_499 = tpu.vector_load %arg7[%get3A_496, %get3A_497, %get3A_498] {strides = array<i32>} : memref<4x128x64xf32, #tpu.memory_space<vmem>>, vector<16xf32>,
        %add3A_500 = arith.addf %get3A_499, %get3A_386 : vector<16xf32>
        %scatter3A_501 = arith.constant 3 : i32
        %scatter3A_502 = arith.constant 0 : i32
        %scatter3A_503 = arith.constant 0 : i32
        %scatter3A_504 = arith.constant 0 : i32
        %scatter3A_505 = tpu.memref_slice %arg8[%scatter3A_501, %scatter3A_502, %scatter3A_503, %scatter3A_504] : memref<4x8x8x129xf32, #tpu.memory_space<vmem>> -> memref<1x8x8x129xf32, #tpu.memory_space<vmem>>
        %scatter3A_506 = tpu.memref_squeeze %scatter3A_505 : memref<1x8x8x129xf32, #tpu.memory_space<vmem>> -> memref<8x8x129xf32, #tpu.memory_space<vmem>>
        tpu.vector_store_idx %scatter3A_506[%shift_right_arithmetic3A_17, %and3A_28, %add3A_494], %add3A_500 : memref<8x8x129xf32, #tpu.memory_space<vmem>>[vector<16xi32>, vector<16xi32>, vector<16xi32>], vector<16xf32>,
        %get3A_507 = arith.constant 3 : i32
        %get3A_508 = arith.index_cast %get3A_507 : i32 to index
        %get3A_509 = arith.index_cast %add3A_490 : i32 to index
        %get3A_510 = arith.constant 16 : index
        %get3A_511 = tpu.vector_load %arg7[%get3A_508, %get3A_509, %get3A_510] {strides = array<i32>} : memref<4x128x64xf32, #tpu.memory_space<vmem>>, vector<16xf32>,
        %add3A_512 = arith.addf %get3A_511, %get3A_389 : vector<16xf32>
        %scatter3A_513 = arith.constant 3 : i32
        %scatter3A_514 = arith.constant 0 : i32
        %scatter3A_515 = arith.constant 0 : i32
        %scatter3A_516 = arith.constant 0 : i32
        %scatter3A_517 = tpu.memref_slice %arg8[%scatter3A_513, %scatter3A_514, %scatter3A_515, %scatter3A_516] : memref<4x8x8x129xf32, #tpu.memory_space<vmem>> -> memref<1x8x8x129xf32, #tpu.memory_space<vmem>>
        %scatter3A_518 = tpu.memref_squeeze %scatter3A_517 : memref<1x8x8x129xf32, #tpu.memory_space<vmem>> -> memref<8x8x129xf32, #tpu.memory_space<vmem>>
        tpu.vector_store_idx %scatter3A_518[%shift_right_arithmetic3A_20, %and3A_31, %add3A_494], %add3A_512 : memref<8x8x129xf32, #tpu.memory_space<vmem>>[vector<16xi32>, vector<16xi32>, vector<16xi32>], vector<16xf32>,
        %get3A_519 = arith.constant 3 : i32
        %get3A_520 = arith.index_cast %get3A_519 : i32 to index
        %get3A_521 = arith.index_cast %add3A_490 : i32 to index
        %get3A_522 = arith.constant 32 : index
        %get3A_523 = tpu.vector_load %arg7[%get3A_520, %get3A_521, %get3A_522] {strides = array<i32>} : memref<4x128x64xf32, #tpu.memory_space<vmem>>, vector<16xf32>,
        %add3A_524 = arith.addf %get3A_523, %get3A_392 : vector<16xf32>
        %scatter3A_525 = arith.constant 3 : i32
        %scatter3A_526 = arith.constant 0 : i32
        %scatter3A_527 = arith.constant 0 : i32
        %scatter3A_528 = arith.constant 0 : i32
        %scatter3A_529 = tpu.memref_slice %arg8[%scatter3A_525, %scatter3A_526, %scatter3A_527, %scatter3A_528] : memref<4x8x8x129xf32, #tpu.memory_space<vmem>> -> memref<1x8x8x129xf32, #tpu.memory_space<vmem>>
        %scatter3A_530 = tpu.memref_squeeze %scatter3A_529 : memref<1x8x8x129xf32, #tpu.memory_space<vmem>> -> memref<8x8x129xf32, #tpu.memory_space<vmem>>
        tpu.vector_store_idx %scatter3A_530[%shift_right_arithmetic3A_23, %and3A_34, %add3A_494], %add3A_524 : memref<8x8x129xf32, #tpu.memory_space<vmem>>[vector<16xi32>, vector<16xi32>, vector<16xi32>], vector<16xf32>,
        %get3A_531 = arith.constant 3 : i32
        %get3A_532 = arith.index_cast %get3A_531 : i32 to index
        %get3A_533 = arith.index_cast %add3A_490 : i32 to index
        %get3A_534 = arith.constant 48 : index
        %get3A_535 = tpu.vector_load %arg7[%get3A_532, %get3A_533, %get3A_534] {strides = array<i32>} : memref<4x128x64xf32, #tpu.memory_space<vmem>>, vector<16xf32>,
        %add3A_536 = arith.addf %get3A_535, %get3A_395 : vector<16xf32>
        %scatter3A_537 = arith.constant 3 : i32
        %scatter3A_538 = arith.constant 0 : i32
        %scatter3A_539 = arith.constant 0 : i32
        %scatter3A_540 = arith.constant 0 : i32
        %scatter3A_541 = tpu.memref_slice %arg8[%scatter3A_537, %scatter3A_538, %scatter3A_539, %scatter3A_540] : memref<4x8x8x129xf32, #tpu.memory_space<vmem>> -> memref<1x8x8x129xf32, #tpu.memory_space<vmem>>
        %scatter3A_542 = tpu.memref_squeeze %scatter3A_541 : memref<1x8x8x129xf32, #tpu.memory_space<vmem>> -> memref<8x8x129xf32, #tpu.memory_space<vmem>>
        tpu.vector_store_idx %scatter3A_542[%shift_right_arithmetic3A_26, %and3A_37, %add3A_494], %add3A_536 : memref<8x8x129xf32, #tpu.memory_space<vmem>>[vector<16xi32>, vector<16xi32>, vector<16xi32>], vector<16xf32>,
        %mul3A_543 = arith.constant 16 : i32
        %mul3A_544 = arith.muli %scan3A_432, %mul3A_543 : i32
        %add3A_545 = arith.constant 2 : i32
        %add3A_546 = arith.addi %mul3A_544, %add3A_545 : i32
        %broadcast_in_dim3A_547 = arith.constant 0 : i32
        %broadcast_in_dim3A_548 = vector.broadcast %broadcast_in_dim3A_547 : i32 to vector<16xi32>
        %add3A_549 = vector.broadcast %add3A_546 : i32 to vector<16xi32>
        %add3A_550 = arith.addi %broadcast_in_dim3A_548, %add3A_549 : vector<16xi32>
        %get3A_551 = arith.constant 3 : i32
        %get3A_552 = arith.index_cast %get3A_551 : i32 to index
        %get3A_553 = arith.index_cast %add3A_546 : i32 to index
        %get3A_554 = arith.constant 0 : index
        %get3A_555 = tpu.vector_load %arg7[%get3A_552, %get3A_553, %get3A_554] {strides = array<i32>} : memref<4x128x64xf32, #tpu.memory_space<vmem>>, vector<16xf32>,
        %add3A_556 = arith.addf %get3A_555, %get3A_386 : vector<16xf32>
        %scatter3A_557 = arith.constant 3 : i32
        %scatter3A_558 = arith.constant 0 : i32
        %scatter3A_559 = arith.constant 0 : i32
        %scatter3A_560 = arith.constant 0 : i32
        %scatter3A_561 = tpu.memref_slice %arg8[%scatter3A_557, %scatter3A_558, %scatter3A_559, %scatter3A_560] : memref<4x8x8x129xf32, #tpu.memory_space<vmem>> -> memref<1x8x8x129xf32, #tpu.memory_space<vmem>>
        %scatter3A_562 = tpu.memref_squeeze %scatter3A_561 : memref<1x8x8x129xf32, #tpu.memory_space<vmem>> -> memref<8x8x129xf32, #tpu.memory_space<vmem>>
        tpu.vector_store_idx %scatter3A_562[%shift_right_arithmetic3A_17, %and3A_28, %add3A_550], %add3A_556 : memref<8x8x129xf32, #tpu.memory_space<vmem>>[vector<16xi32>, vector<16xi32>, vector<16xi32>], vector<16xf32>,
        %get3A_563 = arith.constant 3 : i32
        %get3A_564 = arith.index_cast %get3A_563 : i32 to index
        %get3A_565 = arith.index_cast %add3A_546 : i32 to index
        %get3A_566 = arith.constant 16 : index
        %get3A_567 = tpu.vector_load %arg7[%get3A_564, %get3A_565, %get3A_566] {strides = array<i32>} : memref<4x128x64xf32, #tpu.memory_space<vmem>>, vector<16xf32>,
        %add3A_568 = arith.addf %get3A_567, %get3A_389 : vector<16xf32>
        %scatter3A_569 = arith.constant 3 : i32
        %scatter3A_570 = arith.constant 0 : i32
        %scatter3A_571 = arith.constant 0 : i32
        %scatter3A_572 = arith.constant 0 : i32
        %scatter3A_573 = tpu.memref_slice %arg8[%scatter3A_569, %scatter3A_570, %scatter3A_571, %scatter3A_572] : memref<4x8x8x129xf32, #tpu.memory_space<vmem>> -> memref<1x8x8x129xf32, #tpu.memory_space<vmem>>
        %scatter3A_574 = tpu.memref_squeeze %scatter3A_573 : memref<1x8x8x129xf32, #tpu.memory_space<vmem>> -> memref<8x8x129xf32, #tpu.memory_space<vmem>>
        tpu.vector_store_idx %scatter3A_574[%shift_right_arithmetic3A_20, %and3A_31, %add3A_550], %add3A_568 : memref<8x8x129xf32, #tpu.memory_space<vmem>>[vector<16xi32>, vector<16xi32>, vector<16xi32>], vector<16xf32>,
        %get3A_575 = arith.constant 3 : i32
        %get3A_576 = arith.index_cast %get3A_575 : i32 to index
        %get3A_577 = arith.index_cast %add3A_546 : i32 to index
        %get3A_578 = arith.constant 32 : index
        %get3A_579 = tpu.vector_load %arg7[%get3A_576, %get3A_577, %get3A_578] {strides = array<i32>} : memref<4x128x64xf32, #tpu.memory_space<vmem>>, vector<16xf32>,
        %add3A_580 = arith.addf %get3A_579, %get3A_392 : vector<16xf32>
        %scatter3A_581 = arith.constant 3 : i32
        %scatter3A_582 = arith.constant 0 : i32
        %scatter3A_583 = arith.constant 0 : i32
        %scatter3A_584 = arith.constant 0 : i32
        %scatter3A_585 = tpu.memref_slice %arg8[%scatter3A_581, %scatter3A_582, %scatter3A_583, %scatter3A_584] : memref<4x8x8x129xf32, #tpu.memory_space<vmem>> -> memref<1x8x8x129xf32, #tpu.memory_space<vmem>>
        %scatter3A_586 = tpu.memref_squeeze %scatter3A_585 : memref<1x8x8x129xf32, #tpu.memory_space<vmem>> -> memref<8x8x129xf32, #tpu.memory_space<vmem>>
        tpu.vector_store_idx %scatter3A_586[%shift_right_arithmetic3A_23, %and3A_34, %add3A_550], %add3A_580 : memref<8x8x129xf32, #tpu.memory_space<vmem>>[vector<16xi32>, vector<16xi32>, vector<16xi32>], vector<16xf32>,
        %get3A_587 = arith.constant 3 : i32
        %get3A_588 = arith.index_cast %get3A_587 : i32 to index
        %get3A_589 = arith.index_cast %add3A_546 : i32 to index
        %get3A_590 = arith.constant 48 : index
        %get3A_591 = tpu.vector_load %arg7[%get3A_588, %get3A_589, %get3A_590] {strides = array<i32>} : memref<4x128x64xf32, #tpu.memory_space<vmem>>, vector<16xf32>,
        %add3A_592 = arith.addf %get3A_591, %get3A_395 : vector<16xf32>
        %scatter3A_593 = arith.constant 3 : i32
        %scatter3A_594 = arith.constant 0 : i32
        %scatter3A_595 = arith.constant 0 : i32
        %scatter3A_596 = arith.constant 0 : i32
        %scatter3A_597 = tpu.memref_slice %arg8[%scatter3A_593, %scatter3A_594, %scatter3A_595, %scatter3A_596] : memref<4x8x8x129xf32, #tpu.memory_space<vmem>> -> memref<1x8x8x129xf32, #tpu.memory_space<vmem>>
        %scatter3A_598 = tpu.memref_squeeze %scatter3A_597 : memref<1x8x8x129xf32, #tpu.memory_space<vmem>> -> memref<8x8x129xf32, #tpu.memory_space<vmem>>
        tpu.vector_store_idx %scatter3A_598[%shift_right_arithmetic3A_26, %and3A_37, %add3A_550], %add3A_592 : memref<8x8x129xf32, #tpu.memory_space<vmem>>[vector<16xi32>, vector<16xi32>, vector<16xi32>], vector<16xf32>,
        %mul3A_599 = arith.constant 16 : i32
        %mul3A_600 = arith.muli %scan3A_432, %mul3A_599 : i32
        %add3A_601 = arith.constant 3 : i32
        %add3A_602 = arith.addi %mul3A_600, %add3A_601 : i32
        %broadcast_in_dim3A_603 = arith.constant 0 : i32
        %broadcast_in_dim3A_604 = vector.broadcast %broadcast_in_dim3A_603 : i32 to vector<16xi32>
        %add3A_605 = vector.broadcast %add3A_602 : i32 to vector<16xi32>
        %add3A_606 = arith.addi %broadcast_in_dim3A_604, %add3A_605 : vector<16xi32>
        %get3A_607 = arith.constant 3 : i32
        %get3A_608 = arith.index_cast %get3A_607 : i32 to index
        %get3A_609 = arith.index_cast %add3A_602 : i32 to index
        %get3A_610 = arith.constant 0 : index
        %get3A_611 = tpu.vector_load %arg7[%get3A_608, %get3A_609, %get3A_610] {strides = array<i32>} : memref<4x128x64xf32, #tpu.memory_space<vmem>>, vector<16xf32>,
        %add3A_612 = arith.addf %get3A_611, %get3A_386 : vector<16xf32>
        %scatter3A_613 = arith.constant 3 : i32
        %scatter3A_614 = arith.constant 0 : i32
        %scatter3A_615 = arith.constant 0 : i32
        %scatter3A_616 = arith.constant 0 : i32
        %scatter3A_617 = tpu.memref_slice %arg8[%scatter3A_613, %scatter3A_614, %scatter3A_615, %scatter3A_616] : memref<4x8x8x129xf32, #tpu.memory_space<vmem>> -> memref<1x8x8x129xf32, #tpu.memory_space<vmem>>
        %scatter3A_618 = tpu.memref_squeeze %scatter3A_617 : memref<1x8x8x129xf32, #tpu.memory_space<vmem>> -> memref<8x8x129xf32, #tpu.memory_space<vmem>>
        tpu.vector_store_idx %scatter3A_618[%shift_right_arithmetic3A_17, %and3A_28, %add3A_606], %add3A_612 : memref<8x8x129xf32, #tpu.memory_space<vmem>>[vector<16xi32>, vector<16xi32>, vector<16xi32>], vector<16xf32>,
        %get3A_619 = arith.constant 3 : i32
        %get3A_620 = arith.index_cast %get3A_619 : i32 to index
        %get3A_621 = arith.index_cast %add3A_602 : i32 to index
        %get3A_622 = arith.constant 16 : index
        %get3A_623 = tpu.vector_load %arg7[%get3A_620, %get3A_621, %get3A_622] {strides = array<i32>} : memref<4x128x64xf32, #tpu.memory_space<vmem>>, vector<16xf32>,
        %add3A_624 = arith.addf %get3A_623, %get3A_389 : vector<16xf32>
        %scatter3A_625 = arith.constant 3 : i32
        %scatter3A_626 = arith.constant 0 : i32
        %scatter3A_627 = arith.constant 0 : i32
        %scatter3A_628 = arith.constant 0 : i32
        %scatter3A_629 = tpu.memref_slice %arg8[%scatter3A_625, %scatter3A_626, %scatter3A_627, %scatter3A_628] : memref<4x8x8x129xf32, #tpu.memory_space<vmem>> -> memref<1x8x8x129xf32, #tpu.memory_space<vmem>>
        %scatter3A_630 = tpu.memref_squeeze %scatter3A_629 : memref<1x8x8x129xf32, #tpu.memory_space<vmem>> -> memref<8x8x129xf32, #tpu.memory_space<vmem>>
        tpu.vector_store_idx %scatter3A_630[%shift_right_arithmetic3A_20, %and3A_31, %add3A_606], %add3A_624 : memref<8x8x129xf32, #tpu.memory_space<vmem>>[vector<16xi32>, vector<16xi32>, vector<16xi32>], vector<16xf32>,
        %get3A_631 = arith.constant 3 : i32
        %get3A_632 = arith.index_cast %get3A_631 : i32 to index
        %get3A_633 = arith.index_cast %add3A_602 : i32 to index
        %get3A_634 = arith.constant 32 : index
        %get3A_635 = tpu.vector_load %arg7[%get3A_632, %get3A_633, %get3A_634] {strides = array<i32>} : memref<4x128x64xf32, #tpu.memory_space<vmem>>, vector<16xf32>,
        %add3A_636 = arith.addf %get3A_635, %get3A_392 : vector<16xf32>
        %scatter3A_637 = arith.constant 3 : i32
        %scatter3A_638 = arith.constant 0 : i32
        %scatter3A_639 = arith.constant 0 : i32
        %scatter3A_640 = arith.constant 0 : i32
        %scatter3A_641 = tpu.memref_slice %arg8[%scatter3A_637, %scatter3A_638, %scatter3A_639, %scatter3A_640] : memref<4x8x8x129xf32, #tpu.memory_space<vmem>> -> memref<1x8x8x129xf32, #tpu.memory_space<vmem>>
        %scatter3A_642 = tpu.memref_squeeze %scatter3A_641 : memref<1x8x8x129xf32, #tpu.memory_space<vmem>> -> memref<8x8x129xf32, #tpu.memory_space<vmem>>
        tpu.vector_store_idx %scatter3A_642[%shift_right_arithmetic3A_23, %and3A_34, %add3A_606], %add3A_636 : memref<8x8x129xf32, #tpu.memory_space<vmem>>[vector<16xi32>, vector<16xi32>, vector<16xi32>], vector<16xf32>,
        %get3A_643 = arith.constant 3 : i32
        %get3A_644 = arith.index_cast %get3A_643 : i32 to index
        %get3A_645 = arith.index_cast %add3A_602 : i32 to index
        %get3A_646 = arith.constant 48 : index
        %get3A_647 = tpu.vector_load %arg7[%get3A_644, %get3A_645, %get3A_646] {strides = array<i32>} : memref<4x128x64xf32, #tpu.memory_space<vmem>>, vector<16xf32>,
        %add3A_648 = arith.addf %get3A_647, %get3A_395 : vector<16xf32>
        %scatter3A_649 = arith.constant 3 : i32
        %scatter3A_650 = arith.constant 0 : i32
        %scatter3A_651 = arith.constant 0 : i32
        %scatter3A_652 = arith.constant 0 : i32
        %scatter3A_653 = tpu.memref_slice %arg8[%scatter3A_649, %scatter3A_650, %scatter3A_651, %scatter3A_652] : memref<4x8x8x129xf32, #tpu.memory_space<vmem>> -> memref<1x8x8x129xf32, #tpu.memory_space<vmem>>
        %scatter3A_654 = tpu.memref_squeeze %scatter3A_653 : memref<1x8x8x129xf32, #tpu.memory_space<vmem>> -> memref<8x8x129xf32, #tpu.memory_space<vmem>>
        tpu.vector_store_idx %scatter3A_654[%shift_right_arithmetic3A_26, %and3A_37, %add3A_606], %add3A_648 : memref<8x8x129xf32, #tpu.memory_space<vmem>>[vector<16xi32>, vector<16xi32>, vector<16xi32>], vector<16xf32>,
        %mul3A_655 = arith.constant 16 : i32
        %mul3A_656 = arith.muli %scan3A_432, %mul3A_655 : i32
        %add3A_657 = arith.constant 4 : i32
        %add3A_658 = arith.addi %mul3A_656, %add3A_657 : i32
        %broadcast_in_dim3A_659 = arith.constant 0 : i32
        %broadcast_in_dim3A_660 = vector.broadcast %broadcast_in_dim3A_659 : i32 to vector<16xi32>
        %add3A_661 = vector.broadcast %add3A_658 : i32 to vector<16xi32>
        %add3A_662 = arith.addi %broadcast_in_dim3A_660, %add3A_661 : vector<16xi32>
        %get3A_663 = arith.constant 3 : i32
        %get3A_664 = arith.index_cast %get3A_663 : i32 to index
        %get3A_665 = arith.index_cast %add3A_658 : i32 to index
        %get3A_666 = arith.constant 0 : index
        %get3A_667 = tpu.vector_load %arg7[%get3A_664, %get3A_665, %get3A_666] {strides = array<i32>} : memref<4x128x64xf32, #tpu.memory_space<vmem>>, vector<16xf32>,
        %add3A_668 = arith.addf %get3A_667, %get3A_386 : vector<16xf32>
        %scatter3A_669 = arith.constant 3 : i32
        %scatter3A_670 = arith.constant 0 : i32
        %scatter3A_671 = arith.constant 0 : i32
        %scatter3A_672 = arith.constant 0 : i32
        %scatter3A_673 = tpu.memref_slice %arg8[%scatter3A_669, %scatter3A_670, %scatter3A_671, %scatter3A_672] : memref<4x8x8x129xf32, #tpu.memory_space<vmem>> -> memref<1x8x8x129xf32, #tpu.memory_space<vmem>>
        %scatter3A_674 = tpu.memref_squeeze %scatter3A_673 : memref<1x8x8x129xf32, #tpu.memory_space<vmem>> -> memref<8x8x129xf32, #tpu.memory_space<vmem>>
        tpu.vector_store_idx %scatter3A_674[%shift_right_arithmetic3A_17, %and3A_28, %add3A_662], %add3A_668 : memref<8x8x129xf32, #tpu.memory_space<vmem>>[vector<16xi32>, vector<16xi32>, vector<16xi32>], vector<16xf32>,
        %get3A_675 = arith.constant 3 : i32
        %get3A_676 = arith.index_cast %get3A_675 : i32 to index
        %get3A_677 = arith.index_cast %add3A_658 : i32 to index
        %get3A_678 = arith.constant 16 : index
        %get3A_679 = tpu.vector_load %arg7[%get3A_676, %get3A_677, %get3A_678] {strides = array<i32>} : memref<4x128x64xf32, #tpu.memory_space<vmem>>, vector<16xf32>,
        %add3A_680 = arith.addf %get3A_679, %get3A_389 : vector<16xf32>
        %scatter3A_681 = arith.constant 3 : i32
        %scatter3A_682 = arith.constant 0 : i32
        %scatter3A_683 = arith.constant 0 : i32
        %scatter3A_684 = arith.constant 0 : i32
        %scatter3A_685 = tpu.memref_slice %arg8[%scatter3A_681, %scatter3A_682, %scatter3A_683, %scatter3A_684] : memref<4x8x8x129xf32, #tpu.memory_space<vmem>> -> memref<1x8x8x129xf32, #tpu.memory_space<vmem>>
        %scatter3A_686 = tpu.memref_squeeze %scatter3A_685 : memref<1x8x8x129xf32, #tpu.memory_space<vmem>> -> memref<8x8x129xf32, #tpu.memory_space<vmem>>
        tpu.vector_store_idx %scatter3A_686[%shift_right_arithmetic3A_20, %and3A_31, %add3A_662], %add3A_680 : memref<8x8x129xf32, #tpu.memory_space<vmem>>[vector<16xi32>, vector<16xi32>, vector<16xi32>], vector<16xf32>,
        %get3A_687 = arith.constant 3 : i32
        %get3A_688 = arith.index_cast %get3A_687 : i32 to index
        %get3A_689 = arith.index_cast %add3A_658 : i32 to index
        %get3A_690 = arith.constant 32 : index
        %get3A_691 = tpu.vector_load %arg7[%get3A_688, %get3A_689, %get3A_690] {strides = array<i32>} : memref<4x128x64xf32, #tpu.memory_space<vmem>>, vector<16xf32>,
        %add3A_692 = arith.addf %get3A_691, %get3A_392 : vector<16xf32>
        %scatter3A_693 = arith.constant 3 : i32
        %scatter3A_694 = arith.constant 0 : i32
        %scatter3A_695 = arith.constant 0 : i32
        %scatter3A_696 = arith.constant 0 : i32
        %scatter3A_697 = tpu.memref_slice %arg8[%scatter3A_693, %scatter3A_694, %scatter3A_695, %scatter3A_696] : memref<4x8x8x129xf32, #tpu.memory_space<vmem>> -> memref<1x8x8x129xf32, #tpu.memory_space<vmem>>
        %scatter3A_698 = tpu.memref_squeeze %scatter3A_697 : memref<1x8x8x129xf32, #tpu.memory_space<vmem>> -> memref<8x8x129xf32, #tpu.memory_space<vmem>>
        tpu.vector_store_idx %scatter3A_698[%shift_right_arithmetic3A_23, %and3A_34, %add3A_662], %add3A_692 : memref<8x8x129xf32, #tpu.memory_space<vmem>>[vector<16xi32>, vector<16xi32>, vector<16xi32>], vector<16xf32>,
        %get3A_699 = arith.constant 3 : i32
        %get3A_700 = arith.index_cast %get3A_699 : i32 to index
        %get3A_701 = arith.index_cast %add3A_658 : i32 to index
        %get3A_702 = arith.constant 48 : index
        %get3A_703 = tpu.vector_load %arg7[%get3A_700, %get3A_701, %get3A_702] {strides = array<i32>} : memref<4x128x64xf32, #tpu.memory_space<vmem>>, vector<16xf32>,
        %add3A_704 = arith.addf %get3A_703, %get3A_395 : vector<16xf32>
        %scatter3A_705 = arith.constant 3 : i32
        %scatter3A_706 = arith.constant 0 : i32
        %scatter3A_707 = arith.constant 0 : i32
        %scatter3A_708 = arith.constant 0 : i32
        %scatter3A_709 = tpu.memref_slice %arg8[%scatter3A_705, %scatter3A_706, %scatter3A_707, %scatter3A_708] : memref<4x8x8x129xf32, #tpu.memory_space<vmem>> -> memref<1x8x8x129xf32, #tpu.memory_space<vmem>>
        %scatter3A_710 = tpu.memref_squeeze %scatter3A_709 : memref<1x8x8x129xf32, #tpu.memory_space<vmem>> -> memref<8x8x129xf32, #tpu.memory_space<vmem>>
        tpu.vector_store_idx %scatter3A_710[%shift_right_arithmetic3A_26, %and3A_37, %add3A_662], %add3A_704 : memref<8x8x129xf32, #tpu.memory_space<vmem>>[vector<16xi32>, vector<16xi32>, vector<16xi32>], vector<16xf32>,
        %mul3A_711 = arith.constant 16 : i32
        %mul3A_712 = arith.muli %scan3A_432, %mul3A_711 : i32
        %add3A_713 = arith.constant 5 : i32
        %add3A_714 = arith.addi %mul3A_712, %add3A_713 : i32
        %broadcast_in_dim3A_715 = arith.constant 0 : i32
        %broadcast_in_dim3A_716 = vector.broadcast %broadcast_in_dim3A_715 : i32 to vector<16xi32>
        %add3A_717 = vector.broadcast %add3A_714 : i32 to vector<16xi32>
        %add3A_718 = arith.addi %broadcast_in_dim3A_716, %add3A_717 : vector<16xi32>
        %get3A_719 = arith.constant 3 : i32
        %get3A_720 = arith.index_cast %get3A_719 : i32 to index
        %get3A_721 = arith.index_cast %add3A_714 : i32 to index
        %get3A_722 = arith.constant 0 : index
        %get3A_723 = tpu.vector_load %arg7[%get3A_720, %get3A_721, %get3A_722] {strides = array<i32>} : memref<4x128x64xf32, #tpu.memory_space<vmem>>, vector<16xf32>,
        %add3A_724 = arith.addf %get3A_723, %get3A_386 : vector<16xf32>
        %scatter3A_725 = arith.constant 3 : i32
        %scatter3A_726 = arith.constant 0 : i32
        %scatter3A_727 = arith.constant 0 : i32
        %scatter3A_728 = arith.constant 0 : i32
        %scatter3A_729 = tpu.memref_slice %arg8[%scatter3A_725, %scatter3A_726, %scatter3A_727, %scatter3A_728] : memref<4x8x8x129xf32, #tpu.memory_space<vmem>> -> memref<1x8x8x129xf32, #tpu.memory_space<vmem>>
        %scatter3A_730 = tpu.memref_squeeze %scatter3A_729 : memref<1x8x8x129xf32, #tpu.memory_space<vmem>> -> memref<8x8x129xf32, #tpu.memory_space<vmem>>
        tpu.vector_store_idx %scatter3A_730[%shift_right_arithmetic3A_17, %and3A_28, %add3A_718], %add3A_724 : memref<8x8x129xf32, #tpu.memory_space<vmem>>[vector<16xi32>, vector<16xi32>, vector<16xi32>], vector<16xf32>,
        %get3A_731 = arith.constant 3 : i32
        %get3A_732 = arith.index_cast %get3A_731 : i32 to index
        %get3A_733 = arith.index_cast %add3A_714 : i32 to index
        %get3A_734 = arith.constant 16 : index
        %get3A_735 = tpu.vector_load %arg7[%get3A_732, %get3A_733, %get3A_734] {strides = array<i32>} : memref<4x128x64xf32, #tpu.memory_space<vmem>>, vector<16xf32>,
        %add3A_736 = arith.addf %get3A_735, %get3A_389 : vector<16xf32>
        %scatter3A_737 = arith.constant 3 : i32
        %scatter3A_738 = arith.constant 0 : i32
        %scatter3A_739 = arith.constant 0 : i32
        %scatter3A_740 = arith.constant 0 : i32
        %scatter3A_741 = tpu.memref_slice %arg8[%scatter3A_737, %scatter3A_738, %scatter3A_739, %scatter3A_740] : memref<4x8x8x129xf32, #tpu.memory_space<vmem>> -> memref<1x8x8x129xf32, #tpu.memory_space<vmem>>
        %scatter3A_742 = tpu.memref_squeeze %scatter3A_741 : memref<1x8x8x129xf32, #tpu.memory_space<vmem>> -> memref<8x8x129xf32, #tpu.memory_space<vmem>>
        tpu.vector_store_idx %scatter3A_742[%shift_right_arithmetic3A_20, %and3A_31, %add3A_718], %add3A_736 : memref<8x8x129xf32, #tpu.memory_space<vmem>>[vector<16xi32>, vector<16xi32>, vector<16xi32>], vector<16xf32>,
        %get3A_743 = arith.constant 3 : i32
        %get3A_744 = arith.index_cast %get3A_743 : i32 to index
        %get3A_745 = arith.index_cast %add3A_714 : i32 to index
        %get3A_746 = arith.constant 32 : index
        %get3A_747 = tpu.vector_load %arg7[%get3A_744, %get3A_745, %get3A_746] {strides = array<i32>} : memref<4x128x64xf32, #tpu.memory_space<vmem>>, vector<16xf32>,
        %add3A_748 = arith.addf %get3A_747, %get3A_392 : vector<16xf32>
        %scatter3A_749 = arith.constant 3 : i32
        %scatter3A_750 = arith.constant 0 : i32
        %scatter3A_751 = arith.constant 0 : i32
        %scatter3A_752 = arith.constant 0 : i32
        %scatter3A_753 = tpu.memref_slice %arg8[%scatter3A_749, %scatter3A_750, %scatter3A_751, %scatter3A_752] : memref<4x8x8x129xf32, #tpu.memory_space<vmem>> -> memref<1x8x8x129xf32, #tpu.memory_space<vmem>>
        %scatter3A_754 = tpu.memref_squeeze %scatter3A_753 : memref<1x8x8x129xf32, #tpu.memory_space<vmem>> -> memref<8x8x129xf32, #tpu.memory_space<vmem>>
        tpu.vector_store_idx %scatter3A_754[%shift_right_arithmetic3A_23, %and3A_34, %add3A_718], %add3A_748 : memref<8x8x129xf32, #tpu.memory_space<vmem>>[vector<16xi32>, vector<16xi32>, vector<16xi32>], vector<16xf32>,
        %get3A_755 = arith.constant 3 : i32
        %get3A_756 = arith.index_cast %get3A_755 : i32 to index
        %get3A_757 = arith.index_cast %add3A_714 : i32 to index
        %get3A_758 = arith.constant 48 : index
        %get3A_759 = tpu.vector_load %arg7[%get3A_756, %get3A_757, %get3A_758] {strides = array<i32>} : memref<4x128x64xf32, #tpu.memory_space<vmem>>, vector<16xf32>,
        %add3A_760 = arith.addf %get3A_759, %get3A_395 : vector<16xf32>
        %scatter3A_761 = arith.constant 3 : i32
        %scatter3A_762 = arith.constant 0 : i32
        %scatter3A_763 = arith.constant 0 : i32
        %scatter3A_764 = arith.constant 0 : i32
        %scatter3A_765 = tpu.memref_slice %arg8[%scatter3A_761, %scatter3A_762, %scatter3A_763, %scatter3A_764] : memref<4x8x8x129xf32, #tpu.memory_space<vmem>> -> memref<1x8x8x129xf32, #tpu.memory_space<vmem>>
        %scatter3A_766 = tpu.memref_squeeze %scatter3A_765 : memref<1x8x8x129xf32, #tpu.memory_space<vmem>> -> memref<8x8x129xf32, #tpu.memory_space<vmem>>
        tpu.vector_store_idx %scatter3A_766[%shift_right_arithmetic3A_26, %and3A_37, %add3A_718], %add3A_760 : memref<8x8x129xf32, #tpu.memory_space<vmem>>[vector<16xi32>, vector<16xi32>, vector<16xi32>], vector<16xf32>,
        %mul3A_767 = arith.constant 16 : i32
        %mul3A_768 = arith.muli %scan3A_432, %mul3A_767 : i32
        %add3A_769 = arith.constant 6 : i32
        %add3A_770 = arith.addi %mul3A_768, %add3A_769 : i32
        %broadcast_in_dim3A_771 = arith.constant 0 : i32
        %broadcast_in_dim3A_772 = vector.broadcast %broadcast_in_dim3A_771 : i32 to vector<16xi32>
        %add3A_773 = vector.broadcast %add3A_770 : i32 to vector<16xi32>
        %add3A_774 = arith.addi %broadcast_in_dim3A_772, %add3A_773 : vector<16xi32>
        %get3A_775 = arith.constant 3 : i32
        %get3A_776 = arith.index_cast %get3A_775 : i32 to index
        %get3A_777 = arith.index_cast %add3A_770 : i32 to index
        %get3A_778 = arith.constant 0 : index
        %get3A_779 = tpu.vector_load %arg7[%get3A_776, %get3A_777, %get3A_778] {strides = array<i32>} : memref<4x128x64xf32, #tpu.memory_space<vmem>>, vector<16xf32>,
        %add3A_780 = arith.addf %get3A_779, %get3A_386 : vector<16xf32>
        %scatter3A_781 = arith.constant 3 : i32
        %scatter3A_782 = arith.constant 0 : i32
        %scatter3A_783 = arith.constant 0 : i32
        %scatter3A_784 = arith.constant 0 : i32
        %scatter3A_785 = tpu.memref_slice %arg8[%scatter3A_781, %scatter3A_782, %scatter3A_783, %scatter3A_784] : memref<4x8x8x129xf32, #tpu.memory_space<vmem>> -> memref<1x8x8x129xf32, #tpu.memory_space<vmem>>
        %scatter3A_786 = tpu.memref_squeeze %scatter3A_785 : memref<1x8x8x129xf32, #tpu.memory_space<vmem>> -> memref<8x8x129xf32, #tpu.memory_space<vmem>>
        tpu.vector_store_idx %scatter3A_786[%shift_right_arithmetic3A_17, %and3A_28, %add3A_774], %add3A_780 : memref<8x8x129xf32, #tpu.memory_space<vmem>>[vector<16xi32>, vector<16xi32>, vector<16xi32>], vector<16xf32>,
        %get3A_787 = arith.constant 3 : i32
        %get3A_788 = arith.index_cast %get3A_787 : i32 to index
        %get3A_789 = arith.index_cast %add3A_770 : i32 to index
        %get3A_790 = arith.constant 16 : index
        %get3A_791 = tpu.vector_load %arg7[%get3A_788, %get3A_789, %get3A_790] {strides = array<i32>} : memref<4x128x64xf32, #tpu.memory_space<vmem>>, vector<16xf32>,
        %add3A_792 = arith.addf %get3A_791, %get3A_389 : vector<16xf32>
        %scatter3A_793 = arith.constant 3 : i32
        %scatter3A_794 = arith.constant 0 : i32
        %scatter3A_795 = arith.constant 0 : i32
        %scatter3A_796 = arith.constant 0 : i32
        %scatter3A_797 = tpu.memref_slice %arg8[%scatter3A_793, %scatter3A_794, %scatter3A_795, %scatter3A_796] : memref<4x8x8x129xf32, #tpu.memory_space<vmem>> -> memref<1x8x8x129xf32, #tpu.memory_space<vmem>>
        %scatter3A_798 = tpu.memref_squeeze %scatter3A_797 : memref<1x8x8x129xf32, #tpu.memory_space<vmem>> -> memref<8x8x129xf32, #tpu.memory_space<vmem>>
        tpu.vector_store_idx %scatter3A_798[%shift_right_arithmetic3A_20, %and3A_31, %add3A_774], %add3A_792 : memref<8x8x129xf32, #tpu.memory_space<vmem>>[vector<16xi32>, vector<16xi32>, vector<16xi32>], vector<16xf32>,
        %get3A_799 = arith.constant 3 : i32
        %get3A_800 = arith.index_cast %get3A_799 : i32 to index
        %get3A_801 = arith.index_cast %add3A_770 : i32 to index
        %get3A_802 = arith.constant 32 : index
        %get3A_803 = tpu.vector_load %arg7[%get3A_800, %get3A_801, %get3A_802] {strides = array<i32>} : memref<4x128x64xf32, #tpu.memory_space<vmem>>, vector<16xf32>,
        %add3A_804 = arith.addf %get3A_803, %get3A_392 : vector<16xf32>
        %scatter3A_805 = arith.constant 3 : i32
        %scatter3A_806 = arith.constant 0 : i32
        %scatter3A_807 = arith.constant 0 : i32
        %scatter3A_808 = arith.constant 0 : i32
        %scatter3A_809 = tpu.memref_slice %arg8[%scatter3A_805, %scatter3A_806, %scatter3A_807, %scatter3A_808] : memref<4x8x8x129xf32, #tpu.memory_space<vmem>> -> memref<1x8x8x129xf32, #tpu.memory_space<vmem>>
        %scatter3A_810 = tpu.memref_squeeze %scatter3A_809 : memref<1x8x8x129xf32, #tpu.memory_space<vmem>> -> memref<8x8x129xf32, #tpu.memory_space<vmem>>
        tpu.vector_store_idx %scatter3A_810[%shift_right_arithmetic3A_23, %and3A_34, %add3A_774], %add3A_804 : memref<8x8x129xf32, #tpu.memory_space<vmem>>[vector<16xi32>, vector<16xi32>, vector<16xi32>], vector<16xf32>,
        %get3A_811 = arith.constant 3 : i32
        %get3A_812 = arith.index_cast %get3A_811 : i32 to index
        %get3A_813 = arith.index_cast %add3A_770 : i32 to index
        %get3A_814 = arith.constant 48 : index
        %get3A_815 = tpu.vector_load %arg7[%get3A_812, %get3A_813, %get3A_814] {strides = array<i32>} : memref<4x128x64xf32, #tpu.memory_space<vmem>>, vector<16xf32>,
        %add3A_816 = arith.addf %get3A_815, %get3A_395 : vector<16xf32>
        %scatter3A_817 = arith.constant 3 : i32
        %scatter3A_818 = arith.constant 0 : i32
        %scatter3A_819 = arith.constant 0 : i32
        %scatter3A_820 = arith.constant 0 : i32
        %scatter3A_821 = tpu.memref_slice %arg8[%scatter3A_817, %scatter3A_818, %scatter3A_819, %scatter3A_820] : memref<4x8x8x129xf32, #tpu.memory_space<vmem>> -> memref<1x8x8x129xf32, #tpu.memory_space<vmem>>
        %scatter3A_822 = tpu.memref_squeeze %scatter3A_821 : memref<1x8x8x129xf32, #tpu.memory_space<vmem>> -> memref<8x8x129xf32, #tpu.memory_space<vmem>>
        tpu.vector_store_idx %scatter3A_822[%shift_right_arithmetic3A_26, %and3A_37, %add3A_774], %add3A_816 : memref<8x8x129xf32, #tpu.memory_space<vmem>>[vector<16xi32>, vector<16xi32>, vector<16xi32>], vector<16xf32>,
        %mul3A_823 = arith.constant 16 : i32
        %mul3A_824 = arith.muli %scan3A_432, %mul3A_823 : i32
        %add3A_825 = arith.constant 7 : i32
        %add3A_826 = arith.addi %mul3A_824, %add3A_825 : i32
        %broadcast_in_dim3A_827 = arith.constant 0 : i32
        %broadcast_in_dim3A_828 = vector.broadcast %broadcast_in_dim3A_827 : i32 to vector<16xi32>
        %add3A_829 = vector.broadcast %add3A_826 : i32 to vector<16xi32>
        %add3A_830 = arith.addi %broadcast_in_dim3A_828, %add3A_829 : vector<16xi32>
        %get3A_831 = arith.constant 3 : i32
        %get3A_832 = arith.index_cast %get3A_831 : i32 to index
        %get3A_833 = arith.index_cast %add3A_826 : i32 to index
        %get3A_834 = arith.constant 0 : index
        %get3A_835 = tpu.vector_load %arg7[%get3A_832, %get3A_833, %get3A_834] {strides = array<i32>} : memref<4x128x64xf32, #tpu.memory_space<vmem>>, vector<16xf32>,
        %add3A_836 = arith.addf %get3A_835, %get3A_386 : vector<16xf32>
        %scatter3A_837 = arith.constant 3 : i32
        %scatter3A_838 = arith.constant 0 : i32
        %scatter3A_839 = arith.constant 0 : i32
        %scatter3A_840 = arith.constant 0 : i32
        %scatter3A_841 = tpu.memref_slice %arg8[%scatter3A_837, %scatter3A_838, %scatter3A_839, %scatter3A_840] : memref<4x8x8x129xf32, #tpu.memory_space<vmem>> -> memref<1x8x8x129xf32, #tpu.memory_space<vmem>>
        %scatter3A_842 = tpu.memref_squeeze %scatter3A_841 : memref<1x8x8x129xf32, #tpu.memory_space<vmem>> -> memref<8x8x129xf32, #tpu.memory_space<vmem>>
        tpu.vector_store_idx %scatter3A_842[%shift_right_arithmetic3A_17, %and3A_28, %add3A_830], %add3A_836 : memref<8x8x129xf32, #tpu.memory_space<vmem>>[vector<16xi32>, vector<16xi32>, vector<16xi32>], vector<16xf32>,
        %get3A_843 = arith.constant 3 : i32
        %get3A_844 = arith.index_cast %get3A_843 : i32 to index
        %get3A_845 = arith.index_cast %add3A_826 : i32 to index
        %get3A_846 = arith.constant 16 : index
        %get3A_847 = tpu.vector_load %arg7[%get3A_844, %get3A_845, %get3A_846] {strides = array<i32>} : memref<4x128x64xf32, #tpu.memory_space<vmem>>, vector<16xf32>,
        %add3A_848 = arith.addf %get3A_847, %get3A_389 : vector<16xf32>
        %scatter3A_849 = arith.constant 3 : i32
        %scatter3A_850 = arith.constant 0 : i32
        %scatter3A_851 = arith.constant 0 : i32
        %scatter3A_852 = arith.constant 0 : i32
        %scatter3A_853 = tpu.memref_slice %arg8[%scatter3A_849, %scatter3A_850, %scatter3A_851, %scatter3A_852] : memref<4x8x8x129xf32, #tpu.memory_space<vmem>> -> memref<1x8x8x129xf32, #tpu.memory_space<vmem>>
        %scatter3A_854 = tpu.memref_squeeze %scatter3A_853 : memref<1x8x8x129xf32, #tpu.memory_space<vmem>> -> memref<8x8x129xf32, #tpu.memory_space<vmem>>
        tpu.vector_store_idx %scatter3A_854[%shift_right_arithmetic3A_20, %and3A_31, %add3A_830], %add3A_848 : memref<8x8x129xf32, #tpu.memory_space<vmem>>[vector<16xi32>, vector<16xi32>, vector<16xi32>], vector<16xf32>,
        %get3A_855 = arith.constant 3 : i32
        %get3A_856 = arith.index_cast %get3A_855 : i32 to index
        %get3A_857 = arith.index_cast %add3A_826 : i32 to index
        %get3A_858 = arith.constant 32 : index
        %get3A_859 = tpu.vector_load %arg7[%get3A_856, %get3A_857, %get3A_858] {strides = array<i32>} : memref<4x128x64xf32, #tpu.memory_space<vmem>>, vector<16xf32>,
        %add3A_860 = arith.addf %get3A_859, %get3A_392 : vector<16xf32>
        %scatter3A_861 = arith.constant 3 : i32
        %scatter3A_862 = arith.constant 0 : i32
        %scatter3A_863 = arith.constant 0 : i32
        %scatter3A_864 = arith.constant 0 : i32
        %scatter3A_865 = tpu.memref_slice %arg8[%scatter3A_861, %scatter3A_862, %scatter3A_863, %scatter3A_864] : memref<4x8x8x129xf32, #tpu.memory_space<vmem>> -> memref<1x8x8x129xf32, #tpu.memory_space<vmem>>
        %scatter3A_866 = tpu.memref_squeeze %scatter3A_865 : memref<1x8x8x129xf32, #tpu.memory_space<vmem>> -> memref<8x8x129xf32, #tpu.memory_space<vmem>>
        tpu.vector_store_idx %scatter3A_866[%shift_right_arithmetic3A_23, %and3A_34, %add3A_830], %add3A_860 : memref<8x8x129xf32, #tpu.memory_space<vmem>>[vector<16xi32>, vector<16xi32>, vector<16xi32>], vector<16xf32>,
        %get3A_867 = arith.constant 3 : i32
        %get3A_868 = arith.index_cast %get3A_867 : i32 to index
        %get3A_869 = arith.index_cast %add3A_826 : i32 to index
        %get3A_870 = arith.constant 48 : index
        %get3A_871 = tpu.vector_load %arg7[%get3A_868, %get3A_869, %get3A_870] {strides = array<i32>} : memref<4x128x64xf32, #tpu.memory_space<vmem>>, vector<16xf32>,
        %add3A_872 = arith.addf %get3A_871, %get3A_395 : vector<16xf32>
        %scatter3A_873 = arith.constant 3 : i32
        %scatter3A_874 = arith.constant 0 : i32
        %scatter3A_875 = arith.constant 0 : i32
        %scatter3A_876 = arith.constant 0 : i32
        %scatter3A_877 = tpu.memref_slice %arg8[%scatter3A_873, %scatter3A_874, %scatter3A_875, %scatter3A_876] : memref<4x8x8x129xf32, #tpu.memory_space<vmem>> -> memref<1x8x8x129xf32, #tpu.memory_space<vmem>>
        %scatter3A_878 = tpu.memref_squeeze %scatter3A_877 : memref<1x8x8x129xf32, #tpu.memory_space<vmem>> -> memref<8x8x129xf32, #tpu.memory_space<vmem>>
        tpu.vector_store_idx %scatter3A_878[%shift_right_arithmetic3A_26, %and3A_37, %add3A_830], %add3A_872 : memref<8x8x129xf32, #tpu.memory_space<vmem>>[vector<16xi32>, vector<16xi32>, vector<16xi32>], vector<16xf32>,
        %mul3A_879 = arith.constant 16 : i32
        %mul3A_880 = arith.muli %scan3A_432, %mul3A_879 : i32
        %add3A_881 = arith.constant 8 : i32
        %add3A_882 = arith.addi %mul3A_880, %add3A_881 : i32
        %broadcast_in_dim3A_883 = arith.constant 0 : i32
        %broadcast_in_dim3A_884 = vector.broadcast %broadcast_in_dim3A_883 : i32 to vector<16xi32>
        %add3A_885 = vector.broadcast %add3A_882 : i32 to vector<16xi32>
        %add3A_886 = arith.addi %broadcast_in_dim3A_884, %add3A_885 : vector<16xi32>
        %get3A_887 = arith.constant 3 : i32
        %get3A_888 = arith.index_cast %get3A_887 : i32 to index
        %get3A_889 = arith.index_cast %add3A_882 : i32 to index
        %get3A_890 = arith.constant 0 : index
        %get3A_891 = tpu.vector_load %arg7[%get3A_888, %get3A_889, %get3A_890] {strides = array<i32>} : memref<4x128x64xf32, #tpu.memory_space<vmem>>, vector<16xf32>,
        %add3A_892 = arith.addf %get3A_891, %get3A_386 : vector<16xf32>
        %scatter3A_893 = arith.constant 3 : i32
        %scatter3A_894 = arith.constant 0 : i32
        %scatter3A_895 = arith.constant 0 : i32
        %scatter3A_896 = arith.constant 0 : i32
        %scatter3A_897 = tpu.memref_slice %arg8[%scatter3A_893, %scatter3A_894, %scatter3A_895, %scatter3A_896] : memref<4x8x8x129xf32, #tpu.memory_space<vmem>> -> memref<1x8x8x129xf32, #tpu.memory_space<vmem>>
        %scatter3A_898 = tpu.memref_squeeze %scatter3A_897 : memref<1x8x8x129xf32, #tpu.memory_space<vmem>> -> memref<8x8x129xf32, #tpu.memory_space<vmem>>
        tpu.vector_store_idx %scatter3A_898[%shift_right_arithmetic3A_17, %and3A_28, %add3A_886], %add3A_892 : memref<8x8x129xf32, #tpu.memory_space<vmem>>[vector<16xi32>, vector<16xi32>, vector<16xi32>], vector<16xf32>,
        %get3A_899 = arith.constant 3 : i32
        %get3A_900 = arith.index_cast %get3A_899 : i32 to index
        %get3A_901 = arith.index_cast %add3A_882 : i32 to index
        %get3A_902 = arith.constant 16 : index
        %get3A_903 = tpu.vector_load %arg7[%get3A_900, %get3A_901, %get3A_902] {strides = array<i32>} : memref<4x128x64xf32, #tpu.memory_space<vmem>>, vector<16xf32>,
        %add3A_904 = arith.addf %get3A_903, %get3A_389 : vector<16xf32>
        %scatter3A_905 = arith.constant 3 : i32
        %scatter3A_906 = arith.constant 0 : i32
        %scatter3A_907 = arith.constant 0 : i32
        %scatter3A_908 = arith.constant 0 : i32
        %scatter3A_909 = tpu.memref_slice %arg8[%scatter3A_905, %scatter3A_906, %scatter3A_907, %scatter3A_908] : memref<4x8x8x129xf32, #tpu.memory_space<vmem>> -> memref<1x8x8x129xf32, #tpu.memory_space<vmem>>
        %scatter3A_910 = tpu.memref_squeeze %scatter3A_909 : memref<1x8x8x129xf32, #tpu.memory_space<vmem>> -> memref<8x8x129xf32, #tpu.memory_space<vmem>>
        tpu.vector_store_idx %scatter3A_910[%shift_right_arithmetic3A_20, %and3A_31, %add3A_886], %add3A_904 : memref<8x8x129xf32, #tpu.memory_space<vmem>>[vector<16xi32>, vector<16xi32>, vector<16xi32>], vector<16xf32>,
        %get3A_911 = arith.constant 3 : i32
        %get3A_912 = arith.index_cast %get3A_911 : i32 to index
        %get3A_913 = arith.index_cast %add3A_882 : i32 to index
        %get3A_914 = arith.constant 32 : index
        %get3A_915 = tpu.vector_load %arg7[%get3A_912, %get3A_913, %get3A_914] {strides = array<i32>} : memref<4x128x64xf32, #tpu.memory_space<vmem>>, vector<16xf32>,
        %add3A_916 = arith.addf %get3A_915, %get3A_392 : vector<16xf32>
        %scatter3A_917 = arith.constant 3 : i32
        %scatter3A_918 = arith.constant 0 : i32
        %scatter3A_919 = arith.constant 0 : i32
        %scatter3A_920 = arith.constant 0 : i32
        %scatter3A_921 = tpu.memref_slice %arg8[%scatter3A_917, %scatter3A_918, %scatter3A_919, %scatter3A_920] : memref<4x8x8x129xf32, #tpu.memory_space<vmem>> -> memref<1x8x8x129xf32, #tpu.memory_space<vmem>>
        %scatter3A_922 = tpu.memref_squeeze %scatter3A_921 : memref<1x8x8x129xf32, #tpu.memory_space<vmem>> -> memref<8x8x129xf32, #tpu.memory_space<vmem>>
        tpu.vector_store_idx %scatter3A_922[%shift_right_arithmetic3A_23, %and3A_34, %add3A_886], %add3A_916 : memref<8x8x129xf32, #tpu.memory_space<vmem>>[vector<16xi32>, vector<16xi32>, vector<16xi32>], vector<16xf32>,
        %get3A_923 = arith.constant 3 : i32
        %get3A_924 = arith.index_cast %get3A_923 : i32 to index
        %get3A_925 = arith.index_cast %add3A_882 : i32 to index
        %get3A_926 = arith.constant 48 : index
        %get3A_927 = tpu.vector_load %arg7[%get3A_924, %get3A_925, %get3A_926] {strides = array<i32>} : memref<4x128x64xf32, #tpu.memory_space<vmem>>, vector<16xf32>,
        %add3A_928 = arith.addf %get3A_927, %get3A_395 : vector<16xf32>
        %scatter3A_929 = arith.constant 3 : i32
        %scatter3A_930 = arith.constant 0 : i32
        %scatter3A_931 = arith.constant 0 : i32
        %scatter3A_932 = arith.constant 0 : i32
        %scatter3A_933 = tpu.memref_slice %arg8[%scatter3A_929, %scatter3A_930, %scatter3A_931, %scatter3A_932] : memref<4x8x8x129xf32, #tpu.memory_space<vmem>> -> memref<1x8x8x129xf32, #tpu.memory_space<vmem>>
        %scatter3A_934 = tpu.memref_squeeze %scatter3A_933 : memref<1x8x8x129xf32, #tpu.memory_space<vmem>> -> memref<8x8x129xf32, #tpu.memory_space<vmem>>
        tpu.vector_store_idx %scatter3A_934[%shift_right_arithmetic3A_26, %and3A_37, %add3A_886], %add3A_928 : memref<8x8x129xf32, #tpu.memory_space<vmem>>[vector<16xi32>, vector<16xi32>, vector<16xi32>], vector<16xf32>,
        %mul3A_935 = arith.constant 16 : i32
        %mul3A_936 = arith.muli %scan3A_432, %mul3A_935 : i32
        %add3A_937 = arith.constant 9 : i32
        %add3A_938 = arith.addi %mul3A_936, %add3A_937 : i32
        %broadcast_in_dim3A_939 = arith.constant 0 : i32
        %broadcast_in_dim3A_940 = vector.broadcast %broadcast_in_dim3A_939 : i32 to vector<16xi32>
        %add3A_941 = vector.broadcast %add3A_938 : i32 to vector<16xi32>
        %add3A_942 = arith.addi %broadcast_in_dim3A_940, %add3A_941 : vector<16xi32>
        %get3A_943 = arith.constant 3 : i32
        %get3A_944 = arith.index_cast %get3A_943 : i32 to index
        %get3A_945 = arith.index_cast %add3A_938 : i32 to index
        %get3A_946 = arith.constant 0 : index
        %get3A_947 = tpu.vector_load %arg7[%get3A_944, %get3A_945, %get3A_946] {strides = array<i32>} : memref<4x128x64xf32, #tpu.memory_space<vmem>>, vector<16xf32>,
        %add3A_948 = arith.addf %get3A_947, %get3A_386 : vector<16xf32>
        %scatter3A_949 = arith.constant 3 : i32
        %scatter3A_950 = arith.constant 0 : i32
        %scatter3A_951 = arith.constant 0 : i32
        %scatter3A_952 = arith.constant 0 : i32
        %scatter3A_953 = tpu.memref_slice %arg8[%scatter3A_949, %scatter3A_950, %scatter3A_951, %scatter3A_952] : memref<4x8x8x129xf32, #tpu.memory_space<vmem>> -> memref<1x8x8x129xf32, #tpu.memory_space<vmem>>
        %scatter3A_954 = tpu.memref_squeeze %scatter3A_953 : memref<1x8x8x129xf32, #tpu.memory_space<vmem>> -> memref<8x8x129xf32, #tpu.memory_space<vmem>>
        tpu.vector_store_idx %scatter3A_954[%shift_right_arithmetic3A_17, %and3A_28, %add3A_942], %add3A_948 : memref<8x8x129xf32, #tpu.memory_space<vmem>>[vector<16xi32>, vector<16xi32>, vector<16xi32>], vector<16xf32>,
        %get3A_955 = arith.constant 3 : i32
        %get3A_956 = arith.index_cast %get3A_955 : i32 to index
        %get3A_957 = arith.index_cast %add3A_938 : i32 to index
        %get3A_958 = arith.constant 16 : index
        %get3A_959 = tpu.vector_load %arg7[%get3A_956, %get3A_957, %get3A_958] {strides = array<i32>} : memref<4x128x64xf32, #tpu.memory_space<vmem>>, vector<16xf32>,
        %add3A_960 = arith.addf %get3A_959, %get3A_389 : vector<16xf32>
        %scatter3A_961 = arith.constant 3 : i32
        %scatter3A_962 = arith.constant 0 : i32
        %scatter3A_963 = arith.constant 0 : i32
        %scatter3A_964 = arith.constant 0 : i32
        %scatter3A_965 = tpu.memref_slice %arg8[%scatter3A_961, %scatter3A_962, %scatter3A_963, %scatter3A_964] : memref<4x8x8x129xf32, #tpu.memory_space<vmem>> -> memref<1x8x8x129xf32, #tpu.memory_space<vmem>>
        %scatter3A_966 = tpu.memref_squeeze %scatter3A_965 : memref<1x8x8x129xf32, #tpu.memory_space<vmem>> -> memref<8x8x129xf32, #tpu.memory_space<vmem>>
        tpu.vector_store_idx %scatter3A_966[%shift_right_arithmetic3A_20, %and3A_31, %add3A_942], %add3A_960 : memref<8x8x129xf32, #tpu.memory_space<vmem>>[vector<16xi32>, vector<16xi32>, vector<16xi32>], vector<16xf32>,
        %get3A_967 = arith.constant 3 : i32
        %get3A_968 = arith.index_cast %get3A_967 : i32 to index
        %get3A_969 = arith.index_cast %add3A_938 : i32 to index
        %get3A_970 = arith.constant 32 : index
        %get3A_971 = tpu.vector_load %arg7[%get3A_968, %get3A_969, %get3A_970] {strides = array<i32>} : memref<4x128x64xf32, #tpu.memory_space<vmem>>, vector<16xf32>,
        %add3A_972 = arith.addf %get3A_971, %get3A_392 : vector<16xf32>
        %scatter3A_973 = arith.constant 3 : i32
        %scatter3A_974 = arith.constant 0 : i32
        %scatter3A_975 = arith.constant 0 : i32
        %scatter3A_976 = arith.constant 0 : i32
        %scatter3A_977 = tpu.memref_slice %arg8[%scatter3A_973, %scatter3A_974, %scatter3A_975, %scatter3A_976] : memref<4x8x8x129xf32, #tpu.memory_space<vmem>> -> memref<1x8x8x129xf32, #tpu.memory_space<vmem>>
        %scatter3A_978 = tpu.memref_squeeze %scatter3A_977 : memref<1x8x8x129xf32, #tpu.memory_space<vmem>> -> memref<8x8x129xf32, #tpu.memory_space<vmem>>
        tpu.vector_store_idx %scatter3A_978[%shift_right_arithmetic3A_23, %and3A_34, %add3A_942], %add3A_972 : memref<8x8x129xf32, #tpu.memory_space<vmem>>[vector<16xi32>, vector<16xi32>, vector<16xi32>], vector<16xf32>,
        %get3A_979 = arith.constant 3 : i32
        %get3A_980 = arith.index_cast %get3A_979 : i32 to index
        %get3A_981 = arith.index_cast %add3A_938 : i32 to index
        %get3A_982 = arith.constant 48 : index
        %get3A_983 = tpu.vector_load %arg7[%get3A_980, %get3A_981, %get3A_982] {strides = array<i32>} : memref<4x128x64xf32, #tpu.memory_space<vmem>>, vector<16xf32>,
        %add3A_984 = arith.addf %get3A_983, %get3A_395 : vector<16xf32>
        %scatter3A_985 = arith.constant 3 : i32
        %scatter3A_986 = arith.constant 0 : i32
        %scatter3A_987 = arith.constant 0 : i32
        %scatter3A_988 = arith.constant 0 : i32
        %scatter3A_989 = tpu.memref_slice %arg8[%scatter3A_985, %scatter3A_986, %scatter3A_987, %scatter3A_988] : memref<4x8x8x129xf32, #tpu.memory_space<vmem>> -> memref<1x8x8x129xf32, #tpu.memory_space<vmem>>
        %scatter3A_990 = tpu.memref_squeeze %scatter3A_989 : memref<1x8x8x129xf32, #tpu.memory_space<vmem>> -> memref<8x8x129xf32, #tpu.memory_space<vmem>>
        tpu.vector_store_idx %scatter3A_990[%shift_right_arithmetic3A_26, %and3A_37, %add3A_942], %add3A_984 : memref<8x8x129xf32, #tpu.memory_space<vmem>>[vector<16xi32>, vector<16xi32>, vector<16xi32>], vector<16xf32>,
        %mul3A_991 = arith.constant 16 : i32
        %mul3A_992 = arith.muli %scan3A_432, %mul3A_991 : i32
        %add3A_993 = arith.constant 10 : i32
        %add3A_994 = arith.addi %mul3A_992, %add3A_993 : i32
        %broadcast_in_dim3A_995 = arith.constant 0 : i32
        %broadcast_in_dim3A_996 = vector.broadcast %broadcast_in_dim3A_995 : i32 to vector<16xi32>
        %add3A_997 = vector.broadcast %add3A_994 : i32 to vector<16xi32>
        %add3A_998 = arith.addi %broadcast_in_dim3A_996, %add3A_997 : vector<16xi32>
        %get3A_999 = arith.constant 3 : i32
        %get3A_1000 = arith.index_cast %get3A_999 : i32 to index
        %get3A_1001 = arith.index_cast %add3A_994 : i32 to index
        %get3A_1002 = arith.constant 0 : index
        %get3A_1003 = tpu.vector_load %arg7[%get3A_1000, %get3A_1001, %get3A_1002] {strides = array<i32>} : memref<4x128x64xf32, #tpu.memory_space<vmem>>, vector<16xf32>,
        %add3A_1004 = arith.addf %get3A_1003, %get3A_386 : vector<16xf32>
        %scatter3A_1005 = arith.constant 3 : i32
        %scatter3A_1006 = arith.constant 0 : i32
        %scatter3A_1007 = arith.constant 0 : i32
        %scatter3A_1008 = arith.constant 0 : i32
        %scatter3A_1009 = tpu.memref_slice %arg8[%scatter3A_1005, %scatter3A_1006, %scatter3A_1007, %scatter3A_1008] : memref<4x8x8x129xf32, #tpu.memory_space<vmem>> -> memref<1x8x8x129xf32, #tpu.memory_space<vmem>>
        %scatter3A_1010 = tpu.memref_squeeze %scatter3A_1009 : memref<1x8x8x129xf32, #tpu.memory_space<vmem>> -> memref<8x8x129xf32, #tpu.memory_space<vmem>>
        tpu.vector_store_idx %scatter3A_1010[%shift_right_arithmetic3A_17, %and3A_28, %add3A_998], %add3A_1004 : memref<8x8x129xf32, #tpu.memory_space<vmem>>[vector<16xi32>, vector<16xi32>, vector<16xi32>], vector<16xf32>,
        %get3A_1011 = arith.constant 3 : i32
        %get3A_1012 = arith.index_cast %get3A_1011 : i32 to index
        %get3A_1013 = arith.index_cast %add3A_994 : i32 to index
        %get3A_1014 = arith.constant 16 : index
        %get3A_1015 = tpu.vector_load %arg7[%get3A_1012, %get3A_1013, %get3A_1014] {strides = array<i32>} : memref<4x128x64xf32, #tpu.memory_space<vmem>>, vector<16xf32>,
        %add3A_1016 = arith.addf %get3A_1015, %get3A_389 : vector<16xf32>
        %scatter3A_1017 = arith.constant 3 : i32
        %scatter3A_1018 = arith.constant 0 : i32
        %scatter3A_1019 = arith.constant 0 : i32
        %scatter3A_1020 = arith.constant 0 : i32
        %scatter3A_1021 = tpu.memref_slice %arg8[%scatter3A_1017, %scatter3A_1018, %scatter3A_1019, %scatter3A_1020] : memref<4x8x8x129xf32, #tpu.memory_space<vmem>> -> memref<1x8x8x129xf32, #tpu.memory_space<vmem>>
        %scatter3A_1022 = tpu.memref_squeeze %scatter3A_1021 : memref<1x8x8x129xf32, #tpu.memory_space<vmem>> -> memref<8x8x129xf32, #tpu.memory_space<vmem>>
        tpu.vector_store_idx %scatter3A_1022[%shift_right_arithmetic3A_20, %and3A_31, %add3A_998], %add3A_1016 : memref<8x8x129xf32, #tpu.memory_space<vmem>>[vector<16xi32>, vector<16xi32>, vector<16xi32>], vector<16xf32>,
        %get3A_1023 = arith.constant 3 : i32
        %get3A_1024 = arith.index_cast %get3A_1023 : i32 to index
        %get3A_1025 = arith.index_cast %add3A_994 : i32 to index
        %get3A_1026 = arith.constant 32 : index
        %get3A_1027 = tpu.vector_load %arg7[%get3A_1024, %get3A_1025, %get3A_1026] {strides = array<i32>} : memref<4x128x64xf32, #tpu.memory_space<vmem>>, vector<16xf32>,
        %add3A_1028 = arith.addf %get3A_1027, %get3A_392 : vector<16xf32>
        %scatter3A_1029 = arith.constant 3 : i32
        %scatter3A_1030 = arith.constant 0 : i32
        %scatter3A_1031 = arith.constant 0 : i32
        %scatter3A_1032 = arith.constant 0 : i32
        %scatter3A_1033 = tpu.memref_slice %arg8[%scatter3A_1029, %scatter3A_1030, %scatter3A_1031, %scatter3A_1032] : memref<4x8x8x129xf32, #tpu.memory_space<vmem>> -> memref<1x8x8x129xf32, #tpu.memory_space<vmem>>
        %scatter3A_1034 = tpu.memref_squeeze %scatter3A_1033 : memref<1x8x8x129xf32, #tpu.memory_space<vmem>> -> memref<8x8x129xf32, #tpu.memory_space<vmem>>
        tpu.vector_store_idx %scatter3A_1034[%shift_right_arithmetic3A_23, %and3A_34, %add3A_998], %add3A_1028 : memref<8x8x129xf32, #tpu.memory_space<vmem>>[vector<16xi32>, vector<16xi32>, vector<16xi32>], vector<16xf32>,
        %get3A_1035 = arith.constant 3 : i32
        %get3A_1036 = arith.index_cast %get3A_1035 : i32 to index
        %get3A_1037 = arith.index_cast %add3A_994 : i32 to index
        %get3A_1038 = arith.constant 48 : index
        %get3A_1039 = tpu.vector_load %arg7[%get3A_1036, %get3A_1037, %get3A_1038] {strides = array<i32>} : memref<4x128x64xf32, #tpu.memory_space<vmem>>, vector<16xf32>,
        %add3A_1040 = arith.addf %get3A_1039, %get3A_395 : vector<16xf32>
        %scatter3A_1041 = arith.constant 3 : i32
        %scatter3A_1042 = arith.constant 0 : i32
        %scatter3A_1043 = arith.constant 0 : i32
        %scatter3A_1044 = arith.constant 0 : i32
        %scatter3A_1045 = tpu.memref_slice %arg8[%scatter3A_1041, %scatter3A_1042, %scatter3A_1043, %scatter3A_1044] : memref<4x8x8x129xf32, #tpu.memory_space<vmem>> -> memref<1x8x8x129xf32, #tpu.memory_space<vmem>>
        %scatter3A_1046 = tpu.memref_squeeze %scatter3A_1045 : memref<1x8x8x129xf32, #tpu.memory_space<vmem>> -> memref<8x8x129xf32, #tpu.memory_space<vmem>>
        tpu.vector_store_idx %scatter3A_1046[%shift_right_arithmetic3A_26, %and3A_37, %add3A_998], %add3A_1040 : memref<8x8x129xf32, #tpu.memory_space<vmem>>[vector<16xi32>, vector<16xi32>, vector<16xi32>], vector<16xf32>,
        %mul3A_1047 = arith.constant 16 : i32
        %mul3A_1048 = arith.muli %scan3A_432, %mul3A_1047 : i32
        %add3A_1049 = arith.constant 11 : i32
        %add3A_1050 = arith.addi %mul3A_1048, %add3A_1049 : i32
        %broadcast_in_dim3A_1051 = arith.constant 0 : i32
        %broadcast_in_dim3A_1052 = vector.broadcast %broadcast_in_dim3A_1051 : i32 to vector<16xi32>
        %add3A_1053 = vector.broadcast %add3A_1050 : i32 to vector<16xi32>
        %add3A_1054 = arith.addi %broadcast_in_dim3A_1052, %add3A_1053 : vector<16xi32>
        %get3A_1055 = arith.constant 3 : i32
        %get3A_1056 = arith.index_cast %get3A_1055 : i32 to index
        %get3A_1057 = arith.index_cast %add3A_1050 : i32 to index
        %get3A_1058 = arith.constant 0 : index
        %get3A_1059 = tpu.vector_load %arg7[%get3A_1056, %get3A_1057, %get3A_1058] {strides = array<i32>} : memref<4x128x64xf32, #tpu.memory_space<vmem>>, vector<16xf32>,
        %add3A_1060 = arith.addf %get3A_1059, %get3A_386 : vector<16xf32>
        %scatter3A_1061 = arith.constant 3 : i32
        %scatter3A_1062 = arith.constant 0 : i32
        %scatter3A_1063 = arith.constant 0 : i32
        %scatter3A_1064 = arith.constant 0 : i32
        %scatter3A_1065 = tpu.memref_slice %arg8[%scatter3A_1061, %scatter3A_1062, %scatter3A_1063, %scatter3A_1064] : memref<4x8x8x129xf32, #tpu.memory_space<vmem>> -> memref<1x8x8x129xf32, #tpu.memory_space<vmem>>
        %scatter3A_1066 = tpu.memref_squeeze %scatter3A_1065 : memref<1x8x8x129xf32, #tpu.memory_space<vmem>> -> memref<8x8x129xf32, #tpu.memory_space<vmem>>
        tpu.vector_store_idx %scatter3A_1066[%shift_right_arithmetic3A_17, %and3A_28, %add3A_1054], %add3A_1060 : memref<8x8x129xf32, #tpu.memory_space<vmem>>[vector<16xi32>, vector<16xi32>, vector<16xi32>], vector<16xf32>,
        %get3A_1067 = arith.constant 3 : i32
        %get3A_1068 = arith.index_cast %get3A_1067 : i32 to index
        %get3A_1069 = arith.index_cast %add3A_1050 : i32 to index
        %get3A_1070 = arith.constant 16 : index
        %get3A_1071 = tpu.vector_load %arg7[%get3A_1068, %get3A_1069, %get3A_1070] {strides = array<i32>} : memref<4x128x64xf32, #tpu.memory_space<vmem>>, vector<16xf32>,
        %add3A_1072 = arith.addf %get3A_1071, %get3A_389 : vector<16xf32>
        %scatter3A_1073 = arith.constant 3 : i32
        %scatter3A_1074 = arith.constant 0 : i32
        %scatter3A_1075 = arith.constant 0 : i32
        %scatter3A_1076 = arith.constant 0 : i32
        %scatter3A_1077 = tpu.memref_slice %arg8[%scatter3A_1073, %scatter3A_1074, %scatter3A_1075, %scatter3A_1076] : memref<4x8x8x129xf32, #tpu.memory_space<vmem>> -> memref<1x8x8x129xf32, #tpu.memory_space<vmem>>
        %scatter3A_1078 = tpu.memref_squeeze %scatter3A_1077 : memref<1x8x8x129xf32, #tpu.memory_space<vmem>> -> memref<8x8x129xf32, #tpu.memory_space<vmem>>
        tpu.vector_store_idx %scatter3A_1078[%shift_right_arithmetic3A_20, %and3A_31, %add3A_1054], %add3A_1072 : memref<8x8x129xf32, #tpu.memory_space<vmem>>[vector<16xi32>, vector<16xi32>, vector<16xi32>], vector<16xf32>,
        %get3A_1079 = arith.constant 3 : i32
        %get3A_1080 = arith.index_cast %get3A_1079 : i32 to index
        %get3A_1081 = arith.index_cast %add3A_1050 : i32 to index
        %get3A_1082 = arith.constant 32 : index
        %get3A_1083 = tpu.vector_load %arg7[%get3A_1080, %get3A_1081, %get3A_1082] {strides = array<i32>} : memref<4x128x64xf32, #tpu.memory_space<vmem>>, vector<16xf32>,
        %add3A_1084 = arith.addf %get3A_1083, %get3A_392 : vector<16xf32>
        %scatter3A_1085 = arith.constant 3 : i32
        %scatter3A_1086 = arith.constant 0 : i32
        %scatter3A_1087 = arith.constant 0 : i32
        %scatter3A_1088 = arith.constant 0 : i32
        %scatter3A_1089 = tpu.memref_slice %arg8[%scatter3A_1085, %scatter3A_1086, %scatter3A_1087, %scatter3A_1088] : memref<4x8x8x129xf32, #tpu.memory_space<vmem>> -> memref<1x8x8x129xf32, #tpu.memory_space<vmem>>
        %scatter3A_1090 = tpu.memref_squeeze %scatter3A_1089 : memref<1x8x8x129xf32, #tpu.memory_space<vmem>> -> memref<8x8x129xf32, #tpu.memory_space<vmem>>
        tpu.vector_store_idx %scatter3A_1090[%shift_right_arithmetic3A_23, %and3A_34, %add3A_1054], %add3A_1084 : memref<8x8x129xf32, #tpu.memory_space<vmem>>[vector<16xi32>, vector<16xi32>, vector<16xi32>], vector<16xf32>,
        %get3A_1091 = arith.constant 3 : i32
        %get3A_1092 = arith.index_cast %get3A_1091 : i32 to index
        %get3A_1093 = arith.index_cast %add3A_1050 : i32 to index
        %get3A_1094 = arith.constant 48 : index
        %get3A_1095 = tpu.vector_load %arg7[%get3A_1092, %get3A_1093, %get3A_1094] {strides = array<i32>} : memref<4x128x64xf32, #tpu.memory_space<vmem>>, vector<16xf32>,
        %add3A_1096 = arith.addf %get3A_1095, %get3A_395 : vector<16xf32>
        %scatter3A_1097 = arith.constant 3 : i32
        %scatter3A_1098 = arith.constant 0 : i32
        %scatter3A_1099 = arith.constant 0 : i32
        %scatter3A_1100 = arith.constant 0 : i32
        %scatter3A_1101 = tpu.memref_slice %arg8[%scatter3A_1097, %scatter3A_1098, %scatter3A_1099, %scatter3A_1100] : memref<4x8x8x129xf32, #tpu.memory_space<vmem>> -> memref<1x8x8x129xf32, #tpu.memory_space<vmem>>
        %scatter3A_1102 = tpu.memref_squeeze %scatter3A_1101 : memref<1x8x8x129xf32, #tpu.memory_space<vmem>> -> memref<8x8x129xf32, #tpu.memory_space<vmem>>
        tpu.vector_store_idx %scatter3A_1102[%shift_right_arithmetic3A_26, %and3A_37, %add3A_1054], %add3A_1096 : memref<8x8x129xf32, #tpu.memory_space<vmem>>[vector<16xi32>, vector<16xi32>, vector<16xi32>], vector<16xf32>,
        %mul3A_1103 = arith.constant 16 : i32
        %mul3A_1104 = arith.muli %scan3A_432, %mul3A_1103 : i32
        %add3A_1105 = arith.constant 12 : i32
        %add3A_1106 = arith.addi %mul3A_1104, %add3A_1105 : i32
        %broadcast_in_dim3A_1107 = arith.constant 0 : i32
        %broadcast_in_dim3A_1108 = vector.broadcast %broadcast_in_dim3A_1107 : i32 to vector<16xi32>
        %add3A_1109 = vector.broadcast %add3A_1106 : i32 to vector<16xi32>
        %add3A_1110 = arith.addi %broadcast_in_dim3A_1108, %add3A_1109 : vector<16xi32>
        %get3A_1111 = arith.constant 3 : i32
        %get3A_1112 = arith.index_cast %get3A_1111 : i32 to index
        %get3A_1113 = arith.index_cast %add3A_1106 : i32 to index
        %get3A_1114 = arith.constant 0 : index
        %get3A_1115 = tpu.vector_load %arg7[%get3A_1112, %get3A_1113, %get3A_1114] {strides = array<i32>} : memref<4x128x64xf32, #tpu.memory_space<vmem>>, vector<16xf32>,
        %add3A_1116 = arith.addf %get3A_1115, %get3A_386 : vector<16xf32>
        %scatter3A_1117 = arith.constant 3 : i32
        %scatter3A_1118 = arith.constant 0 : i32
        %scatter3A_1119 = arith.constant 0 : i32
        %scatter3A_1120 = arith.constant 0 : i32
        %scatter3A_1121 = tpu.memref_slice %arg8[%scatter3A_1117, %scatter3A_1118, %scatter3A_1119, %scatter3A_1120] : memref<4x8x8x129xf32, #tpu.memory_space<vmem>> -> memref<1x8x8x129xf32, #tpu.memory_space<vmem>>
        %scatter3A_1122 = tpu.memref_squeeze %scatter3A_1121 : memref<1x8x8x129xf32, #tpu.memory_space<vmem>> -> memref<8x8x129xf32, #tpu.memory_space<vmem>>
        tpu.vector_store_idx %scatter3A_1122[%shift_right_arithmetic3A_17, %and3A_28, %add3A_1110], %add3A_1116 : memref<8x8x129xf32, #tpu.memory_space<vmem>>[vector<16xi32>, vector<16xi32>, vector<16xi32>], vector<16xf32>,
        %get3A_1123 = arith.constant 3 : i32
        %get3A_1124 = arith.index_cast %get3A_1123 : i32 to index
        %get3A_1125 = arith.index_cast %add3A_1106 : i32 to index
        %get3A_1126 = arith.constant 16 : index
        %get3A_1127 = tpu.vector_load %arg7[%get3A_1124, %get3A_1125, %get3A_1126] {strides = array<i32>} : memref<4x128x64xf32, #tpu.memory_space<vmem>>, vector<16xf32>,
        %add3A_1128 = arith.addf %get3A_1127, %get3A_389 : vector<16xf32>
        %scatter3A_1129 = arith.constant 3 : i32
        %scatter3A_1130 = arith.constant 0 : i32
        %scatter3A_1131 = arith.constant 0 : i32
        %scatter3A_1132 = arith.constant 0 : i32
        %scatter3A_1133 = tpu.memref_slice %arg8[%scatter3A_1129, %scatter3A_1130, %scatter3A_1131, %scatter3A_1132] : memref<4x8x8x129xf32, #tpu.memory_space<vmem>> -> memref<1x8x8x129xf32, #tpu.memory_space<vmem>>
        %scatter3A_1134 = tpu.memref_squeeze %scatter3A_1133 : memref<1x8x8x129xf32, #tpu.memory_space<vmem>> -> memref<8x8x129xf32, #tpu.memory_space<vmem>>
        tpu.vector_store_idx %scatter3A_1134[%shift_right_arithmetic3A_20, %and3A_31, %add3A_1110], %add3A_1128 : memref<8x8x129xf32, #tpu.memory_space<vmem>>[vector<16xi32>, vector<16xi32>, vector<16xi32>], vector<16xf32>,
        %get3A_1135 = arith.constant 3 : i32
        %get3A_1136 = arith.index_cast %get3A_1135 : i32 to index
        %get3A_1137 = arith.index_cast %add3A_1106 : i32 to index
        %get3A_1138 = arith.constant 32 : index
        %get3A_1139 = tpu.vector_load %arg7[%get3A_1136, %get3A_1137, %get3A_1138] {strides = array<i32>} : memref<4x128x64xf32, #tpu.memory_space<vmem>>, vector<16xf32>,
        %add3A_1140 = arith.addf %get3A_1139, %get3A_392 : vector<16xf32>
        %scatter3A_1141 = arith.constant 3 : i32
        %scatter3A_1142 = arith.constant 0 : i32
        %scatter3A_1143 = arith.constant 0 : i32
        %scatter3A_1144 = arith.constant 0 : i32
        %scatter3A_1145 = tpu.memref_slice %arg8[%scatter3A_1141, %scatter3A_1142, %scatter3A_1143, %scatter3A_1144] : memref<4x8x8x129xf32, #tpu.memory_space<vmem>> -> memref<1x8x8x129xf32, #tpu.memory_space<vmem>>
        %scatter3A_1146 = tpu.memref_squeeze %scatter3A_1145 : memref<1x8x8x129xf32, #tpu.memory_space<vmem>> -> memref<8x8x129xf32, #tpu.memory_space<vmem>>
        tpu.vector_store_idx %scatter3A_1146[%shift_right_arithmetic3A_23, %and3A_34, %add3A_1110], %add3A_1140 : memref<8x8x129xf32, #tpu.memory_space<vmem>>[vector<16xi32>, vector<16xi32>, vector<16xi32>], vector<16xf32>,
        %get3A_1147 = arith.constant 3 : i32
        %get3A_1148 = arith.index_cast %get3A_1147 : i32 to index
        %get3A_1149 = arith.index_cast %add3A_1106 : i32 to index
        %get3A_1150 = arith.constant 48 : index
        %get3A_1151 = tpu.vector_load %arg7[%get3A_1148, %get3A_1149, %get3A_1150] {strides = array<i32>} : memref<4x128x64xf32, #tpu.memory_space<vmem>>, vector<16xf32>,
        %add3A_1152 = arith.addf %get3A_1151, %get3A_395 : vector<16xf32>
        %scatter3A_1153 = arith.constant 3 : i32
        %scatter3A_1154 = arith.constant 0 : i32
        %scatter3A_1155 = arith.constant 0 : i32
        %scatter3A_1156 = arith.constant 0 : i32
        %scatter3A_1157 = tpu.memref_slice %arg8[%scatter3A_1153, %scatter3A_1154, %scatter3A_1155, %scatter3A_1156] : memref<4x8x8x129xf32, #tpu.memory_space<vmem>> -> memref<1x8x8x129xf32, #tpu.memory_space<vmem>>
        %scatter3A_1158 = tpu.memref_squeeze %scatter3A_1157 : memref<1x8x8x129xf32, #tpu.memory_space<vmem>> -> memref<8x8x129xf32, #tpu.memory_space<vmem>>
        tpu.vector_store_idx %scatter3A_1158[%shift_right_arithmetic3A_26, %and3A_37, %add3A_1110], %add3A_1152 : memref<8x8x129xf32, #tpu.memory_space<vmem>>[vector<16xi32>, vector<16xi32>, vector<16xi32>], vector<16xf32>,
        %mul3A_1159 = arith.constant 16 : i32
        %mul3A_1160 = arith.muli %scan3A_432, %mul3A_1159 : i32
        %add3A_1161 = arith.constant 13 : i32
        %add3A_1162 = arith.addi %mul3A_1160, %add3A_1161 : i32
        %broadcast_in_dim3A_1163 = arith.constant 0 : i32
        %broadcast_in_dim3A_1164 = vector.broadcast %broadcast_in_dim3A_1163 : i32 to vector<16xi32>
        %add3A_1165 = vector.broadcast %add3A_1162 : i32 to vector<16xi32>
        %add3A_1166 = arith.addi %broadcast_in_dim3A_1164, %add3A_1165 : vector<16xi32>
        %get3A_1167 = arith.constant 3 : i32
        %get3A_1168 = arith.index_cast %get3A_1167 : i32 to index
        %get3A_1169 = arith.index_cast %add3A_1162 : i32 to index
        %get3A_1170 = arith.constant 0 : index
        %get3A_1171 = tpu.vector_load %arg7[%get3A_1168, %get3A_1169, %get3A_1170] {strides = array<i32>} : memref<4x128x64xf32, #tpu.memory_space<vmem>>, vector<16xf32>,
        %add3A_1172 = arith.addf %get3A_1171, %get3A_386 : vector<16xf32>
        %scatter3A_1173 = arith.constant 3 : i32
        %scatter3A_1174 = arith.constant 0 : i32
        %scatter3A_1175 = arith.constant 0 : i32
        %scatter3A_1176 = arith.constant 0 : i32
        %scatter3A_1177 = tpu.memref_slice %arg8[%scatter3A_1173, %scatter3A_1174, %scatter3A_1175, %scatter3A_1176] : memref<4x8x8x129xf32, #tpu.memory_space<vmem>> -> memref<1x8x8x129xf32, #tpu.memory_space<vmem>>
        %scatter3A_1178 = tpu.memref_squeeze %scatter3A_1177 : memref<1x8x8x129xf32, #tpu.memory_space<vmem>> -> memref<8x8x129xf32, #tpu.memory_space<vmem>>
        tpu.vector_store_idx %scatter3A_1178[%shift_right_arithmetic3A_17, %and3A_28, %add3A_1166], %add3A_1172 : memref<8x8x129xf32, #tpu.memory_space<vmem>>[vector<16xi32>, vector<16xi32>, vector<16xi32>], vector<16xf32>,
        %get3A_1179 = arith.constant 3 : i32
        %get3A_1180 = arith.index_cast %get3A_1179 : i32 to index
        %get3A_1181 = arith.index_cast %add3A_1162 : i32 to index
        %get3A_1182 = arith.constant 16 : index
        %get3A_1183 = tpu.vector_load %arg7[%get3A_1180, %get3A_1181, %get3A_1182] {strides = array<i32>} : memref<4x128x64xf32, #tpu.memory_space<vmem>>, vector<16xf32>,
        %add3A_1184 = arith.addf %get3A_1183, %get3A_389 : vector<16xf32>
        %scatter3A_1185 = arith.constant 3 : i32
        %scatter3A_1186 = arith.constant 0 : i32
        %scatter3A_1187 = arith.constant 0 : i32
        %scatter3A_1188 = arith.constant 0 : i32
        %scatter3A_1189 = tpu.memref_slice %arg8[%scatter3A_1185, %scatter3A_1186, %scatter3A_1187, %scatter3A_1188] : memref<4x8x8x129xf32, #tpu.memory_space<vmem>> -> memref<1x8x8x129xf32, #tpu.memory_space<vmem>>
        %scatter3A_1190 = tpu.memref_squeeze %scatter3A_1189 : memref<1x8x8x129xf32, #tpu.memory_space<vmem>> -> memref<8x8x129xf32, #tpu.memory_space<vmem>>
        tpu.vector_store_idx %scatter3A_1190[%shift_right_arithmetic3A_20, %and3A_31, %add3A_1166], %add3A_1184 : memref<8x8x129xf32, #tpu.memory_space<vmem>>[vector<16xi32>, vector<16xi32>, vector<16xi32>], vector<16xf32>,
        %get3A_1191 = arith.constant 3 : i32
        %get3A_1192 = arith.index_cast %get3A_1191 : i32 to index
        %get3A_1193 = arith.index_cast %add3A_1162 : i32 to index
        %get3A_1194 = arith.constant 32 : index
        %get3A_1195 = tpu.vector_load %arg7[%get3A_1192, %get3A_1193, %get3A_1194] {strides = array<i32>} : memref<4x128x64xf32, #tpu.memory_space<vmem>>, vector<16xf32>,
        %add3A_1196 = arith.addf %get3A_1195, %get3A_392 : vector<16xf32>
        %scatter3A_1197 = arith.constant 3 : i32
        %scatter3A_1198 = arith.constant 0 : i32
        %scatter3A_1199 = arith.constant 0 : i32
        %scatter3A_1200 = arith.constant 0 : i32
        %scatter3A_1201 = tpu.memref_slice %arg8[%scatter3A_1197, %scatter3A_1198, %scatter3A_1199, %scatter3A_1200] : memref<4x8x8x129xf32, #tpu.memory_space<vmem>> -> memref<1x8x8x129xf32, #tpu.memory_space<vmem>>
        %scatter3A_1202 = tpu.memref_squeeze %scatter3A_1201 : memref<1x8x8x129xf32, #tpu.memory_space<vmem>> -> memref<8x8x129xf32, #tpu.memory_space<vmem>>
        tpu.vector_store_idx %scatter3A_1202[%shift_right_arithmetic3A_23, %and3A_34, %add3A_1166], %add3A_1196 : memref<8x8x129xf32, #tpu.memory_space<vmem>>[vector<16xi32>, vector<16xi32>, vector<16xi32>], vector<16xf32>,
        %get3A_1203 = arith.constant 3 : i32
        %get3A_1204 = arith.index_cast %get3A_1203 : i32 to index
        %get3A_1205 = arith.index_cast %add3A_1162 : i32 to index
        %get3A_1206 = arith.constant 48 : index
        %get3A_1207 = tpu.vector_load %arg7[%get3A_1204, %get3A_1205, %get3A_1206] {strides = array<i32>} : memref<4x128x64xf32, #tpu.memory_space<vmem>>, vector<16xf32>,
        %add3A_1208 = arith.addf %get3A_1207, %get3A_395 : vector<16xf32>
        %scatter3A_1209 = arith.constant 3 : i32
        %scatter3A_1210 = arith.constant 0 : i32
        %scatter3A_1211 = arith.constant 0 : i32
        %scatter3A_1212 = arith.constant 0 : i32
        %scatter3A_1213 = tpu.memref_slice %arg8[%scatter3A_1209, %scatter3A_1210, %scatter3A_1211, %scatter3A_1212] : memref<4x8x8x129xf32, #tpu.memory_space<vmem>> -> memref<1x8x8x129xf32, #tpu.memory_space<vmem>>
        %scatter3A_1214 = tpu.memref_squeeze %scatter3A_1213 : memref<1x8x8x129xf32, #tpu.memory_space<vmem>> -> memref<8x8x129xf32, #tpu.memory_space<vmem>>
        tpu.vector_store_idx %scatter3A_1214[%shift_right_arithmetic3A_26, %and3A_37, %add3A_1166], %add3A_1208 : memref<8x8x129xf32, #tpu.memory_space<vmem>>[vector<16xi32>, vector<16xi32>, vector<16xi32>], vector<16xf32>,
        %mul3A_1215 = arith.constant 16 : i32
        %mul3A_1216 = arith.muli %scan3A_432, %mul3A_1215 : i32
        %add3A_1217 = arith.constant 14 : i32
        %add3A_1218 = arith.addi %mul3A_1216, %add3A_1217 : i32
        %broadcast_in_dim3A_1219 = arith.constant 0 : i32
        %broadcast_in_dim3A_1220 = vector.broadcast %broadcast_in_dim3A_1219 : i32 to vector<16xi32>
        %add3A_1221 = vector.broadcast %add3A_1218 : i32 to vector<16xi32>
        %add3A_1222 = arith.addi %broadcast_in_dim3A_1220, %add3A_1221 : vector<16xi32>
        %get3A_1223 = arith.constant 3 : i32
        %get3A_1224 = arith.index_cast %get3A_1223 : i32 to index
        %get3A_1225 = arith.index_cast %add3A_1218 : i32 to index
        %get3A_1226 = arith.constant 0 : index
        %get3A_1227 = tpu.vector_load %arg7[%get3A_1224, %get3A_1225, %get3A_1226] {strides = array<i32>} : memref<4x128x64xf32, #tpu.memory_space<vmem>>, vector<16xf32>,
        %add3A_1228 = arith.addf %get3A_1227, %get3A_386 : vector<16xf32>
        %scatter3A_1229 = arith.constant 3 : i32
        %scatter3A_1230 = arith.constant 0 : i32
        %scatter3A_1231 = arith.constant 0 : i32
        %scatter3A_1232 = arith.constant 0 : i32
        %scatter3A_1233 = tpu.memref_slice %arg8[%scatter3A_1229, %scatter3A_1230, %scatter3A_1231, %scatter3A_1232] : memref<4x8x8x129xf32, #tpu.memory_space<vmem>> -> memref<1x8x8x129xf32, #tpu.memory_space<vmem>>
        %scatter3A_1234 = tpu.memref_squeeze %scatter3A_1233 : memref<1x8x8x129xf32, #tpu.memory_space<vmem>> -> memref<8x8x129xf32, #tpu.memory_space<vmem>>
        tpu.vector_store_idx %scatter3A_1234[%shift_right_arithmetic3A_17, %and3A_28, %add3A_1222], %add3A_1228 : memref<8x8x129xf32, #tpu.memory_space<vmem>>[vector<16xi32>, vector<16xi32>, vector<16xi32>], vector<16xf32>,
        %get3A_1235 = arith.constant 3 : i32
        %get3A_1236 = arith.index_cast %get3A_1235 : i32 to index
        %get3A_1237 = arith.index_cast %add3A_1218 : i32 to index
        %get3A_1238 = arith.constant 16 : index
        %get3A_1239 = tpu.vector_load %arg7[%get3A_1236, %get3A_1237, %get3A_1238] {strides = array<i32>} : memref<4x128x64xf32, #tpu.memory_space<vmem>>, vector<16xf32>,
        %add3A_1240 = arith.addf %get3A_1239, %get3A_389 : vector<16xf32>
        %scatter3A_1241 = arith.constant 3 : i32
        %scatter3A_1242 = arith.constant 0 : i32
        %scatter3A_1243 = arith.constant 0 : i32
        %scatter3A_1244 = arith.constant 0 : i32
        %scatter3A_1245 = tpu.memref_slice %arg8[%scatter3A_1241, %scatter3A_1242, %scatter3A_1243, %scatter3A_1244] : memref<4x8x8x129xf32, #tpu.memory_space<vmem>> -> memref<1x8x8x129xf32, #tpu.memory_space<vmem>>
        %scatter3A_1246 = tpu.memref_squeeze %scatter3A_1245 : memref<1x8x8x129xf32, #tpu.memory_space<vmem>> -> memref<8x8x129xf32, #tpu.memory_space<vmem>>
        tpu.vector_store_idx %scatter3A_1246[%shift_right_arithmetic3A_20, %and3A_31, %add3A_1222], %add3A_1240 : memref<8x8x129xf32, #tpu.memory_space<vmem>>[vector<16xi32>, vector<16xi32>, vector<16xi32>], vector<16xf32>,
        %get3A_1247 = arith.constant 3 : i32
        %get3A_1248 = arith.index_cast %get3A_1247 : i32 to index
        %get3A_1249 = arith.index_cast %add3A_1218 : i32 to index
        %get3A_1250 = arith.constant 32 : index
        %get3A_1251 = tpu.vector_load %arg7[%get3A_1248, %get3A_1249, %get3A_1250] {strides = array<i32>} : memref<4x128x64xf32, #tpu.memory_space<vmem>>, vector<16xf32>,
        %add3A_1252 = arith.addf %get3A_1251, %get3A_392 : vector<16xf32>
        %scatter3A_1253 = arith.constant 3 : i32
        %scatter3A_1254 = arith.constant 0 : i32
        %scatter3A_1255 = arith.constant 0 : i32
        %scatter3A_1256 = arith.constant 0 : i32
        %scatter3A_1257 = tpu.memref_slice %arg8[%scatter3A_1253, %scatter3A_1254, %scatter3A_1255, %scatter3A_1256] : memref<4x8x8x129xf32, #tpu.memory_space<vmem>> -> memref<1x8x8x129xf32, #tpu.memory_space<vmem>>
        %scatter3A_1258 = tpu.memref_squeeze %scatter3A_1257 : memref<1x8x8x129xf32, #tpu.memory_space<vmem>> -> memref<8x8x129xf32, #tpu.memory_space<vmem>>
        tpu.vector_store_idx %scatter3A_1258[%shift_right_arithmetic3A_23, %and3A_34, %add3A_1222], %add3A_1252 : memref<8x8x129xf32, #tpu.memory_space<vmem>>[vector<16xi32>, vector<16xi32>, vector<16xi32>], vector<16xf32>,
        %get3A_1259 = arith.constant 3 : i32
        %get3A_1260 = arith.index_cast %get3A_1259 : i32 to index
        %get3A_1261 = arith.index_cast %add3A_1218 : i32 to index
        %get3A_1262 = arith.constant 48 : index
        %get3A_1263 = tpu.vector_load %arg7[%get3A_1260, %get3A_1261, %get3A_1262] {strides = array<i32>} : memref<4x128x64xf32, #tpu.memory_space<vmem>>, vector<16xf32>,
        %add3A_1264 = arith.addf %get3A_1263, %get3A_395 : vector<16xf32>
        %scatter3A_1265 = arith.constant 3 : i32
        %scatter3A_1266 = arith.constant 0 : i32
        %scatter3A_1267 = arith.constant 0 : i32
        %scatter3A_1268 = arith.constant 0 : i32
        %scatter3A_1269 = tpu.memref_slice %arg8[%scatter3A_1265, %scatter3A_1266, %scatter3A_1267, %scatter3A_1268] : memref<4x8x8x129xf32, #tpu.memory_space<vmem>> -> memref<1x8x8x129xf32, #tpu.memory_space<vmem>>
        %scatter3A_1270 = tpu.memref_squeeze %scatter3A_1269 : memref<1x8x8x129xf32, #tpu.memory_space<vmem>> -> memref<8x8x129xf32, #tpu.memory_space<vmem>>
        tpu.vector_store_idx %scatter3A_1270[%shift_right_arithmetic3A_26, %and3A_37, %add3A_1222], %add3A_1264 : memref<8x8x129xf32, #tpu.memory_space<vmem>>[vector<16xi32>, vector<16xi32>, vector<16xi32>], vector<16xf32>,
        %mul3A_1271 = arith.constant 16 : i32
        %mul3A_1272 = arith.muli %scan3A_432, %mul3A_1271 : i32
        %add3A_1273 = arith.constant 15 : i32
        %add3A_1274 = arith.addi %mul3A_1272, %add3A_1273 : i32
        %broadcast_in_dim3A_1275 = arith.constant 0 : i32
        %broadcast_in_dim3A_1276 = vector.broadcast %broadcast_in_dim3A_1275 : i32 to vector<16xi32>
        %add3A_1277 = vector.broadcast %add3A_1274 : i32 to vector<16xi32>
        %add3A_1278 = arith.addi %broadcast_in_dim3A_1276, %add3A_1277 : vector<16xi32>
        %get3A_1279 = arith.constant 3 : i32
        %get3A_1280 = arith.index_cast %get3A_1279 : i32 to index
        %get3A_1281 = arith.index_cast %add3A_1274 : i32 to index
        %get3A_1282 = arith.constant 0 : index
        %get3A_1283 = tpu.vector_load %arg7[%get3A_1280, %get3A_1281, %get3A_1282] {strides = array<i32>} : memref<4x128x64xf32, #tpu.memory_space<vmem>>, vector<16xf32>,
        %add3A_1284 = arith.addf %get3A_1283, %get3A_386 : vector<16xf32>
        %scatter3A_1285 = arith.constant 3 : i32
        %scatter3A_1286 = arith.constant 0 : i32
        %scatter3A_1287 = arith.constant 0 : i32
        %scatter3A_1288 = arith.constant 0 : i32
        %scatter3A_1289 = tpu.memref_slice %arg8[%scatter3A_1285, %scatter3A_1286, %scatter3A_1287, %scatter3A_1288] : memref<4x8x8x129xf32, #tpu.memory_space<vmem>> -> memref<1x8x8x129xf32, #tpu.memory_space<vmem>>
        %scatter3A_1290 = tpu.memref_squeeze %scatter3A_1289 : memref<1x8x8x129xf32, #tpu.memory_space<vmem>> -> memref<8x8x129xf32, #tpu.memory_space<vmem>>
        tpu.vector_store_idx %scatter3A_1290[%shift_right_arithmetic3A_17, %and3A_28, %add3A_1278], %add3A_1284 : memref<8x8x129xf32, #tpu.memory_space<vmem>>[vector<16xi32>, vector<16xi32>, vector<16xi32>], vector<16xf32>,
        %get3A_1291 = arith.constant 3 : i32
        %get3A_1292 = arith.index_cast %get3A_1291 : i32 to index
        %get3A_1293 = arith.index_cast %add3A_1274 : i32 to index
        %get3A_1294 = arith.constant 16 : index
        %get3A_1295 = tpu.vector_load %arg7[%get3A_1292, %get3A_1293, %get3A_1294] {strides = array<i32>} : memref<4x128x64xf32, #tpu.memory_space<vmem>>, vector<16xf32>,
        %add3A_1296 = arith.addf %get3A_1295, %get3A_389 : vector<16xf32>
        %scatter3A_1297 = arith.constant 3 : i32
        %scatter3A_1298 = arith.constant 0 : i32
        %scatter3A_1299 = arith.constant 0 : i32
        %scatter3A_1300 = arith.constant 0 : i32
        %scatter3A_1301 = tpu.memref_slice %arg8[%scatter3A_1297, %scatter3A_1298, %scatter3A_1299, %scatter3A_1300] : memref<4x8x8x129xf32, #tpu.memory_space<vmem>> -> memref<1x8x8x129xf32, #tpu.memory_space<vmem>>
        %scatter3A_1302 = tpu.memref_squeeze %scatter3A_1301 : memref<1x8x8x129xf32, #tpu.memory_space<vmem>> -> memref<8x8x129xf32, #tpu.memory_space<vmem>>
        tpu.vector_store_idx %scatter3A_1302[%shift_right_arithmetic3A_20, %and3A_31, %add3A_1278], %add3A_1296 : memref<8x8x129xf32, #tpu.memory_space<vmem>>[vector<16xi32>, vector<16xi32>, vector<16xi32>], vector<16xf32>,
        %get3A_1303 = arith.constant 3 : i32
        %get3A_1304 = arith.index_cast %get3A_1303 : i32 to index
        %get3A_1305 = arith.index_cast %add3A_1274 : i32 to index
        %get3A_1306 = arith.constant 32 : index
        %get3A_1307 = tpu.vector_load %arg7[%get3A_1304, %get3A_1305, %get3A_1306] {strides = array<i32>} : memref<4x128x64xf32, #tpu.memory_space<vmem>>, vector<16xf32>,
        %add3A_1308 = arith.addf %get3A_1307, %get3A_392 : vector<16xf32>
        %scatter3A_1309 = arith.constant 3 : i32
        %scatter3A_1310 = arith.constant 0 : i32
        %scatter3A_1311 = arith.constant 0 : i32
        %scatter3A_1312 = arith.constant 0 : i32
        %scatter3A_1313 = tpu.memref_slice %arg8[%scatter3A_1309, %scatter3A_1310, %scatter3A_1311, %scatter3A_1312] : memref<4x8x8x129xf32, #tpu.memory_space<vmem>> -> memref<1x8x8x129xf32, #tpu.memory_space<vmem>>
        %scatter3A_1314 = tpu.memref_squeeze %scatter3A_1313 : memref<1x8x8x129xf32, #tpu.memory_space<vmem>> -> memref<8x8x129xf32, #tpu.memory_space<vmem>>
        tpu.vector_store_idx %scatter3A_1314[%shift_right_arithmetic3A_23, %and3A_34, %add3A_1278], %add3A_1308 : memref<8x8x129xf32, #tpu.memory_space<vmem>>[vector<16xi32>, vector<16xi32>, vector<16xi32>], vector<16xf32>,
        %get3A_1315 = arith.constant 3 : i32
        %get3A_1316 = arith.index_cast %get3A_1315 : i32 to index
        %get3A_1317 = arith.index_cast %add3A_1274 : i32 to index
        %get3A_1318 = arith.constant 48 : index
        %get3A_1319 = tpu.vector_load %arg7[%get3A_1316, %get3A_1317, %get3A_1318] {strides = array<i32>} : memref<4x128x64xf32, #tpu.memory_space<vmem>>, vector<16xf32>,
        %add3A_1320 = arith.addf %get3A_1319, %get3A_395 : vector<16xf32>
        %scatter3A_1321 = arith.constant 3 : i32
        %scatter3A_1322 = arith.constant 0 : i32
        %scatter3A_1323 = arith.constant 0 : i32
        %scatter3A_1324 = arith.constant 0 : i32
        %scatter3A_1325 = tpu.memref_slice %arg8[%scatter3A_1321, %scatter3A_1322, %scatter3A_1323, %scatter3A_1324] : memref<4x8x8x129xf32, #tpu.memory_space<vmem>> -> memref<1x8x8x129xf32, #tpu.memory_space<vmem>>
        %scatter3A_1326 = tpu.memref_squeeze %scatter3A_1325 : memref<1x8x8x129xf32, #tpu.memory_space<vmem>> -> memref<8x8x129xf32, #tpu.memory_space<vmem>>
        tpu.vector_store_idx %scatter3A_1326[%shift_right_arithmetic3A_26, %and3A_37, %add3A_1278], %add3A_1320 : memref<8x8x129xf32, #tpu.memory_space<vmem>>[vector<16xi32>, vector<16xi32>, vector<16xi32>], vector<16xf32>,
      }
      %scan3A_401 = arith.constant 8 : i32
      %dma_start3A_402 = arith.constant 3 : i32
      %dma_start3A_403 = arith.constant 0 : i32
      %dma_start3A_404 = arith.constant 0 : i32
      %dma_start3A_405 = arith.constant 0 : i32
      %dma_start3A_406 = tpu.memref_slice %arg8[%dma_start3A_402, %dma_start3A_403, %dma_start3A_404, %dma_start3A_405] : memref<4x8x8x129xf32, #tpu.memory_space<vmem>> -> memref<1x8x8x128xf32, #tpu.memory_space<vmem>>
      %dma_start3A_407 = tpu.memref_squeeze %dma_start3A_406 : memref<1x8x8x128xf32, #tpu.memory_space<vmem>> -> memref<8x8x128xf32, #tpu.memory_space<vmem>>
      %dma_start3A_408 = arith.constant 0 : i32
      %dma_start3A_409 = arith.constant 0 : i32
      %dma_start3A_410 = arith.constant 0 : i32
      %dma_start3A_411 = tpu.memref_slice %arg5[%add3A_367, %dma_start3A_408, %add3A, %dma_start3A_409, %dma_start3A_410] : memref<200x8x32x8x128xf32, #tpu.memory_space<hbm>> -> memref<1x8x1x8x128xf32, #tpu.memory_space<hbm>>
      %dma_start3A_412 = tpu.memref_squeeze %dma_start3A_411 : memref<1x8x1x8x128xf32, #tpu.memory_space<hbm>> -> memref<8x8x128xf32, #tpu.memory_space<hbm>>
      %dma_start3A_413 = arith.constant 0 : i32
      %dma_start3A_414 = arith.constant 0 : i32
      %dma_start3A_415 = arith.constant 0 : i32
      %dma_start3A_416 = tpu.memref_slice %arg5[%add3A_367, %dma_start3A_413, %add3A, %dma_start3A_414, %dma_start3A_415] : memref<200x8x32x8x128xf32, #tpu.memory_space<hbm>> -> memref<1x8x1x8x128xf32, #tpu.memory_space<hbm>>
      %dma_start3A_417 = tpu.memref_squeeze %dma_start3A_416 : memref<1x8x1x8x128xf32, #tpu.memory_space<hbm>> -> memref<8x8x128xf32, #tpu.memory_space<hbm>>
      %dma_start3A_418 = arith.constant 0 : i32
      %dma_start3A_419 = arith.constant 0 : i32
      %dma_start3A_420 = arith.constant 0 : i32
      %dma_start3A_421 = tpu.memref_slice %arg8[%dma_start3A_402, %dma_start3A_418, %dma_start3A_419, %dma_start3A_420] : memref<4x8x8x129xf32, #tpu.memory_space<vmem>> -> memref<1x8x8x128xf32, #tpu.memory_space<vmem>>
      %dma_start3A_422 = tpu.memref_squeeze %dma_start3A_421 : memref<1x8x8x128xf32, #tpu.memory_space<vmem>> -> memref<8x8x128xf32, #tpu.memory_space<vmem>>
      tpu.enqueue_dma source(%dma_start3A_422 : memref<8x8x128xf32, #tpu.memory_space<vmem>>) target(%dma_start3A_417 : memref<8x8x128xf32, #tpu.memory_space<hbm>>) target_semaphore(%arg17 : memref<!tpu.dma_semaphore, #tpu.memory_space<semaphore_mem>>)
      %add3A_423 = arith.constant 4 : i32
      %add3A_424 = arith.addi %add3A_367, %add3A_423 : i32
      %sub3A_425 = arith.constant 1 : i32
      %sub3A_426 = arith.subi %add3A_424, %sub3A_425 : i32
      %lt3A_427 = arith.constant 200 : i32
      %lt3A_428 = arith.cmpi slt, %sub3A_426, %lt3A_427 : i32
      %convert_element_type3A_429 = arith.extui %lt3A_428 : i1 to i32
      %cond3A_430 = arith.constant 0 : i32
      %cond3A_431 = arith.cmpi ne, %convert_element_type3A_429, %cond3A_430 : i32
      scf.if %cond3A_431 {
        %dma_start3A_432 = arith.constant 2 : i32
        %dma_start3A_433 = arith.constant 0 : i32
        %dma_start3A_434 = arith.constant 0 : i32
        %dma_start3A_435 = tpu.memref_slice %arg7[%dma_start3A_432, %dma_start3A_433, %dma_start3A_434] : memref<4x128x64xf32, #tpu.memory_space<vmem>> -> memref<1x128x64xf32, #tpu.memory_space<vmem>>
        %dma_start3A_436 = tpu.memref_squeeze %dma_start3A_435 : memref<1x128x64xf32, #tpu.memory_space<vmem>> -> memref<128x64xf32, #tpu.memory_space<vmem>>
        %dma_start3A_437 = arith.constant 0 : i32
        %dma_start3A_438 = tpu.memref_slice %arg6[%sub3A_426, %dma_start3A_437] : memref<200x128xi32, #tpu.memory_space<vmem>> -> memref<1x128xi32, #tpu.memory_space<vmem>>
        %dma_start3A_439 = tpu.memref_squeeze %dma_start3A_438 : memref<1x128xi32, #tpu.memory_space<vmem>> -> memref<128xi32, #tpu.memory_space<vmem>>
        %dma_start3A_440 = arith.constant 0 : i32
        %dma_start3A_441 = arith.constant 0 : i32
        %dma_start3A_442 = tpu.memref_slice %arg3[%dma_start3A_440, %dma_start3A_441] : memref<1000000x64xf32, #tpu.memory_space<hbm>> -> memref<1000000x64xf32, #tpu.memory_space<hbm>>
        tpu.enqueue_indirect_dma source(%dma_start3A_442 : memref<1000000x64xf32, #tpu.memory_space<hbm>>) target(%dma_start3A_436 : memref<128x64xf32, #tpu.memory_space<vmem>>) offsets(%dma_start3A_439 : memref<128xi32, #tpu.memory_space<vmem>>) semaphore(%arg12 : memref<!tpu.dma_semaphore, #tpu.memory_space<semaphore_mem>>)
      } else {
      }
    }
    %scan3A_77 = arith.constant 50 : i32
    %dma_wait3A = arith.constant 0 : i32
    %dma_wait3A_78 = arith.constant 196 : i32
    %dma_wait3A_79 = arith.constant 0 : i32
    %dma_wait3A_80 = arith.constant 0 : i32
    %dma_wait3A_81 = arith.constant 0 : i32
    %dma_wait3A_82 = tpu.memref_slice %arg8[%dma_wait3A, %dma_wait3A_79, %dma_wait3A_80, %dma_wait3A_81] : memref<4x8x8x129xf32, #tpu.memory_space<vmem>> -> memref<1x8x8x128xf32, #tpu.memory_space<vmem>>
    %dma_wait3A_83 = tpu.memref_squeeze %dma_wait3A_82 : memref<1x8x8x128xf32, #tpu.memory_space<vmem>> -> memref<8x8x128xf32, #tpu.memory_space<vmem>>
    %dma_wait3A_84 = arith.constant 0 : i32
    %dma_wait3A_85 = arith.constant 0 : i32
    %dma_wait3A_86 = arith.constant 0 : i32
    %dma_wait3A_87 = tpu.memref_slice %arg5[%dma_wait3A_78, %dma_wait3A_84, %add3A, %dma_wait3A_85, %dma_wait3A_86] : memref<200x8x32x8x128xf32, #tpu.memory_space<hbm>> -> memref<1x8x1x8x128xf32, #tpu.memory_space<hbm>>
    %dma_wait3A_88 = tpu.memref_squeeze %dma_wait3A_87 : memref<1x8x1x8x128xf32, #tpu.memory_space<hbm>> -> memref<8x8x128xf32, #tpu.memory_space<hbm>>
    %dma_wait3A_89 = arith.constant 0 : i32
    %dma_wait3A_90 = arith.constant 0 : i32
    %dma_wait3A_91 = arith.constant 0 : i32
    %dma_wait3A_92 = tpu.memref_slice %arg5[%dma_wait3A_78, %dma_wait3A_89, %add3A, %dma_wait3A_90, %dma_wait3A_91] : memref<200x8x32x8x128xf32, #tpu.memory_space<hbm>> -> memref<1x8x1x8x128xf32, #tpu.memory_space<hbm>>
    %dma_wait3A_93 = tpu.memref_squeeze %dma_wait3A_92 : memref<1x8x1x8x128xf32, #tpu.memory_space<hbm>> -> memref<8x8x128xf32, #tpu.memory_space<hbm>>
    %dma_wait3A_94 = arith.constant 0 : i32
    %dma_wait3A_95 = arith.constant 0 : i32
    %dma_wait3A_96 = arith.constant 0 : i32
    %dma_wait3A_97 = tpu.memref_slice %arg8[%dma_wait3A, %dma_wait3A_94, %dma_wait3A_95, %dma_wait3A_96] : memref<4x8x8x129xf32, #tpu.memory_space<vmem>> -> memref<1x8x8x128xf32, #tpu.memory_space<vmem>>
    %dma_wait3A_98 = tpu.memref_squeeze %dma_wait3A_97 : memref<1x8x8x128xf32, #tpu.memory_space<vmem>> -> memref<8x8x128xf32, #tpu.memory_space<vmem>>
    tpu.wait_dma2 semaphore(%arg14 : memref<!tpu.dma_semaphore, #tpu.memory_space<semaphore_mem>>) src(%dma_wait3A_98 : memref<8x8x128xf32, #tpu.memory_space<vmem>>) dst(%dma_wait3A_93 : memref<8x8x128xf32, #tpu.memory_space<hbm>>)
    %dma_wait3A_99 = arith.constant 1 : i32
    %dma_wait3A_100 = arith.constant 197 : i32
    %dma_wait3A_101 = arith.constant 0 : i32
    %dma_wait3A_102 = arith.constant 0 : i32
    %dma_wait3A_103 = arith.constant 0 : i32
    %dma_wait3A_104 = tpu.memref_slice %arg8[%dma_wait3A_99, %dma_wait3A_101, %dma_wait3A_102, %dma_wait3A_103] : memref<4x8x8x129xf32, #tpu.memory_space<vmem>> -> memref<1x8x8x128xf32, #tpu.memory_space<vmem>>
    %dma_wait3A_105 = tpu.memref_squeeze %dma_wait3A_104 : memref<1x8x8x128xf32, #tpu.memory_space<vmem>> -> memref<8x8x128xf32, #tpu.memory_space<vmem>>
    %dma_wait3A_106 = arith.constant 0 : i32
    %dma_wait3A_107 = arith.constant 0 : i32
    %dma_wait3A_108 = arith.constant 0 : i32
    %dma_wait3A_109 = tpu.memref_slice %arg5[%dma_wait3A_100, %dma_wait3A_106, %add3A, %dma_wait3A_107, %dma_wait3A_108] : memref<200x8x32x8x128xf32, #tpu.memory_space<hbm>> -> memref<1x8x1x8x128xf32, #tpu.memory_space<hbm>>
    %dma_wait3A_110 = tpu.memref_squeeze %dma_wait3A_109 : memref<1x8x1x8x128xf32, #tpu.memory_space<hbm>> -> memref<8x8x128xf32, #tpu.memory_space<hbm>>
    %dma_wait3A_111 = arith.constant 0 : i32
    %dma_wait3A_112 = arith.constant 0 : i32
    %dma_wait3A_113 = arith.constant 0 : i32
    %dma_wait3A_114 = tpu.memref_slice %arg5[%dma_wait3A_100, %dma_wait3A_111, %add3A, %dma_wait3A_112, %dma_wait3A_113] : memref<200x8x32x8x128xf32, #tpu.memory_space<hbm>> -> memref<1x8x1x8x128xf32, #tpu.memory_space<hbm>>
    %dma_wait3A_115 = tpu.memref_squeeze %dma_wait3A_114 : memref<1x8x1x8x128xf32, #tpu.memory_space<hbm>> -> memref<8x8x128xf32, #tpu.memory_space<hbm>>
    %dma_wait3A_116 = arith.constant 0 : i32
    %dma_wait3A_117 = arith.constant 0 : i32
    %dma_wait3A_118 = arith.constant 0 : i32
    %dma_wait3A_119 = tpu.memref_slice %arg8[%dma_wait3A_99, %dma_wait3A_116, %dma_wait3A_117, %dma_wait3A_118] : memref<4x8x8x129xf32, #tpu.memory_space<vmem>> -> memref<1x8x8x128xf32, #tpu.memory_space<vmem>>
    %dma_wait3A_120 = tpu.memref_squeeze %dma_wait3A_119 : memref<1x8x8x128xf32, #tpu.memory_space<vmem>> -> memref<8x8x128xf32, #tpu.memory_space<vmem>>
    tpu.wait_dma2 semaphore(%arg15 : memref<!tpu.dma_semaphore, #tpu.memory_space<semaphore_mem>>) src(%dma_wait3A_120 : memref<8x8x128xf32, #tpu.memory_space<vmem>>) dst(%dma_wait3A_115 : memref<8x8x128xf32, #tpu.memory_space<hbm>>)
    %dma_wait3A_121 = arith.constant 2 : i32
    %dma_wait3A_122 = arith.constant 198 : i32
    %dma_wait3A_123 = arith.constant 0 : i32
    %dma_wait3A_124 = arith.constant 0 : i32
    %dma_wait3A_125 = arith.constant 0 : i32
    %dma_wait3A_126 = tpu.memref_slice %arg8[%dma_wait3A_121, %dma_wait3A_123, %dma_wait3A_124, %dma_wait3A_125] : memref<4x8x8x129xf32, #tpu.memory_space<vmem>> -> memref<1x8x8x128xf32, #tpu.memory_space<vmem>>
    %dma_wait3A_127 = tpu.memref_squeeze %dma_wait3A_126 : memref<1x8x8x128xf32, #tpu.memory_space<vmem>> -> memref<8x8x128xf32, #tpu.memory_space<vmem>>
    %dma_wait3A_128 = arith.constant 0 : i32
    %dma_wait3A_129 = arith.constant 0 : i32
    %dma_wait3A_130 = arith.constant 0 : i32
    %dma_wait3A_131 = tpu.memref_slice %arg5[%dma_wait3A_122, %dma_wait3A_128, %add3A, %dma_wait3A_129, %dma_wait3A_130] : memref<200x8x32x8x128xf32, #tpu.memory_space<hbm>> -> memref<1x8x1x8x128xf32, #tpu.memory_space<hbm>>
    %dma_wait3A_132 = tpu.memref_squeeze %dma_wait3A_131 : memref<1x8x1x8x128xf32, #tpu.memory_space<hbm>> -> memref<8x8x128xf32, #tpu.memory_space<hbm>>
    %dma_wait3A_133 = arith.constant 0 : i32
    %dma_wait3A_134 = arith.constant 0 : i32
    %dma_wait3A_135 = arith.constant 0 : i32
    %dma_wait3A_136 = tpu.memref_slice %arg5[%dma_wait3A_122, %dma_wait3A_133, %add3A, %dma_wait3A_134, %dma_wait3A_135] : memref<200x8x32x8x128xf32, #tpu.memory_space<hbm>> -> memref<1x8x1x8x128xf32, #tpu.memory_space<hbm>>
    %dma_wait3A_137 = tpu.memref_squeeze %dma_wait3A_136 : memref<1x8x1x8x128xf32, #tpu.memory_space<hbm>> -> memref<8x8x128xf32, #tpu.memory_space<hbm>>
    %dma_wait3A_138 = arith.constant 0 : i32
    %dma_wait3A_139 = arith.constant 0 : i32
    %dma_wait3A_140 = arith.constant 0 : i32
    %dma_wait3A_141 = tpu.memref_slice %arg8[%dma_wait3A_121, %dma_wait3A_138, %dma_wait3A_139, %dma_wait3A_140] : memref<4x8x8x129xf32, #tpu.memory_space<vmem>> -> memref<1x8x8x128xf32, #tpu.memory_space<vmem>>
    %dma_wait3A_142 = tpu.memref_squeeze %dma_wait3A_141 : memref<1x8x8x128xf32, #tpu.memory_space<vmem>> -> memref<8x8x128xf32, #tpu.memory_space<vmem>>
    tpu.wait_dma2 semaphore(%arg16 : memref<!tpu.dma_semaphore, #tpu.memory_space<semaphore_mem>>) src(%dma_wait3A_142 : memref<8x8x128xf32, #tpu.memory_space<vmem>>) dst(%dma_wait3A_137 : memref<8x8x128xf32, #tpu.memory_space<hbm>>)
    %dma_wait3A_143 = arith.constant 3 : i32
    %dma_wait3A_144 = arith.constant 199 : i32
    %dma_wait3A_145 = arith.constant 0 : i32
    %dma_wait3A_146 = arith.constant 0 : i32
    %dma_wait3A_147 = arith.constant 0 : i32
    %dma_wait3A_148 = tpu.memref_slice %arg8[%dma_wait3A_143, %dma_wait3A_145, %dma_wait3A_146, %dma_wait3A_147] : memref<4x8x8x129xf32, #tpu.memory_space<vmem>> -> memref<1x8x8x128xf32, #tpu.memory_space<vmem>>
    %dma_wait3A_149 = tpu.memref_squeeze %dma_wait3A_148 : memref<1x8x8x128xf32, #tpu.memory_space<vmem>> -> memref<8x8x128xf32, #tpu.memory_space<vmem>>
    %dma_wait3A_150 = arith.constant 0 : i32
    %dma_wait3A_151 = arith.constant 0 : i32
    %dma_wait3A_152 = arith.constant 0 : i32
    %dma_wait3A_153 = tpu.memref_slice %arg5[%dma_wait3A_144, %dma_wait3A_150, %add3A, %dma_wait3A_151, %dma_wait3A_152] : memref<200x8x32x8x128xf32, #tpu.memory_space<hbm>> -> memref<1x8x1x8x128xf32, #tpu.memory_space<hbm>>
    %dma_wait3A_154 = tpu.memref_squeeze %dma_wait3A_153 : memref<1x8x1x8x128xf32, #tpu.memory_space<hbm>> -> memref<8x8x128xf32, #tpu.memory_space<hbm>>
    %dma_wait3A_155 = arith.constant 0 : i32
    %dma_wait3A_156 = arith.constant 0 : i32
    %dma_wait3A_157 = arith.constant 0 : i32
    %dma_wait3A_158 = tpu.memref_slice %arg5[%dma_wait3A_144, %dma_wait3A_155, %add3A, %dma_wait3A_156, %dma_wait3A_157] : memref<200x8x32x8x128xf32, #tpu.memory_space<hbm>> -> memref<1x8x1x8x128xf32, #tpu.memory_space<hbm>>
    %dma_wait3A_159 = tpu.memref_squeeze %dma_wait3A_158 : memref<1x8x1x8x128xf32, #tpu.memory_space<hbm>> -> memref<8x8x128xf32, #tpu.memory_space<hbm>>
    %dma_wait3A_160 = arith.constant 0 : i32
    %dma_wait3A_161 = arith.constant 0 : i32
    %dma_wait3A_162 = arith.constant 0 : i32
    %dma_wait3A_163 = tpu.memref_slice %arg8[%dma_wait3A_143, %dma_wait3A_160, %dma_wait3A_161, %dma_wait3A_162] : memref<4x8x8x129xf32, #tpu.memory_space<vmem>> -> memref<1x8x8x128xf32, #tpu.memory_space<vmem>>
    %dma_wait3A_164 = tpu.memref_squeeze %dma_wait3A_163 : memref<1x8x8x128xf32, #tpu.memory_space<vmem>> -> memref<8x8x128xf32, #tpu.memory_space<vmem>>
    tpu.wait_dma2 semaphore(%arg17 : memref<!tpu.dma_semaphore, #tpu.memory_space<semaphore_mem>>) src(%dma_wait3A_164 : memref<8x8x128xf32, #tpu.memory_space<vmem>>) dst(%dma_wait3A_159 : memref<8x8x128xf32, #tpu.memory_space<hbm>>)
    return
  }
}

</mosaic_0001>

<sc_bundles>
// kernel: _emb.3.cloned.1.call-start
scs
__scs_entry_jumppad:
0x0: {  	(pc) =	sbr.rel $0x88, $3  }
0x1: {  	(tag) =	ssettag $0x0;
	lr =	simm.s32 $0x1  }
0x2: {  	[smem:$0x3F9E] =	sst lr;
	_ =	strace $0xD0000000  }
0x3: {  	_ = 	snop  }
0x4: {  	_ = 	snop  }
0x5: {  	_ = 	snop  }
0x6: {  	_ = 	snop  }
0x7: {  	_ = 	snop  }
__scs_overlays_trampoline_lowered:
0x8: {  	[smem:$0x3FAD] =	sst s0  }
0x9: {  	[smem:$0x3FAE] =	sst s1  }
0xa: {  	[smem:$0x3FAF] =	sst s2  }
0xb: {  	[smem:$0x3FB0] =	sst s3  }
0xc: {  	[smem:$0x3FB1] =	sst s4  }
0xd: {  	[smem:$0x3FB2] =	sst s5  }
0xe: {  	[smem:$0x3FB3] =	sst s6  }
0xf: {  	[smem:$0x3FB4] =	sst s7  }
0x10: {  	[smem:$0x3FB5] =	sst s8  }
0x11: {  	[smem:$0x3FB6] =	sst s9;
	s0 =	simm.s32 @!p0 $0x0  }
0x12: {  	s1 =	sld [smem:$0x3F9C];
	s0 =	simm.s32 @p0 $0x1  }
0x13: {  	[smem:$0x3FB7] =	sst s0;
	s0 =	simm.s32 @!p1 $0x0  }
0x14: {  	s2 =	sld [smem:$0x3F9B];
	s0 =	simm.s32 @p1 $0x1  }
0x15: {  	[smem:$0x3FB8] =	sst s0;
	s0 =	simm.s32 @!p2 $0x0  }
0x16: {  	s3 =	sld [smem:$0x3FDB];
	s0 =	simm.s32 @p2 $0x1  }
0x17: {  	s4 =	simm.s32 $0x1BF5;
	[smem:$0x3FBA] =	sst s0  }
0x18: {  	s0 =	sld [smem:$0x3F9D];
	_ =	swait.ge [sflag:s4], $0x0  }
0x19: {  	s7 =	sld [smem:$0x3F9E]  }
0x1a: {  	s8 =	sadd.s32 $0xFFFFE003, lr  }
0x1b: {  	s9 =	sadd.s32 $0xFFFFFEF7, lr;
	s5 =	simm.s32 $0xFFFFFFFF;
	p2 =	slt.u32 s8, $0xFFFFF086  }
0x1c: {  	p1 =	slt.u32 s9, $0xF7A;
	s5 =	simm.s32 @!p2 $0x0  }
0x1d: {  	s5 =	simm.s32 @p1 $0x1;
	p0 =	seq.s32 s7, s2  }
0x1e: {  	s7 =	smul.u32 @!p0 $0xF7A, s2;
	p2 =	seq.s32 @!p0 s5, $0x0  }
0x1f: {  	s9 =	smul.u32 $0xF7A, s1;
	s8 =	simm.s32 @!p0 $0x1BF5;
	p2 =	por !p2, p0  }
0x20: {  	[sflag:s8] =	ssyncset.s32 @!p0 $0xFFFFF086;
	s6 =	sadd.s32 @!p0 s3, s7;
	s7 =	simm.s32 @!p0 $0x108  }
0x21: {  	s3 =	sadd.s32 s3, s9;
	s6 =	sadd.s32 @!p0 $0x88, s6;
	s7 =	simm.s32 @p2 $0x1082  }
0x22: {  	[simem:s7], [sflag:s8] =	dma.local @!p0 [hbm:s6], $0xF7A  }
0x23: {  	s9 =	sor.u32 $0xD0000000, s2;
	s6 =	simm.s32 $0x108;
	_ =	swait.ge @!p0 [sflag:s8], $0x0  }
0x24: {  	s3 =	sadd.s32 $0x88, s3;
	s6 =	simm.s32 @!p1 $0x1082;
	[sflag:s4] =	ssyncset.s32 $0xFFFFF086  }
0x25: {  	[simem:s6], [sflag:s4] =	dma.local [hbm:s3], $0xF7A  }
0x26: {  	[smem:$0x3F9E] =	sst s1;
	(tag) =	ssettag s2;
	_ =	strace s9  }
0x27: {  	s1 =	sld [smem:$0x3FAE]  }
0x28: {  	s2 =	sld [smem:$0x3FAF]  }
0x29: {  	s4 =	sld [smem:$0x3FB1]  }
0x2a: {  	p0 =	seq.s32 s5, $0x0;
	s5 =	sld [smem:$0x3FB2]  }
0x2b: {  	s6 =	sld [smem:$0x3FB3]  }
0x2c: {  	s7 =	sld [smem:$0x3FB4]  }
0x2d: {  	s3 =	simm.s32 $0x108;
	s8 =	sld [smem:$0x3FB5]  }
0x2e: {  	s3 =	simm.s32 @!p0 $0x1082;
	s9 =	sld [smem:$0x3FB6]  }
0x2f: {  	lr =	sadd.s32 s0, s3;
	s0 =	sld [smem:$0x3FAD]  }
0x30: {  	s3 =	sld [smem:$0x3FB0]  }
0x31: {  	[smem:$0x3FB9] =	sst s10  }
0x32: {  	s10 =	sld [smem:$0x3FB7];
	_ =	sdelay $0x3  }
0x33: {  	p0 =	seq.s32 s10, $0x1;
	s10 =	sld [smem:$0x3FB9];
	_ =	sdelay $0x3  }
0x34: {  	[smem:$0x3FB9] =	sst s10  }
0x35: {  	s10 =	sld [smem:$0x3FB8];
	_ =	sdelay $0x3  }
0x36: {  	p1 =	seq.s32 s10, $0x1;
	s10 =	sld [smem:$0x3FB9];
	_ =	sdelay $0x3  }
0x37: {  	[smem:$0x3FB9] =	sst s10  }
0x38: {  	s10 =	sld [smem:$0x3FBA]  }
0x39: {  	_ = 	snop;
	(pc) =	sbr.ind lr, $3  }
0x3a: {  	_ = 	snop  }
0x3b: {  	_ = 	snop  }
0x3c: {  	p2 =	seq.s32 s10, $0x1;
	s10 =	sld [smem:$0x3FB9]  }
0x3d: {  	_ =	shalt  }
0x3e: {  	_ =	shalt  }
0x3f: {  	_ =	shalt  }
0x40: {  	_ =	shalt  }
0x41: {  	_ =	shalt  }
0x42: {  	_ =	shalt  }
0x43: {  	_ =	shalt  }
0x44: {  	_ =	shalt  }
0x45: {  	_ =	shalt  }
0x46: {  	_ =	shalt  }
0x47: {  	_ =	shalt  }
0x48: {  	_ =	shalt  }
0x49: {  	_ =	shalt  }
0x4a: {  	_ =	shalt  }
0x4b: {  	_ =	shalt  }
0x4c: {  	_ =	shalt  }
0x4d: {  	_ =	shalt  }
0x4e: {  	_ =	shalt  }
0x4f: {  	_ =	shalt  }
0x50: {  	_ =	shalt  }
0x51: {  	_ =	shalt  }
0x52: {  	_ =	shalt  }
0x53: {  	_ =	shalt  }
0x54: {  	_ =	shalt  }
0x55: {  	_ =	shalt  }
0x56: {  	_ =	shalt  }
0x57: {  	_ =	shalt  }
0x58: {  	_ =	shalt  }
0x59: {  	_ =	shalt  }
0x5a: {  	_ =	shalt  }
0x5b: {  	_ =	shalt  }
0x5c: {  	_ =	shalt  }
0x5d: {  	_ =	shalt  }
0x5e: {  	_ =	shalt  }
0x5f: {  	_ =	shalt  }
0x60: {  	_ =	shalt  }
0x61: {  	_ =	shalt  }
0x62: {  	_ =	shalt  }
0x63: {  	_ =	shalt  }
0x64: {  	_ =	shalt  }
0x65: {  	_ =	shalt  }
0x66: {  	_ =	shalt  }
0x67: {  	_ =	shalt  }
0x68: {  	_ =	shalt  }
0x69: {  	_ =	shalt  }
0x6a: {  	_ =	shalt  }
0x6b: {  	_ =	shalt  }
0x6c: {  	_ =	shalt  }
0x6d: {  	_ =	shalt  }
0x6e: {  	_ =	shalt  }
0x6f: {  	_ =	shalt  }
0x70: {  	_ =	shalt  }
0x71: {  	_ =	shalt  }
0x72: {  	_ =	shalt  }
0x73: {  	_ =	shalt  }
0x74: {  	_ =	shalt  }
0x75: {  	_ =	shalt  }
0x76: {  	_ =	shalt  }
0x77: {  	_ =	shalt  }
0x78: {  	_ =	shalt  }
0x79: {  	_ =	shalt  }
0x7a: {  	_ =	shalt  }
0x7b: {  	_ =	shalt  }
0x7c: {  	_ =	shalt  }
0x7d: {  	_ =	shalt  }
0x7e: {  	_ =	shalt  }
0x7f: {  	_ =	shalt  }
0x80: {  	_ =	shalt  }
0x81: {  	_ =	shalt  }
0x82: {  	_ =	shalt  }
0x83: {  	_ =	shalt  }
0x84: {  	_ =	shalt  }
0x85: {  	_ =	shalt  }
0x86: {  	_ =	shalt  }
0x87: {  	_ =	shalt  }
.Lfunc_end0:
.L_simem_size_0:
called_computation_lowered:
.L_overlay_start_0:
0x88: {  	s2 =	sld [smem:$0x3FD9]  }
0x89: {  	s3 =	sld [smem:$0x3FFE];
	_ =	sdelay $0x1  }
0x8a: {  	s1 =	srdreg.scid  }
0x8b: {  	s0 =	sand.u32 $0x1, s1  }
0x8c: {  	s17 =	sshll.u32 s0, $0xA;
	s2 =	sadd.s32 s3, s2  }
0x8d: {  	s2 =	sadd.s32 s2, s17  }
0x8e: {  	[smem:$0x3FC5] =	sst s2  }
0x8f: {  	_ = 	snop  }
0x90: {  	s2 =	sld [smem:$0x3FC9]  }
0x91: {  	s18 =	sld [smem:$0x3FD0];
	(tm) =	ssettm $0x1  }
0x92: {  	s4 =	sld [smem:$0x3FFB];
	_ =	sdelay $0x3  }
0x93: {  	_ =	strace s4  }
0x94: {  	s4 =	sld [smem:$0x3FFC];
	_ =	sdelay $0x3  }
0x95: {  	_ =	strace s4  }
0x96: {  	s4 =	sld [smem:$0x3FFD];
	_ =	sdelay $0x3  }
0x97: {  	_ =	strace s4  }
0x98: {  	_ =	strace $0x8FFFFFFF  }
0x99: {  	s19 =	sld [smem:$0x3FDB];
	_ =	sdelay $0x1  }
0x9a: {  	s5 =	simm.s32 $_scs_section_size  }
0x9b: {  	s6 =	simm.s32 $_size__tile_overlayer_lowered;
	s7 =	simm.s32 $_tile_overlayer_lowered  }
0x9c: {  	s22 =	simm.s32 $0x1BFF;
	s21 =	sshll.u32 s7, $0x1;
	s4 =	sadd.s32 s5, s19  }
0x9d: {  	s8 =	simm.s32 $0x0;
	s20 =	sshll.u32 s6, $0x1;
	s6 =	sadd.s32 s21, s4  }
0x9e: {  	[timem:s8], [sflag:s22] =	dma.local [hbm:s6], s20  }
0x9f: {  	_ =	swait.ge [sflag:s22], s20  }
0xa0: {  	s5 =	ssub.s32 $0x0, s20;
	[sflag:s22] =	ssyncset.done $0x0  }
0xa1: {  	[sflag:s22] =	ssyncadd.s32 s5;
	_ =	sdelay $0x1  }
0xa2: {  	s23 =	simm.s32 $0x1B8B  }
0xa3: {  	_ =	swait.ge [sflag:s23], $0x1  }
0xa4: {  	[sflag:s23] =	ssyncset.done $0x0  }
0xa5: {  	s25 =	simm.s32 $0x1B8E;
	s24 =	sld [smem:$0x3FFE];
	[sflag:s23] =	ssyncadd.s32 $0xFFFFFFFF  }
0xa6: {  	s26 =	simm.s32 $execute0_lowered;
	[smem:$0x3FD2] =	sst s25  }
0xa7: {  	s6 =	sshll.u32 s26, $0x1;
	_ =	strace $0x80000046;
	[dreg:$0x1] =	wrdreg $0xFFFFFFFF  }
0xa8: {  	s28 =	simm.s32 $_size_execute0_lowered;
	s4 =	sadd.s32 s4, s6;
	[dreg:$0x0] =	wrdreg $0x0  }
0xa9: {  	s6 =	sshll.u32 s28, $0x1;
	[dreg:$0x2] =	wrdreg s4  }
0xaa: {  	[dreg:$0x3] =	wrdreg s6  }
0xab: {  	[dreg:$0x4] =	wrdreg $0xC0  }
0xac: {  	_ =	task [dreg:s8], $0x5FFFF  }
0xad: {  	[dreg:$0x1] =	wrdreg $0xFFFFFFFF  }
0xae: {  	[dreg:$0x0] =	wrdreg $0x60  }
0xaf: {  	[dreg:$0x2] =	wrdreg s2  }
0xb0: {  	[dreg:$0x3] =	wrdreg s24  }
0xb1: {  	[dreg:$0x4] =	wrdreg s18  }
0xb2: {  	[dreg:$0x5] =	wrdreg $0x9  }
0xb3: {  	_ =	task.clear_ibuf [dreg:s8], $0x6FFFF;
	_ =	strace $0x90000046  }
0xb4: {  	s29 =	simm.s32 $0x9;
	_ =	strace $0x80000048  }
0xb5: {  	_ =	swait.ge [sflag:s29], $0x1  }
0xb6: {  	[sflag:s29] =	ssyncadd.s32 $0xFFFFFFFF  }
0xb7: {  	_ =	strace $0x90000048  }
0xb8: {  	_ =	sfence  }
0xb9: {  	s30 =	sld [smem:$0x0];
	_ =	sdelay $0x2  }
0xba: {  	s31 =	sshll.u32 s1, $0xD;
	s1 =	sshrl.u32 s1, $0x2  }
0xbb: {  	s3 =	sand.u32 $0x4000, s31;
	s1 =	sadd.s32 s1, s30  }
0xbc: {  	s0 =	sor.u32 s3, s0;
	s1 =	sshll.u32 s1, $0x11  }
0xbd: {  	s0 =	sor.u32 s1, s0  }
0xbe: {  	s0 =	sadd.s32 $0x8F2B, s0  }
0xbf: {  	[sflag:s0] =	ssyncadd.remote.s32 $0x1  }
0xc0: {  	_ =	sfence.sel $0xFFFF  }
0xc1: {  	[dreg:$0x0] =	wrdreg $0xFFFFFFFF;
	(pc) =	sbr.abs _section_cstart, $3  }
0xc2: {  	[dreg:$0x1] =	wrdreg $0xFFFFFFFF  }
0xc3: {  	_ =	task.clear_ibuf [dreg:s8], $0x2FFFF;
	_ =	strace $0x9FFFFFFF  }
0xc4: {  	(tm) =	ssettm $0x7FFFFFFF  }
0xc5: {  	_ =	shalt  }
tec
execute0_lowered:
.L_overlay_start_1:
0x0: {  	(tag) =	ssettag $0x1  }
0x1: {  	s0 =	rddreg [dreg:$0x0]  }
0x2: {  	s1 =	rddreg [dreg:$0x1]  }
0x3: {  	s2 =	rddreg [dreg:$0x2];
	v0 =	vlaneseq.u32  }
0x4: {  	s4 =	srdreg.scid;
	s5 =	stileid.u32;
	s3 =	simm.s32 $0x0;
	v0 =	vmul.u32 $0x88, v0  }
0x5: {  	v1 =	vimm.s32 $0x0;
	vm0 =	vcmask $0x300;
	s9 =	simm.s32 $0x9;
	s11 =	simm.s32 $0x80;
	s13 =	simm.s32 $0x8400  }
0x6: {  	s15 =	simm.s32 $0xA400;
	s16 =	simm.s32 $0x1;
	s17 =	simm.s32 $0xE400;
	v1 =	vsel vm0, $0x3, v1;
	v2 =	vadd.s32 $0x880, v0  }
0x7: {  	s18 =	simm.s32 $0xC400;
	s19 =	simm.s32 $0x2;
	s20 =	simm.s32 $0x10600;
	v3 =	vadd.s32 $0x1100, v0;
	v4 =	vadd.s32 $0x1980, v0;
	v5 =	vor.u32 $0x1, v0  }
0x8: {  	s21 =	simm.s32 $0x3;
	s22 =	simm.s32 $0x12800;
	s23 =	simm.s32 $0x4;
	v6 =	vadd.s32 $0x881, v0;
	v7 =	vadd.s32 $0x1101, v0;
	v8 =	vadd.s32 $0x1981, v0  }
0x9: {  	s24 =	simm.s32 $0x8;
	s4 =	sand.u32 $0x1, s4;
	s5 =	sshll.u32 s5, $0x1;
	v9 =	vor.u32 $0x2, v0;
	v10 =	vadd.s32 $0x882, v0;
	v11 =	vadd.s32 $0x1102, v0  }
0xa: {  	s25 =	simm.s32 $0x14A00;
	s28 =	simm.s32 $0x6;
	s5 =	sor.u32 s4, s5;
	v12 =	vadd.s32 $0x1982, v0;
	v13 =	vor.u32 $0x3, v0;
	v14 =	vadd.s32 $0x883, v0  }
0xb: {  	s29 =	simm.s32 $0x7;
	[smem:$0x7FF] =	sst s3;
	s8 =	smul.u32 $0xC80, s5;
	v15 =	vadd.s32 $0x1103, v0;
	v16 =	vadd.s32 $0x1983, v0;
	v17 =	vor.u32 $0x4, v0  }
.Ltmp0:
0xc: {  	s6 =	ssub.s32 $0x2, s4;
	_ =	strace $0x80000047;
	v18 =	vadd.s32 $0x884, v0;
	v19 =	vadd.s32 $0x1104, v0;
	v20 =	vadd.s32 $0x1984, v0;
	(pc) =	sbr.rel .LBB2_1-.Ltmp0, $4  }
0xd: {  	s4 =	sadd.s32 $0xF42A00, s1;
	s1 =	sadd.s32 $0x600, s1;
	s7 =	sshrl.u32 s6, $0x1;
	v21 =	vor.u32 $0x5, v0;
	v22 =	vadd.s32 $0x885, v0;
	v23 =	vadd.s32 $0x1105, v0  }
0xe: {  	[dreg:$0x4] =	wrdreg s1;
	v24 =	vadd.s32 $0x1985, v0;
	v25 =	vor.u32 $0x6, v0;
	v26 =	vadd.s32 $0x886, v0;
	s26 =	ssub.s32 s6, s7;
	s0 =	sadd.s32 s0, s8  }
0xf: {  	s30 =	simm.s32 $0x0;
	v27 =	vadd.s32 $0x1106, v0;
	v28 =	vadd.s32 $0x1986, v0;
	v29 =	vor.u32 $0x7, v0;
	s31 =	smax.u32 s26, $0x1;
	[dreg:$0x5] =	wrdreg s0  }
0x10: {  	v30 =	vadd.s32 $0x887, v0;
	v31 =	vadd.s32 $0x1107, v0;
	v32 =	vadd.s32 $0x1987, v0;
	s7 =	sshll.u32 s5, $0xA;
	s26 =	simm.s32 $0x5;
	[dreg:$0x6] =	wrdreg s31  }
.LBB2_24:
0x11: {  	_ =	swait.ge [sflag:s26], $0x2000  }
0x12: {  	[sflag:s26] =	ssyncset.done $0x0  }
0x13: {  	[sflag:s26] =	ssyncadd.s32 $0xFFFFE000  }
0x14: {  	_ =	swait.ge [sflag:s28], $0x2000  }
0x15: {  	[sflag:s28] =	ssyncset.done $0x0  }
0x16: {  	[sflag:s28] =	ssyncadd.s32 $0xFFFFE000  }
0x17: {  	_ =	swait.ge [sflag:s29], $0x2000  }
0x18: {  	[sflag:s29] =	ssyncset.done $0x0  }
0x19: {  	[sflag:s29] =	ssyncadd.s32 $0xFFFFE000  }
0x1a: {  	_ =	swait.ge [sflag:s24], $0x2000  }
0x1b: {  	s30 =	sadd.s32 $0x1, s30;
	s0 =	rddreg [dreg:$0x6]  }
0x1c: {  	p0 =	sne.s32 s30, s0  }
.Ltmp1:
0x1d: {  	_ = 	snop;
	(pc) =	sbr.rel @!p0 .LBB2_25-.Ltmp1, $3  }
0x1e: {  	_ =	sdelay $0x1  }
0x1f: {  	[sflag:s24] =	ssyncset.done $0x0  }
0x20: {  	[sflag:s24] =	ssyncadd.s32 $0xFFFFE000  }
.LBB2_1:
0x21: {  	s0 =	rddreg [dreg:$0x5]  }
0x22: {  	[tilespmem:s3], [sflag:$0x9] =	stream.linear.gather [hbm4b:s0+s3], $0x6400, $0x38;
	[tilespmem:$0x19E00] =	vst v63  }
0x23: {  	_ =	swait.ge [sflag:s9], $0x6400  }
0x24: {  	[sflag:s9] =	ssyncset.done $0x0  }
0x25: {  	s1 =	simm.s32 $0x16C00;
	s10 =	rddreg [dreg:$0x4];
	[sflag:s9] =	ssyncadd.s32 $0xFFFF9C00  }
0x26: {  	[tilespmem:s1], [sflag:$0x9] =	stream.linear.gather [hbm4b:s10+s3], $0x3200, $0x38;
	[tilespmem:$0x19E00] =	vst v63  }
0x27: {  	_ =	swait.ge [sflag:s9], $0x3200  }
0x28: {  	[sflag:s9] =	ssyncset.done $0x0  }
0x29: {  	s12 =	simm.s32 $0x6400;
	[sflag:s9] =	ssyncadd.s32 $0xFFFFCE00  }
0x2a: {  	[tilespmem:s12], [sflag:$0x1] =	stream.indirect.gather [hbm4b:s4+s11], $0x40, s3, s11, $0xb8;
	[tilespmem:$0x19E00] =	vst v63  }
0x2b: {  	_ = 	snop  }
0x2c: {  	[tilespmem:s13], [sflag:$0x2] =	stream.indirect.gather [hbm4b:s4+s11], $0x40, s11, s11, $0xb8;
	[tilespmem:$0x19E00] =	vst v63  }
0x2d: {  	s14 =	simm.s32 $0x100;
	s31 =	simm.s32 $0x0  }
0x2e: {  	[tilespmem:s15], [sflag:$0x3] =	stream.indirect.gather [hbm4b:s4+s11], $0x40, s14, s11, $0xb8;
	[tilespmem:$0x19E00] =	vst v63  }
.LBB2_2:
0x2f: {  	_ =	swait.ge [sflag:s16], $0x2000  }
0x30: {  	p0 =	seq.s32 s31, $0x0;
	[sflag:s16] =	ssyncset.done $0x0  }
0x31: {  	s0 =	simm.s32 @!p0 $0x5;
	[sflag:s16] =	ssyncadd.s32 $0xFFFFE000  }
0x32: {  	_ =	swait.ge @!p0 [sflag:s0], $0x2000  }
0x33: {  	s1 =	sshll.u32 s31, $0x8;
	[sflag:s0] =	ssyncset.done @!p0 $0x0  }
0x34: {  	s14 =	sand.u32 $0x3FFFFF00, s1;
	[sflag:s0] =	ssyncadd.s32 @!p0 $0xFFFFE000  }
0x35: {  	v33 =	vld [tilespmem:s14+$0x16C00]  }
0x36: {  	v34 =	vld [tilespmem:s14+$0x16C10]  }
0x37: {  	v35 =	vld [tilespmem:s14+$0x16C20]  }
0x38: {  	s10 =	simm.s32 $0x6600;
	s1 =	sshll.u32 s31, $0x2;
	s0 =	simm.s32 $0xF;
	v36 =	vld [tilespmem:s14+$0x16C30]  }
.LBB2_3:
0x39: {  	s5 =	sadd.s32 $0xFFFFFFF1, s0  }
0x3a: {  	v37 =	vmov s5  }
0x3b: {  	v37 =	vshrl.u32 v37, $0x3  }
0x3c: {  	v37 =	vshll.u32 v37, v1  }
0x3d: {  	v38 =	vld [tilespmem:s10+$0xFFFFFE00];
	v37 =	vbroadcast v37, $0x0;
	_ =	sdelay $0x1  }
0x3e: {  	v39 =	vadd.s32 v0, v37;
	_ =	sdelay $0x2  }
0x3f: {  	v38 =	vadd.f32 v38, v33;
	_ =	sdelay $0x1  }
0x40: {  	[tilespmem:v39+s17+$0x0] =	vst.idx.msk $0xffff, v38  }
0x41: {  	v38 =	vld [tilespmem:s10+$0xFFFFFE10];
	_ =	sdelay $0x1  }
0x42: {  	v53 =	vadd.s32 v2, v37;
	_ =	sdelay $0x2  }
0x43: {  	v38 =	vadd.f32 v38, v34;
	_ =	sdelay $0x1  }
0x44: {  	[tilespmem:v53+s17+$0x0] =	vst.idx.msk $0xffff, v38  }
0x45: {  	v38 =	vld [tilespmem:s10+$0xFFFFFE20];
	_ =	sdelay $0x1  }
0x46: {  	v54 =	vadd.s32 v3, v37;
	_ =	sdelay $0x2  }
0x47: {  	v38 =	vadd.f32 v38, v35;
	_ =	sdelay $0x1  }
0x48: {  	[tilespmem:v54+s17+$0x0] =	vst.idx.msk $0xffff, v38  }
0x49: {  	v38 =	vld [tilespmem:s10+$0xFFFFFE30];
	_ =	sdelay $0x1  }
0x4a: {  	v37 =	vadd.s32 v4, v37;
	_ =	sdelay $0x1  }
0x4b: {  	s12 =	sadd.s32 $0xFFFFFFF2, s0  }
0x4c: {  	v55 =	vmov s12;
	v38 =	vadd.f32 v38, v36  }
0x4d: {  	v39 =	vshrl.u32 v55, $0x3  }
0x4e: {  	v56 =	vshll.u32 v39, v1;
	[tilespmem:v37+s17+$0x0] =	vst.idx.msk $0xffff, v38  }
0x4f: {  	v37 =	vbroadcast v56, $0x0;
	v38 =	vld [tilespmem:s10+$0xFFFFFE40];
	_ =	sdelay $0x1  }
0x50: {  	v57 =	vadd.s32 v5, v37;
	_ =	sdelay $0x2  }
0x51: {  	v38 =	vadd.f32 v38, v33;
	_ =	sdelay $0x1  }
0x52: {  	[tilespmem:v57+s17+$0x0] =	vst.idx.msk $0xffff, v38  }
0x53: {  	v38 =	vld [tilespmem:s10+$0xFFFFFE50];
	_ =	sdelay $0x1  }
0x54: {  	v58 =	vadd.s32 v6, v37;
	_ =	sdelay $0x2  }
0x55: {  	v38 =	vadd.f32 v38, v34;
	_ =	sdelay $0x1  }
0x56: {  	[tilespmem:v58+s17+$0x0] =	vst.idx.msk $0xffff, v38  }
0x57: {  	v38 =	vld [tilespmem:s10+$0xFFFFFE60];
	_ =	sdelay $0x1  }
0x58: {  	v59 =	vadd.s32 v7, v37;
	_ =	sdelay $0x2  }
0x59: {  	v38 =	vadd.f32 v38, v35;
	_ =	sdelay $0x1  }
0x5a: {  	[tilespmem:v59+s17+$0x0] =	vst.idx.msk $0xffff, v38  }
0x5b: {  	v38 =	vld [tilespmem:s10+$0xFFFFFE70];
	_ =	sdelay $0x1  }
0x5c: {  	v37 =	vadd.s32 v8, v37;
	_ =	sdelay $0x1  }
0x5d: {  	s14 =	sadd.s32 $0xFFFFFFF3, s0  }
0x5e: {  	v60 =	vmov s14;
	v38 =	vadd.f32 v38, v36  }
0x5f: {  	v39 =	vshrl.u32 v60, $0x3  }
0x60: {  	v61 =	vshll.u32 v39, v1;
	[tilespmem:v37+s17+$0x0] =	vst.idx.msk $0xffff, v38  }
0x61: {  	v37 =	vbroadcast v61, $0x0;
	v38 =	vld [tilespmem:s10+$0xFFFFFE80];
	_ =	sdelay $0x1  }
0x62: {  	v62 =	vadd.s32 v9, v37;
	_ =	sdelay $0x2  }
0x63: {  	v38 =	vadd.f32 v38, v33;
	_ =	sdelay $0x1  }
0x64: {  	[tilespmem:v62+s17+$0x0] =	vst.idx.msk $0xffff, v38  }
0x65: {  	v38 =	vld [tilespmem:s10+$0xFFFFFE90];
	_ =	sdelay $0x1  }
0x66: {  	v63 =	vadd.s32 v10, v37;
	_ =	sdelay $0x2  }
0x67: {  	v38 =	vadd.f32 v38, v34;
	_ =	sdelay $0x1  }
0x68: {  	[tilespmem:v63+s17+$0x0] =	vst.idx.msk $0xffff, v38  }
0x69: {  	v38 =	vld [tilespmem:s10+$0xFFFFFEA0];
	_ =	sdelay $0x1  }
0x6a: {  	v42 =	vadd.s32 v11, v37;
	_ =	sdelay $0x2  }
0x6b: {  	v38 =	vadd.f32 v38, v35;
	_ =	sdelay $0x1  }
0x6c: {  	[tilespmem:v42+s17+$0x0] =	vst.idx.msk $0xffff, v38  }
0x6d: {  	v38 =	vld [tilespmem:s10+$0xFFFFFEB0];
	_ =	sdelay $0x1  }
0x6e: {  	v37 =	vadd.s32 v12, v37;
	_ =	sdelay $0x1  }
0x6f: {  	s6 =	sadd.s32 $0xFFFFFFF4, s0  }
0x70: {  	v43 =	vmov s6;
	v38 =	vadd.f32 v38, v36  }
0x71: {  	v39 =	vshrl.u32 v43, $0x3  }
0x72: {  	v44 =	vshll.u32 v39, v1;
	[tilespmem:v37+s17+$0x0] =	vst.idx.msk $0xffff, v38  }
0x73: {  	v37 =	vbroadcast v44, $0x0;
	v38 =	vld [tilespmem:s10+$0xFFFFFEC0];
	_ =	sdelay $0x1  }
0x74: {  	v45 =	vadd.s32 v13, v37;
	_ =	sdelay $0x2  }
0x75: {  	v38 =	vadd.f32 v38, v33;
	_ =	sdelay $0x1  }
0x76: {  	[tilespmem:v45+s17+$0x0] =	vst.idx.msk $0xffff, v38  }
0x77: {  	v38 =	vld [tilespmem:s10+$0xFFFFFED0];
	_ =	sdelay $0x1  }
0x78: {  	v46 =	vadd.s32 v14, v37;
	_ =	sdelay $0x2  }
0x79: {  	v38 =	vadd.f32 v38, v34;
	_ =	sdelay $0x1  }
0x7a: {  	[tilespmem:v46+s17+$0x0] =	vst.idx.msk $0xffff, v38  }
0x7b: {  	v38 =	vld [tilespmem:s10+$0xFFFFFEE0];
	_ =	sdelay $0x1  }
0x7c: {  	v47 =	vadd.s32 v15, v37;
	_ =	sdelay $0x2  }
0x7d: {  	v38 =	vadd.f32 v38, v35;
	_ =	sdelay $0x1  }
0x7e: {  	[tilespmem:v47+s17+$0x0] =	vst.idx.msk $0xffff, v38  }
0x7f: {  	v38 =	vld [tilespmem:s10+$0xFFFFFEF0];
	_ =	sdelay $0x1  }
0x80: {  	v37 =	vadd.s32 v16, v37;
	_ =	sdelay $0x1  }
0x81: {  	s8 =	sadd.s32 $0xFFFFFFF5, s0  }
0x82: {  	v48 =	vmov s8;
	v38 =	vadd.f32 v38, v36  }
0x83: {  	v39 =	vshrl.u32 v48, $0x3  }
0x84: {  	v49 =	vshll.u32 v39, v1;
	[tilespmem:v37+s17+$0x0] =	vst.idx.msk $0xffff, v38  }
0x85: {  	v37 =	vbroadcast v49, $0x0;
	v38 =	vld [tilespmem:s10+$0xFFFFFF00];
	_ =	sdelay $0x1  }
0x86: {  	v50 =	vadd.s32 v17, v37;
	_ =	sdelay $0x2  }
0x87: {  	v38 =	vadd.f32 v38, v33;
	_ =	sdelay $0x1  }
0x88: {  	[tilespmem:v50+s17+$0x0] =	vst.idx.msk $0xffff, v38  }
0x89: {  	v38 =	vld [tilespmem:s10+$0xFFFFFF10];
	_ =	sdelay $0x1  }
0x8a: {  	v51 =	vadd.s32 v18, v37;
	_ =	sdelay $0x2  }
0x8b: {  	v38 =	vadd.f32 v38, v34;
	_ =	sdelay $0x1  }
0x8c: {  	[tilespmem:v51+s17+$0x0] =	vst.idx.msk $0xffff, v38  }
0x8d: {  	v38 =	vld [tilespmem:s10+$0xFFFFFF20];
	_ =	sdelay $0x1  }
0x8e: {  	v52 =	vadd.s32 v19, v37;
	_ =	sdelay $0x2  }
0x8f: {  	v38 =	vadd.f32 v38, v35;
	_ =	sdelay $0x1  }
0x90: {  	[tilespmem:v52+s17+$0x0] =	vst.idx.msk $0xffff, v38  }
0x91: {  	v38 =	vld [tilespmem:s10+$0xFFFFFF30];
	_ =	sdelay $0x1  }
0x92: {  	v37 =	vadd.s32 v20, v37;
	_ =	sdelay $0x1  }
0x93: {  	s12 =	sadd.s32 $0xFFFFFFF6, s0  }
0x94: {  	v53 =	vmov s12;
	v38 =	vadd.f32 v38, v36  }
0x95: {  	v39 =	vshrl.u32 v53, $0x3  }
0x96: {  	v54 =	vshll.u32 v39, v1;
	[tilespmem:v37+s17+$0x0] =	vst.idx.msk $0xffff, v38  }
0x97: {  	v37 =	vbroadcast v54, $0x0;
	v38 =	vld [tilespmem:s10+$0xFFFFFF40];
	_ =	sdelay $0x1  }
0x98: {  	v55 =	vadd.s32 v21, v37;
	_ =	sdelay $0x2  }
0x99: {  	v38 =	vadd.f32 v38, v33;
	_ =	sdelay $0x1  }
0x9a: {  	[tilespmem:v55+s17+$0x0] =	vst.idx.msk $0xffff, v38  }
0x9b: {  	v38 =	vld [tilespmem:s10+$0xFFFFFF50];
	_ =	sdelay $0x1  }
0x9c: {  	v56 =	vadd.s32 v22, v37;
	_ =	sdelay $0x2  }
0x9d: {  	v38 =	vadd.f32 v38, v34;
	_ =	sdelay $0x1  }
0x9e: {  	[tilespmem:v56+s17+$0x0] =	vst.idx.msk $0xffff, v38  }
0x9f: {  	v38 =	vld [tilespmem:s10+$0xFFFFFF60];
	_ =	sdelay $0x1  }
0xa0: {  	v57 =	vadd.s32 v23, v37;
	_ =	sdelay $0x2  }
0xa1: {  	v38 =	vadd.f32 v38, v35;
	_ =	sdelay $0x1  }
0xa2: {  	[tilespmem:v57+s17+$0x0] =	vst.idx.msk $0xffff, v38  }
0xa3: {  	v38 =	vld [tilespmem:s10+$0xFFFFFF70];
	_ =	sdelay $0x1  }
0xa4: {  	v37 =	vadd.s32 v24, v37;
	_ =	sdelay $0x1  }
0xa5: {  	s14 =	sadd.s32 $0xFFFFFFF7, s0  }
0xa6: {  	v58 =	vmov s14;
	v38 =	vadd.f32 v38, v36  }
0xa7: {  	v39 =	vshrl.u32 v58, $0x3  }
0xa8: {  	v59 =	vshll.u32 v39, v1;
	[tilespmem:v37+s17+$0x0] =	vst.idx.msk $0xffff, v38  }
0xa9: {  	v37 =	vbroadcast v59, $0x0;
	v38 =	vld [tilespmem:s10+$0xFFFFFF80];
	_ =	sdelay $0x1  }
0xaa: {  	v60 =	vadd.s32 v25, v37;
	_ =	sdelay $0x2  }
0xab: {  	v38 =	vadd.f32 v38, v33;
	_ =	sdelay $0x1  }
0xac: {  	[tilespmem:v60+s17+$0x0] =	vst.idx.msk $0xffff, v38  }
0xad: {  	v38 =	vld [tilespmem:s10+$0xFFFFFF90];
	_ =	sdelay $0x1  }
0xae: {  	v61 =	vadd.s32 v26, v37;
	_ =	sdelay $0x2  }
0xaf: {  	v38 =	vadd.f32 v38, v34;
	_ =	sdelay $0x1  }
0xb0: {  	[tilespmem:v61+s17+$0x0] =	vst.idx.msk $0xffff, v38  }
0xb1: {  	v38 =	vld [tilespmem:s10+$0xFFFFFFA0];
	_ =	sdelay $0x1  }
0xb2: {  	v62 =	vadd.s32 v27, v37;
	_ =	sdelay $0x2  }
0xb3: {  	v38 =	vadd.f32 v38, v35;
	_ =	sdelay $0x1  }
0xb4: {  	[tilespmem:v62+s17+$0x0] =	vst.idx.msk $0xffff, v38  }
0xb5: {  	v38 =	vld [tilespmem:s10+$0xFFFFFFB0];
	_ =	sdelay $0x1  }
0xb6: {  	v37 =	vadd.s32 v28, v37;
	_ =	sdelay $0x1  }
0xb7: {  	s6 =	sadd.s32 $0xFFFFFFF8, s0  }
0xb8: {  	v63 =	vmov s6;
	v38 =	vadd.f32 v38, v36  }
0xb9: {  	v39 =	vshrl.u32 v63, $0x3  }
0xba: {  	v42 =	vshll.u32 v39, v1;
	[tilespmem:v37+s17+$0x0] =	vst.idx.msk $0xffff, v38  }
0xbb: {  	v37 =	vbroadcast v42, $0x0;
	v38 =	vld [tilespmem:s10+$0xFFFFFFC0];
	_ =	sdelay $0x1  }
0xbc: {  	v43 =	vadd.s32 v29, v37;
	_ =	sdelay $0x2  }
0xbd: {  	v38 =	vadd.f32 v38, v33;
	_ =	sdelay $0x1  }
0xbe: {  	[tilespmem:v43+s17+$0x0] =	vst.idx.msk $0xffff, v38  }
0xbf: {  	v38 =	vld [tilespmem:s10+$0xFFFFFFD0];
	_ =	sdelay $0x1  }
0xc0: {  	v44 =	vadd.s32 v30, v37;
	_ =	sdelay $0x2  }
0xc1: {  	v38 =	vadd.f32 v38, v34;
	_ =	sdelay $0x1  }
0xc2: {  	[tilespmem:v44+s17+$0x0] =	vst.idx.msk $0xffff, v38  }
0xc3: {  	v38 =	vld [tilespmem:s10+$0xFFFFFFE0];
	_ =	sdelay $0x1  }
0xc4: {  	v45 =	vadd.s32 v31, v37;
	_ =	sdelay $0x2  }
0xc5: {  	v38 =	vadd.f32 v38, v35;
	_ =	sdelay $0x1  }
0xc6: {  	[tilespmem:v45+s17+$0x0] =	vst.idx.msk $0xffff, v38  }
0xc7: {  	v38 =	vld [tilespmem:s10+$0xFFFFFFF0];
	_ =	sdelay $0x1  }
0xc8: {  	v37 =	vadd.s32 v32, v37;
	_ =	sdelay $0x1  }
0xc9: {  	s8 =	sadd.s32 $0xFFFFFFF9, s0  }
0xca: {  	v46 =	vmov s8;
	v38 =	vadd.f32 v38, v36  }
0xcb: {  	v39 =	vshrl.u32 v46, $0x3  }
0xcc: {  	v47 =	vshll.u32 v39, v1;
	[tilespmem:v37+s17+$0x0] =	vst.idx.msk $0xffff, v38  }
0xcd: {  	v37 =	vbroadcast v47, $0x0;
	v38 =	vld [tilespmem:s10+$0x0];
	_ =	sdelay $0x1  }
0xce: {  	v48 =	vadd.s32 v0, v37;
	_ =	sdelay $0x2  }
0xcf: {  	v38 =	vadd.f32 v38, v33;
	_ =	sdelay $0x1  }
0xd0: {  	[tilespmem:v48+s17+$0x0] =	vst.idx.msk $0xffff, v38  }
0xd1: {  	v38 =	vld [tilespmem:s10+$0x10];
	_ =	sdelay $0x1  }
0xd2: {  	v49 =	vadd.s32 v2, v37;
	_ =	sdelay $0x2  }
0xd3: {  	v38 =	vadd.f32 v38, v34;
	_ =	sdelay $0x1  }
0xd4: {  	[tilespmem:v49+s17+$0x0] =	vst.idx.msk $0xffff, v38  }
0xd5: {  	v38 =	vld [tilespmem:s10+$0x20];
	_ =	sdelay $0x1  }
0xd6: {  	v50 =	vadd.s32 v3, v37;
	_ =	sdelay $0x2  }
0xd7: {  	v38 =	vadd.f32 v38, v35;
	_ =	sdelay $0x1  }
0xd8: {  	[tilespmem:v50+s17+$0x0] =	vst.idx.msk $0xffff, v38  }
0xd9: {  	v38 =	vld [tilespmem:s10+$0x30];
	_ =	sdelay $0x1  }
0xda: {  	v37 =	vadd.s32 v4, v37;
	_ =	sdelay $0x1  }
0xdb: {  	s12 =	sadd.s32 $0xFFFFFFFA, s0  }
0xdc: {  	v51 =	vmov s12;
	v38 =	vadd.f32 v38, v36  }
0xdd: {  	v39 =	vshrl.u32 v51, $0x3  }
0xde: {  	v52 =	vshll.u32 v39, v1;
	[tilespmem:v37+s17+$0x0] =	vst.idx.msk $0xffff, v38  }
0xdf: {  	v37 =	vbroadcast v52, $0x0;
	v38 =	vld [tilespmem:s10+$0x40];
	_ =	sdelay $0x1  }
0xe0: {  	v53 =	vadd.s32 v5, v37;
	_ =	sdelay $0x2  }
0xe1: {  	v38 =	vadd.f32 v38, v33;
	_ =	sdelay $0x1  }
0xe2: {  	[tilespmem:v53+s17+$0x0] =	vst.idx.msk $0xffff, v38  }
0xe3: {  	v38 =	vld [tilespmem:s10+$0x50];
	_ =	sdelay $0x1  }
0xe4: {  	v54 =	vadd.s32 v6, v37;
	_ =	sdelay $0x2  }
0xe5: {  	v38 =	vadd.f32 v38, v34;
	_ =	sdelay $0x1  }
0xe6: {  	[tilespmem:v54+s17+$0x0] =	vst.idx.msk $0xffff, v38  }
0xe7: {  	v38 =	vld [tilespmem:s10+$0x60];
	_ =	sdelay $0x1  }
0xe8: {  	v55 =	vadd.s32 v7, v37;
	_ =	sdelay $0x2  }
0xe9: {  	v38 =	vadd.f32 v38, v35;
	_ =	sdelay $0x1  }
0xea: {  	[tilespmem:v55+s17+$0x0] =	vst.idx.msk $0xffff, v38  }
0xeb: {  	v38 =	vld [tilespmem:s10+$0x70];
	_ =	sdelay $0x1  }
0xec: {  	v37 =	vadd.s32 v8, v37;
	_ =	sdelay $0x1  }
0xed: {  	s14 =	sadd.s32 $0xFFFFFFFB, s0  }
0xee: {  	v56 =	vmov s14;
	v38 =	vadd.f32 v38, v36  }
0xef: {  	v39 =	vshrl.u32 v56, $0x3  }
0xf0: {  	v57 =	vshll.u32 v39, v1;
	[tilespmem:v37+s17+$0x0] =	vst.idx.msk $0xffff, v38  }
0xf1: {  	v37 =	vbroadcast v57, $0x0;
	v38 =	vld [tilespmem:s10+$0x80];
	_ =	sdelay $0x1  }
0xf2: {  	v58 =	vadd.s32 v9, v37;
	_ =	sdelay $0x2  }
0xf3: {  	v38 =	vadd.f32 v38, v33;
	_ =	sdelay $0x1  }
0xf4: {  	[tilespmem:v58+s17+$0x0] =	vst.idx.msk $0xffff, v38  }
0xf5: {  	v38 =	vld [tilespmem:s10+$0x90];
	_ =	sdelay $0x1  }
0xf6: {  	v59 =	vadd.s32 v10, v37;
	_ =	sdelay $0x2  }
0xf7: {  	v38 =	vadd.f32 v38, v34;
	_ =	sdelay $0x1  }
0xf8: {  	[tilespmem:v59+s17+$0x0] =	vst.idx.msk $0xffff, v38  }
0xf9: {  	v38 =	vld [tilespmem:s10+$0xA0];
	_ =	sdelay $0x1  }
0xfa: {  	v60 =	vadd.s32 v11, v37;
	_ =	sdelay $0x2  }
0xfb: {  	v38 =	vadd.f32 v38, v35;
	_ =	sdelay $0x1  }
0xfc: {  	[tilespmem:v60+s17+$0x0] =	vst.idx.msk $0xffff, v38  }
0xfd: {  	v38 =	vld [tilespmem:s10+$0xB0];
	_ =	sdelay $0x1  }
0xfe: {  	v37 =	vadd.s32 v12, v37;
	_ =	sdelay $0x1  }
0xff: {  	s6 =	sadd.s32 $0xFFFFFFFC, s0  }
0x100: {  	v61 =	vmov s6;
	v38 =	vadd.f32 v38, v36  }
0x101: {  	v39 =	vshrl.u32 v61, $0x3  }
0x102: {  	v62 =	vshll.u32 v39, v1;
	[tilespmem:v37+s17+$0x0] =	vst.idx.msk $0xffff, v38  }
0x103: {  	v37 =	vbroadcast v62, $0x0;
	v38 =	vld [tilespmem:s10+$0xC0];
	_ =	sdelay $0x1  }
0x104: {  	v63 =	vadd.s32 v13, v37;
	_ =	sdelay $0x2  }
0x105: {  	v38 =	vadd.f32 v38, v33;
	_ =	sdelay $0x1  }
0x106: {  	[tilespmem:v63+s17+$0x0] =	vst.idx.msk $0xffff, v38  }
0x107: {  	v38 =	vld [tilespmem:s10+$0xD0];
	_ =	sdelay $0x1  }
0x108: {  	v42 =	vadd.s32 v14, v37;
	_ =	sdelay $0x2  }
0x109: {  	v38 =	vadd.f32 v38, v34;
	_ =	sdelay $0x1  }
0x10a: {  	[tilespmem:v42+s17+$0x0] =	vst.idx.msk $0xffff, v38  }
0x10b: {  	v38 =	vld [tilespmem:s10+$0xE0];
	_ =	sdelay $0x1  }
0x10c: {  	v43 =	vadd.s32 v15, v37;
	_ =	sdelay $0x2  }
0x10d: {  	v38 =	vadd.f32 v38, v35;
	_ =	sdelay $0x1  }
0x10e: {  	[tilespmem:v43+s17+$0x0] =	vst.idx.msk $0xffff, v38  }
0x10f: {  	v38 =	vld [tilespmem:s10+$0xF0];
	_ =	sdelay $0x1  }
0x110: {  	v37 =	vadd.s32 v16, v37;
	_ =	sdelay $0x1  }
0x111: {  	s8 =	sadd.s32 $0xFFFFFFFD, s0  }
0x112: {  	v44 =	vmov s8;
	v38 =	vadd.f32 v38, v36  }
0x113: {  	v39 =	vshrl.u32 v44, $0x3  }
0x114: {  	v45 =	vshll.u32 v39, v1;
	[tilespmem:v37+s17+$0x0] =	vst.idx.msk $0xffff, v38  }
0x115: {  	v37 =	vbroadcast v45, $0x0;
	v38 =	vld [tilespmem:s10+$0x100];
	_ =	sdelay $0x1  }
0x116: {  	v46 =	vadd.s32 v17, v37;
	_ =	sdelay $0x2  }
0x117: {  	v38 =	vadd.f32 v38, v33;
	_ =	sdelay $0x1  }
0x118: {  	[tilespmem:v46+s17+$0x0] =	vst.idx.msk $0xffff, v38  }
0x119: {  	v38 =	vld [tilespmem:s10+$0x110];
	_ =	sdelay $0x1  }
0x11a: {  	v47 =	vadd.s32 v18, v37;
	_ =	sdelay $0x2  }
0x11b: {  	v38 =	vadd.f32 v38, v34;
	_ =	sdelay $0x1  }
0x11c: {  	[tilespmem:v47+s17+$0x0] =	vst.idx.msk $0xffff, v38  }
0x11d: {  	v38 =	vld [tilespmem:s10+$0x120];
	_ =	sdelay $0x1  }
0x11e: {  	v48 =	vadd.s32 v19, v37;
	_ =	sdelay $0x2  }
0x11f: {  	v38 =	vadd.f32 v38, v35;
	_ =	sdelay $0x1  }
0x120: {  	[tilespmem:v48+s17+$0x0] =	vst.idx.msk $0xffff, v38  }
0x121: {  	v38 =	vld [tilespmem:s10+$0x130];
	_ =	sdelay $0x1  }
0x122: {  	v37 =	vadd.s32 v20, v37;
	_ =	sdelay $0x1  }
0x123: {  	s12 =	sadd.s32 $0xFFFFFFFE, s0  }
0x124: {  	v49 =	vmov s12;
	v38 =	vadd.f32 v38, v36  }
0x125: {  	v39 =	vshrl.u32 v49, $0x3  }
0x126: {  	v50 =	vshll.u32 v39, v1;
	[tilespmem:v37+s17+$0x0] =	vst.idx.msk $0xffff, v38  }
0x127: {  	v37 =	vbroadcast v50, $0x0;
	v38 =	vld [tilespmem:s10+$0x140];
	_ =	sdelay $0x1  }
0x128: {  	v51 =	vadd.s32 v21, v37;
	_ =	sdelay $0x2  }
0x129: {  	v38 =	vadd.f32 v38, v33;
	_ =	sdelay $0x1  }
0x12a: {  	[tilespmem:v51+s17+$0x0] =	vst.idx.msk $0xffff, v38  }
0x12b: {  	v38 =	vld [tilespmem:s10+$0x150];
	_ =	sdelay $0x1  }
0x12c: {  	v52 =	vadd.s32 v22, v37;
	_ =	sdelay $0x2  }
0x12d: {  	v38 =	vadd.f32 v38, v34;
	_ =	sdelay $0x1  }
0x12e: {  	[tilespmem:v52+s17+$0x0] =	vst.idx.msk $0xffff, v38  }
0x12f: {  	v38 =	vld [tilespmem:s10+$0x160];
	_ =	sdelay $0x1  }
0x130: {  	v53 =	vadd.s32 v23, v37;
	_ =	sdelay $0x2  }
0x131: {  	v38 =	vadd.f32 v38, v35;
	_ =	sdelay $0x1  }
0x132: {  	[tilespmem:v53+s17+$0x0] =	vst.idx.msk $0xffff, v38  }
0x133: {  	v38 =	vld [tilespmem:s10+$0x170];
	_ =	sdelay $0x1  }
0x134: {  	v37 =	vadd.s32 v24, v37;
	_ =	sdelay $0x1  }
0x135: {  	s14 =	sadd.s32 $0xFFFFFFFF, s0  }
0x136: {  	v54 =	vmov s14;
	v38 =	vadd.f32 v38, v36  }
0x137: {  	v39 =	vshrl.u32 v54, $0x3  }
0x138: {  	v55 =	vshll.u32 v39, v1;
	[tilespmem:v37+s17+$0x0] =	vst.idx.msk $0xffff, v38  }
0x139: {  	v37 =	vbroadcast v55, $0x0;
	v38 =	vld [tilespmem:s10+$0x180];
	_ =	sdelay $0x1  }
0x13a: {  	v56 =	vadd.s32 v25, v37;
	_ =	sdelay $0x2  }
0x13b: {  	v38 =	vadd.f32 v38, v33;
	_ =	sdelay $0x1  }
0x13c: {  	[tilespmem:v56+s17+$0x0] =	vst.idx.msk $0xffff, v38  }
0x13d: {  	v38 =	vld [tilespmem:s10+$0x190];
	_ =	sdelay $0x1  }
0x13e: {  	v57 =	vadd.s32 v26, v37;
	_ =	sdelay $0x2  }
0x13f: {  	v38 =	vadd.f32 v38, v34;
	_ =	sdelay $0x1  }
0x140: {  	[tilespmem:v57+s17+$0x0] =	vst.idx.msk $0xffff, v38  }
0x141: {  	v38 =	vld [tilespmem:s10+$0x1A0];
	_ =	sdelay $0x1  }
0x142: {  	v58 =	vadd.s32 v27, v37;
	_ =	sdelay $0x2  }
0x143: {  	v38 =	vadd.f32 v38, v35;
	_ =	sdelay $0x1  }
0x144: {  	[tilespmem:v58+s17+$0x0] =	vst.idx.msk $0xffff, v38  }
0x145: {  	v38 =	vld [tilespmem:s10+$0x1B0];
	_ =	sdelay $0x1  }
0x146: {  	v37 =	vadd.s32 v28, v37;
	_ =	sdelay $0x2  }
0x147: {  	v59 =	vmov s0;
	v38 =	vadd.f32 v38, v36  }
0x148: {  	v39 =	vshrl.u32 v59, $0x3  }
0x149: {  	v60 =	vshll.u32 v39, v1;
	[tilespmem:v37+s17+$0x0] =	vst.idx.msk $0xffff, v38  }
0x14a: {  	v37 =	vbroadcast v60, $0x0;
	v38 =	vld [tilespmem:s10+$0x1C0];
	_ =	sdelay $0x1  }
0x14b: {  	v61 =	vadd.s32 v29, v37;
	_ =	sdelay $0x2  }
0x14c: {  	v38 =	vadd.f32 v38, v33;
	_ =	sdelay $0x1  }
0x14d: {  	[tilespmem:v61+s17+$0x0] =	vst.idx.msk $0xffff, v38  }
0x14e: {  	v38 =	vld [tilespmem:s10+$0x1D0];
	_ =	sdelay $0x1  }
0x14f: {  	v62 =	vadd.s32 v30, v37;
	_ =	sdelay $0x2  }
0x150: {  	v38 =	vadd.f32 v38, v34;
	_ =	sdelay $0x1  }
0x151: {  	[tilespmem:v62+s17+$0x0] =	vst.idx.msk $0xffff, v38  }
0x152: {  	v38 =	vld [tilespmem:s10+$0x1E0];
	_ =	sdelay $0x1  }
0x153: {  	v63 =	vadd.s32 v31, v37;
	_ =	sdelay $0x2  }
0x154: {  	v38 =	vadd.f32 v38, v35;
	_ =	sdelay $0x1  }
0x155: {  	[tilespmem:v63+s17+$0x0] =	vst.idx.msk $0xffff, v38  }
0x156: {  	v38 =	vld [tilespmem:s10+$0x1F0];
	_ =	sdelay $0x1  }
0x157: {  	p1 =	sne.s32 s0, $0x7F;
	v37 =	vadd.s32 v32, v37  }
.Ltmp2:
0x158: {  	_ = 	snop;
	(pc) =	sbr.rel @p1 .LBB2_3-.Ltmp2, $3  }
0x159: {  	_ = 	snop  }
0x15a: {  	v38 =	vadd.f32 v38, v36;
	_ =	sdelay $0x1  }
0x15b: {  	s0 =	sadd.s32 $0x10, s0;
	s10 =	sadd.s32 $0x400, s10;
	[tilespmem:v37+s17+$0x0] =	vst.idx.msk $0xffff, v38  }
0x15c: {  	s0 =	sshll.u32 s31, $0x14  }
0x15d: {  	s0 =	sor.u32 s7, s0  }
0x15e: {  	s0 =	sshrl.u32 s0, $0x3  }
0x15f: {  	s8 =	simm.s32 $0xE400;
	s6 =	sadd.s32 s2, s0  }
0x160: {  	[hbm4b:s6+s3] =	stream.linear.scatter [tilespmem:s8], [sflag:$0x5], $0x80, $0x38;
	[tilespmem:$0x19E00] =	vst v63  }
0x161: {  	s10 =	simm.s32 $0xE488;
	s5 =	sadd.s32 $0x10, s6  }
0x162: {  	[hbm4b:s5+s3] =	stream.linear.scatter [tilespmem:s10], [sflag:$0x5], $0x80, $0x38;
	[tilespmem:$0x19E00] =	vst v63  }
0x163: {  	s12 =	simm.s32 $0xE510;
	s14 =	sadd.s32 $0x20, s6  }
0x164: {  	[hbm4b:s14+s3] =	stream.linear.scatter [tilespmem:s12], [sflag:$0x5], $0x80, $0x38;
	[tilespmem:$0x19E00] =	vst v63  }
0x165: {  	s8 =	simm.s32 $0xE598;
	s10 =	sadd.s32 $0x30, s6  }
0x166: {  	[hbm4b:s10+s3] =	stream.linear.scatter [tilespmem:s8], [sflag:$0x5], $0x80, $0x38;
	[tilespmem:$0x19E00] =	vst v63  }
0x167: {  	s12 =	simm.s32 $0xE620;
	s14 =	sadd.s32 $0x40, s6  }
0x168: {  	[hbm4b:s14+s3] =	stream.linear.scatter [tilespmem:s12], [sflag:$0x5], $0x80, $0x38;
	[tilespmem:$0x19E00] =	vst v63  }
0x169: {  	s0 =	simm.s32 $0x440;
	s8 =	simm.s32 $0xE6A8;
	s10 =	sadd.s32 $0x50, s6  }
0x16a: {  	[hbm4b:s10+s3] =	stream.linear.scatter [tilespmem:s8], [sflag:$0x5], $0x80, $0x38;
	[tilespmem:$0x19E00] =	vst v63  }
0x16b: {  	s5 =	sadd.s32 $0x70, s6;
	s12 =	simm.s32 $0xE730;
	s14 =	sadd.s32 $0x60, s6  }
0x16c: {  	[hbm4b:s14+s3] =	stream.linear.scatter [tilespmem:s12], [sflag:$0x5], $0x80, $0x38;
	[tilespmem:$0x19E00] =	vst v63  }
0x16d: {  	s10 =	sadd.s32 $0x1000, s6;
	s12 =	simm.s32 $0x2200;
	s14 =	simm.s32 $0xE7B8  }
.LBB2_5:
0x16e: {  	[hbm4b:s5+s3] =	stream.linear.scatter [tilespmem:s14], [sflag:$0x5], $0x80, $0x38;
	[tilespmem:$0x19E00] =	vst v63  }
0x16f: {  	s5 =	smov.u32 s0;
	s0 =	smov.u32 s12  }
0x170: {  	s6 =	sadd.s32 $0x1100, s12;
	s0 =	sshra.s32 s0, $0x2;
	s14 =	sadd.s32 $0xE400, s5  }
0x171: {  	[hbm4b:s10+s3] =	stream.linear.scatter [tilespmem:s14], [sflag:$0x5], $0x80, $0x38;
	[tilespmem:$0x19E00] =	vst v63  }
0x172: {  	p1 =	sne.s32 s12, $0x7700;
	s12 =	sadd.s32 $0xE488, s5;
	s14 =	sadd.s32 $0x10, s10  }
0x173: {  	[hbm4b:s14+s3] =	stream.linear.scatter [tilespmem:s12], [sflag:$0x5], $0x80, $0x38;
	[tilespmem:$0x19E00] =	vst v63  }
0x174: {  	s12 =	sadd.s32 $0xE510, s5;
	s14 =	sadd.s32 $0x20, s10  }
0x175: {  	[hbm4b:s14+s3] =	stream.linear.scatter [tilespmem:s12], [sflag:$0x5], $0x80, $0x38;
	[tilespmem:$0x19E00] =	vst v63  }
0x176: {  	s12 =	sadd.s32 $0xE598, s5;
	s14 =	sadd.s32 $0x30, s10  }
0x177: {  	[hbm4b:s14+s3] =	stream.linear.scatter [tilespmem:s12], [sflag:$0x5], $0x80, $0x38;
	[tilespmem:$0x19E00] =	vst v63  }
0x178: {  	s12 =	sadd.s32 $0xE620, s5;
	s14 =	sadd.s32 $0x40, s10  }
0x179: {  	[hbm4b:s14+s3] =	stream.linear.scatter [tilespmem:s12], [sflag:$0x5], $0x80, $0x38;
	[tilespmem:$0x19E00] =	vst v63  }
0x17a: {  	s12 =	sadd.s32 $0xE6A8, s5;
	s14 =	sadd.s32 $0x50, s10  }
0x17b: {  	[hbm4b:s14+s3] =	stream.linear.scatter [tilespmem:s12], [sflag:$0x5], $0x80, $0x38;
	[tilespmem:$0x19E00] =	vst v63  }
.Ltmp3:
0x17c: {  	_ = 	snop;
	(pc) =	sbr.rel @p1 .LBB2_5-.Ltmp3, $4  }
0x17d: {  	s12 =	sadd.s32 $0xE730, s5;
	s14 =	sadd.s32 $0x60, s10  }
0x17e: {  	[hbm4b:s14+s3] =	stream.linear.scatter [tilespmem:s12], [sflag:$0x5], $0x80, $0x38;
	[tilespmem:$0x19E00] =	vst v63  }
0x17f: {  	s14 =	sadd.s32 $0xE7B8, s5  }
0x180: {  	s5 =	sadd.s32 $0x70, s10;
	s10 =	sadd.s32 $0x1000, s10;
	s12 =	smov.u32 s6  }
0x181: {  	[hbm4b:s5+s3] =	stream.linear.scatter [tilespmem:s14], [sflag:$0x5], $0x80, $0x38;
	[tilespmem:$0x19E00] =	vst v63  }
0x182: {  	s6 =	sadd.s32 $0xE400, s0  }
0x183: {  	[hbm4b:s10+s3] =	stream.linear.scatter [tilespmem:s6], [sflag:$0x5], $0x80, $0x38;
	[tilespmem:$0x19E00] =	vst v63  }
0x184: {  	s8 =	sadd.s32 $0xE488, s0;
	s6 =	sadd.s32 $0x10, s10  }
0x185: {  	[hbm4b:s6+s3] =	stream.linear.scatter [tilespmem:s8], [sflag:$0x5], $0x80, $0x38;
	[tilespmem:$0x19E00] =	vst v63  }
0x186: {  	s12 =	sadd.s32 $0xE510, s0;
	s14 =	sadd.s32 $0x20, s10  }
0x187: {  	[hbm4b:s14+s3] =	stream.linear.scatter [tilespmem:s12], [sflag:$0x5], $0x80, $0x38;
	[tilespmem:$0x19E00] =	vst v63  }
0x188: {  	s6 =	sadd.s32 $0xE598, s0;
	s8 =	sadd.s32 $0x30, s10  }
0x189: {  	[hbm4b:s8+s3] =	stream.linear.scatter [tilespmem:s6], [sflag:$0x5], $0x80, $0x38;
	[tilespmem:$0x19E00] =	vst v63  }
0x18a: {  	s12 =	sadd.s32 $0xE620, s0;
	s14 =	sadd.s32 $0x40, s10  }
0x18b: {  	[hbm4b:s14+s3] =	stream.linear.scatter [tilespmem:s12], [sflag:$0x5], $0x80, $0x38;
	[tilespmem:$0x19E00] =	vst v63  }
0x18c: {  	s6 =	sadd.s32 $0xE6A8, s0;
	s8 =	sadd.s32 $0x50, s10;
	s12 =	sadd.s32 $0xE730, s0  }
0x18d: {  	[hbm4b:s8+s3] =	stream.linear.scatter [tilespmem:s6], [sflag:$0x5], $0x80, $0x38;
	[tilespmem:$0x19E00] =	vst v63  }
0x18e: {  	s14 =	sadd.s32 $0x60, s10;
	s6 =	sadd.s32 $0xE7B8, s0;
	s0 =	sor.u32 $0x3, s1  }
0x18f: {  	[hbm4b:s14+s3] =	stream.linear.scatter [tilespmem:s12], [sflag:$0x5], $0x80, $0x38;
	[tilespmem:$0x19E00] =	vst v63  }
0x190: {  	s8 =	sadd.s32 $0x70, s10;
	s10 =	sshll.u32 s0, $0x7  }
0x191: {  	[hbm4b:s8+s3] =	stream.linear.scatter [tilespmem:s6], [sflag:$0x5], $0x80, $0x38;
	[tilespmem:$0x19E00] =	vst v63  }
0x192: {  	s5 =	sand.u32 $0x3FFFFF80, s10  }
0x193: {  	[tilespmem:s18], [sflag:$0x4] =	stream.indirect.gather [hbm4b:s4+s11], $0x40, s5, s11, $0xb8;
	[tilespmem:$0x19E00] =	vst v63  }
0x194: {  	_ =	swait.ge [sflag:s19], $0x2000  }
0x195: {  	[sflag:s19] =	ssyncset.done $0x0  }
0x196: {  	s5 =	simm.s32 @!p0 $0x6;
	[sflag:s19] =	ssyncadd.s32 $0xFFFFE000  }
0x197: {  	s10 =	sor.u32 $0x1, s1;
	_ =	swait.ge @!p0 [sflag:s5], $0x2000  }
0x198: {  	s12 =	sshll.u32 s10, $0x6;
	[sflag:s5] =	ssyncset.done @!p0 $0x0  }
0x199: {  	s14 =	sand.u32 $0x3FFFFFC0, s12;
	[sflag:s5] =	ssyncadd.s32 @!p0 $0xFFFFE000  }
0x19a: {  	v33 =	vld [tilespmem:s14+$0x16C00]  }
0x19b: {  	v34 =	vld [tilespmem:s14+$0x16C10]  }
0x19c: {  	v35 =	vld [tilespmem:s14+$0x16C20]  }
0x19d: {  	s12 =	simm.s32 $0xF;
	v36 =	vld [tilespmem:s14+$0x16C30];
	s14 =	simm.s32 $0x87F0  }
.LBB2_7:
0x19e: {  	s5 =	sadd.s32 $0xFFFFFFF1, s12  }
0x19f: {  	v37 =	vmov s5  }
0x1a0: {  	v37 =	vshrl.u32 v37, $0x3  }
0x1a1: {  	v37 =	vshll.u32 v37, v1  }
0x1a2: {  	v38 =	vld [tilespmem:s14+$0xFFFFFC10];
	v37 =	vbroadcast v37, $0x0;
	_ =	sdelay $0x1  }
0x1a3: {  	v39 =	vadd.s32 v0, v37;
	_ =	sdelay $0x2  }
0x1a4: {  	v38 =	vadd.f32 v38, v33;
	_ =	sdelay $0x1  }
0x1a5: {  	[tilespmem:v39+s20+$0x0] =	vst.idx.msk $0xffff, v38  }
0x1a6: {  	v38 =	vld [tilespmem:s14+$0xFFFFFC20];
	_ =	sdelay $0x1  }
0x1a7: {  	v53 =	vadd.s32 v2, v37;
	_ =	sdelay $0x2  }
0x1a8: {  	v38 =	vadd.f32 v38, v34;
	_ =	sdelay $0x1  }
0x1a9: {  	[tilespmem:v53+s20+$0x0] =	vst.idx.msk $0xffff, v38  }
0x1aa: {  	v38 =	vld [tilespmem:s14+$0xFFFFFC30];
	_ =	sdelay $0x1  }
0x1ab: {  	v54 =	vadd.s32 v3, v37;
	_ =	sdelay $0x2  }
0x1ac: {  	v38 =	vadd.f32 v38, v35;
	_ =	sdelay $0x1  }
0x1ad: {  	[tilespmem:v54+s20+$0x0] =	vst.idx.msk $0xffff, v38  }
0x1ae: {  	v38 =	vld [tilespmem:s14+$0xFFFFFC40];
	_ =	sdelay $0x1  }
0x1af: {  	v37 =	vadd.s32 v4, v37;
	_ =	sdelay $0x1  }
0x1b0: {  	s6 =	sadd.s32 $0xFFFFFFF2, s12  }
0x1b1: {  	v55 =	vmov s6;
	v38 =	vadd.f32 v38, v36  }
0x1b2: {  	v39 =	vshrl.u32 v55, $0x3  }
0x1b3: {  	v56 =	vshll.u32 v39, v1;
	[tilespmem:v37+s20+$0x0] =	vst.idx.msk $0xffff, v38  }
0x1b4: {  	v37 =	vbroadcast v56, $0x0;
	v38 =	vld [tilespmem:s14+$0xFFFFFC50];
	_ =	sdelay $0x1  }
0x1b5: {  	v57 =	vadd.s32 v5, v37;
	_ =	sdelay $0x2  }
0x1b6: {  	v38 =	vadd.f32 v38, v33;
	_ =	sdelay $0x1  }
0x1b7: {  	[tilespmem:v57+s20+$0x0] =	vst.idx.msk $0xffff, v38  }
0x1b8: {  	v38 =	vld [tilespmem:s14+$0xFFFFFC60];
	_ =	sdelay $0x1  }
0x1b9: {  	v58 =	vadd.s32 v6, v37;
	_ =	sdelay $0x2  }
0x1ba: {  	v38 =	vadd.f32 v38, v34;
	_ =	sdelay $0x1  }
0x1bb: {  	[tilespmem:v58+s20+$0x0] =	vst.idx.msk $0xffff, v38  }
0x1bc: {  	v38 =	vld [tilespmem:s14+$0xFFFFFC70];
	_ =	sdelay $0x1  }
0x1bd: {  	v59 =	vadd.s32 v7, v37;
	_ =	sdelay $0x2  }
0x1be: {  	v38 =	vadd.f32 v38, v35;
	_ =	sdelay $0x1  }
0x1bf: {  	[tilespmem:v59+s20+$0x0] =	vst.idx.msk $0xffff, v38  }
0x1c0: {  	v38 =	vld [tilespmem:s14+$0xFFFFFC80];
	_ =	sdelay $0x1  }
0x1c1: {  	v37 =	vadd.s32 v8, v37;
	_ =	sdelay $0x1  }
0x1c2: {  	s8 =	sadd.s32 $0xFFFFFFF3, s12  }
0x1c3: {  	v60 =	vmov s8;
	v38 =	vadd.f32 v38, v36  }
0x1c4: {  	v39 =	vshrl.u32 v60, $0x3  }
0x1c5: {  	v61 =	vshll.u32 v39, v1;
	[tilespmem:v37+s20+$0x0] =	vst.idx.msk $0xffff, v38  }
0x1c6: {  	v37 =	vbroadcast v61, $0x0;
	v38 =	vld [tilespmem:s14+$0xFFFFFC90];
	_ =	sdelay $0x1  }
0x1c7: {  	v62 =	vadd.s32 v9, v37;
	_ =	sdelay $0x2  }
0x1c8: {  	v38 =	vadd.f32 v38, v33;
	_ =	sdelay $0x1  }
0x1c9: {  	[tilespmem:v62+s20+$0x0] =	vst.idx.msk $0xffff, v38  }
0x1ca: {  	v38 =	vld [tilespmem:s14+$0xFFFFFCA0];
	_ =	sdelay $0x1  }
0x1cb: {  	v63 =	vadd.s32 v10, v37;
	_ =	sdelay $0x2  }
0x1cc: {  	v38 =	vadd.f32 v38, v34;
	_ =	sdelay $0x1  }
0x1cd: {  	[tilespmem:v63+s20+$0x0] =	vst.idx.msk $0xffff, v38  }
0x1ce: {  	v38 =	vld [tilespmem:s14+$0xFFFFFCB0];
	_ =	sdelay $0x1  }
0x1cf: {  	v42 =	vadd.s32 v11, v37;
	_ =	sdelay $0x2  }
0x1d0: {  	v38 =	vadd.f32 v38, v35;
	_ =	sdelay $0x1  }
0x1d1: {  	[tilespmem:v42+s20+$0x0] =	vst.idx.msk $0xffff, v38  }
0x1d2: {  	v38 =	vld [tilespmem:s14+$0xFFFFFCC0];
	_ =	sdelay $0x1  }
0x1d3: {  	v37 =	vadd.s32 v12, v37;
	_ =	sdelay $0x1  }
0x1d4: {  	s6 =	sadd.s32 $0xFFFFFFF4, s12  }
0x1d5: {  	v43 =	vmov s6;
	v38 =	vadd.f32 v38, v36  }
0x1d6: {  	v39 =	vshrl.u32 v43, $0x3  }
0x1d7: {  	v44 =	vshll.u32 v39, v1;
	[tilespmem:v37+s20+$0x0] =	vst.idx.msk $0xffff, v38  }
0x1d8: {  	v37 =	vbroadcast v44, $0x0;
	v38 =	vld [tilespmem:s14+$0xFFFFFCD0];
	_ =	sdelay $0x1  }
0x1d9: {  	v45 =	vadd.s32 v13, v37;
	_ =	sdelay $0x2  }
0x1da: {  	v38 =	vadd.f32 v38, v33;
	_ =	sdelay $0x1  }
0x1db: {  	[tilespmem:v45+s20+$0x0] =	vst.idx.msk $0xffff, v38  }
0x1dc: {  	v38 =	vld [tilespmem:s14+$0xFFFFFCE0];
	_ =	sdelay $0x1  }
0x1dd: {  	v46 =	vadd.s32 v14, v37;
	_ =	sdelay $0x2  }
0x1de: {  	v38 =	vadd.f32 v38, v34;
	_ =	sdelay $0x1  }
0x1df: {  	[tilespmem:v46+s20+$0x0] =	vst.idx.msk $0xffff, v38  }
0x1e0: {  	v38 =	vld [tilespmem:s14+$0xFFFFFCF0];
	_ =	sdelay $0x1  }
0x1e1: {  	v47 =	vadd.s32 v15, v37;
	_ =	sdelay $0x2  }
0x1e2: {  	v38 =	vadd.f32 v38, v35;
	_ =	sdelay $0x1  }
0x1e3: {  	[tilespmem:v47+s20+$0x0] =	vst.idx.msk $0xffff, v38  }
0x1e4: {  	v38 =	vld [tilespmem:s14+$0xFFFFFD00];
	_ =	sdelay $0x1  }
0x1e5: {  	v37 =	vadd.s32 v16, v37;
	_ =	sdelay $0x1  }
0x1e6: {  	s8 =	sadd.s32 $0xFFFFFFF5, s12  }
0x1e7: {  	v48 =	vmov s8;
	v38 =	vadd.f32 v38, v36  }
0x1e8: {  	v39 =	vshrl.u32 v48, $0x3  }
0x1e9: {  	v49 =	vshll.u32 v39, v1;
	[tilespmem:v37+s20+$0x0] =	vst.idx.msk $0xffff, v38  }
0x1ea: {  	v37 =	vbroadcast v49, $0x0;
	v38 =	vld [tilespmem:s14+$0xFFFFFD10];
	_ =	sdelay $0x1  }
0x1eb: {  	v50 =	vadd.s32 v17, v37;
	_ =	sdelay $0x2  }
0x1ec: {  	v38 =	vadd.f32 v38, v33;
	_ =	sdelay $0x1  }
0x1ed: {  	[tilespmem:v50+s20+$0x0] =	vst.idx.msk $0xffff, v38  }
0x1ee: {  	v38 =	vld [tilespmem:s14+$0xFFFFFD20];
	_ =	sdelay $0x1  }
0x1ef: {  	v51 =	vadd.s32 v18, v37;
	_ =	sdelay $0x2  }
0x1f0: {  	v38 =	vadd.f32 v38, v34;
	_ =	sdelay $0x1  }
0x1f1: {  	[tilespmem:v51+s20+$0x0] =	vst.idx.msk $0xffff, v38  }
0x1f2: {  	v38 =	vld [tilespmem:s14+$0xFFFFFD30];
	_ =	sdelay $0x1  }
0x1f3: {  	v52 =	vadd.s32 v19, v37;
	_ =	sdelay $0x2  }
0x1f4: {  	v38 =	vadd.f32 v38, v35;
	_ =	sdelay $0x1  }
0x1f5: {  	[tilespmem:v52+s20+$0x0] =	vst.idx.msk $0xffff, v38  }
0x1f6: {  	v38 =	vld [tilespmem:s14+$0xFFFFFD40];
	_ =	sdelay $0x1  }
0x1f7: {  	v37 =	vadd.s32 v20, v37;
	_ =	sdelay $0x1  }
0x1f8: {  	s6 =	sadd.s32 $0xFFFFFFF6, s12  }
0x1f9: {  	v53 =	vmov s6;
	v38 =	vadd.f32 v38, v36  }
0x1fa: {  	v39 =	vshrl.u32 v53, $0x3  }
0x1fb: {  	v54 =	vshll.u32 v39, v1;
	[tilespmem:v37+s20+$0x0] =	vst.idx.msk $0xffff, v38  }
0x1fc: {  	v37 =	vbroadcast v54, $0x0;
	v38 =	vld [tilespmem:s14+$0xFFFFFD50];
	_ =	sdelay $0x1  }
0x1fd: {  	v55 =	vadd.s32 v21, v37;
	_ =	sdelay $0x2  }
0x1fe: {  	v38 =	vadd.f32 v38, v33;
	_ =	sdelay $0x1  }
0x1ff: {  	[tilespmem:v55+s20+$0x0] =	vst.idx.msk $0xffff, v38  }
0x200: {  	v38 =	vld [tilespmem:s14+$0xFFFFFD60];
	_ =	sdelay $0x1  }
0x201: {  	v56 =	vadd.s32 v22, v37;
	_ =	sdelay $0x2  }
0x202: {  	v38 =	vadd.f32 v38, v34;
	_ =	sdelay $0x1  }
0x203: {  	[tilespmem:v56+s20+$0x0] =	vst.idx.msk $0xffff, v38  }
0x204: {  	v38 =	vld [tilespmem:s14+$0xFFFFFD70];
	_ =	sdelay $0x1  }
0x205: {  	v57 =	vadd.s32 v23, v37;
	_ =	sdelay $0x2  }
0x206: {  	v38 =	vadd.f32 v38, v35;
	_ =	sdelay $0x1  }
0x207: {  	[tilespmem:v57+s20+$0x0] =	vst.idx.msk $0xffff, v38  }
0x208: {  	v38 =	vld [tilespmem:s14+$0xFFFFFD80];
	_ =	sdelay $0x1  }
0x209: {  	v37 =	vadd.s32 v24, v37;
	_ =	sdelay $0x1  }
0x20a: {  	s8 =	sadd.s32 $0xFFFFFFF7, s12  }
0x20b: {  	v58 =	vmov s8;
	v38 =	vadd.f32 v38, v36  }
0x20c: {  	v39 =	vshrl.u32 v58, $0x3  }
0x20d: {  	v59 =	vshll.u32 v39, v1;
	[tilespmem:v37+s20+$0x0] =	vst.idx.msk $0xffff, v38  }
0x20e: {  	v37 =	vbroadcast v59, $0x0;
	v38 =	vld [tilespmem:s14+$0xFFFFFD90];
	_ =	sdelay $0x1  }
0x20f: {  	v60 =	vadd.s32 v25, v37;
	_ =	sdelay $0x2  }
0x210: {  	v38 =	vadd.f32 v38, v33;
	_ =	sdelay $0x1  }
0x211: {  	[tilespmem:v60+s20+$0x0] =	vst.idx.msk $0xffff, v38  }
0x212: {  	v38 =	vld [tilespmem:s14+$0xFFFFFDA0];
	_ =	sdelay $0x1  }
0x213: {  	v61 =	vadd.s32 v26, v37;
	_ =	sdelay $0x2  }
0x214: {  	v38 =	vadd.f32 v38, v34;
	_ =	sdelay $0x1  }
0x215: {  	[tilespmem:v61+s20+$0x0] =	vst.idx.msk $0xffff, v38  }
0x216: {  	v38 =	vld [tilespmem:s14+$0xFFFFFDB0];
	_ =	sdelay $0x1  }
0x217: {  	v62 =	vadd.s32 v27, v37;
	_ =	sdelay $0x2  }
0x218: {  	v38 =	vadd.f32 v38, v35;
	_ =	sdelay $0x1  }
0x219: {  	[tilespmem:v62+s20+$0x0] =	vst.idx.msk $0xffff, v38  }
0x21a: {  	v38 =	vld [tilespmem:s14+$0xFFFFFDC0];
	_ =	sdelay $0x1  }
0x21b: {  	v37 =	vadd.s32 v28, v37;
	_ =	sdelay $0x1  }
0x21c: {  	s6 =	sadd.s32 $0xFFFFFFF8, s12  }
0x21d: {  	v63 =	vmov s6;
	v38 =	vadd.f32 v38, v36  }
0x21e: {  	v39 =	vshrl.u32 v63, $0x3  }
0x21f: {  	v42 =	vshll.u32 v39, v1;
	[tilespmem:v37+s20+$0x0] =	vst.idx.msk $0xffff, v38  }
0x220: {  	v37 =	vbroadcast v42, $0x0;
	v38 =	vld [tilespmem:s14+$0xFFFFFDD0];
	_ =	sdelay $0x1  }
0x221: {  	v43 =	vadd.s32 v29, v37;
	_ =	sdelay $0x2  }
0x222: {  	v38 =	vadd.f32 v38, v33;
	_ =	sdelay $0x1  }
0x223: {  	[tilespmem:v43+s20+$0x0] =	vst.idx.msk $0xffff, v38  }
0x224: {  	v38 =	vld [tilespmem:s14+$0xFFFFFDE0];
	_ =	sdelay $0x1  }
0x225: {  	v44 =	vadd.s32 v30, v37;
	_ =	sdelay $0x2  }
0x226: {  	v38 =	vadd.f32 v38, v34;
	_ =	sdelay $0x1  }
0x227: {  	[tilespmem:v44+s20+$0x0] =	vst.idx.msk $0xffff, v38  }
0x228: {  	v38 =	vld [tilespmem:s14+$0xFFFFFDF0];
	_ =	sdelay $0x1  }
0x229: {  	v45 =	vadd.s32 v31, v37;
	_ =	sdelay $0x2  }
0x22a: {  	v38 =	vadd.f32 v38, v35;
	_ =	sdelay $0x1  }
0x22b: {  	[tilespmem:v45+s20+$0x0] =	vst.idx.msk $0xffff, v38  }
0x22c: {  	v38 =	vld [tilespmem:s14+$0xFFFFFE00];
	_ =	sdelay $0x1  }
0x22d: {  	v37 =	vadd.s32 v32, v37;
	_ =	sdelay $0x1  }
0x22e: {  	s8 =	sadd.s32 $0xFFFFFFF9, s12  }
0x22f: {  	v46 =	vmov s8;
	v38 =	vadd.f32 v38, v36  }
0x230: {  	v39 =	vshrl.u32 v46, $0x3  }
0x231: {  	v47 =	vshll.u32 v39, v1;
	[tilespmem:v37+s20+$0x0] =	vst.idx.msk $0xffff, v38  }
0x232: {  	v37 =	vbroadcast v47, $0x0;
	v38 =	vld [tilespmem:s14+$0xFFFFFE10];
	_ =	sdelay $0x1  }
0x233: {  	v48 =	vadd.s32 v0, v37;
	_ =	sdelay $0x2  }
0x234: {  	v38 =	vadd.f32 v38, v33;
	_ =	sdelay $0x1  }
0x235: {  	[tilespmem:v48+s20+$0x0] =	vst.idx.msk $0xffff, v38  }
0x236: {  	v38 =	vld [tilespmem:s14+$0xFFFFFE20];
	_ =	sdelay $0x1  }
0x237: {  	v49 =	vadd.s32 v2, v37;
	_ =	sdelay $0x2  }
0x238: {  	v38 =	vadd.f32 v38, v34;
	_ =	sdelay $0x1  }
0x239: {  	[tilespmem:v49+s20+$0x0] =	vst.idx.msk $0xffff, v38  }
0x23a: {  	v38 =	vld [tilespmem:s14+$0xFFFFFE30];
	_ =	sdelay $0x1  }
0x23b: {  	v50 =	vadd.s32 v3, v37;
	_ =	sdelay $0x2  }
0x23c: {  	v38 =	vadd.f32 v38, v35;
	_ =	sdelay $0x1  }
0x23d: {  	[tilespmem:v50+s20+$0x0] =	vst.idx.msk $0xffff, v38  }
0x23e: {  	v38 =	vld [tilespmem:s14+$0xFFFFFE40];
	_ =	sdelay $0x1  }
0x23f: {  	v37 =	vadd.s32 v4, v37;
	_ =	sdelay $0x1  }
0x240: {  	s6 =	sadd.s32 $0xFFFFFFFA, s12  }
0x241: {  	v51 =	vmov s6;
	v38 =	vadd.f32 v38, v36  }
0x242: {  	v39 =	vshrl.u32 v51, $0x3  }
0x243: {  	v52 =	vshll.u32 v39, v1;
	[tilespmem:v37+s20+$0x0] =	vst.idx.msk $0xffff, v38  }
0x244: {  	v37 =	vbroadcast v52, $0x0;
	v38 =	vld [tilespmem:s14+$0xFFFFFE50];
	_ =	sdelay $0x1  }
0x245: {  	v53 =	vadd.s32 v5, v37;
	_ =	sdelay $0x2  }
0x246: {  	v38 =	vadd.f32 v38, v33;
	_ =	sdelay $0x1  }
0x247: {  	[tilespmem:v53+s20+$0x0] =	vst.idx.msk $0xffff, v38  }
0x248: {  	v38 =	vld [tilespmem:s14+$0xFFFFFE60];
	_ =	sdelay $0x1  }
0x249: {  	v54 =	vadd.s32 v6, v37;
	_ =	sdelay $0x2  }
0x24a: {  	v38 =	vadd.f32 v38, v34;
	_ =	sdelay $0x1  }
0x24b: {  	[tilespmem:v54+s20+$0x0] =	vst.idx.msk $0xffff, v38  }
0x24c: {  	v38 =	vld [tilespmem:s14+$0xFFFFFE70];
	_ =	sdelay $0x1  }
0x24d: {  	v55 =	vadd.s32 v7, v37;
	_ =	sdelay $0x2  }
0x24e: {  	v38 =	vadd.f32 v38, v35;
	_ =	sdelay $0x1  }
0x24f: {  	[tilespmem:v55+s20+$0x0] =	vst.idx.msk $0xffff, v38  }
0x250: {  	v38 =	vld [tilespmem:s14+$0xFFFFFE80];
	_ =	sdelay $0x1  }
0x251: {  	v37 =	vadd.s32 v8, v37;
	_ =	sdelay $0x1  }
0x252: {  	s8 =	sadd.s32 $0xFFFFFFFB, s12  }
0x253: {  	v56 =	vmov s8;
	v38 =	vadd.f32 v38, v36  }
0x254: {  	v39 =	vshrl.u32 v56, $0x3  }
0x255: {  	v57 =	vshll.u32 v39, v1;
	[tilespmem:v37+s20+$0x0] =	vst.idx.msk $0xffff, v38  }
0x256: {  	v37 =	vbroadcast v57, $0x0;
	v38 =	vld [tilespmem:s14+$0xFFFFFE90];
	_ =	sdelay $0x1  }
0x257: {  	v58 =	vadd.s32 v9, v37;
	_ =	sdelay $0x2  }
0x258: {  	v38 =	vadd.f32 v38, v33;
	_ =	sdelay $0x1  }
0x259: {  	[tilespmem:v58+s20+$0x0] =	vst.idx.msk $0xffff, v38  }
0x25a: {  	v38 =	vld [tilespmem:s14+$0xFFFFFEA0];
	_ =	sdelay $0x1  }
0x25b: {  	v59 =	vadd.s32 v10, v37;
	_ =	sdelay $0x2  }
0x25c: {  	v38 =	vadd.f32 v38, v34;
	_ =	sdelay $0x1  }
0x25d: {  	[tilespmem:v59+s20+$0x0] =	vst.idx.msk $0xffff, v38  }
0x25e: {  	v38 =	vld [tilespmem:s14+$0xFFFFFEB0];
	_ =	sdelay $0x1  }
0x25f: {  	v60 =	vadd.s32 v11, v37;
	_ =	sdelay $0x2  }
0x260: {  	v38 =	vadd.f32 v38, v35;
	_ =	sdelay $0x1  }
0x261: {  	[tilespmem:v60+s20+$0x0] =	vst.idx.msk $0xffff, v38  }
0x262: {  	v38 =	vld [tilespmem:s14+$0xFFFFFEC0];
	_ =	sdelay $0x1  }
0x263: {  	v37 =	vadd.s32 v12, v37;
	_ =	sdelay $0x1  }
0x264: {  	s6 =	sadd.s32 $0xFFFFFFFC, s12  }
0x265: {  	v61 =	vmov s6;
	v38 =	vadd.f32 v38, v36  }
0x266: {  	v39 =	vshrl.u32 v61, $0x3  }
0x267: {  	v62 =	vshll.u32 v39, v1;
	[tilespmem:v37+s20+$0x0] =	vst.idx.msk $0xffff, v38  }
0x268: {  	v37 =	vbroadcast v62, $0x0;
	v38 =	vld [tilespmem:s14+$0xFFFFFED0];
	_ =	sdelay $0x1  }
0x269: {  	v63 =	vadd.s32 v13, v37;
	_ =	sdelay $0x2  }
0x26a: {  	v38 =	vadd.f32 v38, v33;
	_ =	sdelay $0x1  }
0x26b: {  	[tilespmem:v63+s20+$0x0] =	vst.idx.msk $0xffff, v38  }
0x26c: {  	v38 =	vld [tilespmem:s14+$0xFFFFFEE0];
	_ =	sdelay $0x1  }
0x26d: {  	v42 =	vadd.s32 v14, v37;
	_ =	sdelay $0x2  }
0x26e: {  	v38 =	vadd.f32 v38, v34;
	_ =	sdelay $0x1  }
0x26f: {  	[tilespmem:v42+s20+$0x0] =	vst.idx.msk $0xffff, v38  }
0x270: {  	v38 =	vld [tilespmem:s14+$0xFFFFFEF0];
	_ =	sdelay $0x1  }
0x271: {  	v43 =	vadd.s32 v15, v37;
	_ =	sdelay $0x2  }
0x272: {  	v38 =	vadd.f32 v38, v35;
	_ =	sdelay $0x1  }
0x273: {  	[tilespmem:v43+s20+$0x0] =	vst.idx.msk $0xffff, v38  }
0x274: {  	v38 =	vld [tilespmem:s14+$0xFFFFFF00];
	_ =	sdelay $0x1  }
0x275: {  	v37 =	vadd.s32 v16, v37;
	_ =	sdelay $0x1  }
0x276: {  	s8 =	sadd.s32 $0xFFFFFFFD, s12  }
0x277: {  	v44 =	vmov s8;
	v38 =	vadd.f32 v38, v36  }
0x278: {  	v39 =	vshrl.u32 v44, $0x3  }
0x279: {  	v45 =	vshll.u32 v39, v1;
	[tilespmem:v37+s20+$0x0] =	vst.idx.msk $0xffff, v38  }
0x27a: {  	v37 =	vbroadcast v45, $0x0;
	v38 =	vld [tilespmem:s14+$0xFFFFFF10];
	_ =	sdelay $0x1  }
0x27b: {  	v46 =	vadd.s32 v17, v37;
	_ =	sdelay $0x2  }
0x27c: {  	v38 =	vadd.f32 v38, v33;
	_ =	sdelay $0x1  }
0x27d: {  	[tilespmem:v46+s20+$0x0] =	vst.idx.msk $0xffff, v38  }
0x27e: {  	v38 =	vld [tilespmem:s14+$0xFFFFFF20];
	_ =	sdelay $0x1  }
0x27f: {  	v47 =	vadd.s32 v18, v37;
	_ =	sdelay $0x2  }
0x280: {  	v38 =	vadd.f32 v38, v34;
	_ =	sdelay $0x1  }
0x281: {  	[tilespmem:v47+s20+$0x0] =	vst.idx.msk $0xffff, v38  }
0x282: {  	v38 =	vld [tilespmem:s14+$0xFFFFFF30];
	_ =	sdelay $0x1  }
0x283: {  	v48 =	vadd.s32 v19, v37;
	_ =	sdelay $0x2  }
0x284: {  	v38 =	vadd.f32 v38, v35;
	_ =	sdelay $0x1  }
0x285: {  	[tilespmem:v48+s20+$0x0] =	vst.idx.msk $0xffff, v38  }
0x286: {  	v38 =	vld [tilespmem:s14+$0xFFFFFF40];
	_ =	sdelay $0x1  }
0x287: {  	v37 =	vadd.s32 v20, v37;
	_ =	sdelay $0x1  }
0x288: {  	s6 =	sadd.s32 $0xFFFFFFFE, s12  }
0x289: {  	v49 =	vmov s6;
	v38 =	vadd.f32 v38, v36  }
0x28a: {  	v39 =	vshrl.u32 v49, $0x3  }
0x28b: {  	v50 =	vshll.u32 v39, v1;
	[tilespmem:v37+s20+$0x0] =	vst.idx.msk $0xffff, v38  }
0x28c: {  	v37 =	vbroadcast v50, $0x0;
	v38 =	vld [tilespmem:s14+$0xFFFFFF50];
	_ =	sdelay $0x1  }
0x28d: {  	v51 =	vadd.s32 v21, v37;
	_ =	sdelay $0x2  }
0x28e: {  	v38 =	vadd.f32 v38, v33;
	_ =	sdelay $0x1  }
0x28f: {  	[tilespmem:v51+s20+$0x0] =	vst.idx.msk $0xffff, v38  }
0x290: {  	v38 =	vld [tilespmem:s14+$0xFFFFFF60];
	_ =	sdelay $0x1  }
0x291: {  	v52 =	vadd.s32 v22, v37;
	_ =	sdelay $0x2  }
0x292: {  	v38 =	vadd.f32 v38, v34;
	_ =	sdelay $0x1  }
0x293: {  	[tilespmem:v52+s20+$0x0] =	vst.idx.msk $0xffff, v38  }
0x294: {  	v38 =	vld [tilespmem:s14+$0xFFFFFF70];
	_ =	sdelay $0x1  }
0x295: {  	v53 =	vadd.s32 v23, v37;
	_ =	sdelay $0x2  }
0x296: {  	v38 =	vadd.f32 v38, v35;
	_ =	sdelay $0x1  }
0x297: {  	[tilespmem:v53+s20+$0x0] =	vst.idx.msk $0xffff, v38  }
0x298: {  	v38 =	vld [tilespmem:s14+$0xFFFFFF80];
	_ =	sdelay $0x1  }
0x299: {  	v37 =	vadd.s32 v24, v37;
	_ =	sdelay $0x1  }
0x29a: {  	s8 =	sadd.s32 $0xFFFFFFFF, s12  }
0x29b: {  	v54 =	vmov s8;
	v38 =	vadd.f32 v38, v36  }
0x29c: {  	v39 =	vshrl.u32 v54, $0x3  }
0x29d: {  	v55 =	vshll.u32 v39, v1;
	[tilespmem:v37+s20+$0x0] =	vst.idx.msk $0xffff, v38  }
0x29e: {  	v37 =	vbroadcast v55, $0x0;
	v38 =	vld [tilespmem:s14+$0xFFFFFF90];
	_ =	sdelay $0x1  }
0x29f: {  	v56 =	vadd.s32 v25, v37;
	_ =	sdelay $0x2  }
0x2a0: {  	v38 =	vadd.f32 v38, v33;
	_ =	sdelay $0x1  }
0x2a1: {  	[tilespmem:v56+s20+$0x0] =	vst.idx.msk $0xffff, v38  }
0x2a2: {  	v38 =	vld [tilespmem:s14+$0xFFFFFFA0];
	_ =	sdelay $0x1  }
0x2a3: {  	v57 =	vadd.s32 v26, v37;
	_ =	sdelay $0x2  }
0x2a4: {  	v38 =	vadd.f32 v38, v34;
	_ =	sdelay $0x1  }
0x2a5: {  	[tilespmem:v57+s20+$0x0] =	vst.idx.msk $0xffff, v38  }
0x2a6: {  	v38 =	vld [tilespmem:s14+$0xFFFFFFB0];
	_ =	sdelay $0x1  }
0x2a7: {  	v58 =	vadd.s32 v27, v37;
	_ =	sdelay $0x2  }
0x2a8: {  	v38 =	vadd.f32 v38, v35;
	_ =	sdelay $0x1  }
0x2a9: {  	[tilespmem:v58+s20+$0x0] =	vst.idx.msk $0xffff, v38  }
0x2aa: {  	v38 =	vld [tilespmem:s14+$0xFFFFFFC0];
	_ =	sdelay $0x1  }
0x2ab: {  	v37 =	vadd.s32 v28, v37;
	_ =	sdelay $0x2  }
0x2ac: {  	v59 =	vmov s12;
	v38 =	vadd.f32 v38, v36  }
0x2ad: {  	v39 =	vshrl.u32 v59, $0x3  }
0x2ae: {  	v60 =	vshll.u32 v39, v1;
	[tilespmem:v37+s20+$0x0] =	vst.idx.msk $0xffff, v38  }
0x2af: {  	v37 =	vbroadcast v60, $0x0;
	v38 =	vld [tilespmem:s14+$0xFFFFFFD0];
	_ =	sdelay $0x1  }
0x2b0: {  	v61 =	vadd.s32 v29, v37;
	_ =	sdelay $0x2  }
0x2b1: {  	v38 =	vadd.f32 v38, v33;
	_ =	sdelay $0x1  }
0x2b2: {  	[tilespmem:v61+s20+$0x0] =	vst.idx.msk $0xffff, v38  }
0x2b3: {  	v38 =	vld [tilespmem:s14+$0xFFFFFFE0];
	_ =	sdelay $0x1  }
0x2b4: {  	v62 =	vadd.s32 v30, v37;
	_ =	sdelay $0x2  }
0x2b5: {  	v38 =	vadd.f32 v38, v34;
	_ =	sdelay $0x1  }
0x2b6: {  	[tilespmem:v62+s20+$0x0] =	vst.idx.msk $0xffff, v38  }
0x2b7: {  	v38 =	vld [tilespmem:s14+$0xFFFFFFF0];
	_ =	sdelay $0x1  }
0x2b8: {  	v63 =	vadd.s32 v31, v37;
	_ =	sdelay $0x2  }
0x2b9: {  	v38 =	vadd.f32 v38, v35;
	_ =	sdelay $0x1  }
0x2ba: {  	[tilespmem:v63+s20+$0x0] =	vst.idx.msk $0xffff, v38  }
0x2bb: {  	v38 =	vld [tilespmem:s14+$0x0];
	_ =	sdelay $0x1  }
0x2bc: {  	p1 =	sne.s32 s12, $0x7F;
	v37 =	vadd.s32 v32, v37  }
.Ltmp4:
0x2bd: {  	_ = 	snop;
	(pc) =	sbr.rel @p1 .LBB2_7-.Ltmp4, $3  }
0x2be: {  	_ = 	snop  }
0x2bf: {  	v38 =	vadd.f32 v38, v36;
	_ =	sdelay $0x1  }
0x2c0: {  	s12 =	sadd.s32 $0x10, s12;
	s14 =	sadd.s32 $0x400, s14;
	[tilespmem:v37+s20+$0x0] =	vst.idx.msk $0xffff, v38  }
0x2c1: {  	s5 =	sshll.u32 s10, $0x12  }
0x2c2: {  	s5 =	sor.u32 s7, s5  }
0x2c3: {  	s5 =	sshrl.u32 s5, $0x3  }
0x2c4: {  	s6 =	simm.s32 $0x10600;
	s12 =	sadd.s32 s2, s5  }
0x2c5: {  	[hbm4b:s12+s3] =	stream.linear.scatter [tilespmem:s6], [sflag:$0x6], $0x80, $0x38;
	[tilespmem:$0x19E00] =	vst v63  }
0x2c6: {  	s8 =	simm.s32 $0x10688;
	s6 =	sadd.s32 $0x10, s12  }
0x2c7: {  	[hbm4b:s6+s3] =	stream.linear.scatter [tilespmem:s8], [sflag:$0x6], $0x80, $0x38;
	[tilespmem:$0x19E00] =	vst v63  }
0x2c8: {  	s10 =	simm.s32 $0x10710;
	s14 =	sadd.s32 $0x20, s12  }
0x2c9: {  	[hbm4b:s14+s3] =	stream.linear.scatter [tilespmem:s10], [sflag:$0x6], $0x80, $0x38;
	[tilespmem:$0x19E00] =	vst v63  }
0x2ca: {  	s6 =	simm.s32 $0x10798;
	s8 =	sadd.s32 $0x30, s12  }
0x2cb: {  	[hbm4b:s8+s3] =	stream.linear.scatter [tilespmem:s6], [sflag:$0x6], $0x80, $0x38;
	[tilespmem:$0x19E00] =	vst v63  }
0x2cc: {  	s10 =	simm.s32 $0x10820;
	s14 =	sadd.s32 $0x40, s12  }
0x2cd: {  	[hbm4b:s14+s3] =	stream.linear.scatter [tilespmem:s10], [sflag:$0x6], $0x80, $0x38;
	[tilespmem:$0x19E00] =	vst v63  }
0x2ce: {  	s5 =	simm.s32 $0x109B8;
	s6 =	simm.s32 $0x108A8;
	s8 =	sadd.s32 $0x50, s12  }
0x2cf: {  	[hbm4b:s8+s3] =	stream.linear.scatter [tilespmem:s6], [sflag:$0x6], $0x80, $0x38;
	[tilespmem:$0x19E00] =	vst v63  }
0x2d0: {  	s10 =	simm.s32 $0x10930;
	s14 =	sadd.s32 $0x60, s12;
	s6 =	sadd.s32 $0x70, s12  }
0x2d1: {  	[hbm4b:s14+s3] =	stream.linear.scatter [tilespmem:s10], [sflag:$0x6], $0x80, $0x38;
	[tilespmem:$0x19E00] =	vst v63  }
0x2d2: {  	s12 =	sadd.s32 $0x1000, s12;
	s10 =	simm.s32 $0x440;
	s14 =	simm.s32 $0x2200  }
.LBB2_9:
0x2d3: {  	[hbm4b:s6+s3] =	stream.linear.scatter [tilespmem:s5], [sflag:$0x6], $0x80, $0x38;
	[tilespmem:$0x19E00] =	vst v63  }
0x2d4: {  	s5 =	smov.u32 s10;
	s6 =	smov.u32 s14  }
0x2d5: {  	s8 =	sadd.s32 $0x1100, s14;
	s10 =	sshra.s32 s6, $0x2;
	s6 =	sadd.s32 $0x10600, s5  }
0x2d6: {  	[hbm4b:s12+s3] =	stream.linear.scatter [tilespmem:s6], [sflag:$0x6], $0x80, $0x38;
	[tilespmem:$0x19E00] =	vst v63  }
0x2d7: {  	p1 =	sne.s32 s14, $0x7700;
	s14 =	sadd.s32 $0x10, s12;
	s6 =	sadd.s32 $0x10688, s5  }
0x2d8: {  	[hbm4b:s14+s3] =	stream.linear.scatter [tilespmem:s6], [sflag:$0x6], $0x80, $0x38;
	[tilespmem:$0x19E00] =	vst v63  }
0x2d9: {  	s6 =	sadd.s32 $0x10710, s5;
	s14 =	sadd.s32 $0x20, s12  }
0x2da: {  	[hbm4b:s14+s3] =	stream.linear.scatter [tilespmem:s6], [sflag:$0x6], $0x80, $0x38;
	[tilespmem:$0x19E00] =	vst v63  }
0x2db: {  	s6 =	sadd.s32 $0x10798, s5;
	s14 =	sadd.s32 $0x30, s12  }
0x2dc: {  	[hbm4b:s14+s3] =	stream.linear.scatter [tilespmem:s6], [sflag:$0x6], $0x80, $0x38;
	[tilespmem:$0x19E00] =	vst v63  }
0x2dd: {  	s6 =	sadd.s32 $0x10820, s5;
	s14 =	sadd.s32 $0x40, s12  }
0x2de: {  	[hbm4b:s14+s3] =	stream.linear.scatter [tilespmem:s6], [sflag:$0x6], $0x80, $0x38;
	[tilespmem:$0x19E00] =	vst v63  }
.Ltmp5:
0x2df: {  	s6 =	sadd.s32 $0x108A8, s5;
	s14 =	sadd.s32 $0x50, s12;
	(pc) =	sbr.rel @p1 .LBB2_9-.Ltmp5, $4  }
0x2e0: {  	[hbm4b:s14+s3] =	stream.linear.scatter [tilespmem:s6], [sflag:$0x6], $0x80, $0x38;
	[tilespmem:$0x19E00] =	vst v63  }
0x2e1: {  	s6 =	sadd.s32 $0x10930, s5;
	s14 =	sadd.s32 $0x60, s12;
	s5 =	sadd.s32 $0x109B8, s5  }
0x2e2: {  	[hbm4b:s14+s3] =	stream.linear.scatter [tilespmem:s6], [sflag:$0x6], $0x80, $0x38;
	[tilespmem:$0x19E00] =	vst v63  }
0x2e3: {  	s6 =	sadd.s32 $0x70, s12;
	s12 =	sadd.s32 $0x1000, s12;
	s14 =	smov.u32 s8  }
0x2e4: {  	[hbm4b:s6+s3] =	stream.linear.scatter [tilespmem:s5], [sflag:$0x6], $0x80, $0x38;
	[tilespmem:$0x19E00] =	vst v63  }
0x2e5: {  	s6 =	sadd.s32 $0x10600, s10  }
0x2e6: {  	[hbm4b:s12+s3] =	stream.linear.scatter [tilespmem:s6], [sflag:$0x6], $0x80, $0x38;
	[tilespmem:$0x19E00] =	vst v63  }
0x2e7: {  	s8 =	sadd.s32 $0x10688, s10;
	s14 =	sadd.s32 $0x10, s12  }
0x2e8: {  	[hbm4b:s14+s3] =	stream.linear.scatter [tilespmem:s8], [sflag:$0x6], $0x80, $0x38;
	[tilespmem:$0x19E00] =	vst v63  }
0x2e9: {  	s8 =	sadd.s32 $0x10710, s10;
	s14 =	sadd.s32 $0x20, s12  }
0x2ea: {  	[hbm4b:s14+s3] =	stream.linear.scatter [tilespmem:s8], [sflag:$0x6], $0x80, $0x38;
	[tilespmem:$0x19E00] =	vst v63  }
0x2eb: {  	s8 =	sadd.s32 $0x10798, s10;
	s14 =	sadd.s32 $0x30, s12  }
0x2ec: {  	[hbm4b:s14+s3] =	stream.linear.scatter [tilespmem:s8], [sflag:$0x6], $0x80, $0x38;
	[tilespmem:$0x19E00] =	vst v63  }
0x2ed: {  	s8 =	sadd.s32 $0x10820, s10;
	s14 =	sadd.s32 $0x40, s12  }
0x2ee: {  	[hbm4b:s14+s3] =	stream.linear.scatter [tilespmem:s8], [sflag:$0x6], $0x80, $0x38;
	[tilespmem:$0x19E00] =	vst v63  }
0x2ef: {  	p1 =	seq.s32 s31, $0x31;
	s8 =	sadd.s32 $0x108A8, s10;
	s14 =	sadd.s32 $0x50, s12  }
0x2f0: {  	[hbm4b:s14+s3] =	stream.linear.scatter [tilespmem:s8], [sflag:$0x6], $0x80, $0x38;
	[tilespmem:$0x19E00] =	vst v63  }
0x2f1: {  	s5 =	sshll.u32 @!p1 s31, $0x9;
	s8 =	sadd.s32 $0x10930, s10;
	s14 =	sadd.s32 $0x60, s12  }
0x2f2: {  	[hbm4b:s14+s3] =	stream.linear.scatter [tilespmem:s8], [sflag:$0x6], $0x80, $0x38;
	[tilespmem:$0x19E00] =	vst v63  }
0x2f3: {  	s5 =	sand.u32 @!p1 $0x3FFFFE00, s5;
	s8 =	sadd.s32 $0x109B8, s10;
	s10 =	sadd.s32 $0x70, s12  }
0x2f4: {  	[hbm4b:s10+s3] =	stream.linear.scatter [tilespmem:s8], [sflag:$0x6], $0x80, $0x38;
	[tilespmem:$0x19E00] =	vst v63  }
0x2f5: {  	s6 =	simm.s32 @!p1 $0x80;
	s5 =	sadd.s32 @!p1 $0x200, s5;
	s8 =	simm.s32 @!p1 $0x6400  }
0x2f6: {  	[tilespmem:s8], [sflag:$0x1] =	stream.indirect.gather @!p1 [hbm4b:s4+s6], $0x40, s5, s6, $0xb8;
	[tilespmem:$0x19E00] =	vst v63  }
0x2f7: {  	_ =	swait.ge [sflag:s21], $0x2000  }
0x2f8: {  	[sflag:s21] =	ssyncset.done $0x0  }
0x2f9: {  	s5 =	simm.s32 @!p0 $0x7;
	[sflag:s21] =	ssyncadd.s32 $0xFFFFE000  }
0x2fa: {  	s1 =	sor.u32 $0x2, s1;
	_ =	swait.ge @!p0 [sflag:s5], $0x2000  }
0x2fb: {  	s12 =	sshll.u32 s1, $0x6;
	[sflag:s5] =	ssyncset.done @!p0 $0x0  }
0x2fc: {  	s14 =	sand.u32 $0x3FFFFFC0, s12;
	[sflag:s5] =	ssyncadd.s32 @!p0 $0xFFFFE000  }
0x2fd: {  	v33 =	vld [tilespmem:s14+$0x16C00]  }
0x2fe: {  	v34 =	vld [tilespmem:s14+$0x16C10]  }
0x2ff: {  	v35 =	vld [tilespmem:s14+$0x16C20]  }
0x300: {  	s12 =	simm.s32 $0xF;
	s10 =	simm.s32 $0x0;
	v36 =	vld [tilespmem:s14+$0x16C30]  }
.LBB2_11:
0x301: {  	s5 =	sadd.s32 $0xFFFFFFF1, s12  }
0x302: {  	v37 =	vmov s5  }
0x303: {  	v37 =	vshrl.u32 v37, $0x3  }
0x304: {  	s14 =	sshra.s32 s10, $0x2;
	v37 =	vshll.u32 v37, v1  }
0x305: {  	v38 =	vld [tilespmem:s14+$0xA400];
	v37 =	vbroadcast v37, $0x0;
	_ =	sdelay $0x1  }
0x306: {  	v39 =	vadd.s32 v0, v37;
	_ =	sdelay $0x2  }
0x307: {  	v38 =	vadd.f32 v38, v33;
	_ =	sdelay $0x1  }
0x308: {  	[tilespmem:v39+s22+$0x0] =	vst.idx.msk $0xffff, v38  }
0x309: {  	v38 =	vld [tilespmem:s14+$0xA410];
	_ =	sdelay $0x1  }
0x30a: {  	v53 =	vadd.s32 v2, v37;
	_ =	sdelay $0x2  }
0x30b: {  	v38 =	vadd.f32 v38, v34;
	_ =	sdelay $0x1  }
0x30c: {  	[tilespmem:v53+s22+$0x0] =	vst.idx.msk $0xffff, v38  }
0x30d: {  	v38 =	vld [tilespmem:s14+$0xA420];
	_ =	sdelay $0x1  }
0x30e: {  	v54 =	vadd.s32 v3, v37;
	_ =	sdelay $0x2  }
0x30f: {  	v38 =	vadd.f32 v38, v35;
	_ =	sdelay $0x1  }
0x310: {  	[tilespmem:v54+s22+$0x0] =	vst.idx.msk $0xffff, v38  }
0x311: {  	v38 =	vld [tilespmem:s14+$0xA430];
	_ =	sdelay $0x1  }
0x312: {  	v37 =	vadd.s32 v4, v37;
	_ =	sdelay $0x1  }
0x313: {  	s6 =	sadd.s32 $0xFFFFFFF2, s12  }
0x314: {  	v55 =	vmov s6;
	v38 =	vadd.f32 v38, v36  }
0x315: {  	v39 =	vshrl.u32 v55, $0x3  }
0x316: {  	v56 =	vshll.u32 v39, v1;
	[tilespmem:v37+s22+$0x0] =	vst.idx.msk $0xffff, v38  }
0x317: {  	v37 =	vbroadcast v56, $0x0;
	v38 =	vld [tilespmem:s14+$0xA440];
	_ =	sdelay $0x1  }
0x318: {  	v57 =	vadd.s32 v5, v37;
	_ =	sdelay $0x2  }
0x319: {  	v38 =	vadd.f32 v38, v33;
	_ =	sdelay $0x1  }
0x31a: {  	[tilespmem:v57+s22+$0x0] =	vst.idx.msk $0xffff, v38  }
0x31b: {  	v38 =	vld [tilespmem:s14+$0xA450];
	_ =	sdelay $0x1  }
0x31c: {  	v58 =	vadd.s32 v6, v37;
	_ =	sdelay $0x2  }
0x31d: {  	v38 =	vadd.f32 v38, v34;
	_ =	sdelay $0x1  }
0x31e: {  	[tilespmem:v58+s22+$0x0] =	vst.idx.msk $0xffff, v38  }
0x31f: {  	v38 =	vld [tilespmem:s14+$0xA460];
	_ =	sdelay $0x1  }
0x320: {  	v59 =	vadd.s32 v7, v37;
	_ =	sdelay $0x2  }
0x321: {  	v38 =	vadd.f32 v38, v35;
	_ =	sdelay $0x1  }
0x322: {  	[tilespmem:v59+s22+$0x0] =	vst.idx.msk $0xffff, v38  }
0x323: {  	v38 =	vld [tilespmem:s14+$0xA470];
	_ =	sdelay $0x1  }
0x324: {  	v37 =	vadd.s32 v8, v37;
	_ =	sdelay $0x1  }
0x325: {  	s8 =	sadd.s32 $0xFFFFFFF3, s12  }
0x326: {  	v60 =	vmov s8;
	v38 =	vadd.f32 v38, v36  }
0x327: {  	v39 =	vshrl.u32 v60, $0x3  }
0x328: {  	v61 =	vshll.u32 v39, v1;
	[tilespmem:v37+s22+$0x0] =	vst.idx.msk $0xffff, v38  }
0x329: {  	v37 =	vbroadcast v61, $0x0;
	v38 =	vld [tilespmem:s14+$0xA480];
	_ =	sdelay $0x1  }
0x32a: {  	v62 =	vadd.s32 v9, v37;
	_ =	sdelay $0x2  }
0x32b: {  	v38 =	vadd.f32 v38, v33;
	_ =	sdelay $0x1  }
0x32c: {  	[tilespmem:v62+s22+$0x0] =	vst.idx.msk $0xffff, v38  }
0x32d: {  	v38 =	vld [tilespmem:s14+$0xA490];
	_ =	sdelay $0x1  }
0x32e: {  	v63 =	vadd.s32 v10, v37;
	_ =	sdelay $0x2  }
0x32f: {  	v38 =	vadd.f32 v38, v34;
	_ =	sdelay $0x1  }
0x330: {  	[tilespmem:v63+s22+$0x0] =	vst.idx.msk $0xffff, v38  }
0x331: {  	v38 =	vld [tilespmem:s14+$0xA4A0];
	_ =	sdelay $0x1  }
0x332: {  	v42 =	vadd.s32 v11, v37;
	_ =	sdelay $0x2  }
0x333: {  	v38 =	vadd.f32 v38, v35;
	_ =	sdelay $0x1  }
0x334: {  	[tilespmem:v42+s22+$0x0] =	vst.idx.msk $0xffff, v38  }
0x335: {  	v38 =	vld [tilespmem:s14+$0xA4B0];
	_ =	sdelay $0x1  }
0x336: {  	v37 =	vadd.s32 v12, v37;
	_ =	sdelay $0x1  }
0x337: {  	s6 =	sadd.s32 $0xFFFFFFF4, s12  }
0x338: {  	v43 =	vmov s6;
	v38 =	vadd.f32 v38, v36  }
0x339: {  	v39 =	vshrl.u32 v43, $0x3  }
0x33a: {  	v44 =	vshll.u32 v39, v1;
	[tilespmem:v37+s22+$0x0] =	vst.idx.msk $0xffff, v38  }
0x33b: {  	v37 =	vbroadcast v44, $0x0;
	v38 =	vld [tilespmem:s14+$0xA4C0];
	_ =	sdelay $0x1  }
0x33c: {  	v45 =	vadd.s32 v13, v37;
	_ =	sdelay $0x2  }
0x33d: {  	v38 =	vadd.f32 v38, v33;
	_ =	sdelay $0x1  }
0x33e: {  	[tilespmem:v45+s22+$0x0] =	vst.idx.msk $0xffff, v38  }
0x33f: {  	v38 =	vld [tilespmem:s14+$0xA4D0];
	_ =	sdelay $0x1  }
0x340: {  	v46 =	vadd.s32 v14, v37;
	_ =	sdelay $0x2  }
0x341: {  	v38 =	vadd.f32 v38, v34;
	_ =	sdelay $0x1  }
0x342: {  	[tilespmem:v46+s22+$0x0] =	vst.idx.msk $0xffff, v38  }
0x343: {  	v38 =	vld [tilespmem:s14+$0xA4E0];
	_ =	sdelay $0x1  }
0x344: {  	v47 =	vadd.s32 v15, v37;
	_ =	sdelay $0x2  }
0x345: {  	v38 =	vadd.f32 v38, v35;
	_ =	sdelay $0x1  }
0x346: {  	[tilespmem:v47+s22+$0x0] =	vst.idx.msk $0xffff, v38  }
0x347: {  	v38 =	vld [tilespmem:s14+$0xA4F0];
	_ =	sdelay $0x1  }
0x348: {  	v37 =	vadd.s32 v16, v37;
	_ =	sdelay $0x1  }
0x349: {  	s8 =	sadd.s32 $0xFFFFFFF5, s12  }
0x34a: {  	v48 =	vmov s8;
	v38 =	vadd.f32 v38, v36  }
0x34b: {  	v39 =	vshrl.u32 v48, $0x3  }
0x34c: {  	v49 =	vshll.u32 v39, v1;
	[tilespmem:v37+s22+$0x0] =	vst.idx.msk $0xffff, v38  }
0x34d: {  	v37 =	vbroadcast v49, $0x0;
	v38 =	vld [tilespmem:s14+$0xA500];
	_ =	sdelay $0x1  }
0x34e: {  	v50 =	vadd.s32 v17, v37;
	_ =	sdelay $0x2  }
0x34f: {  	v38 =	vadd.f32 v38, v33;
	_ =	sdelay $0x1  }
0x350: {  	[tilespmem:v50+s22+$0x0] =	vst.idx.msk $0xffff, v38  }
0x351: {  	v38 =	vld [tilespmem:s14+$0xA510];
	_ =	sdelay $0x1  }
0x352: {  	v51 =	vadd.s32 v18, v37;
	_ =	sdelay $0x2  }
0x353: {  	v38 =	vadd.f32 v38, v34;
	_ =	sdelay $0x1  }
0x354: {  	[tilespmem:v51+s22+$0x0] =	vst.idx.msk $0xffff, v38  }
0x355: {  	v38 =	vld [tilespmem:s14+$0xA520];
	_ =	sdelay $0x1  }
0x356: {  	v52 =	vadd.s32 v19, v37;
	_ =	sdelay $0x2  }
0x357: {  	v38 =	vadd.f32 v38, v35;
	_ =	sdelay $0x1  }
0x358: {  	[tilespmem:v52+s22+$0x0] =	vst.idx.msk $0xffff, v38  }
0x359: {  	v38 =	vld [tilespmem:s14+$0xA530];
	_ =	sdelay $0x1  }
0x35a: {  	v37 =	vadd.s32 v20, v37;
	_ =	sdelay $0x1  }
0x35b: {  	s6 =	sadd.s32 $0xFFFFFFF6, s12  }
0x35c: {  	v53 =	vmov s6;
	v38 =	vadd.f32 v38, v36  }
0x35d: {  	v39 =	vshrl.u32 v53, $0x3  }
0x35e: {  	v54 =	vshll.u32 v39, v1;
	[tilespmem:v37+s22+$0x0] =	vst.idx.msk $0xffff, v38  }
0x35f: {  	v37 =	vbroadcast v54, $0x0;
	v38 =	vld [tilespmem:s14+$0xA540];
	_ =	sdelay $0x1  }
0x360: {  	v55 =	vadd.s32 v21, v37;
	_ =	sdelay $0x2  }
0x361: {  	v38 =	vadd.f32 v38, v33;
	_ =	sdelay $0x1  }
0x362: {  	[tilespmem:v55+s22+$0x0] =	vst.idx.msk $0xffff, v38  }
0x363: {  	v38 =	vld [tilespmem:s14+$0xA550];
	_ =	sdelay $0x1  }
0x364: {  	v56 =	vadd.s32 v22, v37;
	_ =	sdelay $0x2  }
0x365: {  	v38 =	vadd.f32 v38, v34;
	_ =	sdelay $0x1  }
0x366: {  	[tilespmem:v56+s22+$0x0] =	vst.idx.msk $0xffff, v38  }
0x367: {  	v38 =	vld [tilespmem:s14+$0xA560];
	_ =	sdelay $0x1  }
0x368: {  	v57 =	vadd.s32 v23, v37;
	_ =	sdelay $0x2  }
0x369: {  	v38 =	vadd.f32 v38, v35;
	_ =	sdelay $0x1  }
0x36a: {  	[tilespmem:v57+s22+$0x0] =	vst.idx.msk $0xffff, v38  }
0x36b: {  	v38 =	vld [tilespmem:s14+$0xA570];
	_ =	sdelay $0x1  }
0x36c: {  	v37 =	vadd.s32 v24, v37;
	_ =	sdelay $0x1  }
0x36d: {  	s8 =	sadd.s32 $0xFFFFFFF7, s12  }
0x36e: {  	v58 =	vmov s8;
	v38 =	vadd.f32 v38, v36  }
0x36f: {  	v39 =	vshrl.u32 v58, $0x3  }
0x370: {  	v59 =	vshll.u32 v39, v1;
	[tilespmem:v37+s22+$0x0] =	vst.idx.msk $0xffff, v38  }
0x371: {  	v37 =	vbroadcast v59, $0x0;
	v38 =	vld [tilespmem:s14+$0xA580];
	_ =	sdelay $0x1  }
0x372: {  	v60 =	vadd.s32 v25, v37;
	_ =	sdelay $0x2  }
0x373: {  	v38 =	vadd.f32 v38, v33;
	_ =	sdelay $0x1  }
0x374: {  	[tilespmem:v60+s22+$0x0] =	vst.idx.msk $0xffff, v38  }
0x375: {  	v38 =	vld [tilespmem:s14+$0xA590];
	_ =	sdelay $0x1  }
0x376: {  	v61 =	vadd.s32 v26, v37;
	_ =	sdelay $0x2  }
0x377: {  	v38 =	vadd.f32 v38, v34;
	_ =	sdelay $0x1  }
0x378: {  	[tilespmem:v61+s22+$0x0] =	vst.idx.msk $0xffff, v38  }
0x379: {  	v38 =	vld [tilespmem:s14+$0xA5A0];
	_ =	sdelay $0x1  }
0x37a: {  	v62 =	vadd.s32 v27, v37;
	_ =	sdelay $0x2  }
0x37b: {  	v38 =	vadd.f32 v38, v35;
	_ =	sdelay $0x1  }
0x37c: {  	[tilespmem:v62+s22+$0x0] =	vst.idx.msk $0xffff, v38  }
0x37d: {  	v38 =	vld [tilespmem:s14+$0xA5B0];
	_ =	sdelay $0x1  }
0x37e: {  	v37 =	vadd.s32 v28, v37;
	_ =	sdelay $0x1  }
0x37f: {  	s6 =	sadd.s32 $0xFFFFFFF8, s12  }
0x380: {  	v63 =	vmov s6;
	v38 =	vadd.f32 v38, v36  }
0x381: {  	v39 =	vshrl.u32 v63, $0x3  }
0x382: {  	v42 =	vshll.u32 v39, v1;
	[tilespmem:v37+s22+$0x0] =	vst.idx.msk $0xffff, v38  }
0x383: {  	v37 =	vbroadcast v42, $0x0;
	v38 =	vld [tilespmem:s14+$0xA5C0];
	_ =	sdelay $0x1  }
0x384: {  	v43 =	vadd.s32 v29, v37;
	_ =	sdelay $0x2  }
0x385: {  	v38 =	vadd.f32 v38, v33;
	_ =	sdelay $0x1  }
0x386: {  	[tilespmem:v43+s22+$0x0] =	vst.idx.msk $0xffff, v38  }
0x387: {  	v38 =	vld [tilespmem:s14+$0xA5D0];
	_ =	sdelay $0x1  }
0x388: {  	v44 =	vadd.s32 v30, v37;
	_ =	sdelay $0x2  }
0x389: {  	v38 =	vadd.f32 v38, v34;
	_ =	sdelay $0x1  }
0x38a: {  	[tilespmem:v44+s22+$0x0] =	vst.idx.msk $0xffff, v38  }
0x38b: {  	v38 =	vld [tilespmem:s14+$0xA5E0];
	_ =	sdelay $0x1  }
0x38c: {  	v45 =	vadd.s32 v31, v37;
	_ =	sdelay $0x2  }
0x38d: {  	v38 =	vadd.f32 v38, v35;
	_ =	sdelay $0x1  }
0x38e: {  	[tilespmem:v45+s22+$0x0] =	vst.idx.msk $0xffff, v38  }
0x38f: {  	v38 =	vld [tilespmem:s14+$0xA5F0];
	_ =	sdelay $0x1  }
0x390: {  	v37 =	vadd.s32 v32, v37;
	_ =	sdelay $0x1  }
0x391: {  	s8 =	sadd.s32 $0xFFFFFFF9, s12  }
0x392: {  	v46 =	vmov s8;
	v38 =	vadd.f32 v38, v36  }
0x393: {  	v39 =	vshrl.u32 v46, $0x3  }
0x394: {  	v47 =	vshll.u32 v39, v1;
	[tilespmem:v37+s22+$0x0] =	vst.idx.msk $0xffff, v38  }
0x395: {  	v37 =	vbroadcast v47, $0x0;
	v38 =	vld [tilespmem:s14+$0xA600];
	_ =	sdelay $0x1  }
0x396: {  	v48 =	vadd.s32 v0, v37;
	_ =	sdelay $0x2  }
0x397: {  	v38 =	vadd.f32 v38, v33;
	_ =	sdelay $0x1  }
0x398: {  	[tilespmem:v48+s22+$0x0] =	vst.idx.msk $0xffff, v38  }
0x399: {  	v38 =	vld [tilespmem:s14+$0xA610];
	_ =	sdelay $0x1  }
0x39a: {  	v49 =	vadd.s32 v2, v37;
	_ =	sdelay $0x2  }
0x39b: {  	v38 =	vadd.f32 v38, v34;
	_ =	sdelay $0x1  }
0x39c: {  	[tilespmem:v49+s22+$0x0] =	vst.idx.msk $0xffff, v38  }
0x39d: {  	v38 =	vld [tilespmem:s14+$0xA620];
	_ =	sdelay $0x1  }
0x39e: {  	v50 =	vadd.s32 v3, v37;
	_ =	sdelay $0x2  }
0x39f: {  	v38 =	vadd.f32 v38, v35;
	_ =	sdelay $0x1  }
0x3a0: {  	[tilespmem:v50+s22+$0x0] =	vst.idx.msk $0xffff, v38  }
0x3a1: {  	v38 =	vld [tilespmem:s14+$0xA630];
	_ =	sdelay $0x1  }
0x3a2: {  	v37 =	vadd.s32 v4, v37;
	_ =	sdelay $0x1  }
0x3a3: {  	s6 =	sadd.s32 $0xFFFFFFFA, s12  }
0x3a4: {  	v51 =	vmov s6;
	v38 =	vadd.f32 v38, v36  }
0x3a5: {  	v39 =	vshrl.u32 v51, $0x3  }
0x3a6: {  	v52 =	vshll.u32 v39, v1;
	[tilespmem:v37+s22+$0x0] =	vst.idx.msk $0xffff, v38  }
0x3a7: {  	v37 =	vbroadcast v52, $0x0;
	v38 =	vld [tilespmem:s14+$0xA640];
	_ =	sdelay $0x1  }
0x3a8: {  	v53 =	vadd.s32 v5, v37;
	_ =	sdelay $0x2  }
0x3a9: {  	v38 =	vadd.f32 v38, v33;
	_ =	sdelay $0x1  }
0x3aa: {  	[tilespmem:v53+s22+$0x0] =	vst.idx.msk $0xffff, v38  }
0x3ab: {  	v38 =	vld [tilespmem:s14+$0xA650];
	_ =	sdelay $0x1  }
0x3ac: {  	v54 =	vadd.s32 v6, v37;
	_ =	sdelay $0x2  }
0x3ad: {  	v38 =	vadd.f32 v38, v34;
	_ =	sdelay $0x1  }
0x3ae: {  	[tilespmem:v54+s22+$0x0] =	vst.idx.msk $0xffff, v38  }
0x3af: {  	v38 =	vld [tilespmem:s14+$0xA660];
	_ =	sdelay $0x1  }
0x3b0: {  	v55 =	vadd.s32 v7, v37;
	_ =	sdelay $0x2  }
0x3b1: {  	v38 =	vadd.f32 v38, v35;
	_ =	sdelay $0x1  }
0x3b2: {  	[tilespmem:v55+s22+$0x0] =	vst.idx.msk $0xffff, v38  }
0x3b3: {  	v38 =	vld [tilespmem:s14+$0xA670];
	_ =	sdelay $0x1  }
0x3b4: {  	v37 =	vadd.s32 v8, v37;
	_ =	sdelay $0x1  }
0x3b5: {  	s8 =	sadd.s32 $0xFFFFFFFB, s12  }
0x3b6: {  	v56 =	vmov s8;
	v38 =	vadd.f32 v38, v36  }
0x3b7: {  	v39 =	vshrl.u32 v56, $0x3  }
0x3b8: {  	v57 =	vshll.u32 v39, v1;
	[tilespmem:v37+s22+$0x0] =	vst.idx.msk $0xffff, v38  }
0x3b9: {  	v37 =	vbroadcast v57, $0x0;
	v38 =	vld [tilespmem:s14+$0xA680];
	_ =	sdelay $0x1  }
0x3ba: {  	v58 =	vadd.s32 v9, v37;
	_ =	sdelay $0x2  }
0x3bb: {  	v38 =	vadd.f32 v38, v33;
	_ =	sdelay $0x1  }
0x3bc: {  	[tilespmem:v58+s22+$0x0] =	vst.idx.msk $0xffff, v38  }
0x3bd: {  	v38 =	vld [tilespmem:s14+$0xA690];
	_ =	sdelay $0x1  }
0x3be: {  	v59 =	vadd.s32 v10, v37;
	_ =	sdelay $0x2  }
0x3bf: {  	v38 =	vadd.f32 v38, v34;
	_ =	sdelay $0x1  }
0x3c0: {  	[tilespmem:v59+s22+$0x0] =	vst.idx.msk $0xffff, v38  }
0x3c1: {  	v38 =	vld [tilespmem:s14+$0xA6A0];
	_ =	sdelay $0x1  }
0x3c2: {  	v60 =	vadd.s32 v11, v37;
	_ =	sdelay $0x2  }
0x3c3: {  	v38 =	vadd.f32 v38, v35;
	_ =	sdelay $0x1  }
0x3c4: {  	[tilespmem:v60+s22+$0x0] =	vst.idx.msk $0xffff, v38  }
0x3c5: {  	v38 =	vld [tilespmem:s14+$0xA6B0];
	_ =	sdelay $0x1  }
0x3c6: {  	v37 =	vadd.s32 v12, v37;
	_ =	sdelay $0x1  }
0x3c7: {  	s6 =	sadd.s32 $0xFFFFFFFC, s12  }
0x3c8: {  	v61 =	vmov s6;
	v38 =	vadd.f32 v38, v36  }
0x3c9: {  	v39 =	vshrl.u32 v61, $0x3  }
0x3ca: {  	v62 =	vshll.u32 v39, v1;
	[tilespmem:v37+s22+$0x0] =	vst.idx.msk $0xffff, v38  }
0x3cb: {  	v37 =	vbroadcast v62, $0x0;
	v38 =	vld [tilespmem:s14+$0xA6C0];
	_ =	sdelay $0x1  }
0x3cc: {  	v63 =	vadd.s32 v13, v37;
	_ =	sdelay $0x2  }
0x3cd: {  	v38 =	vadd.f32 v38, v33;
	_ =	sdelay $0x1  }
0x3ce: {  	[tilespmem:v63+s22+$0x0] =	vst.idx.msk $0xffff, v38  }
0x3cf: {  	v38 =	vld [tilespmem:s14+$0xA6D0];
	_ =	sdelay $0x1  }
0x3d0: {  	v42 =	vadd.s32 v14, v37;
	_ =	sdelay $0x2  }
0x3d1: {  	v38 =	vadd.f32 v38, v34;
	_ =	sdelay $0x1  }
0x3d2: {  	[tilespmem:v42+s22+$0x0] =	vst.idx.msk $0xffff, v38  }
0x3d3: {  	v38 =	vld [tilespmem:s14+$0xA6E0];
	_ =	sdelay $0x1  }
0x3d4: {  	v43 =	vadd.s32 v15, v37;
	_ =	sdelay $0x2  }
0x3d5: {  	v38 =	vadd.f32 v38, v35;
	_ =	sdelay $0x1  }
0x3d6: {  	[tilespmem:v43+s22+$0x0] =	vst.idx.msk $0xffff, v38  }
0x3d7: {  	v38 =	vld [tilespmem:s14+$0xA6F0];
	_ =	sdelay $0x1  }
0x3d8: {  	v37 =	vadd.s32 v16, v37;
	_ =	sdelay $0x1  }
0x3d9: {  	s8 =	sadd.s32 $0xFFFFFFFD, s12  }
0x3da: {  	v44 =	vmov s8;
	v38 =	vadd.f32 v38, v36  }
0x3db: {  	v39 =	vshrl.u32 v44, $0x3  }
0x3dc: {  	v45 =	vshll.u32 v39, v1;
	[tilespmem:v37+s22+$0x0] =	vst.idx.msk $0xffff, v38  }
0x3dd: {  	v37 =	vbroadcast v45, $0x0;
	v38 =	vld [tilespmem:s14+$0xA700];
	_ =	sdelay $0x1  }
0x3de: {  	v46 =	vadd.s32 v17, v37;
	_ =	sdelay $0x2  }
0x3df: {  	v38 =	vadd.f32 v38, v33;
	_ =	sdelay $0x1  }
0x3e0: {  	[tilespmem:v46+s22+$0x0] =	vst.idx.msk $0xffff, v38  }
0x3e1: {  	v38 =	vld [tilespmem:s14+$0xA710];
	_ =	sdelay $0x1  }
0x3e2: {  	v47 =	vadd.s32 v18, v37;
	_ =	sdelay $0x2  }
0x3e3: {  	v38 =	vadd.f32 v38, v34;
	_ =	sdelay $0x1  }
0x3e4: {  	[tilespmem:v47+s22+$0x0] =	vst.idx.msk $0xffff, v38  }
0x3e5: {  	v38 =	vld [tilespmem:s14+$0xA720];
	_ =	sdelay $0x1  }
0x3e6: {  	v48 =	vadd.s32 v19, v37;
	_ =	sdelay $0x2  }
0x3e7: {  	v38 =	vadd.f32 v38, v35;
	_ =	sdelay $0x1  }
0x3e8: {  	[tilespmem:v48+s22+$0x0] =	vst.idx.msk $0xffff, v38  }
0x3e9: {  	v38 =	vld [tilespmem:s14+$0xA730];
	_ =	sdelay $0x1  }
0x3ea: {  	v37 =	vadd.s32 v20, v37;
	_ =	sdelay $0x1  }
0x3eb: {  	s6 =	sadd.s32 $0xFFFFFFFE, s12  }
0x3ec: {  	v49 =	vmov s6;
	v38 =	vadd.f32 v38, v36  }
0x3ed: {  	v39 =	vshrl.u32 v49, $0x3  }
0x3ee: {  	v50 =	vshll.u32 v39, v1;
	[tilespmem:v37+s22+$0x0] =	vst.idx.msk $0xffff, v38  }
0x3ef: {  	v37 =	vbroadcast v50, $0x0;
	v38 =	vld [tilespmem:s14+$0xA740];
	_ =	sdelay $0x1  }
0x3f0: {  	v51 =	vadd.s32 v21, v37;
	_ =	sdelay $0x2  }
0x3f1: {  	v38 =	vadd.f32 v38, v33;
	_ =	sdelay $0x1  }
0x3f2: {  	[tilespmem:v51+s22+$0x0] =	vst.idx.msk $0xffff, v38  }
0x3f3: {  	v38 =	vld [tilespmem:s14+$0xA750];
	_ =	sdelay $0x1  }
0x3f4: {  	v52 =	vadd.s32 v22, v37;
	_ =	sdelay $0x2  }
0x3f5: {  	v38 =	vadd.f32 v38, v34;
	_ =	sdelay $0x1  }
0x3f6: {  	[tilespmem:v52+s22+$0x0] =	vst.idx.msk $0xffff, v38  }
0x3f7: {  	v38 =	vld [tilespmem:s14+$0xA760];
	_ =	sdelay $0x1  }
0x3f8: {  	v53 =	vadd.s32 v23, v37;
	_ =	sdelay $0x2  }
0x3f9: {  	v38 =	vadd.f32 v38, v35;
	_ =	sdelay $0x1  }
0x3fa: {  	[tilespmem:v53+s22+$0x0] =	vst.idx.msk $0xffff, v38  }
0x3fb: {  	v38 =	vld [tilespmem:s14+$0xA770];
	_ =	sdelay $0x1  }
0x3fc: {  	v37 =	vadd.s32 v24, v37;
	_ =	sdelay $0x1  }
0x3fd: {  	s8 =	sadd.s32 $0xFFFFFFFF, s12  }
0x3fe: {  	v54 =	vmov s8;
	v38 =	vadd.f32 v38, v36  }
0x3ff: {  	v39 =	vshrl.u32 v54, $0x3  }
0x400: {  	v55 =	vshll.u32 v39, v1;
	[tilespmem:v37+s22+$0x0] =	vst.idx.msk $0xffff, v38  }
0x401: {  	v37 =	vbroadcast v55, $0x0;
	v38 =	vld [tilespmem:s14+$0xA780];
	_ =	sdelay $0x1  }
0x402: {  	v56 =	vadd.s32 v25, v37;
	_ =	sdelay $0x2  }
0x403: {  	v38 =	vadd.f32 v38, v33;
	_ =	sdelay $0x1  }
0x404: {  	[tilespmem:v56+s22+$0x0] =	vst.idx.msk $0xffff, v38  }
0x405: {  	v38 =	vld [tilespmem:s14+$0xA790];
	_ =	sdelay $0x1  }
0x406: {  	v57 =	vadd.s32 v26, v37;
	_ =	sdelay $0x2  }
0x407: {  	v38 =	vadd.f32 v38, v34;
	_ =	sdelay $0x1  }
0x408: {  	[tilespmem:v57+s22+$0x0] =	vst.idx.msk $0xffff, v38  }
0x409: {  	v38 =	vld [tilespmem:s14+$0xA7A0];
	_ =	sdelay $0x1  }
0x40a: {  	v58 =	vadd.s32 v27, v37;
	_ =	sdelay $0x2  }
0x40b: {  	v38 =	vadd.f32 v38, v35;
	_ =	sdelay $0x1  }
0x40c: {  	[tilespmem:v58+s22+$0x0] =	vst.idx.msk $0xffff, v38  }
0x40d: {  	v38 =	vld [tilespmem:s14+$0xA7B0];
	_ =	sdelay $0x1  }
0x40e: {  	v37 =	vadd.s32 v28, v37;
	_ =	sdelay $0x2  }
0x40f: {  	v59 =	vmov s12;
	v38 =	vadd.f32 v38, v36  }
0x410: {  	v39 =	vshrl.u32 v59, $0x3  }
0x411: {  	v60 =	vshll.u32 v39, v1;
	[tilespmem:v37+s22+$0x0] =	vst.idx.msk $0xffff, v38  }
0x412: {  	v37 =	vbroadcast v60, $0x0;
	v38 =	vld [tilespmem:s14+$0xA7C0];
	_ =	sdelay $0x1  }
0x413: {  	v61 =	vadd.s32 v29, v37;
	_ =	sdelay $0x2  }
0x414: {  	v38 =	vadd.f32 v38, v33;
	_ =	sdelay $0x1  }
0x415: {  	[tilespmem:v61+s22+$0x0] =	vst.idx.msk $0xffff, v38  }
0x416: {  	v38 =	vld [tilespmem:s14+$0xA7D0];
	_ =	sdelay $0x1  }
0x417: {  	v62 =	vadd.s32 v30, v37;
	_ =	sdelay $0x2  }
0x418: {  	v38 =	vadd.f32 v38, v34;
	_ =	sdelay $0x1  }
0x419: {  	[tilespmem:v62+s22+$0x0] =	vst.idx.msk $0xffff, v38  }
0x41a: {  	v38 =	vld [tilespmem:s14+$0xA7E0];
	_ =	sdelay $0x1  }
0x41b: {  	v63 =	vadd.s32 v31, v37;
	_ =	sdelay $0x2  }
0x41c: {  	v38 =	vadd.f32 v38, v35;
	_ =	sdelay $0x1  }
0x41d: {  	[tilespmem:v63+s22+$0x0] =	vst.idx.msk $0xffff, v38  }
0x41e: {  	v38 =	vld [tilespmem:s14+$0xA7F0];
	_ =	sdelay $0x1  }
0x41f: {  	p2 =	sne.s32 s10, $0x7000;
	v37 =	vadd.s32 v32, v37  }
.Ltmp6:
0x420: {  	_ = 	snop;
	(pc) =	sbr.rel @p2 .LBB2_11-.Ltmp6, $3  }
0x421: {  	_ = 	snop  }
0x422: {  	v38 =	vadd.f32 v38, v36;
	_ =	sdelay $0x1  }
0x423: {  	s10 =	sadd.s32 $0x1000, s10;
	s12 =	sadd.s32 $0x10, s12;
	[tilespmem:v37+s22+$0x0] =	vst.idx.msk $0xffff, v38  }
0x424: {  	s1 =	sshll.u32 s1, $0x12  }
0x425: {  	s1 =	sor.u32 s7, s1  }
0x426: {  	s1 =	sshrl.u32 s1, $0x3  }
0x427: {  	s6 =	simm.s32 $0x12800;
	s8 =	sadd.s32 s2, s1  }
0x428: {  	[hbm4b:s8+s3] =	stream.linear.scatter [tilespmem:s6], [sflag:$0x7], $0x80, $0x38;
	[tilespmem:$0x19E00] =	vst v63  }
0x429: {  	s10 =	simm.s32 $0x12888;
	s5 =	sadd.s32 $0x10, s8  }
0x42a: {  	[hbm4b:s5+s3] =	stream.linear.scatter [tilespmem:s10], [sflag:$0x7], $0x80, $0x38;
	[tilespmem:$0x19E00] =	vst v63  }
0x42b: {  	s12 =	simm.s32 $0x12910;
	s14 =	sadd.s32 $0x20, s8  }
0x42c: {  	[hbm4b:s14+s3] =	stream.linear.scatter [tilespmem:s12], [sflag:$0x7], $0x80, $0x38;
	[tilespmem:$0x19E00] =	vst v63  }
0x42d: {  	s6 =	simm.s32 $0x12998;
	s10 =	sadd.s32 $0x30, s8  }
0x42e: {  	[hbm4b:s10+s3] =	stream.linear.scatter [tilespmem:s6], [sflag:$0x7], $0x80, $0x38;
	[tilespmem:$0x19E00] =	vst v63  }
0x42f: {  	s12 =	simm.s32 $0x12A20;
	s14 =	sadd.s32 $0x40, s8  }
0x430: {  	[hbm4b:s14+s3] =	stream.linear.scatter [tilespmem:s12], [sflag:$0x7], $0x80, $0x38;
	[tilespmem:$0x19E00] =	vst v63  }
0x431: {  	s1 =	simm.s32 $0x440;
	s6 =	simm.s32 $0x12AA8;
	s10 =	sadd.s32 $0x50, s8  }
0x432: {  	[hbm4b:s10+s3] =	stream.linear.scatter [tilespmem:s6], [sflag:$0x7], $0x80, $0x38;
	[tilespmem:$0x19E00] =	vst v63  }
0x433: {  	s5 =	simm.s32 $0x12BB8;
	s12 =	simm.s32 $0x12B30;
	s14 =	sadd.s32 $0x60, s8  }
0x434: {  	[hbm4b:s14+s3] =	stream.linear.scatter [tilespmem:s12], [sflag:$0x7], $0x80, $0x38;
	[tilespmem:$0x19E00] =	vst v63  }
0x435: {  	s6 =	sadd.s32 $0x70, s8;
	s10 =	sadd.s32 $0x1000, s8;
	s12 =	simm.s32 $0x2200  }
.LBB2_13:
0x436: {  	[hbm4b:s6+s3] =	stream.linear.scatter [tilespmem:s5], [sflag:$0x7], $0x80, $0x38;
	[tilespmem:$0x19E00] =	vst v63  }
0x437: {  	s5 =	smov.u32 s1;
	s1 =	smov.u32 s12  }
0x438: {  	s8 =	sadd.s32 $0x1100, s12;
	s1 =	sshra.s32 s1, $0x2;
	s6 =	sadd.s32 $0x12800, s5  }
0x439: {  	[hbm4b:s10+s3] =	stream.linear.scatter [tilespmem:s6], [sflag:$0x7], $0x80, $0x38;
	[tilespmem:$0x19E00] =	vst v63  }
0x43a: {  	p2 =	sne.s32 s12, $0x7700;
	s12 =	sadd.s32 $0x10, s10;
	s6 =	sadd.s32 $0x12888, s5  }
0x43b: {  	[hbm4b:s12+s3] =	stream.linear.scatter [tilespmem:s6], [sflag:$0x7], $0x80, $0x38;
	[tilespmem:$0x19E00] =	vst v63  }
0x43c: {  	s6 =	sadd.s32 $0x12910, s5;
	s12 =	sadd.s32 $0x20, s10  }
0x43d: {  	[hbm4b:s12+s3] =	stream.linear.scatter [tilespmem:s6], [sflag:$0x7], $0x80, $0x38;
	[tilespmem:$0x19E00] =	vst v63  }
0x43e: {  	s6 =	sadd.s32 $0x12998, s5;
	s12 =	sadd.s32 $0x30, s10  }
0x43f: {  	[hbm4b:s12+s3] =	stream.linear.scatter [tilespmem:s6], [sflag:$0x7], $0x80, $0x38;
	[tilespmem:$0x19E00] =	vst v63  }
0x440: {  	s6 =	sadd.s32 $0x12A20, s5;
	s12 =	sadd.s32 $0x40, s10  }
0x441: {  	[hbm4b:s12+s3] =	stream.linear.scatter [tilespmem:s6], [sflag:$0x7], $0x80, $0x38;
	[tilespmem:$0x19E00] =	vst v63  }
.Ltmp7:
0x442: {  	s6 =	sadd.s32 $0x12AA8, s5;
	s12 =	sadd.s32 $0x50, s10;
	(pc) =	sbr.rel @p2 .LBB2_13-.Ltmp7, $4  }
0x443: {  	[hbm4b:s12+s3] =	stream.linear.scatter [tilespmem:s6], [sflag:$0x7], $0x80, $0x38;
	[tilespmem:$0x19E00] =	vst v63  }
0x444: {  	s6 =	sadd.s32 $0x12B30, s5;
	s12 =	sadd.s32 $0x60, s10;
	s5 =	sadd.s32 $0x12BB8, s5  }
0x445: {  	[hbm4b:s12+s3] =	stream.linear.scatter [tilespmem:s6], [sflag:$0x7], $0x80, $0x38;
	[tilespmem:$0x19E00] =	vst v63  }
0x446: {  	s6 =	sadd.s32 $0x70, s10;
	s10 =	sadd.s32 $0x1000, s10;
	s12 =	smov.u32 s8  }
0x447: {  	[hbm4b:s6+s3] =	stream.linear.scatter [tilespmem:s5], [sflag:$0x7], $0x80, $0x38;
	[tilespmem:$0x19E00] =	vst v63  }
0x448: {  	s8 =	sadd.s32 $0x12800, s1  }
0x449: {  	[hbm4b:s10+s3] =	stream.linear.scatter [tilespmem:s8], [sflag:$0x7], $0x80, $0x38;
	[tilespmem:$0x19E00] =	vst v63  }
0x44a: {  	s12 =	sadd.s32 $0x12888, s1;
	s14 =	sadd.s32 $0x10, s10  }
0x44b: {  	[hbm4b:s14+s3] =	stream.linear.scatter [tilespmem:s12], [sflag:$0x7], $0x80, $0x38;
	[tilespmem:$0x19E00] =	vst v63  }
0x44c: {  	s6 =	sadd.s32 $0x12910, s1;
	s8 =	sadd.s32 $0x20, s10  }
0x44d: {  	[hbm4b:s8+s3] =	stream.linear.scatter [tilespmem:s6], [sflag:$0x7], $0x80, $0x38;
	[tilespmem:$0x19E00] =	vst v63  }
0x44e: {  	s12 =	sadd.s32 $0x12998, s1;
	s14 =	sadd.s32 $0x30, s10  }
0x44f: {  	[hbm4b:s14+s3] =	stream.linear.scatter [tilespmem:s12], [sflag:$0x7], $0x80, $0x38;
	[tilespmem:$0x19E00] =	vst v63  }
0x450: {  	s6 =	sadd.s32 $0x12A20, s1;
	s8 =	sadd.s32 $0x40, s10  }
0x451: {  	[hbm4b:s8+s3] =	stream.linear.scatter [tilespmem:s6], [sflag:$0x7], $0x80, $0x38;
	[tilespmem:$0x19E00] =	vst v63  }
0x452: {  	p2 =	sne.s32 s31, $0x31;
	s12 =	sadd.s32 $0x12AA8, s1;
	s14 =	sadd.s32 $0x50, s10  }
0x453: {  	[hbm4b:s14+s3] =	stream.linear.scatter [tilespmem:s12], [sflag:$0x7], $0x80, $0x38;
	[tilespmem:$0x19E00] =	vst v63  }
.Ltmp8:
0x454: {  	_ = 	snop;
	(pc) =	sbr.rel @p2 .LBB2_16-.Ltmp8, $4  }
0x455: {  	s6 =	sadd.s32 $0x12B30, s1;
	s8 =	sadd.s32 $0x60, s10  }
0x456: {  	[hbm4b:s8+s3] =	stream.linear.scatter [tilespmem:s6], [sflag:$0x7], $0x80, $0x38;
	[tilespmem:$0x19E00] =	vst v63  }
0x457: {  	s12 =	sadd.s32 $0x12BB8, s1;
	s14 =	sadd.s32 $0x70, s10  }
0x458: {  	[hbm4b:s14+s3] =	stream.linear.scatter [tilespmem:s12], [sflag:$0x7], $0x80, $0x38;
	[tilespmem:$0x19E00] =	vst v63  }
.Ltmp9:
0x459: {  	(pc) =	sbr.rel .LBB2_17-.Ltmp9, $4  }
0x45a: {  	_ = 	snop  }
0x45b: {  	_ =	swait.ge [sflag:s23], $0x2000  }
0x45c: {  	[sflag:s23] =	ssyncset.done $0x0  }
0x45d: {  	[sflag:s23] =	ssyncadd.s32 $0xFFFFE000  }
.LBB2_16:
0x45e: {  	s1 =	sshll.u32 s31, $0x9  }
0x45f: {  	s1 =	sand.u32 $0x3FFFFE00, s1  }
.Ltmp10:
0x460: {  	s1 =	sadd.s32 $0x280, s1;
	(pc) =	sbr.rel @p0 .LBB2_18-.Ltmp10, $4  }
0x461: {  	[tilespmem:s13], [sflag:$0x2] =	stream.indirect.gather [hbm4b:s4+s11], $0x40, s1, s11, $0xb8;
	[tilespmem:$0x19E00] =	vst v63  }
0x462: {  	_ =	swait.ge [sflag:s23], $0x2000  }
0x463: {  	[sflag:s23] =	ssyncset.done $0x0  }
0x464: {  	[sflag:s23] =	ssyncadd.s32 $0xFFFFE000  }
.LBB2_17:
0x465: {  	_ =	swait.ge [sflag:s24], $0x2000  }
0x466: {  	[sflag:s24] =	ssyncset.done $0x0  }
0x467: {  	[sflag:s24] =	ssyncadd.s32 $0xFFFFE000  }
.LBB2_18:
0x468: {  	s1 =	sshll.u32 s0, $0x6  }
0x469: {  	s1 =	sand.u32 $0x3FFFFFC0, s1  }
0x46a: {  	v33 =	vld [tilespmem:s1+$0x16C00]  }
0x46b: {  	v34 =	vld [tilespmem:s1+$0x16C10]  }
0x46c: {  	v35 =	vld [tilespmem:s1+$0x16C20]  }
0x46d: {  	s10 =	simm.s32 $0xF;
	v36 =	vld [tilespmem:s1+$0x16C30];
	s1 =	simm.s32 $0x0  }
.LBB2_19:
0x46e: {  	s5 =	sadd.s32 $0xFFFFFFF1, s10  }
0x46f: {  	v37 =	vmov s5  }
0x470: {  	v37 =	vshrl.u32 v37, $0x3  }
0x471: {  	s12 =	sshra.s32 s1, $0x2;
	v37 =	vshll.u32 v37, v1  }
0x472: {  	v38 =	vld [tilespmem:s12+$0xC400];
	v37 =	vbroadcast v37, $0x0;
	_ =	sdelay $0x1  }
0x473: {  	v39 =	vadd.s32 v0, v37;
	_ =	sdelay $0x2  }
0x474: {  	v38 =	vadd.f32 v38, v33;
	_ =	sdelay $0x1  }
0x475: {  	[tilespmem:v39+s25+$0x0] =	vst.idx.msk $0xffff, v38  }
0x476: {  	v38 =	vld [tilespmem:s12+$0xC410];
	_ =	sdelay $0x1  }
0x477: {  	v53 =	vadd.s32 v2, v37;
	_ =	sdelay $0x2  }
0x478: {  	v38 =	vadd.f32 v38, v34;
	_ =	sdelay $0x1  }
0x479: {  	[tilespmem:v53+s25+$0x0] =	vst.idx.msk $0xffff, v38  }
0x47a: {  	v38 =	vld [tilespmem:s12+$0xC420];
	_ =	sdelay $0x1  }
0x47b: {  	v54 =	vadd.s32 v3, v37;
	_ =	sdelay $0x2  }
0x47c: {  	v38 =	vadd.f32 v38, v35;
	_ =	sdelay $0x1  }
0x47d: {  	[tilespmem:v54+s25+$0x0] =	vst.idx.msk $0xffff, v38  }
0x47e: {  	v38 =	vld [tilespmem:s12+$0xC430];
	_ =	sdelay $0x1  }
0x47f: {  	v37 =	vadd.s32 v4, v37;
	_ =	sdelay $0x1  }
0x480: {  	s8 =	sadd.s32 $0xFFFFFFF2, s10  }
0x481: {  	v55 =	vmov s8;
	v38 =	vadd.f32 v38, v36  }
0x482: {  	v39 =	vshrl.u32 v55, $0x3  }
0x483: {  	v56 =	vshll.u32 v39, v1;
	[tilespmem:v37+s25+$0x0] =	vst.idx.msk $0xffff, v38  }
0x484: {  	v37 =	vbroadcast v56, $0x0;
	v38 =	vld [tilespmem:s12+$0xC440];
	_ =	sdelay $0x1  }
0x485: {  	v57 =	vadd.s32 v5, v37;
	_ =	sdelay $0x2  }
0x486: {  	v38 =	vadd.f32 v38, v33;
	_ =	sdelay $0x1  }
0x487: {  	[tilespmem:v57+s25+$0x0] =	vst.idx.msk $0xffff, v38  }
0x488: {  	v38 =	vld [tilespmem:s12+$0xC450];
	_ =	sdelay $0x1  }
0x489: {  	v58 =	vadd.s32 v6, v37;
	_ =	sdelay $0x2  }
0x48a: {  	v38 =	vadd.f32 v38, v34;
	_ =	sdelay $0x1  }
0x48b: {  	[tilespmem:v58+s25+$0x0] =	vst.idx.msk $0xffff, v38  }
0x48c: {  	v38 =	vld [tilespmem:s12+$0xC460];
	_ =	sdelay $0x1  }
0x48d: {  	v59 =	vadd.s32 v7, v37;
	_ =	sdelay $0x2  }
0x48e: {  	v38 =	vadd.f32 v38, v35;
	_ =	sdelay $0x1  }
0x48f: {  	[tilespmem:v59+s25+$0x0] =	vst.idx.msk $0xffff, v38  }
0x490: {  	v38 =	vld [tilespmem:s12+$0xC470];
	_ =	sdelay $0x1  }
0x491: {  	v37 =	vadd.s32 v8, v37;
	_ =	sdelay $0x1  }
0x492: {  	s14 =	sadd.s32 $0xFFFFFFF3, s10  }
0x493: {  	v60 =	vmov s14;
	v38 =	vadd.f32 v38, v36  }
0x494: {  	v39 =	vshrl.u32 v60, $0x3  }
0x495: {  	v61 =	vshll.u32 v39, v1;
	[tilespmem:v37+s25+$0x0] =	vst.idx.msk $0xffff, v38  }
0x496: {  	v37 =	vbroadcast v61, $0x0;
	v38 =	vld [tilespmem:s12+$0xC480];
	_ =	sdelay $0x1  }
0x497: {  	v62 =	vadd.s32 v9, v37;
	_ =	sdelay $0x2  }
0x498: {  	v38 =	vadd.f32 v38, v33;
	_ =	sdelay $0x1  }
0x499: {  	[tilespmem:v62+s25+$0x0] =	vst.idx.msk $0xffff, v38  }
0x49a: {  	v38 =	vld [tilespmem:s12+$0xC490];
	_ =	sdelay $0x1  }
0x49b: {  	v63 =	vadd.s32 v10, v37;
	_ =	sdelay $0x2  }
0x49c: {  	v38 =	vadd.f32 v38, v34;
	_ =	sdelay $0x1  }
0x49d: {  	[tilespmem:v63+s25+$0x0] =	vst.idx.msk $0xffff, v38  }
0x49e: {  	v38 =	vld [tilespmem:s12+$0xC4A0];
	_ =	sdelay $0x1  }
0x49f: {  	v42 =	vadd.s32 v11, v37;
	_ =	sdelay $0x2  }
0x4a0: {  	v38 =	vadd.f32 v38, v35;
	_ =	sdelay $0x1  }
0x4a1: {  	[tilespmem:v42+s25+$0x0] =	vst.idx.msk $0xffff, v38  }
0x4a2: {  	v38 =	vld [tilespmem:s12+$0xC4B0];
	_ =	sdelay $0x1  }
0x4a3: {  	v37 =	vadd.s32 v12, v37;
	_ =	sdelay $0x1  }
0x4a4: {  	s6 =	sadd.s32 $0xFFFFFFF4, s10  }
0x4a5: {  	v43 =	vmov s6;
	v38 =	vadd.f32 v38, v36  }
0x4a6: {  	v39 =	vshrl.u32 v43, $0x3  }
0x4a7: {  	v44 =	vshll.u32 v39, v1;
	[tilespmem:v37+s25+$0x0] =	vst.idx.msk $0xffff, v38  }
0x4a8: {  	v37 =	vbroadcast v44, $0x0;
	v38 =	vld [tilespmem:s12+$0xC4C0];
	_ =	sdelay $0x1  }
0x4a9: {  	v45 =	vadd.s32 v13, v37;
	_ =	sdelay $0x2  }
0x4aa: {  	v38 =	vadd.f32 v38, v33;
	_ =	sdelay $0x1  }
0x4ab: {  	[tilespmem:v45+s25+$0x0] =	vst.idx.msk $0xffff, v38  }
0x4ac: {  	v38 =	vld [tilespmem:s12+$0xC4D0];
	_ =	sdelay $0x1  }
0x4ad: {  	v46 =	vadd.s32 v14, v37;
	_ =	sdelay $0x2  }
0x4ae: {  	v38 =	vadd.f32 v38, v34;
	_ =	sdelay $0x1  }
0x4af: {  	[tilespmem:v46+s25+$0x0] =	vst.idx.msk $0xffff, v38  }
0x4b0: {  	v38 =	vld [tilespmem:s12+$0xC4E0];
	_ =	sdelay $0x1  }
0x4b1: {  	v47 =	vadd.s32 v15, v37;
	_ =	sdelay $0x2  }
0x4b2: {  	v38 =	vadd.f32 v38, v35;
	_ =	sdelay $0x1  }
0x4b3: {  	[tilespmem:v47+s25+$0x0] =	vst.idx.msk $0xffff, v38  }
0x4b4: {  	v38 =	vld [tilespmem:s12+$0xC4F0];
	_ =	sdelay $0x1  }
0x4b5: {  	v37 =	vadd.s32 v16, v37;
	_ =	sdelay $0x1  }
0x4b6: {  	s8 =	sadd.s32 $0xFFFFFFF5, s10  }
0x4b7: {  	v48 =	vmov s8;
	v38 =	vadd.f32 v38, v36  }
0x4b8: {  	v39 =	vshrl.u32 v48, $0x3  }
0x4b9: {  	v49 =	vshll.u32 v39, v1;
	[tilespmem:v37+s25+$0x0] =	vst.idx.msk $0xffff, v38  }
0x4ba: {  	v37 =	vbroadcast v49, $0x0;
	v38 =	vld [tilespmem:s12+$0xC500];
	_ =	sdelay $0x1  }
0x4bb: {  	v50 =	vadd.s32 v17, v37;
	_ =	sdelay $0x2  }
0x4bc: {  	v38 =	vadd.f32 v38, v33;
	_ =	sdelay $0x1  }
0x4bd: {  	[tilespmem:v50+s25+$0x0] =	vst.idx.msk $0xffff, v38  }
0x4be: {  	v38 =	vld [tilespmem:s12+$0xC510];
	_ =	sdelay $0x1  }
0x4bf: {  	v51 =	vadd.s32 v18, v37;
	_ =	sdelay $0x2  }
0x4c0: {  	v38 =	vadd.f32 v38, v34;
	_ =	sdelay $0x1  }
0x4c1: {  	[tilespmem:v51+s25+$0x0] =	vst.idx.msk $0xffff, v38  }
0x4c2: {  	v38 =	vld [tilespmem:s12+$0xC520];
	_ =	sdelay $0x1  }
0x4c3: {  	v52 =	vadd.s32 v19, v37;
	_ =	sdelay $0x2  }
0x4c4: {  	v38 =	vadd.f32 v38, v35;
	_ =	sdelay $0x1  }
0x4c5: {  	[tilespmem:v52+s25+$0x0] =	vst.idx.msk $0xffff, v38  }
0x4c6: {  	v38 =	vld [tilespmem:s12+$0xC530];
	_ =	sdelay $0x1  }
0x4c7: {  	v37 =	vadd.s32 v20, v37;
	_ =	sdelay $0x1  }
0x4c8: {  	s14 =	sadd.s32 $0xFFFFFFF6, s10  }
0x4c9: {  	v53 =	vmov s14;
	v38 =	vadd.f32 v38, v36  }
0x4ca: {  	v39 =	vshrl.u32 v53, $0x3  }
0x4cb: {  	v54 =	vshll.u32 v39, v1;
	[tilespmem:v37+s25+$0x0] =	vst.idx.msk $0xffff, v38  }
0x4cc: {  	v37 =	vbroadcast v54, $0x0;
	v38 =	vld [tilespmem:s12+$0xC540];
	_ =	sdelay $0x1  }
0x4cd: {  	v55 =	vadd.s32 v21, v37;
	_ =	sdelay $0x2  }
0x4ce: {  	v38 =	vadd.f32 v38, v33;
	_ =	sdelay $0x1  }
0x4cf: {  	[tilespmem:v55+s25+$0x0] =	vst.idx.msk $0xffff, v38  }
0x4d0: {  	v38 =	vld [tilespmem:s12+$0xC550];
	_ =	sdelay $0x1  }
0x4d1: {  	v56 =	vadd.s32 v22, v37;
	_ =	sdelay $0x2  }
0x4d2: {  	v38 =	vadd.f32 v38, v34;
	_ =	sdelay $0x1  }
0x4d3: {  	[tilespmem:v56+s25+$0x0] =	vst.idx.msk $0xffff, v38  }
0x4d4: {  	v38 =	vld [tilespmem:s12+$0xC560];
	_ =	sdelay $0x1  }
0x4d5: {  	v57 =	vadd.s32 v23, v37;
	_ =	sdelay $0x2  }
0x4d6: {  	v38 =	vadd.f32 v38, v35;
	_ =	sdelay $0x1  }
0x4d7: {  	[tilespmem:v57+s25+$0x0] =	vst.idx.msk $0xffff, v38  }
0x4d8: {  	v38 =	vld [tilespmem:s12+$0xC570];
	_ =	sdelay $0x1  }
0x4d9: {  	v37 =	vadd.s32 v24, v37;
	_ =	sdelay $0x1  }
0x4da: {  	s6 =	sadd.s32 $0xFFFFFFF7, s10  }
0x4db: {  	v58 =	vmov s6;
	v38 =	vadd.f32 v38, v36  }
0x4dc: {  	v39 =	vshrl.u32 v58, $0x3  }
0x4dd: {  	v59 =	vshll.u32 v39, v1;
	[tilespmem:v37+s25+$0x0] =	vst.idx.msk $0xffff, v38  }
0x4de: {  	v37 =	vbroadcast v59, $0x0;
	v38 =	vld [tilespmem:s12+$0xC580];
	_ =	sdelay $0x1  }
0x4df: {  	v60 =	vadd.s32 v25, v37;
	_ =	sdelay $0x2  }
0x4e0: {  	v38 =	vadd.f32 v38, v33;
	_ =	sdelay $0x1  }
0x4e1: {  	[tilespmem:v60+s25+$0x0] =	vst.idx.msk $0xffff, v38  }
0x4e2: {  	v38 =	vld [tilespmem:s12+$0xC590];
	_ =	sdelay $0x1  }
0x4e3: {  	v61 =	vadd.s32 v26, v37;
	_ =	sdelay $0x2  }
0x4e4: {  	v38 =	vadd.f32 v38, v34;
	_ =	sdelay $0x1  }
0x4e5: {  	[tilespmem:v61+s25+$0x0] =	vst.idx.msk $0xffff, v38  }
0x4e6: {  	v38 =	vld [tilespmem:s12+$0xC5A0];
	_ =	sdelay $0x1  }
0x4e7: {  	v62 =	vadd.s32 v27, v37;
	_ =	sdelay $0x2  }
0x4e8: {  	v38 =	vadd.f32 v38, v35;
	_ =	sdelay $0x1  }
0x4e9: {  	[tilespmem:v62+s25+$0x0] =	vst.idx.msk $0xffff, v38  }
0x4ea: {  	v38 =	vld [tilespmem:s12+$0xC5B0];
	_ =	sdelay $0x1  }
0x4eb: {  	v37 =	vadd.s32 v28, v37;
	_ =	sdelay $0x1  }
0x4ec: {  	s8 =	sadd.s32 $0xFFFFFFF8, s10  }
0x4ed: {  	v63 =	vmov s8;
	v38 =	vadd.f32 v38, v36  }
0x4ee: {  	v39 =	vshrl.u32 v63, $0x3  }
0x4ef: {  	v42 =	vshll.u32 v39, v1;
	[tilespmem:v37+s25+$0x0] =	vst.idx.msk $0xffff, v38  }
0x4f0: {  	v37 =	vbroadcast v42, $0x0;
	v38 =	vld [tilespmem:s12+$0xC5C0];
	_ =	sdelay $0x1  }
0x4f1: {  	v43 =	vadd.s32 v29, v37;
	_ =	sdelay $0x2  }
0x4f2: {  	v38 =	vadd.f32 v38, v33;
	_ =	sdelay $0x1  }
0x4f3: {  	[tilespmem:v43+s25+$0x0] =	vst.idx.msk $0xffff, v38  }
0x4f4: {  	v38 =	vld [tilespmem:s12+$0xC5D0];
	_ =	sdelay $0x1  }
0x4f5: {  	v44 =	vadd.s32 v30, v37;
	_ =	sdelay $0x2  }
0x4f6: {  	v38 =	vadd.f32 v38, v34;
	_ =	sdelay $0x1  }
0x4f7: {  	[tilespmem:v44+s25+$0x0] =	vst.idx.msk $0xffff, v38  }
0x4f8: {  	v38 =	vld [tilespmem:s12+$0xC5E0];
	_ =	sdelay $0x1  }
0x4f9: {  	v45 =	vadd.s32 v31, v37;
	_ =	sdelay $0x2  }
0x4fa: {  	v38 =	vadd.f32 v38, v35;
	_ =	sdelay $0x1  }
0x4fb: {  	[tilespmem:v45+s25+$0x0] =	vst.idx.msk $0xffff, v38  }
0x4fc: {  	v38 =	vld [tilespmem:s12+$0xC5F0];
	_ =	sdelay $0x1  }
0x4fd: {  	v37 =	vadd.s32 v32, v37;
	_ =	sdelay $0x1  }
0x4fe: {  	s14 =	sadd.s32 $0xFFFFFFF9, s10  }
0x4ff: {  	v46 =	vmov s14;
	v38 =	vadd.f32 v38, v36  }
0x500: {  	v39 =	vshrl.u32 v46, $0x3  }
0x501: {  	v47 =	vshll.u32 v39, v1;
	[tilespmem:v37+s25+$0x0] =	vst.idx.msk $0xffff, v38  }
0x502: {  	v37 =	vbroadcast v47, $0x0;
	v38 =	vld [tilespmem:s12+$0xC600];
	_ =	sdelay $0x1  }
0x503: {  	v48 =	vadd.s32 v0, v37;
	_ =	sdelay $0x2  }
0x504: {  	v38 =	vadd.f32 v38, v33;
	_ =	sdelay $0x1  }
0x505: {  	[tilespmem:v48+s25+$0x0] =	vst.idx.msk $0xffff, v38  }
0x506: {  	v38 =	vld [tilespmem:s12+$0xC610];
	_ =	sdelay $0x1  }
0x507: {  	v49 =	vadd.s32 v2, v37;
	_ =	sdelay $0x2  }
0x508: {  	v38 =	vadd.f32 v38, v34;
	_ =	sdelay $0x1  }
0x509: {  	[tilespmem:v49+s25+$0x0] =	vst.idx.msk $0xffff, v38  }
0x50a: {  	v38 =	vld [tilespmem:s12+$0xC620];
	_ =	sdelay $0x1  }
0x50b: {  	v50 =	vadd.s32 v3, v37;
	_ =	sdelay $0x2  }
0x50c: {  	v38 =	vadd.f32 v38, v35;
	_ =	sdelay $0x1  }
0x50d: {  	[tilespmem:v50+s25+$0x0] =	vst.idx.msk $0xffff, v38  }
0x50e: {  	v38 =	vld [tilespmem:s12+$0xC630];
	_ =	sdelay $0x1  }
0x50f: {  	v37 =	vadd.s32 v4, v37;
	_ =	sdelay $0x1  }
0x510: {  	s6 =	sadd.s32 $0xFFFFFFFA, s10  }
0x511: {  	v51 =	vmov s6;
	v38 =	vadd.f32 v38, v36  }
0x512: {  	v39 =	vshrl.u32 v51, $0x3  }
0x513: {  	v52 =	vshll.u32 v39, v1;
	[tilespmem:v37+s25+$0x0] =	vst.idx.msk $0xffff, v38  }
0x514: {  	v37 =	vbroadcast v52, $0x0;
	v38 =	vld [tilespmem:s12+$0xC640];
	_ =	sdelay $0x1  }
0x515: {  	v53 =	vadd.s32 v5, v37;
	_ =	sdelay $0x2  }
0x516: {  	v38 =	vadd.f32 v38, v33;
	_ =	sdelay $0x1  }
0x517: {  	[tilespmem:v53+s25+$0x0] =	vst.idx.msk $0xffff, v38  }
0x518: {  	v38 =	vld [tilespmem:s12+$0xC650];
	_ =	sdelay $0x1  }
0x519: {  	v54 =	vadd.s32 v6, v37;
	_ =	sdelay $0x2  }
0x51a: {  	v38 =	vadd.f32 v38, v34;
	_ =	sdelay $0x1  }
0x51b: {  	[tilespmem:v54+s25+$0x0] =	vst.idx.msk $0xffff, v38  }
0x51c: {  	v38 =	vld [tilespmem:s12+$0xC660];
	_ =	sdelay $0x1  }
0x51d: {  	v55 =	vadd.s32 v7, v37;
	_ =	sdelay $0x2  }
0x51e: {  	v38 =	vadd.f32 v38, v35;
	_ =	sdelay $0x1  }
0x51f: {  	[tilespmem:v55+s25+$0x0] =	vst.idx.msk $0xffff, v38  }
0x520: {  	v38 =	vld [tilespmem:s12+$0xC670];
	_ =	sdelay $0x1  }
0x521: {  	v37 =	vadd.s32 v8, v37;
	_ =	sdelay $0x1  }
0x522: {  	s8 =	sadd.s32 $0xFFFFFFFB, s10  }
0x523: {  	v56 =	vmov s8;
	v38 =	vadd.f32 v38, v36  }
0x524: {  	v39 =	vshrl.u32 v56, $0x3  }
0x525: {  	v57 =	vshll.u32 v39, v1;
	[tilespmem:v37+s25+$0x0] =	vst.idx.msk $0xffff, v38  }
0x526: {  	v37 =	vbroadcast v57, $0x0;
	v38 =	vld [tilespmem:s12+$0xC680];
	_ =	sdelay $0x1  }
0x527: {  	v58 =	vadd.s32 v9, v37;
	_ =	sdelay $0x2  }
0x528: {  	v38 =	vadd.f32 v38, v33;
	_ =	sdelay $0x1  }
0x529: {  	[tilespmem:v58+s25+$0x0] =	vst.idx.msk $0xffff, v38  }
0x52a: {  	v38 =	vld [tilespmem:s12+$0xC690];
	_ =	sdelay $0x1  }
0x52b: {  	v59 =	vadd.s32 v10, v37;
	_ =	sdelay $0x2  }
0x52c: {  	v38 =	vadd.f32 v38, v34;
	_ =	sdelay $0x1  }
0x52d: {  	[tilespmem:v59+s25+$0x0] =	vst.idx.msk $0xffff, v38  }
0x52e: {  	v38 =	vld [tilespmem:s12+$0xC6A0];
	_ =	sdelay $0x1  }
0x52f: {  	v60 =	vadd.s32 v11, v37;
	_ =	sdelay $0x2  }
0x530: {  	v38 =	vadd.f32 v38, v35;
	_ =	sdelay $0x1  }
0x531: {  	[tilespmem:v60+s25+$0x0] =	vst.idx.msk $0xffff, v38  }
0x532: {  	v38 =	vld [tilespmem:s12+$0xC6B0];
	_ =	sdelay $0x1  }
0x533: {  	v37 =	vadd.s32 v12, v37;
	_ =	sdelay $0x1  }
0x534: {  	s14 =	sadd.s32 $0xFFFFFFFC, s10  }
0x535: {  	v61 =	vmov s14;
	v38 =	vadd.f32 v38, v36  }
0x536: {  	v39 =	vshrl.u32 v61, $0x3  }
0x537: {  	v62 =	vshll.u32 v39, v1;
	[tilespmem:v37+s25+$0x0] =	vst.idx.msk $0xffff, v38  }
0x538: {  	v37 =	vbroadcast v62, $0x0;
	v38 =	vld [tilespmem:s12+$0xC6C0];
	_ =	sdelay $0x1  }
0x539: {  	v63 =	vadd.s32 v13, v37;
	_ =	sdelay $0x2  }
0x53a: {  	v38 =	vadd.f32 v38, v33;
	_ =	sdelay $0x1  }
0x53b: {  	[tilespmem:v63+s25+$0x0] =	vst.idx.msk $0xffff, v38  }
0x53c: {  	v38 =	vld [tilespmem:s12+$0xC6D0];
	_ =	sdelay $0x1  }
0x53d: {  	v42 =	vadd.s32 v14, v37;
	_ =	sdelay $0x2  }
0x53e: {  	v38 =	vadd.f32 v38, v34;
	_ =	sdelay $0x1  }
0x53f: {  	[tilespmem:v42+s25+$0x0] =	vst.idx.msk $0xffff, v38  }
0x540: {  	v38 =	vld [tilespmem:s12+$0xC6E0];
	_ =	sdelay $0x1  }
0x541: {  	v43 =	vadd.s32 v15, v37;
	_ =	sdelay $0x2  }
0x542: {  	v38 =	vadd.f32 v38, v35;
	_ =	sdelay $0x1  }
0x543: {  	[tilespmem:v43+s25+$0x0] =	vst.idx.msk $0xffff, v38  }
0x544: {  	v38 =	vld [tilespmem:s12+$0xC6F0];
	_ =	sdelay $0x1  }
0x545: {  	v37 =	vadd.s32 v16, v37;
	_ =	sdelay $0x1  }
0x546: {  	s6 =	sadd.s32 $0xFFFFFFFD, s10  }
0x547: {  	v44 =	vmov s6;
	v38 =	vadd.f32 v38, v36  }
0x548: {  	v39 =	vshrl.u32 v44, $0x3  }
0x549: {  	v45 =	vshll.u32 v39, v1;
	[tilespmem:v37+s25+$0x0] =	vst.idx.msk $0xffff, v38  }
0x54a: {  	v37 =	vbroadcast v45, $0x0;
	v38 =	vld [tilespmem:s12+$0xC700];
	_ =	sdelay $0x1  }
0x54b: {  	v46 =	vadd.s32 v17, v37;
	_ =	sdelay $0x2  }
0x54c: {  	v38 =	vadd.f32 v38, v33;
	_ =	sdelay $0x1  }
0x54d: {  	[tilespmem:v46+s25+$0x0] =	vst.idx.msk $0xffff, v38  }
0x54e: {  	v38 =	vld [tilespmem:s12+$0xC710];
	_ =	sdelay $0x1  }
0x54f: {  	v47 =	vadd.s32 v18, v37;
	_ =	sdelay $0x2  }
0x550: {  	v38 =	vadd.f32 v38, v34;
	_ =	sdelay $0x1  }
0x551: {  	[tilespmem:v47+s25+$0x0] =	vst.idx.msk $0xffff, v38  }
0x552: {  	v38 =	vld [tilespmem:s12+$0xC720];
	_ =	sdelay $0x1  }
0x553: {  	v48 =	vadd.s32 v19, v37;
	_ =	sdelay $0x2  }
0x554: {  	v38 =	vadd.f32 v38, v35;
	_ =	sdelay $0x1  }
0x555: {  	[tilespmem:v48+s25+$0x0] =	vst.idx.msk $0xffff, v38  }
0x556: {  	v38 =	vld [tilespmem:s12+$0xC730];
	_ =	sdelay $0x1  }
0x557: {  	v37 =	vadd.s32 v20, v37;
	_ =	sdelay $0x1  }
0x558: {  	s8 =	sadd.s32 $0xFFFFFFFE, s10  }
0x559: {  	v49 =	vmov s8;
	v38 =	vadd.f32 v38, v36  }
0x55a: {  	v39 =	vshrl.u32 v49, $0x3  }
0x55b: {  	v50 =	vshll.u32 v39, v1;
	[tilespmem:v37+s25+$0x0] =	vst.idx.msk $0xffff, v38  }
0x55c: {  	v37 =	vbroadcast v50, $0x0;
	v38 =	vld [tilespmem:s12+$0xC740];
	_ =	sdelay $0x1  }
0x55d: {  	v51 =	vadd.s32 v21, v37;
	_ =	sdelay $0x2  }
0x55e: {  	v38 =	vadd.f32 v38, v33;
	_ =	sdelay $0x1  }
0x55f: {  	[tilespmem:v51+s25+$0x0] =	vst.idx.msk $0xffff, v38  }
0x560: {  	v38 =	vld [tilespmem:s12+$0xC750];
	_ =	sdelay $0x1  }
0x561: {  	v52 =	vadd.s32 v22, v37;
	_ =	sdelay $0x2  }
0x562: {  	v38 =	vadd.f32 v38, v34;
	_ =	sdelay $0x1  }
0x563: {  	[tilespmem:v52+s25+$0x0] =	vst.idx.msk $0xffff, v38  }
0x564: {  	v38 =	vld [tilespmem:s12+$0xC760];
	_ =	sdelay $0x1  }
0x565: {  	v53 =	vadd.s32 v23, v37;
	_ =	sdelay $0x2  }
0x566: {  	v38 =	vadd.f32 v38, v35;
	_ =	sdelay $0x1  }
0x567: {  	[tilespmem:v53+s25+$0x0] =	vst.idx.msk $0xffff, v38  }
0x568: {  	v38 =	vld [tilespmem:s12+$0xC770];
	_ =	sdelay $0x1  }
0x569: {  	v37 =	vadd.s32 v24, v37;
	_ =	sdelay $0x1  }
0x56a: {  	s14 =	sadd.s32 $0xFFFFFFFF, s10  }
0x56b: {  	v54 =	vmov s14;
	v38 =	vadd.f32 v38, v36  }
0x56c: {  	v39 =	vshrl.u32 v54, $0x3  }
0x56d: {  	v55 =	vshll.u32 v39, v1;
	[tilespmem:v37+s25+$0x0] =	vst.idx.msk $0xffff, v38  }
0x56e: {  	v37 =	vbroadcast v55, $0x0;
	v38 =	vld [tilespmem:s12+$0xC780];
	_ =	sdelay $0x1  }
0x56f: {  	v56 =	vadd.s32 v25, v37;
	_ =	sdelay $0x2  }
0x570: {  	v38 =	vadd.f32 v38, v33;
	_ =	sdelay $0x1  }
0x571: {  	[tilespmem:v56+s25+$0x0] =	vst.idx.msk $0xffff, v38  }
0x572: {  	v38 =	vld [tilespmem:s12+$0xC790];
	_ =	sdelay $0x1  }
0x573: {  	v57 =	vadd.s32 v26, v37;
	_ =	sdelay $0x2  }
0x574: {  	v38 =	vadd.f32 v38, v34;
	_ =	sdelay $0x1  }
0x575: {  	[tilespmem:v57+s25+$0x0] =	vst.idx.msk $0xffff, v38  }
0x576: {  	v38 =	vld [tilespmem:s12+$0xC7A0];
	_ =	sdelay $0x1  }
0x577: {  	v58 =	vadd.s32 v27, v37;
	_ =	sdelay $0x2  }
0x578: {  	v38 =	vadd.f32 v38, v35;
	_ =	sdelay $0x1  }
0x579: {  	[tilespmem:v58+s25+$0x0] =	vst.idx.msk $0xffff, v38  }
0x57a: {  	v38 =	vld [tilespmem:s12+$0xC7B0];
	_ =	sdelay $0x1  }
0x57b: {  	v37 =	vadd.s32 v28, v37;
	_ =	sdelay $0x2  }
0x57c: {  	v59 =	vmov s10;
	v38 =	vadd.f32 v38, v36  }
0x57d: {  	v39 =	vshrl.u32 v59, $0x3  }
0x57e: {  	v60 =	vshll.u32 v39, v1;
	[tilespmem:v37+s25+$0x0] =	vst.idx.msk $0xffff, v38  }
0x57f: {  	v37 =	vbroadcast v60, $0x0;
	v38 =	vld [tilespmem:s12+$0xC7C0];
	_ =	sdelay $0x1  }
0x580: {  	v61 =	vadd.s32 v29, v37;
	_ =	sdelay $0x2  }
0x581: {  	v38 =	vadd.f32 v38, v33;
	_ =	sdelay $0x1  }
0x582: {  	[tilespmem:v61+s25+$0x0] =	vst.idx.msk $0xffff, v38  }
0x583: {  	v38 =	vld [tilespmem:s12+$0xC7D0];
	_ =	sdelay $0x1  }
0x584: {  	v62 =	vadd.s32 v30, v37;
	_ =	sdelay $0x2  }
0x585: {  	v38 =	vadd.f32 v38, v34;
	_ =	sdelay $0x1  }
0x586: {  	[tilespmem:v62+s25+$0x0] =	vst.idx.msk $0xffff, v38  }
0x587: {  	v38 =	vld [tilespmem:s12+$0xC7E0];
	_ =	sdelay $0x1  }
0x588: {  	v63 =	vadd.s32 v31, v37;
	_ =	sdelay $0x2  }
0x589: {  	v38 =	vadd.f32 v38, v35;
	_ =	sdelay $0x1  }
0x58a: {  	[tilespmem:v63+s25+$0x0] =	vst.idx.msk $0xffff, v38  }
0x58b: {  	v38 =	vld [tilespmem:s12+$0xC7F0];
	_ =	sdelay $0x1  }
0x58c: {  	p0 =	sne.s32 s1, $0x7000;
	v37 =	vadd.s32 v32, v37  }
.Ltmp11:
0x58d: {  	_ = 	snop;
	(pc) =	sbr.rel @p0 .LBB2_19-.Ltmp11, $3  }
0x58e: {  	_ = 	snop  }
0x58f: {  	v38 =	vadd.f32 v38, v36;
	_ =	sdelay $0x1  }
0x590: {  	s1 =	sadd.s32 $0x1000, s1;
	s10 =	sadd.s32 $0x10, s10;
	[tilespmem:v37+s25+$0x0] =	vst.idx.msk $0xffff, v38  }
0x591: {  	s0 =	sshll.u32 s0, $0x12  }
0x592: {  	s0 =	sor.u32 s7, s0  }
0x593: {  	s0 =	sshrl.u32 s0, $0x3  }
0x594: {  	s5 =	simm.s32 $0x14A00;
	s1 =	sadd.s32 s2, s0  }
0x595: {  	[hbm4b:s1+s3] =	stream.linear.scatter [tilespmem:s5], [sflag:$0x8], $0x80, $0x38;
	[tilespmem:$0x19E00] =	vst v63  }
0x596: {  	s6 =	simm.s32 $0x14A88;
	s5 =	sadd.s32 $0x10, s1  }
0x597: {  	[hbm4b:s5+s3] =	stream.linear.scatter [tilespmem:s6], [sflag:$0x8], $0x80, $0x38;
	[tilespmem:$0x19E00] =	vst v63  }
0x598: {  	s8 =	simm.s32 $0x14B10;
	s12 =	simm.s32 $0x14B98;
	s10 =	sadd.s32 $0x20, s1  }
0x599: {  	[hbm4b:s10+s3] =	stream.linear.scatter [tilespmem:s8], [sflag:$0x8], $0x80, $0x38;
	[tilespmem:$0x19E00] =	vst v63  }
0x59a: {  	s0 =	simm.s32 $0x440;
	s14 =	sadd.s32 $0x30, s1;
	s5 =	simm.s32 $0x14C20  }
0x59b: {  	[hbm4b:s14+s3] =	stream.linear.scatter [tilespmem:s12], [sflag:$0x8], $0x80, $0x38;
	[tilespmem:$0x19E00] =	vst v63  }
0x59c: {  	s6 =	sadd.s32 $0x40, s1;
	s8 =	simm.s32 $0x14CA8;
	s10 =	sadd.s32 $0x50, s1  }
0x59d: {  	[hbm4b:s6+s3] =	stream.linear.scatter [tilespmem:s5], [sflag:$0x8], $0x80, $0x38;
	[tilespmem:$0x19E00] =	vst v63  }
0x59e: {  	s12 =	simm.s32 $0x14D30;
	s14 =	sadd.s32 $0x60, s1;
	s5 =	simm.s32 $0x14DB8  }
0x59f: {  	[hbm4b:s10+s3] =	stream.linear.scatter [tilespmem:s8], [sflag:$0x8], $0x80, $0x38;
	[tilespmem:$0x19E00] =	vst v63  }
0x5a0: {  	s6 =	sadd.s32 $0x70, s1;
	s1 =	sadd.s32 $0x1000, s1;
	s10 =	simm.s32 $0x2200  }
0x5a1: {  	[hbm4b:s14+s3] =	stream.linear.scatter [tilespmem:s12], [sflag:$0x8], $0x80, $0x38;
	[tilespmem:$0x19E00] =	vst v63  }
.LBB2_21:
0x5a2: {  	[hbm4b:s6+s3] =	stream.linear.scatter [tilespmem:s5], [sflag:$0x8], $0x80, $0x38;
	[tilespmem:$0x19E00] =	vst v63  }
0x5a3: {  	s5 =	smov.u32 s0;
	s0 =	smov.u32 s10  }
0x5a4: {  	s8 =	sadd.s32 $0x1100, s10;
	s0 =	sshra.s32 s0, $0x2;
	s6 =	sadd.s32 $0x14A00, s5  }
0x5a5: {  	[hbm4b:s1+s3] =	stream.linear.scatter [tilespmem:s6], [sflag:$0x8], $0x80, $0x38;
	[tilespmem:$0x19E00] =	vst v63  }
0x5a6: {  	p0 =	sne.s32 s10, $0x7700;
	s10 =	sadd.s32 $0x10, s1;
	s6 =	sadd.s32 $0x14A88, s5  }
0x5a7: {  	[hbm4b:s10+s3] =	stream.linear.scatter [tilespmem:s6], [sflag:$0x8], $0x80, $0x38;
	[tilespmem:$0x19E00] =	vst v63  }
0x5a8: {  	s6 =	sadd.s32 $0x14B10, s5;
	s10 =	sadd.s32 $0x20, s1  }
0x5a9: {  	[hbm4b:s10+s3] =	stream.linear.scatter [tilespmem:s6], [sflag:$0x8], $0x80, $0x38;
	[tilespmem:$0x19E00] =	vst v63  }
0x5aa: {  	s6 =	sadd.s32 $0x14B98, s5;
	s10 =	sadd.s32 $0x30, s1  }
0x5ab: {  	[hbm4b:s10+s3] =	stream.linear.scatter [tilespmem:s6], [sflag:$0x8], $0x80, $0x38;
	[tilespmem:$0x19E00] =	vst v63  }
0x5ac: {  	s6 =	sadd.s32 $0x14C20, s5;
	s10 =	sadd.s32 $0x40, s1  }
0x5ad: {  	[hbm4b:s10+s3] =	stream.linear.scatter [tilespmem:s6], [sflag:$0x8], $0x80, $0x38;
	[tilespmem:$0x19E00] =	vst v63  }
.Ltmp12:
0x5ae: {  	s6 =	sadd.s32 $0x14CA8, s5;
	s10 =	sadd.s32 $0x50, s1;
	(pc) =	sbr.rel @p0 .LBB2_21-.Ltmp12, $4  }
0x5af: {  	[hbm4b:s10+s3] =	stream.linear.scatter [tilespmem:s6], [sflag:$0x8], $0x80, $0x38;
	[tilespmem:$0x19E00] =	vst v63  }
0x5b0: {  	s6 =	sadd.s32 $0x14D30, s5;
	s10 =	sadd.s32 $0x60, s1;
	s5 =	sadd.s32 $0x14DB8, s5  }
0x5b1: {  	[hbm4b:s10+s3] =	stream.linear.scatter [tilespmem:s6], [sflag:$0x8], $0x80, $0x38;
	[tilespmem:$0x19E00] =	vst v63  }
0x5b2: {  	s6 =	sadd.s32 $0x70, s1;
	s1 =	sadd.s32 $0x1000, s1;
	s10 =	smov.u32 s8  }
0x5b3: {  	[hbm4b:s6+s3] =	stream.linear.scatter [tilespmem:s5], [sflag:$0x8], $0x80, $0x38;
	[tilespmem:$0x19E00] =	vst v63  }
0x5b4: {  	s10 =	sadd.s32 $0x14A00, s0  }
0x5b5: {  	[hbm4b:s1+s3] =	stream.linear.scatter [tilespmem:s10], [sflag:$0x8], $0x80, $0x38;
	[tilespmem:$0x19E00] =	vst v63  }
0x5b6: {  	s12 =	sadd.s32 $0x14A88, s0;
	s14 =	sadd.s32 $0x10, s1  }
0x5b7: {  	[hbm4b:s14+s3] =	stream.linear.scatter [tilespmem:s12], [sflag:$0x8], $0x80, $0x38;
	[tilespmem:$0x19E00] =	vst v63  }
0x5b8: {  	s8 =	sadd.s32 $0x14B10, s0;
	s10 =	sadd.s32 $0x20, s1  }
0x5b9: {  	[hbm4b:s10+s3] =	stream.linear.scatter [tilespmem:s8], [sflag:$0x8], $0x80, $0x38;
	[tilespmem:$0x19E00] =	vst v63  }
0x5ba: {  	s12 =	sadd.s32 $0x14B98, s0;
	s14 =	sadd.s32 $0x30, s1  }
0x5bb: {  	[hbm4b:s14+s3] =	stream.linear.scatter [tilespmem:s12], [sflag:$0x8], $0x80, $0x38;
	[tilespmem:$0x19E00] =	vst v63  }
0x5bc: {  	s8 =	sadd.s32 $0x14C20, s0;
	s10 =	sadd.s32 $0x40, s1  }
0x5bd: {  	[hbm4b:s10+s3] =	stream.linear.scatter [tilespmem:s8], [sflag:$0x8], $0x80, $0x38;
	[tilespmem:$0x19E00] =	vst v63  }
0x5be: {  	s12 =	sadd.s32 $0x14CA8, s0;
	s14 =	sadd.s32 $0x50, s1  }
0x5bf: {  	[hbm4b:s14+s3] =	stream.linear.scatter [tilespmem:s12], [sflag:$0x8], $0x80, $0x38;
	[tilespmem:$0x19E00] =	vst v63  }
.Ltmp13:
0x5c0: {  	_ = 	snop;
	(pc) =	sbr.rel @p1 .LBB2_24-.Ltmp13, $4  }
0x5c1: {  	s8 =	sadd.s32 $0x14D30, s0;
	s10 =	sadd.s32 $0x60, s1  }
0x5c2: {  	[hbm4b:s10+s3] =	stream.linear.scatter [tilespmem:s8], [sflag:$0x8], $0x80, $0x38;
	[tilespmem:$0x19E00] =	vst v63  }
0x5c3: {  	s12 =	sadd.s32 $0x14DB8, s0;
	s14 =	sadd.s32 $0x70, s1  }
0x5c4: {  	[hbm4b:s14+s3] =	stream.linear.scatter [tilespmem:s12], [sflag:$0x8], $0x80, $0x38;
	[tilespmem:$0x19E00] =	vst v63  }
.Ltmp14:
0x5c5: {  	(pc) =	sbr.rel .LBB2_2-.Ltmp14, $4  }
0x5c6: {  	s0 =	sshll.u32 s31, $0x9  }
0x5c7: {  	s0 =	sand.u32 $0x3FFFFE00, s0  }
0x5c8: {  	s31 =	sadd.s32 $0x1, s31;
	s0 =	sadd.s32 $0x300, s0  }
0x5c9: {  	[tilespmem:s15], [sflag:$0x3] =	stream.indirect.gather [hbm4b:s4+s11], $0x40, s0, s11, $0xb8;
	[tilespmem:$0x19E00] =	vst v63  }
.LBB2_25:
0x5ca: {  	_ =	sfence.sel $0x180000  }
0x5cb: {  	[bflag:$0x0] =	sbarrier.arrive $0xFFFF  }
0x5cc: {  	_ =	strace $0x90000047  }
0x5cd: {  	s0 =	stileid.u32;
	[bflag:$0x2] =	sbarrier.arrive $0xFFFF  }
0x5ce: {  	p0 =	sne.s32 s0, $0x0;
	s0 =	rddreg [dreg:$0x3]  }
0x5cf: {  	s0 =	sadd.s32 @!p0 $0x100000, s0  }
0x5d0: {  	[sflag:s0] =	ssyncadd.tile.s32 @!p0 $0x1;
	_ =	shalt  }
.Lfunc_end2:
_tile_overlayer_lowered:
.L_overlay_start_2:
0x5d1: {  	(tag) =	ssettag $0x2  }
0x5d2: {  	s0 =	rddreg [dreg:$0x0];
	s2 =	stileid.u32  }
0x5d3: {  	s1 =	rddreg [dreg:$0x1];
	p0 =	sne.s32 s2, $0x0  }
0x5d4: {  	s3 =	rddreg [dreg:$0x2];
	[bflag:$0x3] =	sbarrier.arrive $0xFFFF;
	s2 =	simm.s32 @!p0 $0x1C09  }
0x5d5: {  	[timem:s3], [sflag:s2] =	dma.local @!p0 [hbm:s0], s1  }
0x5d6: {  	s0 =	simm.s32 @!p0 $0x9  }
0x5d7: {  	_ =	swait.ge @!p0 [sflag:s0], s1  }
0x5d8: {  	s1 =	ssub.s32 @!p0 $0x0, s1;
	[sflag:s0] =	ssyncset.done @!p0 $0x0  }
0x5d9: {  	[sflag:s0] =	ssyncadd.s32 @!p0 s1  }
0x5da: {  	[bflag:$0x3] =	sbarrier.arrive $0xFFFF  }
0x5db: {  	_ =	shalt  }

</sc_bundles>
